<compile_context>
chip_gen: v7x
topology: tpu7x:2x2x1
jax: 0.10.2.dev20260603
libtpu: 0.0.44.dev20260713+nightly
codegen_flags: <defaults>
</compile_context>

<pallas_src>
import functools
import jax
import jax.numpy as jnp
from jax import lax
from jax.experimental import pallas as pl
from jax.experimental.pallas import tpu as pltpu
from jax.experimental.pallas import tpu_sc as plsc

N_IN = 163842
D = 256
N_OUT = (N_IN + 6) // 4
K = 7
L = 16
C = 16
NCHUNK = (N_OUT + C - 1) // C
TAIL = N_OUT - (NCHUNK - 1) * C
NBUF = 3


def _make_kernel():
    info = plsc.get_sparse_core_info()
    NC, NS = info.num_cores, info.num_subcores
    NW = NC * NS
    CPW = -(-NCHUNK // NW)
    assert CPW % NBUF == 0
    n_pad_chunks = NW * CPW

    mesh = plsc.VectorSubcoreMesh(core_axis_name="c", subcore_axis_name="s")

    @functools.partial(
        pl.kernel,
        mesh=mesh,
        out_type=jax.ShapeDtypeStruct((N_OUT, D), jnp.float32),
        scratch_types=[
            pltpu.VMEM((CPW, C * K), jnp.int32),
            pltpu.VMEM((NBUF, C * K, D), jnp.float32),
            pltpu.VMEM((NBUF, C, D), jnp.float32),
            pltpu.SemaphoreType.DMA,
            pltpu.SemaphoreType.DMA,
            pltpu.SemaphoreType.DMA,
            pltpu.SemaphoreType.DMA,
            pltpu.SemaphoreType.DMA,
            pltpu.SemaphoreType.DMA,
        ],
    )
    def pool_kernel(x_hbm, idx_hbm, out_hbm, idx_v, rows_v, out_v,
                    g0, g1, g2, o0, o1, o2):
        gsem = [g0, g1, g2]
        osem = [o0, o1, o2]
        wid = lax.axis_index("s") * NC + lax.axis_index("c")
        first = wid * CPW

        pltpu.sync_copy(idx_hbm.at[wid], idx_v)

        def fire_gather(b, t):
            pltpu.async_copy(x_hbm.at[idx_v.at[t]], rows_v.at[b], gsem[b])

        def wait_gather(b):
            pltpu.make_async_copy(
                x_hbm.at[idx_v.at[0]], rows_v.at[b], gsem[b]).wait()

        def fire_out(b, g):
            base = g * C

            @pl.when(g < NCHUNK - 1)
            def _():
                pltpu.async_copy(out_v.at[b], out_hbm.at[pl.ds(base, C)],
                                 osem[b])

            @pl.when(g == NCHUNK - 1)
            def _():
                pltpu.async_copy(out_v.at[b, pl.ds(0, TAIL)],
                                 out_hbm.at[pl.ds(base, TAIL)], osem[b])

        def drain_out(b, g_prev):
            @pl.when(g_prev < NCHUNK - 1)
            def _():
                pltpu.make_async_copy(
                    out_v.at[b], out_hbm.at[pl.ds(0, C)], osem[b]).wait()

            @pl.when(g_prev == NCHUNK - 1)
            def _():
                pltpu.make_async_copy(
                    out_v.at[b, pl.ds(0, TAIL)],
                    out_hbm.at[pl.ds(0, TAIL)], osem[b]).wait()

        def compute(b, i, _):
            for s in range(0, D // L, 4):
                vs = [[rows_v[b, i * K + j, pl.ds((s + q) * L, L)]
                       for j in range(K)] for q in range(4)]
                for q in range(4):
                    v = vs[q]
                    acc = ((v[0] + v[1]) + (v[2] + v[3])) + \
                          ((v[4] + v[5]) + v[6])
                    out_v[b, i, pl.ds((s + q) * L, L)] = \
                        acc * jnp.float32(1.0 / K)
            return _

        for b in range(NBUF):
            fire_gather(b, b)

        def step(tt, carry):
            for b in range(NBUF):
                t = tt * NBUF + b
                g = first + t

                @pl.when(t - NBUF >= 0)
                def _():
                    drain_out(b, g - NBUF)

                @pl.when(g < NCHUNK)
                def _():
                    wait_gather(b)
                    lax.fori_loop(0, C, functools.partial(compute, b), 0)
                    fire_out(b, g)

                @pl.when((t + NBUF < CPW) & (g + NBUF < NCHUNK))
                def _():
                    fire_gather(b, t + NBUF)
            return carry

        lax.fori_loop(0, CPW // NBUF, step, 0)

        for b in range(NBUF):
            t = CPW + b
            g_prev = first + t - NBUF

            @pl.when(g_prev < NCHUNK)
            def _():
                drain_out(b, g_prev)

    return pool_kernel


_POOL_KERNEL = _make_kernel()


@jax.jit
def kernel(x, neigh_orders):
    info = plsc.get_sparse_core_info()
    nw = info.num_cores * info.num_subcores
    cpw = -(-NCHUNK // nw)
    idx = neigh_orders[: N_OUT * K]
    pad = nw * cpw * C * K - N_OUT * K
    idx = jnp.concatenate([idx, jnp.zeros((pad,), jnp.int32)])
    return _POOL_KERNEL(x, idx.reshape(nw, cpw, C * K))

# --- scband reference (transcript-rebuilt; emitter-appended) ---
"""Pipeline reference for scband-pool-layer-17557826306184 (READ-ONLY COPY).

The authoritative reference and input builder live on the scoring server;
editing this copy changes nothing except your own understanding.
"""

import jax, jax.numpy as jnp
import numpy as np

N_NODES = 163842  # icosphere level 7: 10*4^7 + 2
D_FEAT = 256


def setup_inputs(seed: int = 0) -> dict:
    key = jax.random.key(seed)
    k1, k2 = jax.random.split(key)
    x = jax.random.normal(k1, (N_NODES, D_FEAT), dtype=jnp.float32)
    number_nodes = (N_NODES + 6) // 4  # 40962 pooled nodes
    neigh_orders = jax.random.randint(k2, (number_nodes * 7,), 0, N_NODES, dtype=jnp.int32)
    return {"x": x, "neigh_orders": neigh_orders}


def reference(x, neigh_orders):
    # Faithful translation of pool_layer.forward with pool_type='mean'
    number_nodes = (x.shape[0] + 6) // 4
    features_num = x.shape[1]
    gathered = jnp.take(x, neigh_orders[: number_nodes * 7], axis=0)
    gathered = gathered.reshape(number_nodes, 7, features_num)
    out = jnp.mean(gathered, axis=1)
    return out

if __name__ == "__main__":
    import jax
    _d = setup_inputs()
    print(jax.jit(kernel)(*tuple(_d.values())))

</pallas_src>

<mosaic_0001>
#map = affine_map<(d0, d1) -> (0, 0)>
#map1 = affine_map<(d0, d1) -> (0, 0, 0)>
module attributes {stable_mosaic.version = 14 : i64} {
  func.func @pool_kernel(%arg0: i32, %arg1: i32, %arg2: memref<163842x256xf32, #tpu.memory_space<hbm>>, %arg3: memref<32x81x112xi32, #tpu.memory_space<hbm>>, %arg4: memref<40962x256xf32, #tpu.memory_space<hbm>>, %arg5: memref<81x112xi32, #tpu.memory_space<vmem>>, %arg6: memref<3x112x256xf32, #tpu.memory_space<vmem>>, %arg7: memref<3x16x256xf32, #tpu.memory_space<vmem>>, %arg8: memref<!tpu.dma_semaphore, #tpu.memory_space<semaphore_mem>>, %arg9: memref<!tpu.dma_semaphore, #tpu.memory_space<semaphore_mem>>, %arg10: memref<!tpu.dma_semaphore, #tpu.memory_space<semaphore_mem>>, %arg11: memref<!tpu.dma_semaphore, #tpu.memory_space<semaphore_mem>>, %arg12: memref<!tpu.dma_semaphore, #tpu.memory_space<semaphore_mem>>, %arg13: memref<!tpu.dma_semaphore, #tpu.memory_space<semaphore_mem>>) attributes {dimension_semantics = [#tpu.dimension_semantics<core_parallel>, #tpu.dimension_semantics<subcore_parallel>], iteration_bounds = array<i64: 2, 16>, scalar_prefetch = 0 : i64, scratch_operands = 9 : i64, tpu.core_type = #tpu.core_type<sc_vector_subcore>, window_params = [{transform_indices = #map}, {transform_indices = #map1}, {transform_indices = #map}]} {
    %mul3A = arith.constant 2 : i32
    %mul3A_0 = arith.muli %arg1, %mul3A : i32
    %add3A = arith.addi %mul3A_0, %arg0 : i32
    %mul3A_1 = arith.constant 81 : i32
    %mul3A_2 = arith.muli %add3A, %mul3A_1 : i32
    "tpu.region"() ({
      %run_scoped3A = tpu.sem_alloc : memref<!tpu.dma_semaphore, #tpu.memory_space<semaphore_mem>>
      %dma_start3A_66 = arith.constant 0 : i32
      %dma_start3A_67 = arith.constant 0 : i32
      %dma_start3A_68 = tpu.memref_slice %arg3[%add3A, %dma_start3A_66, %dma_start3A_67] : memref<32x81x112xi32, #tpu.memory_space<hbm>> -> memref<1x81x112xi32, #tpu.memory_space<hbm>>
      %dma_start3A_69 = tpu.memref_squeeze %dma_start3A_68 : memref<1x81x112xi32, #tpu.memory_space<hbm>> -> memref<81x112xi32, #tpu.memory_space<hbm>>
      %dma_start3A_70 = arith.constant 0 : i32
      %dma_start3A_71 = arith.constant 0 : i32
      %dma_start3A_72 = tpu.memref_slice %arg3[%add3A, %dma_start3A_70, %dma_start3A_71] : memref<32x81x112xi32, #tpu.memory_space<hbm>> -> memref<1x81x112xi32, #tpu.memory_space<hbm>>
      %dma_start3A_73 = tpu.memref_squeeze %dma_start3A_72 : memref<1x81x112xi32, #tpu.memory_space<hbm>> -> memref<81x112xi32, #tpu.memory_space<hbm>>
      tpu.enqueue_dma source(%dma_start3A_73 : memref<81x112xi32, #tpu.memory_space<hbm>>) target(%arg5 : memref<81x112xi32, #tpu.memory_space<vmem>>) target_semaphore(%run_scoped3A : memref<!tpu.dma_semaphore, #tpu.memory_space<semaphore_mem>>)
      %dma_wait3A = arith.constant 0 : i32
      %dma_wait3A_74 = arith.constant 0 : i32
      %dma_wait3A_75 = tpu.memref_slice %arg3[%add3A, %dma_wait3A, %dma_wait3A_74] : memref<32x81x112xi32, #tpu.memory_space<hbm>> -> memref<1x81x112xi32, #tpu.memory_space<hbm>>
      %dma_wait3A_76 = tpu.memref_squeeze %dma_wait3A_75 : memref<1x81x112xi32, #tpu.memory_space<hbm>> -> memref<81x112xi32, #tpu.memory_space<hbm>>
      %dma_wait3A_77 = arith.constant 0 : i32
      %dma_wait3A_78 = arith.constant 0 : i32
      %dma_wait3A_79 = tpu.memref_slice %arg3[%add3A, %dma_wait3A_77, %dma_wait3A_78] : memref<32x81x112xi32, #tpu.memory_space<hbm>> -> memref<1x81x112xi32, #tpu.memory_space<hbm>>
      %dma_wait3A_80 = tpu.memref_squeeze %dma_wait3A_79 : memref<1x81x112xi32, #tpu.memory_space<hbm>> -> memref<81x112xi32, #tpu.memory_space<hbm>>
      tpu.wait_dma2 semaphore(%run_scoped3A : memref<!tpu.dma_semaphore, #tpu.memory_space<semaphore_mem>>) src(%dma_wait3A_80 : memref<81x112xi32, #tpu.memory_space<hbm>>) dst(%arg5 : memref<81x112xi32, #tpu.memory_space<vmem>>)
      tpu.yield
    }) : () -> ()
    %dma_start3A = arith.constant 0 : i32
    %dma_start3A_3 = arith.constant 0 : i32
    %dma_start3A_4 = arith.constant 0 : i32
    %dma_start3A_5 = arith.constant 0 : i32
    %dma_start3A_6 = tpu.memref_slice %arg6[%dma_start3A_3, %dma_start3A_4, %dma_start3A_5] : memref<3x112x256xf32, #tpu.memory_space<vmem>> -> memref<1x112x256xf32, #tpu.memory_space<vmem>>
    %dma_start3A_7 = tpu.memref_squeeze %dma_start3A_6 : memref<1x112x256xf32, #tpu.memory_space<vmem>> -> memref<112x256xf32, #tpu.memory_space<vmem>>
    %dma_start3A_8 = arith.constant 0 : i32
    %dma_start3A_9 = tpu.memref_slice %arg5[%dma_start3A, %dma_start3A_8] : memref<81x112xi32, #tpu.memory_space<vmem>> -> memref<1x112xi32, #tpu.memory_space<vmem>>
    %dma_start3A_10 = tpu.memref_squeeze %dma_start3A_9 : memref<1x112xi32, #tpu.memory_space<vmem>> -> memref<112xi32, #tpu.memory_space<vmem>>
    %dma_start3A_11 = arith.constant 0 : i32
    %dma_start3A_12 = arith.constant 0 : i32
    %dma_start3A_13 = tpu.memref_slice %arg2[%dma_start3A_11, %dma_start3A_12] : memref<163842x256xf32, #tpu.memory_space<hbm>> -> memref<163842x256xf32, #tpu.memory_space<hbm>>
    tpu.enqueue_indirect_dma source(%dma_start3A_13 : memref<163842x256xf32, #tpu.memory_space<hbm>>) target(%dma_start3A_7 : memref<112x256xf32, #tpu.memory_space<vmem>>) offsets(%dma_start3A_10 : memref<112xi32, #tpu.memory_space<vmem>>) semaphore(%arg8 : memref<!tpu.dma_semaphore, #tpu.memory_space<semaphore_mem>>)
    %dma_start3A_14 = arith.constant 1 : i32
    %dma_start3A_15 = arith.constant 1 : i32
    %dma_start3A_16 = arith.constant 0 : i32
    %dma_start3A_17 = arith.constant 0 : i32
    %dma_start3A_18 = tpu.memref_slice %arg6[%dma_start3A_15, %dma_start3A_16, %dma_start3A_17] : memref<3x112x256xf32, #tpu.memory_space<vmem>> -> memref<1x112x256xf32, #tpu.memory_space<vmem>>
    %dma_start3A_19 = tpu.memref_squeeze %dma_start3A_18 : memref<1x112x256xf32, #tpu.memory_space<vmem>> -> memref<112x256xf32, #tpu.memory_space<vmem>>
    %dma_start3A_20 = arith.constant 0 : i32
    %dma_start3A_21 = tpu.memref_slice %arg5[%dma_start3A_14, %dma_start3A_20] : memref<81x112xi32, #tpu.memory_space<vmem>> -> memref<1x112xi32, #tpu.memory_space<vmem>>
    %dma_start3A_22 = tpu.memref_squeeze %dma_start3A_21 : memref<1x112xi32, #tpu.memory_space<vmem>> -> memref<112xi32, #tpu.memory_space<vmem>>
    %dma_start3A_23 = arith.constant 0 : i32
    %dma_start3A_24 = arith.constant 0 : i32
    %dma_start3A_25 = tpu.memref_slice %arg2[%dma_start3A_23, %dma_start3A_24] : memref<163842x256xf32, #tpu.memory_space<hbm>> -> memref<163842x256xf32, #tpu.memory_space<hbm>>
    tpu.enqueue_indirect_dma source(%dma_start3A_25 : memref<163842x256xf32, #tpu.memory_space<hbm>>) target(%dma_start3A_19 : memref<112x256xf32, #tpu.memory_space<vmem>>) offsets(%dma_start3A_22 : memref<112xi32, #tpu.memory_space<vmem>>) semaphore(%arg9 : memref<!tpu.dma_semaphore, #tpu.memory_space<semaphore_mem>>)
    %dma_start3A_26 = arith.constant 2 : i32
    %dma_start3A_27 = arith.constant 2 : i32
    %dma_start3A_28 = arith.constant 0 : i32
    %dma_start3A_29 = arith.constant 0 : i32
    %dma_start3A_30 = tpu.memref_slice %arg6[%dma_start3A_27, %dma_start3A_28, %dma_start3A_29] : memref<3x112x256xf32, #tpu.memory_space<vmem>> -> memref<1x112x256xf32, #tpu.memory_space<vmem>>
    %dma_start3A_31 = tpu.memref_squeeze %dma_start3A_30 : memref<1x112x256xf32, #tpu.memory_space<vmem>> -> memref<112x256xf32, #tpu.memory_space<vmem>>
    %dma_start3A_32 = arith.constant 0 : i32
    %dma_start3A_33 = tpu.memref_slice %arg5[%dma_start3A_26, %dma_start3A_32] : memref<81x112xi32, #tpu.memory_space<vmem>> -> memref<1x112xi32, #tpu.memory_space<vmem>>
    %dma_start3A_34 = tpu.memref_squeeze %dma_start3A_33 : memref<1x112xi32, #tpu.memory_space<vmem>> -> memref<112xi32, #tpu.memory_space<vmem>>
    %dma_start3A_35 = arith.constant 0 : i32
    %dma_start3A_36 = arith.constant 0 : i32
    %dma_start3A_37 = tpu.memref_slice %arg2[%dma_start3A_35, %dma_start3A_36] : memref<163842x256xf32, #tpu.memory_space<hbm>> -> memref<163842x256xf32, #tpu.memory_space<hbm>>
    tpu.enqueue_indirect_dma source(%dma_start3A_37 : memref<163842x256xf32, #tpu.memory_space<hbm>>) target(%dma_start3A_31 : memref<112x256xf32, #tpu.memory_space<vmem>>) offsets(%dma_start3A_34 : memref<112xi32, #tpu.memory_space<vmem>>) semaphore(%arg10 : memref<!tpu.dma_semaphore, #tpu.memory_space<semaphore_mem>>)
    %scan3A = arith.constant 0 : i32
    %scan3A_38 = arith.constant 0 : i32
    %scan3A_39 = arith.constant 27 : i32
    %scan3A_40 = arith.addi %scan3A_38, %scan3A_39 : i32
    %scan3A_41 = arith.constant 1 : i32
    scf.for %scan3A_66 = %scan3A_38 to %scan3A_40 step %scan3A_41  : i32 {
      %mul3A_67 = arith.constant 3 : i32
      %mul3A_68 = arith.muli %scan3A_66, %mul3A_67 : i32
      %add3A_69 = arith.constant 0 : i32
      %add3A_70 = arith.addi %mul3A_68, %add3A_69 : i32
      %add3A_71 = arith.addi %mul3A_2, %add3A_70 : i32
      %sub3A_72 = arith.constant 3 : i32
      %sub3A_73 = arith.subi %add3A_70, %sub3A_72 : i32
      %ge3A = arith.constant 0 : i32
      %ge3A_74 = arith.cmpi sge, %sub3A_73, %ge3A : i32
      %convert_element_type3A_75 = arith.extui %ge3A_74 : i1 to i32
      %cond3A_76 = arith.constant 0 : i32
      %cond3A_77 = arith.cmpi ne, %convert_element_type3A_75, %cond3A_76 : i32
      scf.if %cond3A_77 {
        %sub3A_152 = arith.constant 3 : i32
        %sub3A_153 = arith.subi %add3A_71, %sub3A_152 : i32
        %lt3A_154 = arith.constant 2560 : i32
        %lt3A_155 = arith.cmpi slt, %sub3A_153, %lt3A_154 : i32
        %convert_element_type3A_156 = arith.extui %lt3A_155 : i1 to i32
        %cond3A_157 = arith.constant 0 : i32
        %cond3A_158 = arith.cmpi ne, %convert_element_type3A_156, %cond3A_157 : i32
        scf.if %cond3A_158 {
          %dma_wait3A = arith.constant 0 : i32
          %dma_wait3A_163 = arith.constant 0 : i32
          %dma_wait3A_164 = arith.constant 0 : i32
          %dma_wait3A_165 = tpu.memref_slice %arg7[%dma_wait3A, %dma_wait3A_163, %dma_wait3A_164] : memref<3x16x256xf32, #tpu.memory_space<vmem>> -> memref<1x16x256xf32, #tpu.memory_space<vmem>>
          %dma_wait3A_166 = tpu.memref_squeeze %dma_wait3A_165 : memref<1x16x256xf32, #tpu.memory_space<vmem>> -> memref<16x256xf32, #tpu.memory_space<vmem>>
          %dma_wait3A_167 = arith.constant 0 : i32
          %dma_wait3A_168 = arith.constant 0 : i32
          %dma_wait3A_169 = tpu.memref_slice %arg4[%dma_wait3A_167, %dma_wait3A_168] : memref<40962x256xf32, #tpu.memory_space<hbm>> -> memref<16x256xf32, #tpu.memory_space<hbm>>
          %dma_wait3A_170 = arith.constant 0 : i32
          %dma_wait3A_171 = arith.constant 0 : i32
          %dma_wait3A_172 = tpu.memref_slice %arg4[%dma_wait3A_170, %dma_wait3A_171] : memref<40962x256xf32, #tpu.memory_space<hbm>> -> memref<16x256xf32, #tpu.memory_space<hbm>>
          %dma_wait3A_173 = arith.constant 0 : i32
          %dma_wait3A_174 = arith.constant 0 : i32
          %dma_wait3A_175 = tpu.memref_slice %arg7[%dma_wait3A, %dma_wait3A_173, %dma_wait3A_174] : memref<3x16x256xf32, #tpu.memory_space<vmem>> -> memref<1x16x256xf32, #tpu.memory_space<vmem>>
          %dma_wait3A_176 = tpu.memref_squeeze %dma_wait3A_175 : memref<1x16x256xf32, #tpu.memory_space<vmem>> -> memref<16x256xf32, #tpu.memory_space<vmem>>
          tpu.wait_dma2 semaphore(%arg11 : memref<!tpu.dma_semaphore, #tpu.memory_space<semaphore_mem>>) src(%dma_wait3A_176 : memref<16x256xf32, #tpu.memory_space<vmem>>) dst(%dma_wait3A_172 : memref<16x256xf32, #tpu.memory_space<hbm>>)
        } else {
        }
        %eq3A = arith.constant 2560 : i32
        %eq3A_159 = arith.cmpi eq, %sub3A_153, %eq3A : i32
        %convert_element_type3A_160 = arith.extui %eq3A_159 : i1 to i32
        %cond3A_161 = arith.constant 0 : i32
        %cond3A_162 = arith.cmpi ne, %convert_element_type3A_160, %cond3A_161 : i32
        scf.if %cond3A_162 {
          %dma_wait3A = arith.constant 0 : i32
          %dma_wait3A_163 = arith.constant 0 : i32
          %dma_wait3A_164 = arith.constant 0 : i32
          %dma_wait3A_165 = tpu.memref_slice %arg7[%dma_wait3A, %dma_wait3A_163, %dma_wait3A_164] : memref<3x16x256xf32, #tpu.memory_space<vmem>> -> memref<1x2x256xf32, #tpu.memory_space<vmem>>
          %dma_wait3A_166 = tpu.memref_squeeze %dma_wait3A_165 : memref<1x2x256xf32, #tpu.memory_space<vmem>> -> memref<2x256xf32, #tpu.memory_space<vmem>>
          %dma_wait3A_167 = arith.constant 0 : i32
          %dma_wait3A_168 = arith.constant 0 : i32
          %dma_wait3A_169 = tpu.memref_slice %arg4[%dma_wait3A_167, %dma_wait3A_168] : memref<40962x256xf32, #tpu.memory_space<hbm>> -> memref<2x256xf32, #tpu.memory_space<hbm>>
          %dma_wait3A_170 = arith.constant 0 : i32
          %dma_wait3A_171 = arith.constant 0 : i32
          %dma_wait3A_172 = tpu.memref_slice %arg4[%dma_wait3A_170, %dma_wait3A_171] : memref<40962x256xf32, #tpu.memory_space<hbm>> -> memref<2x256xf32, #tpu.memory_space<hbm>>
          %dma_wait3A_173 = arith.constant 0 : i32
          %dma_wait3A_174 = arith.constant 0 : i32
          %dma_wait3A_175 = tpu.memref_slice %arg7[%dma_wait3A, %dma_wait3A_173, %dma_wait3A_174] : memref<3x16x256xf32, #tpu.memory_space<vmem>> -> memref<1x2x256xf32, #tpu.memory_space<vmem>>
          %dma_wait3A_176 = tpu.memref_squeeze %dma_wait3A_175 : memref<1x2x256xf32, #tpu.memory_space<vmem>> -> memref<2x256xf32, #tpu.memory_space<vmem>>
          tpu.wait_dma2 semaphore(%arg11 : memref<!tpu.dma_semaphore, #tpu.memory_space<semaphore_mem>>) src(%dma_wait3A_176 : memref<2x256xf32, #tpu.memory_space<vmem>>) dst(%dma_wait3A_172 : memref<2x256xf32, #tpu.memory_space<hbm>>)
        } else {
        }
      } else {
      }
      %lt3A_78 = arith.constant 2561 : i32
      %lt3A_79 = arith.cmpi slt, %add3A_71, %lt3A_78 : i32
      %convert_element_type3A_80 = arith.extui %lt3A_79 : i1 to i32
      %cond3A_81 = arith.constant 0 : i32
      %cond3A_82 = arith.cmpi ne, %convert_element_type3A_80, %cond3A_81 : i32
      scf.if %cond3A_82 {
        %dma_wait3A = arith.constant 0 : i32
        %dma_wait3A_152 = arith.constant 0 : i32
        %dma_wait3A_153 = arith.constant 0 : i32
        %dma_wait3A_154 = arith.constant 0 : i32
        %dma_wait3A_155 = tpu.memref_slice %arg6[%dma_wait3A_152, %dma_wait3A_153, %dma_wait3A_154] : memref<3x112x256xf32, #tpu.memory_space<vmem>> -> memref<1x112x256xf32, #tpu.memory_space<vmem>>
        %dma_wait3A_156 = tpu.memref_squeeze %dma_wait3A_155 : memref<1x112x256xf32, #tpu.memory_space<vmem>> -> memref<112x256xf32, #tpu.memory_space<vmem>>
        %dma_wait3A_157 = arith.constant 0 : i32
        %dma_wait3A_158 = tpu.memref_slice %arg5[%dma_wait3A, %dma_wait3A_157] : memref<81x112xi32, #tpu.memory_space<vmem>> -> memref<1x112xi32, #tpu.memory_space<vmem>>
        %dma_wait3A_159 = tpu.memref_squeeze %dma_wait3A_158 : memref<1x112xi32, #tpu.memory_space<vmem>> -> memref<112xi32, #tpu.memory_space<vmem>>
        %dma_wait3A_160 = arith.constant 0 : i32
        %dma_wait3A_161 = arith.constant 0 : i32
        %dma_wait3A_162 = tpu.memref_slice %arg2[%dma_wait3A_160, %dma_wait3A_161] : memref<163842x256xf32, #tpu.memory_space<hbm>> -> memref<163842x256xf32, #tpu.memory_space<hbm>>
        tpu.wait_indirect_dma semaphore(%arg8 : memref<!tpu.dma_semaphore, #tpu.memory_space<semaphore_mem>>) src(%dma_wait3A_162 : memref<163842x256xf32, #tpu.memory_space<hbm>>) dst(%dma_wait3A_156 : memref<112x256xf32, #tpu.memory_space<vmem>>)
        %scan3A_163 = arith.constant 0 : i32
        %scan3A_164 = arith.constant 0 : i32
        %scan3A_165 = arith.constant 16 : i32
        %scan3A_166 = arith.addi %scan3A_164, %scan3A_165 : i32
        %scan3A_167 = arith.constant 1 : i32
        scf.for %scan3A_180 = %scan3A_164 to %scan3A_166 step %scan3A_167  : i32 {
          %mul3A_181 = arith.constant 7 : i32
          %mul3A_182 = arith.muli %scan3A_180, %mul3A_181 : i32
          %add3A_183 = arith.constant 0 : i32
          %add3A_184 = arith.addi %mul3A_182, %add3A_183 : i32
          %get3A = arith.constant 0 : i32
          %get3A_185 = arith.index_cast %get3A : i32 to index
          %get3A_186 = arith.index_cast %add3A_184 : i32 to index
          %get3A_187 = arith.constant 0 : index
          %get3A_188 = tpu.vector_load %arg6[%get3A_185, %get3A_186, %get3A_187] {strides = array<i32>} : memref<3x112x256xf32, #tpu.memory_space<vmem>>, vector<1x1x16xf32>,
          %get3A_189 = vector.shape_cast %get3A_188 : vector<1x1x16xf32> to vector<16xf32>
          %mul3A_190 = arith.constant 7 : i32
          %mul3A_191 = arith.muli %scan3A_180, %mul3A_190 : i32
          %add3A_192 = arith.constant 1 : i32
          %add3A_193 = arith.addi %mul3A_191, %add3A_192 : i32
          %get3A_194 = arith.constant 0 : i32
          %get3A_195 = arith.index_cast %get3A_194 : i32 to index
          %get3A_196 = arith.index_cast %add3A_193 : i32 to index
          %get3A_197 = arith.constant 0 : index
          %get3A_198 = tpu.vector_load %arg6[%get3A_195, %get3A_196, %get3A_197] {strides = array<i32>} : memref<3x112x256xf32, #tpu.memory_space<vmem>>, vector<1x1x16xf32>,
          %get3A_199 = vector.shape_cast %get3A_198 : vector<1x1x16xf32> to vector<16xf32>
          %mul3A_200 = arith.constant 7 : i32
          %mul3A_201 = arith.muli %scan3A_180, %mul3A_200 : i32
          %add3A_202 = arith.constant 2 : i32
          %add3A_203 = arith.addi %mul3A_201, %add3A_202 : i32
          %get3A_204 = arith.constant 0 : i32
          %get3A_205 = arith.index_cast %get3A_204 : i32 to index
          %get3A_206 = arith.index_cast %add3A_203 : i32 to index
          %get3A_207 = arith.constant 0 : index
          %get3A_208 = tpu.vector_load %arg6[%get3A_205, %get3A_206, %get3A_207] {strides = array<i32>} : memref<3x112x256xf32, #tpu.memory_space<vmem>>, vector<1x1x16xf32>,
          %get3A_209 = vector.shape_cast %get3A_208 : vector<1x1x16xf32> to vector<16xf32>
          %mul3A_210 = arith.constant 7 : i32
          %mul3A_211 = arith.muli %scan3A_180, %mul3A_210 : i32
          %add3A_212 = arith.constant 3 : i32
          %add3A_213 = arith.addi %mul3A_211, %add3A_212 : i32
          %get3A_214 = arith.constant 0 : i32
          %get3A_215 = arith.index_cast %get3A_214 : i32 to index
          %get3A_216 = arith.index_cast %add3A_213 : i32 to index
          %get3A_217 = arith.constant 0 : index
          %get3A_218 = tpu.vector_load %arg6[%get3A_215, %get3A_216, %get3A_217] {strides = array<i32>} : memref<3x112x256xf32, #tpu.memory_space<vmem>>, vector<1x1x16xf32>,
          %get3A_219 = vector.shape_cast %get3A_218 : vector<1x1x16xf32> to vector<16xf32>
          %mul3A_220 = arith.constant 7 : i32
          %mul3A_221 = arith.muli %scan3A_180, %mul3A_220 : i32
          %add3A_222 = arith.constant 4 : i32
          %add3A_223 = arith.addi %mul3A_221, %add3A_222 : i32
          %get3A_224 = arith.constant 0 : i32
          %get3A_225 = arith.index_cast %get3A_224 : i32 to index
          %get3A_226 = arith.index_cast %add3A_223 : i32 to index
          %get3A_227 = arith.constant 0 : index
          %get3A_228 = tpu.vector_load %arg6[%get3A_225, %get3A_226, %get3A_227] {strides = array<i32>} : memref<3x112x256xf32, #tpu.memory_space<vmem>>, vector<1x1x16xf32>,
          %get3A_229 = vector.shape_cast %get3A_228 : vector<1x1x16xf32> to vector<16xf32>
          %mul3A_230 = arith.constant 7 : i32
          %mul3A_231 = arith.muli %scan3A_180, %mul3A_230 : i32
          %add3A_232 = arith.constant 5 : i32
          %add3A_233 = arith.addi %mul3A_231, %add3A_232 : i32
          %get3A_234 = arith.constant 0 : i32
          %get3A_235 = arith.index_cast %get3A_234 : i32 to index
          %get3A_236 = arith.index_cast %add3A_233 : i32 to index
          %get3A_237 = arith.constant 0 : index
          %get3A_238 = tpu.vector_load %arg6[%get3A_235, %get3A_236, %get3A_237] {strides = array<i32>} : memref<3x112x256xf32, #tpu.memory_space<vmem>>, vector<1x1x16xf32>,
          %get3A_239 = vector.shape_cast %get3A_238 : vector<1x1x16xf32> to vector<16xf32>
          %mul3A_240 = arith.constant 7 : i32
          %mul3A_241 = arith.muli %scan3A_180, %mul3A_240 : i32
          %add3A_242 = arith.constant 6 : i32
          %add3A_243 = arith.addi %mul3A_241, %add3A_242 : i32
          %get3A_244 = arith.constant 0 : i32
          %get3A_245 = arith.index_cast %get3A_244 : i32 to index
          %get3A_246 = arith.index_cast %add3A_243 : i32 to index
          %get3A_247 = arith.constant 0 : index
          %get3A_248 = tpu.vector_load %arg6[%get3A_245, %get3A_246, %get3A_247] {strides = array<i32>} : memref<3x112x256xf32, #tpu.memory_space<vmem>>, vector<1x1x16xf32>,
          %get3A_249 = vector.shape_cast %get3A_248 : vector<1x1x16xf32> to vector<16xf32>
          %mul3A_250 = arith.constant 7 : i32
          %mul3A_251 = arith.muli %scan3A_180, %mul3A_250 : i32
          %add3A_252 = arith.constant 0 : i32
          %add3A_253 = arith.addi %mul3A_251, %add3A_252 : i32
          %get3A_254 = arith.constant 0 : i32
          %get3A_255 = arith.index_cast %get3A_254 : i32 to index
          %get3A_256 = arith.index_cast %add3A_253 : i32 to index
          %get3A_257 = arith.constant 16 : index
          %get3A_258 = tpu.vector_load %arg6[%get3A_255, %get3A_256, %get3A_257] {strides = array<i32>} : memref<3x112x256xf32, #tpu.memory_space<vmem>>, vector<1x1x16xf32>,
          %get3A_259 = vector.shape_cast %get3A_258 : vector<1x1x16xf32> to vector<16xf32>
          %mul3A_260 = arith.constant 7 : i32
          %mul3A_261 = arith.muli %scan3A_180, %mul3A_260 : i32
          %add3A_262 = arith.constant 1 : i32
          %add3A_263 = arith.addi %mul3A_261, %add3A_262 : i32
          %get3A_264 = arith.constant 0 : i32
          %get3A_265 = arith.index_cast %get3A_264 : i32 to index
          %get3A_266 = arith.index_cast %add3A_263 : i32 to index
          %get3A_267 = arith.constant 16 : index
          %get3A_268 = tpu.vector_load %arg6[%get3A_265, %get3A_266, %get3A_267] {strides = array<i32>} : memref<3x112x256xf32, #tpu.memory_space<vmem>>, vector<1x1x16xf32>,
          %get3A_269 = vector.shape_cast %get3A_268 : vector<1x1x16xf32> to vector<16xf32>
          %mul3A_270 = arith.constant 7 : i32
          %mul3A_271 = arith.muli %scan3A_180, %mul3A_270 : i32
          %add3A_272 = arith.constant 2 : i32
          %add3A_273 = arith.addi %mul3A_271, %add3A_272 : i32
          %get3A_274 = arith.constant 0 : i32
          %get3A_275 = arith.index_cast %get3A_274 : i32 to index
          %get3A_276 = arith.index_cast %add3A_273 : i32 to index
          %get3A_277 = arith.constant 16 : index
          %get3A_278 = tpu.vector_load %arg6[%get3A_275, %get3A_276, %get3A_277] {strides = array<i32>} : memref<3x112x256xf32, #tpu.memory_space<vmem>>, vector<1x1x16xf32>,
          %get3A_279 = vector.shape_cast %get3A_278 : vector<1x1x16xf32> to vector<16xf32>
          %mul3A_280 = arith.constant 7 : i32
          %mul3A_281 = arith.muli %scan3A_180, %mul3A_280 : i32
          %add3A_282 = arith.constant 3 : i32
          %add3A_283 = arith.addi %mul3A_281, %add3A_282 : i32
          %get3A_284 = arith.constant 0 : i32
          %get3A_285 = arith.index_cast %get3A_284 : i32 to index
          %get3A_286 = arith.index_cast %add3A_283 : i32 to index
          %get3A_287 = arith.constant 16 : index
          %get3A_288 = tpu.vector_load %arg6[%get3A_285, %get3A_286, %get3A_287] {strides = array<i32>} : memref<3x112x256xf32, #tpu.memory_space<vmem>>, vector<1x1x16xf32>,
          %get3A_289 = vector.shape_cast %get3A_288 : vector<1x1x16xf32> to vector<16xf32>
          %mul3A_290 = arith.constant 7 : i32
          %mul3A_291 = arith.muli %scan3A_180, %mul3A_290 : i32
          %add3A_292 = arith.constant 4 : i32
          %add3A_293 = arith.addi %mul3A_291, %add3A_292 : i32
          %get3A_294 = arith.constant 0 : i32
          %get3A_295 = arith.index_cast %get3A_294 : i32 to index
          %get3A_296 = arith.index_cast %add3A_293 : i32 to index
          %get3A_297 = arith.constant 16 : index
          %get3A_298 = tpu.vector_load %arg6[%get3A_295, %get3A_296, %get3A_297] {strides = array<i32>} : memref<3x112x256xf32, #tpu.memory_space<vmem>>, vector<1x1x16xf32>,
          %get3A_299 = vector.shape_cast %get3A_298 : vector<1x1x16xf32> to vector<16xf32>
          %mul3A_300 = arith.constant 7 : i32
          %mul3A_301 = arith.muli %scan3A_180, %mul3A_300 : i32
          %add3A_302 = arith.constant 5 : i32
          %add3A_303 = arith.addi %mul3A_301, %add3A_302 : i32
          %get3A_304 = arith.constant 0 : i32
          %get3A_305 = arith.index_cast %get3A_304 : i32 to index
          %get3A_306 = arith.index_cast %add3A_303 : i32 to index
          %get3A_307 = arith.constant 16 : index
          %get3A_308 = tpu.vector_load %arg6[%get3A_305, %get3A_306, %get3A_307] {strides = array<i32>} : memref<3x112x256xf32, #tpu.memory_space<vmem>>, vector<1x1x16xf32>,
          %get3A_309 = vector.shape_cast %get3A_308 : vector<1x1x16xf32> to vector<16xf32>
          %mul3A_310 = arith.constant 7 : i32
          %mul3A_311 = arith.muli %scan3A_180, %mul3A_310 : i32
          %add3A_312 = arith.constant 6 : i32
          %add3A_313 = arith.addi %mul3A_311, %add3A_312 : i32
          %get3A_314 = arith.constant 0 : i32
          %get3A_315 = arith.index_cast %get3A_314 : i32 to index
          %get3A_316 = arith.index_cast %add3A_313 : i32 to index
          %get3A_317 = arith.constant 16 : index
          %get3A_318 = tpu.vector_load %arg6[%get3A_315, %get3A_316, %get3A_317] {strides = array<i32>} : memref<3x112x256xf32, #tpu.memory_space<vmem>>, vector<1x1x16xf32>,
          %get3A_319 = vector.shape_cast %get3A_318 : vector<1x1x16xf32> to vector<16xf32>
          %mul3A_320 = arith.constant 7 : i32
          %mul3A_321 = arith.muli %scan3A_180, %mul3A_320 : i32
          %add3A_322 = arith.constant 0 : i32
          %add3A_323 = arith.addi %mul3A_321, %add3A_322 : i32
          %get3A_324 = arith.constant 0 : i32
          %get3A_325 = arith.index_cast %get3A_324 : i32 to index
          %get3A_326 = arith.index_cast %add3A_323 : i32 to index
          %get3A_327 = arith.constant 32 : index
          %get3A_328 = tpu.vector_load %arg6[%get3A_325, %get3A_326, %get3A_327] {strides = array<i32>} : memref<3x112x256xf32, #tpu.memory_space<vmem>>, vector<1x1x16xf32>,
          %get3A_329 = vector.shape_cast %get3A_328 : vector<1x1x16xf32> to vector<16xf32>
          %mul3A_330 = arith.constant 7 : i32
          %mul3A_331 = arith.muli %scan3A_180, %mul3A_330 : i32
          %add3A_332 = arith.constant 1 : i32
          %add3A_333 = arith.addi %mul3A_331, %add3A_332 : i32
          %get3A_334 = arith.constant 0 : i32
          %get3A_335 = arith.index_cast %get3A_334 : i32 to index
          %get3A_336 = arith.index_cast %add3A_333 : i32 to index
          %get3A_337 = arith.constant 32 : index
          %get3A_338 = tpu.vector_load %arg6[%get3A_335, %get3A_336, %get3A_337] {strides = array<i32>} : memref<3x112x256xf32, #tpu.memory_space<vmem>>, vector<1x1x16xf32>,
          %get3A_339 = vector.shape_cast %get3A_338 : vector<1x1x16xf32> to vector<16xf32>
          %mul3A_340 = arith.constant 7 : i32
          %mul3A_341 = arith.muli %scan3A_180, %mul3A_340 : i32
          %add3A_342 = arith.constant 2 : i32
          %add3A_343 = arith.addi %mul3A_341, %add3A_342 : i32
          %get3A_344 = arith.constant 0 : i32
          %get3A_345 = arith.index_cast %get3A_344 : i32 to index
          %get3A_346 = arith.index_cast %add3A_343 : i32 to index
          %get3A_347 = arith.constant 32 : index
          %get3A_348 = tpu.vector_load %arg6[%get3A_345, %get3A_346, %get3A_347] {strides = array<i32>} : memref<3x112x256xf32, #tpu.memory_space<vmem>>, vector<1x1x16xf32>,
          %get3A_349 = vector.shape_cast %get3A_348 : vector<1x1x16xf32> to vector<16xf32>
          %mul3A_350 = arith.constant 7 : i32
          %mul3A_351 = arith.muli %scan3A_180, %mul3A_350 : i32
          %add3A_352 = arith.constant 3 : i32
          %add3A_353 = arith.addi %mul3A_351, %add3A_352 : i32
          %get3A_354 = arith.constant 0 : i32
          %get3A_355 = arith.index_cast %get3A_354 : i32 to index
          %get3A_356 = arith.index_cast %add3A_353 : i32 to index
          %get3A_357 = arith.constant 32 : index
          %get3A_358 = tpu.vector_load %arg6[%get3A_355, %get3A_356, %get3A_357] {strides = array<i32>} : memref<3x112x256xf32, #tpu.memory_space<vmem>>, vector<1x1x16xf32>,
          %get3A_359 = vector.shape_cast %get3A_358 : vector<1x1x16xf32> to vector<16xf32>
          %mul3A_360 = arith.constant 7 : i32
          %mul3A_361 = arith.muli %scan3A_180, %mul3A_360 : i32
          %add3A_362 = arith.constant 4 : i32
          %add3A_363 = arith.addi %mul3A_361, %add3A_362 : i32
          %get3A_364 = arith.constant 0 : i32
          %get3A_365 = arith.index_cast %get3A_364 : i32 to index
          %get3A_366 = arith.index_cast %add3A_363 : i32 to index
          %get3A_367 = arith.constant 32 : index
          %get3A_368 = tpu.vector_load %arg6[%get3A_365, %get3A_366, %get3A_367] {strides = array<i32>} : memref<3x112x256xf32, #tpu.memory_space<vmem>>, vector<1x1x16xf32>,
          %get3A_369 = vector.shape_cast %get3A_368 : vector<1x1x16xf32> to vector<16xf32>
          %mul3A_370 = arith.constant 7 : i32
          %mul3A_371 = arith.muli %scan3A_180, %mul3A_370 : i32
          %add3A_372 = arith.constant 5 : i32
          %add3A_373 = arith.addi %mul3A_371, %add3A_372 : i32
          %get3A_374 = arith.constant 0 : i32
          %get3A_375 = arith.index_cast %get3A_374 : i32 to index
          %get3A_376 = arith.index_cast %add3A_373 : i32 to index
          %get3A_377 = arith.constant 32 : index
          %get3A_378 = tpu.vector_load %arg6[%get3A_375, %get3A_376, %get3A_377] {strides = array<i32>} : memref<3x112x256xf32, #tpu.memory_space<vmem>>, vector<1x1x16xf32>,
          %get3A_379 = vector.shape_cast %get3A_378 : vector<1x1x16xf32> to vector<16xf32>
          %mul3A_380 = arith.constant 7 : i32
          %mul3A_381 = arith.muli %scan3A_180, %mul3A_380 : i32
          %add3A_382 = arith.constant 6 : i32
          %add3A_383 = arith.addi %mul3A_381, %add3A_382 : i32
          %get3A_384 = arith.constant 0 : i32
          %get3A_385 = arith.index_cast %get3A_384 : i32 to index
          %get3A_386 = arith.index_cast %add3A_383 : i32 to index
          %get3A_387 = arith.constant 32 : index
          %get3A_388 = tpu.vector_load %arg6[%get3A_385, %get3A_386, %get3A_387] {strides = array<i32>} : memref<3x112x256xf32, #tpu.memory_space<vmem>>, vector<1x1x16xf32>,
          %get3A_389 = vector.shape_cast %get3A_388 : vector<1x1x16xf32> to vector<16xf32>
          %mul3A_390 = arith.constant 7 : i32
          %mul3A_391 = arith.muli %scan3A_180, %mul3A_390 : i32
          %add3A_392 = arith.constant 0 : i32
          %add3A_393 = arith.addi %mul3A_391, %add3A_392 : i32
          %get3A_394 = arith.constant 0 : i32
          %get3A_395 = arith.index_cast %get3A_394 : i32 to index
          %get3A_396 = arith.index_cast %add3A_393 : i32 to index
          %get3A_397 = arith.constant 48 : index
          %get3A_398 = tpu.vector_load %arg6[%get3A_395, %get3A_396, %get3A_397] {strides = array<i32>} : memref<3x112x256xf32, #tpu.memory_space<vmem>>, vector<1x1x16xf32>,
          %get3A_399 = vector.shape_cast %get3A_398 : vector<1x1x16xf32> to vector<16xf32>
          %mul3A_400 = arith.constant 7 : i32
          %mul3A_401 = arith.muli %scan3A_180, %mul3A_400 : i32
          %add3A_402 = arith.constant 1 : i32
          %add3A_403 = arith.addi %mul3A_401, %add3A_402 : i32
          %get3A_404 = arith.constant 0 : i32
          %get3A_405 = arith.index_cast %get3A_404 : i32 to index
          %get3A_406 = arith.index_cast %add3A_403 : i32 to index
          %get3A_407 = arith.constant 48 : index
          %get3A_408 = tpu.vector_load %arg6[%get3A_405, %get3A_406, %get3A_407] {strides = array<i32>} : memref<3x112x256xf32, #tpu.memory_space<vmem>>, vector<1x1x16xf32>,
          %get3A_409 = vector.shape_cast %get3A_408 : vector<1x1x16xf32> to vector<16xf32>
          %mul3A_410 = arith.constant 7 : i32
          %mul3A_411 = arith.muli %scan3A_180, %mul3A_410 : i32
          %add3A_412 = arith.constant 2 : i32
          %add3A_413 = arith.addi %mul3A_411, %add3A_412 : i32
          %get3A_414 = arith.constant 0 : i32
          %get3A_415 = arith.index_cast %get3A_414 : i32 to index
          %get3A_416 = arith.index_cast %add3A_413 : i32 to index
          %get3A_417 = arith.constant 48 : index
          %get3A_418 = tpu.vector_load %arg6[%get3A_415, %get3A_416, %get3A_417] {strides = array<i32>} : memref<3x112x256xf32, #tpu.memory_space<vmem>>, vector<1x1x16xf32>,
          %get3A_419 = vector.shape_cast %get3A_418 : vector<1x1x16xf32> to vector<16xf32>
          %mul3A_420 = arith.constant 7 : i32
          %mul3A_421 = arith.muli %scan3A_180, %mul3A_420 : i32
          %add3A_422 = arith.constant 3 : i32
          %add3A_423 = arith.addi %mul3A_421, %add3A_422 : i32
          %get3A_424 = arith.constant 0 : i32
          %get3A_425 = arith.index_cast %get3A_424 : i32 to index
          %get3A_426 = arith.index_cast %add3A_423 : i32 to index
          %get3A_427 = arith.constant 48 : index
          %get3A_428 = tpu.vector_load %arg6[%get3A_425, %get3A_426, %get3A_427] {strides = array<i32>} : memref<3x112x256xf32, #tpu.memory_space<vmem>>, vector<1x1x16xf32>,
          %get3A_429 = vector.shape_cast %get3A_428 : vector<1x1x16xf32> to vector<16xf32>
          %mul3A_430 = arith.constant 7 : i32
          %mul3A_431 = arith.muli %scan3A_180, %mul3A_430 : i32
          %add3A_432 = arith.constant 4 : i32
          %add3A_433 = arith.addi %mul3A_431, %add3A_432 : i32
          %get3A_434 = arith.constant 0 : i32
          %get3A_435 = arith.index_cast %get3A_434 : i32 to index
          %get3A_436 = arith.index_cast %add3A_433 : i32 to index
          %get3A_437 = arith.constant 48 : index
          %get3A_438 = tpu.vector_load %arg6[%get3A_435, %get3A_436, %get3A_437] {strides = array<i32>} : memref<3x112x256xf32, #tpu.memory_space<vmem>>, vector<1x1x16xf32>,
          %get3A_439 = vector.shape_cast %get3A_438 : vector<1x1x16xf32> to vector<16xf32>
          %mul3A_440 = arith.constant 7 : i32
          %mul3A_441 = arith.muli %scan3A_180, %mul3A_440 : i32
          %add3A_442 = arith.constant 5 : i32
          %add3A_443 = arith.addi %mul3A_441, %add3A_442 : i32
          %get3A_444 = arith.constant 0 : i32
          %get3A_445 = arith.index_cast %get3A_444 : i32 to index
          %get3A_446 = arith.index_cast %add3A_443 : i32 to index
          %get3A_447 = arith.constant 48 : index
          %get3A_448 = tpu.vector_load %arg6[%get3A_445, %get3A_446, %get3A_447] {strides = array<i32>} : memref<3x112x256xf32, #tpu.memory_space<vmem>>, vector<1x1x16xf32>,
          %get3A_449 = vector.shape_cast %get3A_448 : vector<1x1x16xf32> to vector<16xf32>
          %mul3A_450 = arith.constant 7 : i32
          %mul3A_451 = arith.muli %scan3A_180, %mul3A_450 : i32
          %add3A_452 = arith.constant 6 : i32
          %add3A_453 = arith.addi %mul3A_451, %add3A_452 : i32
          %get3A_454 = arith.constant 0 : i32
          %get3A_455 = arith.index_cast %get3A_454 : i32 to index
          %get3A_456 = arith.index_cast %add3A_453 : i32 to index
          %get3A_457 = arith.constant 48 : index
          %get3A_458 = tpu.vector_load %arg6[%get3A_455, %get3A_456, %get3A_457] {strides = array<i32>} : memref<3x112x256xf32, #tpu.memory_space<vmem>>, vector<1x1x16xf32>,
          %get3A_459 = vector.shape_cast %get3A_458 : vector<1x1x16xf32> to vector<16xf32>
          %add3A_460 = arith.addf %get3A_189, %get3A_199 : vector<16xf32>
          %add3A_461 = arith.addf %get3A_209, %get3A_219 : vector<16xf32>
          %add3A_462 = arith.addf %add3A_460, %add3A_461 : vector<16xf32>
          %add3A_463 = arith.addf %get3A_229, %get3A_239 : vector<16xf32>
          %add3A_464 = arith.addf %add3A_463, %get3A_249 : vector<16xf32>
          %add3A_465 = arith.addf %add3A_462, %add3A_464 : vector<16xf32>
          %mul3A_466 = arith.constant 0.142857149 : f32
          %mul3A_467 = vector.broadcast %mul3A_466 : f32 to vector<16xf32>
          %mul3A_468 = arith.mulf %add3A_465, %mul3A_467 : vector<16xf32>
          %swap3A = arith.constant 0 : i32
          %swap3A_469 = arith.index_cast %swap3A : i32 to index
          %swap3A_470 = arith.index_cast %scan3A_180 : i32 to index
          %swap3A_471 = arith.constant 0 : index
          %swap3A_472 = tpu.vector_load %arg7[%swap3A_469, %swap3A_470, %swap3A_471] {strides = array<i32>} : memref<3x16x256xf32, #tpu.memory_space<vmem>>, vector<1x1x16xf32>,
          %swap3A_473 = vector.shape_cast %swap3A_472 : vector<1x1x16xf32> to vector<16xf32>
          %swap3A_474 = vector.shape_cast %mul3A_468 : vector<16xf32> to vector<1x1x16xf32>
          tpu.vector_store %arg7[%swap3A_469, %swap3A_470, %swap3A_471], %swap3A_474 {strides = array<i32>} : memref<3x16x256xf32, #tpu.memory_space<vmem>>, vector<1x1x16xf32>,
          %add3A_475 = arith.addf %get3A_259, %get3A_269 : vector<16xf32>
          %add3A_476 = arith.addf %get3A_279, %get3A_289 : vector<16xf32>
          %add3A_477 = arith.addf %add3A_475, %add3A_476 : vector<16xf32>
          %add3A_478 = arith.addf %get3A_299, %get3A_309 : vector<16xf32>
          %add3A_479 = arith.addf %add3A_478, %get3A_319 : vector<16xf32>
          %add3A_480 = arith.addf %add3A_477, %add3A_479 : vector<16xf32>
          %mul3A_481 = arith.constant 0.142857149 : f32
          %mul3A_482 = vector.broadcast %mul3A_481 : f32 to vector<16xf32>
          %mul3A_483 = arith.mulf %add3A_480, %mul3A_482 : vector<16xf32>
          %swap3A_484 = arith.constant 0 : i32
          %swap3A_485 = arith.index_cast %swap3A_484 : i32 to index
          %swap3A_486 = arith.index_cast %scan3A_180 : i32 to index
          %swap3A_487 = arith.constant 16 : index
          %swap3A_488 = tpu.vector_load %arg7[%swap3A_485, %swap3A_486, %swap3A_487] {strides = array<i32>} : memref<3x16x256xf32, #tpu.memory_space<vmem>>, vector<1x1x16xf32>,
          %swap3A_489 = vector.shape_cast %swap3A_488 : vector<1x1x16xf32> to vector<16xf32>
          %swap3A_490 = vector.shape_cast %mul3A_483 : vector<16xf32> to vector<1x1x16xf32>
          tpu.vector_store %arg7[%swap3A_485, %swap3A_486, %swap3A_487], %swap3A_490 {strides = array<i32>} : memref<3x16x256xf32, #tpu.memory_space<vmem>>, vector<1x1x16xf32>,
          %add3A_491 = arith.addf %get3A_329, %get3A_339 : vector<16xf32>
          %add3A_492 = arith.addf %get3A_349, %get3A_359 : vector<16xf32>
          %add3A_493 = arith.addf %add3A_491, %add3A_492 : vector<16xf32>
          %add3A_494 = arith.addf %get3A_369, %get3A_379 : vector<16xf32>
          %add3A_495 = arith.addf %add3A_494, %get3A_389 : vector<16xf32>
          %add3A_496 = arith.addf %add3A_493, %add3A_495 : vector<16xf32>
          %mul3A_497 = arith.constant 0.142857149 : f32
          %mul3A_498 = vector.broadcast %mul3A_497 : f32 to vector<16xf32>
          %mul3A_499 = arith.mulf %add3A_496, %mul3A_498 : vector<16xf32>
          %swap3A_500 = arith.constant 0 : i32
          %swap3A_501 = arith.index_cast %swap3A_500 : i32 to index
          %swap3A_502 = arith.index_cast %scan3A_180 : i32 to index
          %swap3A_503 = arith.constant 32 : index
          %swap3A_504 = tpu.vector_load %arg7[%swap3A_501, %swap3A_502, %swap3A_503] {strides = array<i32>} : memref<3x16x256xf32, #tpu.memory_space<vmem>>, vector<1x1x16xf32>,
          %swap3A_505 = vector.shape_cast %swap3A_504 : vector<1x1x16xf32> to vector<16xf32>
          %swap3A_506 = vector.shape_cast %mul3A_499 : vector<16xf32> to vector<1x1x16xf32>
          tpu.vector_store %arg7[%swap3A_501, %swap3A_502, %swap3A_503], %swap3A_506 {strides = array<i32>} : memref<3x16x256xf32, #tpu.memory_space<vmem>>, vector<1x1x16xf32>,
          %add3A_507 = arith.addf %get3A_399, %get3A_409 : vector<16xf32>
          %add3A_508 = arith.addf %get3A_419, %get3A_429 : vector<16xf32>
          %add3A_509 = arith.addf %add3A_507, %add3A_508 : vector<16xf32>
          %add3A_510 = arith.addf %get3A_439, %get3A_449 : vector<16xf32>
          %add3A_511 = arith.addf %add3A_510, %get3A_459 : vector<16xf32>
          %add3A_512 = arith.addf %add3A_509, %add3A_511 : vector<16xf32>
          %mul3A_513 = arith.constant 0.142857149 : f32
          %mul3A_514 = vector.broadcast %mul3A_513 : f32 to vector<16xf32>
          %mul3A_515 = arith.mulf %add3A_512, %mul3A_514 : vector<16xf32>
          %swap3A_516 = arith.constant 0 : i32
          %swap3A_517 = arith.index_cast %swap3A_516 : i32 to index
          %swap3A_518 = arith.index_cast %scan3A_180 : i32 to index
          %swap3A_519 = arith.constant 48 : index
          %swap3A_520 = tpu.vector_load %arg7[%swap3A_517, %swap3A_518, %swap3A_519] {strides = array<i32>} : memref<3x16x256xf32, #tpu.memory_space<vmem>>, vector<1x1x16xf32>,
          %swap3A_521 = vector.shape_cast %swap3A_520 : vector<1x1x16xf32> to vector<16xf32>
          %swap3A_522 = vector.shape_cast %mul3A_515 : vector<16xf32> to vector<1x1x16xf32>
          tpu.vector_store %arg7[%swap3A_517, %swap3A_518, %swap3A_519], %swap3A_522 {strides = array<i32>} : memref<3x16x256xf32, #tpu.memory_space<vmem>>, vector<1x1x16xf32>,
          %mul3A_523 = arith.constant 7 : i32
          %mul3A_524 = arith.muli %scan3A_180, %mul3A_523 : i32
          %add3A_525 = arith.constant 0 : i32
          %add3A_526 = arith.addi %mul3A_524, %add3A_525 : i32
          %get3A_527 = arith.constant 0 : i32
          %get3A_528 = arith.index_cast %get3A_527 : i32 to index
          %get3A_529 = arith.index_cast %add3A_526 : i32 to index
          %get3A_530 = arith.constant 64 : index
          %get3A_531 = tpu.vector_load %arg6[%get3A_528, %get3A_529, %get3A_530] {strides = array<i32>} : memref<3x112x256xf32, #tpu.memory_space<vmem>>, vector<1x1x16xf32>,
          %get3A_532 = vector.shape_cast %get3A_531 : vector<1x1x16xf32> to vector<16xf32>
          %mul3A_533 = arith.constant 7 : i32
          %mul3A_534 = arith.muli %scan3A_180, %mul3A_533 : i32
          %add3A_535 = arith.constant 1 : i32
          %add3A_536 = arith.addi %mul3A_534, %add3A_535 : i32
          %get3A_537 = arith.constant 0 : i32
          %get3A_538 = arith.index_cast %get3A_537 : i32 to index
          %get3A_539 = arith.index_cast %add3A_536 : i32 to index
          %get3A_540 = arith.constant 64 : index
          %get3A_541 = tpu.vector_load %arg6[%get3A_538, %get3A_539, %get3A_540] {strides = array<i32>} : memref<3x112x256xf32, #tpu.memory_space<vmem>>, vector<1x1x16xf32>,
          %get3A_542 = vector.shape_cast %get3A_541 : vector<1x1x16xf32> to vector<16xf32>
          %mul3A_543 = arith.constant 7 : i32
          %mul3A_544 = arith.muli %scan3A_180, %mul3A_543 : i32
          %add3A_545 = arith.constant 2 : i32
          %add3A_546 = arith.addi %mul3A_544, %add3A_545 : i32
          %get3A_547 = arith.constant 0 : i32
          %get3A_548 = arith.index_cast %get3A_547 : i32 to index
          %get3A_549 = arith.index_cast %add3A_546 : i32 to index
          %get3A_550 = arith.constant 64 : index
          %get3A_551 = tpu.vector_load %arg6[%get3A_548, %get3A_549, %get3A_550] {strides = array<i32>} : memref<3x112x256xf32, #tpu.memory_space<vmem>>, vector<1x1x16xf32>,
          %get3A_552 = vector.shape_cast %get3A_551 : vector<1x1x16xf32> to vector<16xf32>
          %mul3A_553 = arith.constant 7 : i32
          %mul3A_554 = arith.muli %scan3A_180, %mul3A_553 : i32
          %add3A_555 = arith.constant 3 : i32
          %add3A_556 = arith.addi %mul3A_554, %add3A_555 : i32
          %get3A_557 = arith.constant 0 : i32
          %get3A_558 = arith.index_cast %get3A_557 : i32 to index
          %get3A_559 = arith.index_cast %add3A_556 : i32 to index
          %get3A_560 = arith.constant 64 : index
          %get3A_561 = tpu.vector_load %arg6[%get3A_558, %get3A_559, %get3A_560] {strides = array<i32>} : memref<3x112x256xf32, #tpu.memory_space<vmem>>, vector<1x1x16xf32>,
          %get3A_562 = vector.shape_cast %get3A_561 : vector<1x1x16xf32> to vector<16xf32>
          %mul3A_563 = arith.constant 7 : i32
          %mul3A_564 = arith.muli %scan3A_180, %mul3A_563 : i32
          %add3A_565 = arith.constant 4 : i32
          %add3A_566 = arith.addi %mul3A_564, %add3A_565 : i32
          %get3A_567 = arith.constant 0 : i32
          %get3A_568 = arith.index_cast %get3A_567 : i32 to index
          %get3A_569 = arith.index_cast %add3A_566 : i32 to index
          %get3A_570 = arith.constant 64 : index
          %get3A_571 = tpu.vector_load %arg6[%get3A_568, %get3A_569, %get3A_570] {strides = array<i32>} : memref<3x112x256xf32, #tpu.memory_space<vmem>>, vector<1x1x16xf32>,
          %get3A_572 = vector.shape_cast %get3A_571 : vector<1x1x16xf32> to vector<16xf32>
          %mul3A_573 = arith.constant 7 : i32
          %mul3A_574 = arith.muli %scan3A_180, %mul3A_573 : i32
          %add3A_575 = arith.constant 5 : i32
          %add3A_576 = arith.addi %mul3A_574, %add3A_575 : i32
          %get3A_577 = arith.constant 0 : i32
          %get3A_578 = arith.index_cast %get3A_577 : i32 to index
          %get3A_579 = arith.index_cast %add3A_576 : i32 to index
          %get3A_580 = arith.constant 64 : index
          %get3A_581 = tpu.vector_load %arg6[%get3A_578, %get3A_579, %get3A_580] {strides = array<i32>} : memref<3x112x256xf32, #tpu.memory_space<vmem>>, vector<1x1x16xf32>,
          %get3A_582 = vector.shape_cast %get3A_581 : vector<1x1x16xf32> to vector<16xf32>
          %mul3A_583 = arith.constant 7 : i32
          %mul3A_584 = arith.muli %scan3A_180, %mul3A_583 : i32
          %add3A_585 = arith.constant 6 : i32
          %add3A_586 = arith.addi %mul3A_584, %add3A_585 : i32
          %get3A_587 = arith.constant 0 : i32
          %get3A_588 = arith.index_cast %get3A_587 : i32 to index
          %get3A_589 = arith.index_cast %add3A_586 : i32 to index
          %get3A_590 = arith.constant 64 : index
          %get3A_591 = tpu.vector_load %arg6[%get3A_588, %get3A_589, %get3A_590] {strides = array<i32>} : memref<3x112x256xf32, #tpu.memory_space<vmem>>, vector<1x1x16xf32>,
          %get3A_592 = vector.shape_cast %get3A_591 : vector<1x1x16xf32> to vector<16xf32>
          %mul3A_593 = arith.constant 7 : i32
          %mul3A_594 = arith.muli %scan3A_180, %mul3A_593 : i32
          %add3A_595 = arith.constant 0 : i32
          %add3A_596 = arith.addi %mul3A_594, %add3A_595 : i32
          %get3A_597 = arith.constant 0 : i32
          %get3A_598 = arith.index_cast %get3A_597 : i32 to index
          %get3A_599 = arith.index_cast %add3A_596 : i32 to index
          %get3A_600 = arith.constant 80 : index
          %get3A_601 = tpu.vector_load %arg6[%get3A_598, %get3A_599, %get3A_600] {strides = array<i32>} : memref<3x112x256xf32, #tpu.memory_space<vmem>>, vector<1x1x16xf32>,
          %get3A_602 = vector.shape_cast %get3A_601 : vector<1x1x16xf32> to vector<16xf32>
          %mul3A_603 = arith.constant 7 : i32
          %mul3A_604 = arith.muli %scan3A_180, %mul3A_603 : i32
          %add3A_605 = arith.constant 1 : i32
          %add3A_606 = arith.addi %mul3A_604, %add3A_605 : i32
          %get3A_607 = arith.constant 0 : i32
          %get3A_608 = arith.index_cast %get3A_607 : i32 to index
          %get3A_609 = arith.index_cast %add3A_606 : i32 to index
          %get3A_610 = arith.constant 80 : index
          %get3A_611 = tpu.vector_load %arg6[%get3A_608, %get3A_609, %get3A_610] {strides = array<i32>} : memref<3x112x256xf32, #tpu.memory_space<vmem>>, vector<1x1x16xf32>,
          %get3A_612 = vector.shape_cast %get3A_611 : vector<1x1x16xf32> to vector<16xf32>
          %mul3A_613 = arith.constant 7 : i32
          %mul3A_614 = arith.muli %scan3A_180, %mul3A_613 : i32
          %add3A_615 = arith.constant 2 : i32
          %add3A_616 = arith.addi %mul3A_614, %add3A_615 : i32
          %get3A_617 = arith.constant 0 : i32
          %get3A_618 = arith.index_cast %get3A_617 : i32 to index
          %get3A_619 = arith.index_cast %add3A_616 : i32 to index
          %get3A_620 = arith.constant 80 : index
          %get3A_621 = tpu.vector_load %arg6[%get3A_618, %get3A_619, %get3A_620] {strides = array<i32>} : memref<3x112x256xf32, #tpu.memory_space<vmem>>, vector<1x1x16xf32>,
          %get3A_622 = vector.shape_cast %get3A_621 : vector<1x1x16xf32> to vector<16xf32>
          %mul3A_623 = arith.constant 7 : i32
          %mul3A_624 = arith.muli %scan3A_180, %mul3A_623 : i32
          %add3A_625 = arith.constant 3 : i32
          %add3A_626 = arith.addi %mul3A_624, %add3A_625 : i32
          %get3A_627 = arith.constant 0 : i32
          %get3A_628 = arith.index_cast %get3A_627 : i32 to index
          %get3A_629 = arith.index_cast %add3A_626 : i32 to index
          %get3A_630 = arith.constant 80 : index
          %get3A_631 = tpu.vector_load %arg6[%get3A_628, %get3A_629, %get3A_630] {strides = array<i32>} : memref<3x112x256xf32, #tpu.memory_space<vmem>>, vector<1x1x16xf32>,
          %get3A_632 = vector.shape_cast %get3A_631 : vector<1x1x16xf32> to vector<16xf32>
          %mul3A_633 = arith.constant 7 : i32
          %mul3A_634 = arith.muli %scan3A_180, %mul3A_633 : i32
          %add3A_635 = arith.constant 4 : i32
          %add3A_636 = arith.addi %mul3A_634, %add3A_635 : i32
          %get3A_637 = arith.constant 0 : i32
          %get3A_638 = arith.index_cast %get3A_637 : i32 to index
          %get3A_639 = arith.index_cast %add3A_636 : i32 to index
          %get3A_640 = arith.constant 80 : index
          %get3A_641 = tpu.vector_load %arg6[%get3A_638, %get3A_639, %get3A_640] {strides = array<i32>} : memref<3x112x256xf32, #tpu.memory_space<vmem>>, vector<1x1x16xf32>,
          %get3A_642 = vector.shape_cast %get3A_641 : vector<1x1x16xf32> to vector<16xf32>
          %mul3A_643 = arith.constant 7 : i32
          %mul3A_644 = arith.muli %scan3A_180, %mul3A_643 : i32
          %add3A_645 = arith.constant 5 : i32
          %add3A_646 = arith.addi %mul3A_644, %add3A_645 : i32
          %get3A_647 = arith.constant 0 : i32
          %get3A_648 = arith.index_cast %get3A_647 : i32 to index
          %get3A_649 = arith.index_cast %add3A_646 : i32 to index
          %get3A_650 = arith.constant 80 : index
          %get3A_651 = tpu.vector_load %arg6[%get3A_648, %get3A_649, %get3A_650] {strides = array<i32>} : memref<3x112x256xf32, #tpu.memory_space<vmem>>, vector<1x1x16xf32>,
          %get3A_652 = vector.shape_cast %get3A_651 : vector<1x1x16xf32> to vector<16xf32>
          %mul3A_653 = arith.constant 7 : i32
          %mul3A_654 = arith.muli %scan3A_180, %mul3A_653 : i32
          %add3A_655 = arith.constant 6 : i32
          %add3A_656 = arith.addi %mul3A_654, %add3A_655 : i32
          %get3A_657 = arith.constant 0 : i32
          %get3A_658 = arith.index_cast %get3A_657 : i32 to index
          %get3A_659 = arith.index_cast %add3A_656 : i32 to index
          %get3A_660 = arith.constant 80 : index
          %get3A_661 = tpu.vector_load %arg6[%get3A_658, %get3A_659, %get3A_660] {strides = array<i32>} : memref<3x112x256xf32, #tpu.memory_space<vmem>>, vector<1x1x16xf32>,
          %get3A_662 = vector.shape_cast %get3A_661 : vector<1x1x16xf32> to vector<16xf32>
          %mul3A_663 = arith.constant 7 : i32
          %mul3A_664 = arith.muli %scan3A_180, %mul3A_663 : i32
          %add3A_665 = arith.constant 0 : i32
          %add3A_666 = arith.addi %mul3A_664, %add3A_665 : i32
          %get3A_667 = arith.constant 0 : i32
          %get3A_668 = arith.index_cast %get3A_667 : i32 to index
          %get3A_669 = arith.index_cast %add3A_666 : i32 to index
          %get3A_670 = arith.constant 96 : index
          %get3A_671 = tpu.vector_load %arg6[%get3A_668, %get3A_669, %get3A_670] {strides = array<i32>} : memref<3x112x256xf32, #tpu.memory_space<vmem>>, vector<1x1x16xf32>,
          %get3A_672 = vector.shape_cast %get3A_671 : vector<1x1x16xf32> to vector<16xf32>
          %mul3A_673 = arith.constant 7 : i32
          %mul3A_674 = arith.muli %scan3A_180, %mul3A_673 : i32
          %add3A_675 = arith.constant 1 : i32
          %add3A_676 = arith.addi %mul3A_674, %add3A_675 : i32
          %get3A_677 = arith.constant 0 : i32
          %get3A_678 = arith.index_cast %get3A_677 : i32 to index
          %get3A_679 = arith.index_cast %add3A_676 : i32 to index
          %get3A_680 = arith.constant 96 : index
          %get3A_681 = tpu.vector_load %arg6[%get3A_678, %get3A_679, %get3A_680] {strides = array<i32>} : memref<3x112x256xf32, #tpu.memory_space<vmem>>, vector<1x1x16xf32>,
          %get3A_682 = vector.shape_cast %get3A_681 : vector<1x1x16xf32> to vector<16xf32>
          %mul3A_683 = arith.constant 7 : i32
          %mul3A_684 = arith.muli %scan3A_180, %mul3A_683 : i32
          %add3A_685 = arith.constant 2 : i32
          %add3A_686 = arith.addi %mul3A_684, %add3A_685 : i32
          %get3A_687 = arith.constant 0 : i32
          %get3A_688 = arith.index_cast %get3A_687 : i32 to index
          %get3A_689 = arith.index_cast %add3A_686 : i32 to index
          %get3A_690 = arith.constant 96 : index
          %get3A_691 = tpu.vector_load %arg6[%get3A_688, %get3A_689, %get3A_690] {strides = array<i32>} : memref<3x112x256xf32, #tpu.memory_space<vmem>>, vector<1x1x16xf32>,
          %get3A_692 = vector.shape_cast %get3A_691 : vector<1x1x16xf32> to vector<16xf32>
          %mul3A_693 = arith.constant 7 : i32
          %mul3A_694 = arith.muli %scan3A_180, %mul3A_693 : i32
          %add3A_695 = arith.constant 3 : i32
          %add3A_696 = arith.addi %mul3A_694, %add3A_695 : i32
          %get3A_697 = arith.constant 0 : i32
          %get3A_698 = arith.index_cast %get3A_697 : i32 to index
          %get3A_699 = arith.index_cast %add3A_696 : i32 to index
          %get3A_700 = arith.constant 96 : index
          %get3A_701 = tpu.vector_load %arg6[%get3A_698, %get3A_699, %get3A_700] {strides = array<i32>} : memref<3x112x256xf32, #tpu.memory_space<vmem>>, vector<1x1x16xf32>,
          %get3A_702 = vector.shape_cast %get3A_701 : vector<1x1x16xf32> to vector<16xf32>
          %mul3A_703 = arith.constant 7 : i32
          %mul3A_704 = arith.muli %scan3A_180, %mul3A_703 : i32
          %add3A_705 = arith.constant 4 : i32
          %add3A_706 = arith.addi %mul3A_704, %add3A_705 : i32
          %get3A_707 = arith.constant 0 : i32
          %get3A_708 = arith.index_cast %get3A_707 : i32 to index
          %get3A_709 = arith.index_cast %add3A_706 : i32 to index
          %get3A_710 = arith.constant 96 : index
          %get3A_711 = tpu.vector_load %arg6[%get3A_708, %get3A_709, %get3A_710] {strides = array<i32>} : memref<3x112x256xf32, #tpu.memory_space<vmem>>, vector<1x1x16xf32>,
          %get3A_712 = vector.shape_cast %get3A_711 : vector<1x1x16xf32> to vector<16xf32>
          %mul3A_713 = arith.constant 7 : i32
          %mul3A_714 = arith.muli %scan3A_180, %mul3A_713 : i32
          %add3A_715 = arith.constant 5 : i32
          %add3A_716 = arith.addi %mul3A_714, %add3A_715 : i32
          %get3A_717 = arith.constant 0 : i32
          %get3A_718 = arith.index_cast %get3A_717 : i32 to index
          %get3A_719 = arith.index_cast %add3A_716 : i32 to index
          %get3A_720 = arith.constant 96 : index
          %get3A_721 = tpu.vector_load %arg6[%get3A_718, %get3A_719, %get3A_720] {strides = array<i32>} : memref<3x112x256xf32, #tpu.memory_space<vmem>>, vector<1x1x16xf32>,
          %get3A_722 = vector.shape_cast %get3A_721 : vector<1x1x16xf32> to vector<16xf32>
          %mul3A_723 = arith.constant 7 : i32
          %mul3A_724 = arith.muli %scan3A_180, %mul3A_723 : i32
          %add3A_725 = arith.constant 6 : i32
          %add3A_726 = arith.addi %mul3A_724, %add3A_725 : i32
          %get3A_727 = arith.constant 0 : i32
          %get3A_728 = arith.index_cast %get3A_727 : i32 to index
          %get3A_729 = arith.index_cast %add3A_726 : i32 to index
          %get3A_730 = arith.constant 96 : index
          %get3A_731 = tpu.vector_load %arg6[%get3A_728, %get3A_729, %get3A_730] {strides = array<i32>} : memref<3x112x256xf32, #tpu.memory_space<vmem>>, vector<1x1x16xf32>,
          %get3A_732 = vector.shape_cast %get3A_731 : vector<1x1x16xf32> to vector<16xf32>
          %mul3A_733 = arith.constant 7 : i32
          %mul3A_734 = arith.muli %scan3A_180, %mul3A_733 : i32
          %add3A_735 = arith.constant 0 : i32
          %add3A_736 = arith.addi %mul3A_734, %add3A_735 : i32
          %get3A_737 = arith.constant 0 : i32
          %get3A_738 = arith.index_cast %get3A_737 : i32 to index
          %get3A_739 = arith.index_cast %add3A_736 : i32 to index
          %get3A_740 = arith.constant 112 : index
          %get3A_741 = tpu.vector_load %arg6[%get3A_738, %get3A_739, %get3A_740] {strides = array<i32>} : memref<3x112x256xf32, #tpu.memory_space<vmem>>, vector<1x1x16xf32>,
          %get3A_742 = vector.shape_cast %get3A_741 : vector<1x1x16xf32> to vector<16xf32>
          %mul3A_743 = arith.constant 7 : i32
          %mul3A_744 = arith.muli %scan3A_180, %mul3A_743 : i32
          %add3A_745 = arith.constant 1 : i32
          %add3A_746 = arith.addi %mul3A_744, %add3A_745 : i32
          %get3A_747 = arith.constant 0 : i32
          %get3A_748 = arith.index_cast %get3A_747 : i32 to index
          %get3A_749 = arith.index_cast %add3A_746 : i32 to index
          %get3A_750 = arith.constant 112 : index
          %get3A_751 = tpu.vector_load %arg6[%get3A_748, %get3A_749, %get3A_750] {strides = array<i32>} : memref<3x112x256xf32, #tpu.memory_space<vmem>>, vector<1x1x16xf32>,
          %get3A_752 = vector.shape_cast %get3A_751 : vector<1x1x16xf32> to vector<16xf32>
          %mul3A_753 = arith.constant 7 : i32
          %mul3A_754 = arith.muli %scan3A_180, %mul3A_753 : i32
          %add3A_755 = arith.constant 2 : i32
          %add3A_756 = arith.addi %mul3A_754, %add3A_755 : i32
          %get3A_757 = arith.constant 0 : i32
          %get3A_758 = arith.index_cast %get3A_757 : i32 to index
          %get3A_759 = arith.index_cast %add3A_756 : i32 to index
          %get3A_760 = arith.constant 112 : index
          %get3A_761 = tpu.vector_load %arg6[%get3A_758, %get3A_759, %get3A_760] {strides = array<i32>} : memref<3x112x256xf32, #tpu.memory_space<vmem>>, vector<1x1x16xf32>,
          %get3A_762 = vector.shape_cast %get3A_761 : vector<1x1x16xf32> to vector<16xf32>
          %mul3A_763 = arith.constant 7 : i32
          %mul3A_764 = arith.muli %scan3A_180, %mul3A_763 : i32
          %add3A_765 = arith.constant 3 : i32
          %add3A_766 = arith.addi %mul3A_764, %add3A_765 : i32
          %get3A_767 = arith.constant 0 : i32
          %get3A_768 = arith.index_cast %get3A_767 : i32 to index
          %get3A_769 = arith.index_cast %add3A_766 : i32 to index
          %get3A_770 = arith.constant 112 : index
          %get3A_771 = tpu.vector_load %arg6[%get3A_768, %get3A_769, %get3A_770] {strides = array<i32>} : memref<3x112x256xf32, #tpu.memory_space<vmem>>, vector<1x1x16xf32>,
          %get3A_772 = vector.shape_cast %get3A_771 : vector<1x1x16xf32> to vector<16xf32>
          %mul3A_773 = arith.constant 7 : i32
          %mul3A_774 = arith.muli %scan3A_180, %mul3A_773 : i32
          %add3A_775 = arith.constant 4 : i32
          %add3A_776 = arith.addi %mul3A_774, %add3A_775 : i32
          %get3A_777 = arith.constant 0 : i32
          %get3A_778 = arith.index_cast %get3A_777 : i32 to index
          %get3A_779 = arith.index_cast %add3A_776 : i32 to index
          %get3A_780 = arith.constant 112 : index
          %get3A_781 = tpu.vector_load %arg6[%get3A_778, %get3A_779, %get3A_780] {strides = array<i32>} : memref<3x112x256xf32, #tpu.memory_space<vmem>>, vector<1x1x16xf32>,
          %get3A_782 = vector.shape_cast %get3A_781 : vector<1x1x16xf32> to vector<16xf32>
          %mul3A_783 = arith.constant 7 : i32
          %mul3A_784 = arith.muli %scan3A_180, %mul3A_783 : i32
          %add3A_785 = arith.constant 5 : i32
          %add3A_786 = arith.addi %mul3A_784, %add3A_785 : i32
          %get3A_787 = arith.constant 0 : i32
          %get3A_788 = arith.index_cast %get3A_787 : i32 to index
          %get3A_789 = arith.index_cast %add3A_786 : i32 to index
          %get3A_790 = arith.constant 112 : index
          %get3A_791 = tpu.vector_load %arg6[%get3A_788, %get3A_789, %get3A_790] {strides = array<i32>} : memref<3x112x256xf32, #tpu.memory_space<vmem>>, vector<1x1x16xf32>,
          %get3A_792 = vector.shape_cast %get3A_791 : vector<1x1x16xf32> to vector<16xf32>
          %mul3A_793 = arith.constant 7 : i32
          %mul3A_794 = arith.muli %scan3A_180, %mul3A_793 : i32
          %add3A_795 = arith.constant 6 : i32
          %add3A_796 = arith.addi %mul3A_794, %add3A_795 : i32
          %get3A_797 = arith.constant 0 : i32
          %get3A_798 = arith.index_cast %get3A_797 : i32 to index
          %get3A_799 = arith.index_cast %add3A_796 : i32 to index
          %get3A_800 = arith.constant 112 : index
          %get3A_801 = tpu.vector_load %arg6[%get3A_798, %get3A_799, %get3A_800] {strides = array<i32>} : memref<3x112x256xf32, #tpu.memory_space<vmem>>, vector<1x1x16xf32>,
          %get3A_802 = vector.shape_cast %get3A_801 : vector<1x1x16xf32> to vector<16xf32>
          %add3A_803 = arith.addf %get3A_532, %get3A_542 : vector<16xf32>
          %add3A_804 = arith.addf %get3A_552, %get3A_562 : vector<16xf32>
          %add3A_805 = arith.addf %add3A_803, %add3A_804 : vector<16xf32>
          %add3A_806 = arith.addf %get3A_572, %get3A_582 : vector<16xf32>
          %add3A_807 = arith.addf %add3A_806, %get3A_592 : vector<16xf32>
          %add3A_808 = arith.addf %add3A_805, %add3A_807 : vector<16xf32>
          %mul3A_809 = arith.constant 0.142857149 : f32
          %mul3A_810 = vector.broadcast %mul3A_809 : f32 to vector<16xf32>
          %mul3A_811 = arith.mulf %add3A_808, %mul3A_810 : vector<16xf32>
          %swap3A_812 = arith.constant 0 : i32
          %swap3A_813 = arith.index_cast %swap3A_812 : i32 to index
          %swap3A_814 = arith.index_cast %scan3A_180 : i32 to index
          %swap3A_815 = arith.constant 64 : index
          %swap3A_816 = tpu.vector_load %arg7[%swap3A_813, %swap3A_814, %swap3A_815] {strides = array<i32>} : memref<3x16x256xf32, #tpu.memory_space<vmem>>, vector<1x1x16xf32>,
          %swap3A_817 = vector.shape_cast %swap3A_816 : vector<1x1x16xf32> to vector<16xf32>
          %swap3A_818 = vector.shape_cast %mul3A_811 : vector<16xf32> to vector<1x1x16xf32>
          tpu.vector_store %arg7[%swap3A_813, %swap3A_814, %swap3A_815], %swap3A_818 {strides = array<i32>} : memref<3x16x256xf32, #tpu.memory_space<vmem>>, vector<1x1x16xf32>,
          %add3A_819 = arith.addf %get3A_602, %get3A_612 : vector<16xf32>
          %add3A_820 = arith.addf %get3A_622, %get3A_632 : vector<16xf32>
          %add3A_821 = arith.addf %add3A_819, %add3A_820 : vector<16xf32>
          %add3A_822 = arith.addf %get3A_642, %get3A_652 : vector<16xf32>
          %add3A_823 = arith.addf %add3A_822, %get3A_662 : vector<16xf32>
          %add3A_824 = arith.addf %add3A_821, %add3A_823 : vector<16xf32>
          %mul3A_825 = arith.constant 0.142857149 : f32
          %mul3A_826 = vector.broadcast %mul3A_825 : f32 to vector<16xf32>
          %mul3A_827 = arith.mulf %add3A_824, %mul3A_826 : vector<16xf32>
          %swap3A_828 = arith.constant 0 : i32
          %swap3A_829 = arith.index_cast %swap3A_828 : i32 to index
          %swap3A_830 = arith.index_cast %scan3A_180 : i32 to index
          %swap3A_831 = arith.constant 80 : index
          %swap3A_832 = tpu.vector_load %arg7[%swap3A_829, %swap3A_830, %swap3A_831] {strides = array<i32>} : memref<3x16x256xf32, #tpu.memory_space<vmem>>, vector<1x1x16xf32>,
          %swap3A_833 = vector.shape_cast %swap3A_832 : vector<1x1x16xf32> to vector<16xf32>
          %swap3A_834 = vector.shape_cast %mul3A_827 : vector<16xf32> to vector<1x1x16xf32>
          tpu.vector_store %arg7[%swap3A_829, %swap3A_830, %swap3A_831], %swap3A_834 {strides = array<i32>} : memref<3x16x256xf32, #tpu.memory_space<vmem>>, vector<1x1x16xf32>,
          %add3A_835 = arith.addf %get3A_672, %get3A_682 : vector<16xf32>
          %add3A_836 = arith.addf %get3A_692, %get3A_702 : vector<16xf32>
          %add3A_837 = arith.addf %add3A_835, %add3A_836 : vector<16xf32>
          %add3A_838 = arith.addf %get3A_712, %get3A_722 : vector<16xf32>
          %add3A_839 = arith.addf %add3A_838, %get3A_732 : vector<16xf32>
          %add3A_840 = arith.addf %add3A_837, %add3A_839 : vector<16xf32>
          %mul3A_841 = arith.constant 0.142857149 : f32
          %mul3A_842 = vector.broadcast %mul3A_841 : f32 to vector<16xf32>
          %mul3A_843 = arith.mulf %add3A_840, %mul3A_842 : vector<16xf32>
          %swap3A_844 = arith.constant 0 : i32
          %swap3A_845 = arith.index_cast %swap3A_844 : i32 to index
          %swap3A_846 = arith.index_cast %scan3A_180 : i32 to index
          %swap3A_847 = arith.constant 96 : index
          %swap3A_848 = tpu.vector_load %arg7[%swap3A_845, %swap3A_846, %swap3A_847] {strides = array<i32>} : memref<3x16x256xf32, #tpu.memory_space<vmem>>, vector<1x1x16xf32>,
          %swap3A_849 = vector.shape_cast %swap3A_848 : vector<1x1x16xf32> to vector<16xf32>
          %swap3A_850 = vector.shape_cast %mul3A_843 : vector<16xf32> to vector<1x1x16xf32>
          tpu.vector_store %arg7[%swap3A_845, %swap3A_846, %swap3A_847], %swap3A_850 {strides = array<i32>} : memref<3x16x256xf32, #tpu.memory_space<vmem>>, vector<1x1x16xf32>,
          %add3A_851 = arith.addf %get3A_742, %get3A_752 : vector<16xf32>
          %add3A_852 = arith.addf %get3A_762, %get3A_772 : vector<16xf32>
          %add3A_853 = arith.addf %add3A_851, %add3A_852 : vector<16xf32>
          %add3A_854 = arith.addf %get3A_782, %get3A_792 : vector<16xf32>
          %add3A_855 = arith.addf %add3A_854, %get3A_802 : vector<16xf32>
          %add3A_856 = arith.addf %add3A_853, %add3A_855 : vector<16xf32>
          %mul3A_857 = arith.constant 0.142857149 : f32
          %mul3A_858 = vector.broadcast %mul3A_857 : f32 to vector<16xf32>
          %mul3A_859 = arith.mulf %add3A_856, %mul3A_858 : vector<16xf32>
          %swap3A_860 = arith.constant 0 : i32
          %swap3A_861 = arith.index_cast %swap3A_860 : i32 to index
          %swap3A_862 = arith.index_cast %scan3A_180 : i32 to index
          %swap3A_863 = arith.constant 112 : index
          %swap3A_864 = tpu.vector_load %arg7[%swap3A_861, %swap3A_862, %swap3A_863] {strides = array<i32>} : memref<3x16x256xf32, #tpu.memory_space<vmem>>, vector<1x1x16xf32>,
          %swap3A_865 = vector.shape_cast %swap3A_864 : vector<1x1x16xf32> to vector<16xf32>
          %swap3A_866 = vector.shape_cast %mul3A_859 : vector<16xf32> to vector<1x1x16xf32>
          tpu.vector_store %arg7[%swap3A_861, %swap3A_862, %swap3A_863], %swap3A_866 {strides = array<i32>} : memref<3x16x256xf32, #tpu.memory_space<vmem>>, vector<1x1x16xf32>,
          %mul3A_867 = arith.constant 7 : i32
          %mul3A_868 = arith.muli %scan3A_180, %mul3A_867 : i32
          %add3A_869 = arith.constant 0 : i32
          %add3A_870 = arith.addi %mul3A_868, %add3A_869 : i32
          %get3A_871 = arith.constant 0 : i32
          %get3A_872 = arith.index_cast %get3A_871 : i32 to index
          %get3A_873 = arith.index_cast %add3A_870 : i32 to index
          %get3A_874 = arith.constant 128 : index
          %get3A_875 = tpu.vector_load %arg6[%get3A_872, %get3A_873, %get3A_874] {strides = array<i32>} : memref<3x112x256xf32, #tpu.memory_space<vmem>>, vector<1x1x16xf32>,
          %get3A_876 = vector.shape_cast %get3A_875 : vector<1x1x16xf32> to vector<16xf32>
          %mul3A_877 = arith.constant 7 : i32
          %mul3A_878 = arith.muli %scan3A_180, %mul3A_877 : i32
          %add3A_879 = arith.constant 1 : i32
          %add3A_880 = arith.addi %mul3A_878, %add3A_879 : i32
          %get3A_881 = arith.constant 0 : i32
          %get3A_882 = arith.index_cast %get3A_881 : i32 to index
          %get3A_883 = arith.index_cast %add3A_880 : i32 to index
          %get3A_884 = arith.constant 128 : index
          %get3A_885 = tpu.vector_load %arg6[%get3A_882, %get3A_883, %get3A_884] {strides = array<i32>} : memref<3x112x256xf32, #tpu.memory_space<vmem>>, vector<1x1x16xf32>,
          %get3A_886 = vector.shape_cast %get3A_885 : vector<1x1x16xf32> to vector<16xf32>
          %mul3A_887 = arith.constant 7 : i32
          %mul3A_888 = arith.muli %scan3A_180, %mul3A_887 : i32
          %add3A_889 = arith.constant 2 : i32
          %add3A_890 = arith.addi %mul3A_888, %add3A_889 : i32
          %get3A_891 = arith.constant 0 : i32
          %get3A_892 = arith.index_cast %get3A_891 : i32 to index
          %get3A_893 = arith.index_cast %add3A_890 : i32 to index
          %get3A_894 = arith.constant 128 : index
          %get3A_895 = tpu.vector_load %arg6[%get3A_892, %get3A_893, %get3A_894] {strides = array<i32>} : memref<3x112x256xf32, #tpu.memory_space<vmem>>, vector<1x1x16xf32>,
          %get3A_896 = vector.shape_cast %get3A_895 : vector<1x1x16xf32> to vector<16xf32>
          %mul3A_897 = arith.constant 7 : i32
          %mul3A_898 = arith.muli %scan3A_180, %mul3A_897 : i32
          %add3A_899 = arith.constant 3 : i32
          %add3A_900 = arith.addi %mul3A_898, %add3A_899 : i32
          %get3A_901 = arith.constant 0 : i32
          %get3A_902 = arith.index_cast %get3A_901 : i32 to index
          %get3A_903 = arith.index_cast %add3A_900 : i32 to index
          %get3A_904 = arith.constant 128 : index
          %get3A_905 = tpu.vector_load %arg6[%get3A_902, %get3A_903, %get3A_904] {strides = array<i32>} : memref<3x112x256xf32, #tpu.memory_space<vmem>>, vector<1x1x16xf32>,
          %get3A_906 = vector.shape_cast %get3A_905 : vector<1x1x16xf32> to vector<16xf32>
          %mul3A_907 = arith.constant 7 : i32
          %mul3A_908 = arith.muli %scan3A_180, %mul3A_907 : i32
          %add3A_909 = arith.constant 4 : i32
          %add3A_910 = arith.addi %mul3A_908, %add3A_909 : i32
          %get3A_911 = arith.constant 0 : i32
          %get3A_912 = arith.index_cast %get3A_911 : i32 to index
          %get3A_913 = arith.index_cast %add3A_910 : i32 to index
          %get3A_914 = arith.constant 128 : index
          %get3A_915 = tpu.vector_load %arg6[%get3A_912, %get3A_913, %get3A_914] {strides = array<i32>} : memref<3x112x256xf32, #tpu.memory_space<vmem>>, vector<1x1x16xf32>,
          %get3A_916 = vector.shape_cast %get3A_915 : vector<1x1x16xf32> to vector<16xf32>
          %mul3A_917 = arith.constant 7 : i32
          %mul3A_918 = arith.muli %scan3A_180, %mul3A_917 : i32
          %add3A_919 = arith.constant 5 : i32
          %add3A_920 = arith.addi %mul3A_918, %add3A_919 : i32
          %get3A_921 = arith.constant 0 : i32
          %get3A_922 = arith.index_cast %get3A_921 : i32 to index
          %get3A_923 = arith.index_cast %add3A_920 : i32 to index
          %get3A_924 = arith.constant 128 : index
          %get3A_925 = tpu.vector_load %arg6[%get3A_922, %get3A_923, %get3A_924] {strides = array<i32>} : memref<3x112x256xf32, #tpu.memory_space<vmem>>, vector<1x1x16xf32>,
          %get3A_926 = vector.shape_cast %get3A_925 : vector<1x1x16xf32> to vector<16xf32>
          %mul3A_927 = arith.constant 7 : i32
          %mul3A_928 = arith.muli %scan3A_180, %mul3A_927 : i32
          %add3A_929 = arith.constant 6 : i32
          %add3A_930 = arith.addi %mul3A_928, %add3A_929 : i32
          %get3A_931 = arith.constant 0 : i32
          %get3A_932 = arith.index_cast %get3A_931 : i32 to index
          %get3A_933 = arith.index_cast %add3A_930 : i32 to index
          %get3A_934 = arith.constant 128 : index
          %get3A_935 = tpu.vector_load %arg6[%get3A_932, %get3A_933, %get3A_934] {strides = array<i32>} : memref<3x112x256xf32, #tpu.memory_space<vmem>>, vector<1x1x16xf32>,
          %get3A_936 = vector.shape_cast %get3A_935 : vector<1x1x16xf32> to vector<16xf32>
          %mul3A_937 = arith.constant 7 : i32
          %mul3A_938 = arith.muli %scan3A_180, %mul3A_937 : i32
          %add3A_939 = arith.constant 0 : i32
          %add3A_940 = arith.addi %mul3A_938, %add3A_939 : i32
          %get3A_941 = arith.constant 0 : i32
          %get3A_942 = arith.index_cast %get3A_941 : i32 to index
          %get3A_943 = arith.index_cast %add3A_940 : i32 to index
          %get3A_944 = arith.constant 144 : index
          %get3A_945 = tpu.vector_load %arg6[%get3A_942, %get3A_943, %get3A_944] {strides = array<i32>} : memref<3x112x256xf32, #tpu.memory_space<vmem>>, vector<1x1x16xf32>,
          %get3A_946 = vector.shape_cast %get3A_945 : vector<1x1x16xf32> to vector<16xf32>
          %mul3A_947 = arith.constant 7 : i32
          %mul3A_948 = arith.muli %scan3A_180, %mul3A_947 : i32
          %add3A_949 = arith.constant 1 : i32
          %add3A_950 = arith.addi %mul3A_948, %add3A_949 : i32
          %get3A_951 = arith.constant 0 : i32
          %get3A_952 = arith.index_cast %get3A_951 : i32 to index
          %get3A_953 = arith.index_cast %add3A_950 : i32 to index
          %get3A_954 = arith.constant 144 : index
          %get3A_955 = tpu.vector_load %arg6[%get3A_952, %get3A_953, %get3A_954] {strides = array<i32>} : memref<3x112x256xf32, #tpu.memory_space<vmem>>, vector<1x1x16xf32>,
          %get3A_956 = vector.shape_cast %get3A_955 : vector<1x1x16xf32> to vector<16xf32>
          %mul3A_957 = arith.constant 7 : i32
          %mul3A_958 = arith.muli %scan3A_180, %mul3A_957 : i32
          %add3A_959 = arith.constant 2 : i32
          %add3A_960 = arith.addi %mul3A_958, %add3A_959 : i32
          %get3A_961 = arith.constant 0 : i32
          %get3A_962 = arith.index_cast %get3A_961 : i32 to index
          %get3A_963 = arith.index_cast %add3A_960 : i32 to index
          %get3A_964 = arith.constant 144 : index
          %get3A_965 = tpu.vector_load %arg6[%get3A_962, %get3A_963, %get3A_964] {strides = array<i32>} : memref<3x112x256xf32, #tpu.memory_space<vmem>>, vector<1x1x16xf32>,
          %get3A_966 = vector.shape_cast %get3A_965 : vector<1x1x16xf32> to vector<16xf32>
          %mul3A_967 = arith.constant 7 : i32
          %mul3A_968 = arith.muli %scan3A_180, %mul3A_967 : i32
          %add3A_969 = arith.constant 3 : i32
          %add3A_970 = arith.addi %mul3A_968, %add3A_969 : i32
          %get3A_971 = arith.constant 0 : i32
          %get3A_972 = arith.index_cast %get3A_971 : i32 to index
          %get3A_973 = arith.index_cast %add3A_970 : i32 to index
          %get3A_974 = arith.constant 144 : index
          %get3A_975 = tpu.vector_load %arg6[%get3A_972, %get3A_973, %get3A_974] {strides = array<i32>} : memref<3x112x256xf32, #tpu.memory_space<vmem>>, vector<1x1x16xf32>,
          %get3A_976 = vector.shape_cast %get3A_975 : vector<1x1x16xf32> to vector<16xf32>
          %mul3A_977 = arith.constant 7 : i32
          %mul3A_978 = arith.muli %scan3A_180, %mul3A_977 : i32
          %add3A_979 = arith.constant 4 : i32
          %add3A_980 = arith.addi %mul3A_978, %add3A_979 : i32
          %get3A_981 = arith.constant 0 : i32
          %get3A_982 = arith.index_cast %get3A_981 : i32 to index
          %get3A_983 = arith.index_cast %add3A_980 : i32 to index
          %get3A_984 = arith.constant 144 : index
          %get3A_985 = tpu.vector_load %arg6[%get3A_982, %get3A_983, %get3A_984] {strides = array<i32>} : memref<3x112x256xf32, #tpu.memory_space<vmem>>, vector<1x1x16xf32>,
          %get3A_986 = vector.shape_cast %get3A_985 : vector<1x1x16xf32> to vector<16xf32>
          %mul3A_987 = arith.constant 7 : i32
          %mul3A_988 = arith.muli %scan3A_180, %mul3A_987 : i32
          %add3A_989 = arith.constant 5 : i32
          %add3A_990 = arith.addi %mul3A_988, %add3A_989 : i32
          %get3A_991 = arith.constant 0 : i32
          %get3A_992 = arith.index_cast %get3A_991 : i32 to index
          %get3A_993 = arith.index_cast %add3A_990 : i32 to index
          %get3A_994 = arith.constant 144 : index
          %get3A_995 = tpu.vector_load %arg6[%get3A_992, %get3A_993, %get3A_994] {strides = array<i32>} : memref<3x112x256xf32, #tpu.memory_space<vmem>>, vector<1x1x16xf32>,
          %get3A_996 = vector.shape_cast %get3A_995 : vector<1x1x16xf32> to vector<16xf32>
          %mul3A_997 = arith.constant 7 : i32
          %mul3A_998 = arith.muli %scan3A_180, %mul3A_997 : i32
          %add3A_999 = arith.constant 6 : i32
          %add3A_1000 = arith.addi %mul3A_998, %add3A_999 : i32
          %get3A_1001 = arith.constant 0 : i32
          %get3A_1002 = arith.index_cast %get3A_1001 : i32 to index
          %get3A_1003 = arith.index_cast %add3A_1000 : i32 to index
          %get3A_1004 = arith.constant 144 : index
          %get3A_1005 = tpu.vector_load %arg6[%get3A_1002, %get3A_1003, %get3A_1004] {strides = array<i32>} : memref<3x112x256xf32, #tpu.memory_space<vmem>>, vector<1x1x16xf32>,
          %get3A_1006 = vector.shape_cast %get3A_1005 : vector<1x1x16xf32> to vector<16xf32>
          %mul3A_1007 = arith.constant 7 : i32
          %mul3A_1008 = arith.muli %scan3A_180, %mul3A_1007 : i32
          %add3A_1009 = arith.constant 0 : i32
          %add3A_1010 = arith.addi %mul3A_1008, %add3A_1009 : i32
          %get3A_1011 = arith.constant 0 : i32
          %get3A_1012 = arith.index_cast %get3A_1011 : i32 to index
          %get3A_1013 = arith.index_cast %add3A_1010 : i32 to index
          %get3A_1014 = arith.constant 160 : index
          %get3A_1015 = tpu.vector_load %arg6[%get3A_1012, %get3A_1013, %get3A_1014] {strides = array<i32>} : memref<3x112x256xf32, #tpu.memory_space<vmem>>, vector<1x1x16xf32>,
          %get3A_1016 = vector.shape_cast %get3A_1015 : vector<1x1x16xf32> to vector<16xf32>
          %mul3A_1017 = arith.constant 7 : i32
          %mul3A_1018 = arith.muli %scan3A_180, %mul3A_1017 : i32
          %add3A_1019 = arith.constant 1 : i32
          %add3A_1020 = arith.addi %mul3A_1018, %add3A_1019 : i32
          %get3A_1021 = arith.constant 0 : i32
          %get3A_1022 = arith.index_cast %get3A_1021 : i32 to index
          %get3A_1023 = arith.index_cast %add3A_1020 : i32 to index
          %get3A_1024 = arith.constant 160 : index
          %get3A_1025 = tpu.vector_load %arg6[%get3A_1022, %get3A_1023, %get3A_1024] {strides = array<i32>} : memref<3x112x256xf32, #tpu.memory_space<vmem>>, vector<1x1x16xf32>,
          %get3A_1026 = vector.shape_cast %get3A_1025 : vector<1x1x16xf32> to vector<16xf32>
          %mul3A_1027 = arith.constant 7 : i32
          %mul3A_1028 = arith.muli %scan3A_180, %mul3A_1027 : i32
          %add3A_1029 = arith.constant 2 : i32
          %add3A_1030 = arith.addi %mul3A_1028, %add3A_1029 : i32
          %get3A_1031 = arith.constant 0 : i32
          %get3A_1032 = arith.index_cast %get3A_1031 : i32 to index
          %get3A_1033 = arith.index_cast %add3A_1030 : i32 to index
          %get3A_1034 = arith.constant 160 : index
          %get3A_1035 = tpu.vector_load %arg6[%get3A_1032, %get3A_1033, %get3A_1034] {strides = array<i32>} : memref<3x112x256xf32, #tpu.memory_space<vmem>>, vector<1x1x16xf32>,
          %get3A_1036 = vector.shape_cast %get3A_1035 : vector<1x1x16xf32> to vector<16xf32>
          %mul3A_1037 = arith.constant 7 : i32
          %mul3A_1038 = arith.muli %scan3A_180, %mul3A_1037 : i32
          %add3A_1039 = arith.constant 3 : i32
          %add3A_1040 = arith.addi %mul3A_1038, %add3A_1039 : i32
          %get3A_1041 = arith.constant 0 : i32
          %get3A_1042 = arith.index_cast %get3A_1041 : i32 to index
          %get3A_1043 = arith.index_cast %add3A_1040 : i32 to index
          %get3A_1044 = arith.constant 160 : index
          %get3A_1045 = tpu.vector_load %arg6[%get3A_1042, %get3A_1043, %get3A_1044] {strides = array<i32>} : memref<3x112x256xf32, #tpu.memory_space<vmem>>, vector<1x1x16xf32>,
          %get3A_1046 = vector.shape_cast %get3A_1045 : vector<1x1x16xf32> to vector<16xf32>
          %mul3A_1047 = arith.constant 7 : i32
          %mul3A_1048 = arith.muli %scan3A_180, %mul3A_1047 : i32
          %add3A_1049 = arith.constant 4 : i32
          %add3A_1050 = arith.addi %mul3A_1048, %add3A_1049 : i32
          %get3A_1051 = arith.constant 0 : i32
          %get3A_1052 = arith.index_cast %get3A_1051 : i32 to index
          %get3A_1053 = arith.index_cast %add3A_1050 : i32 to index
          %get3A_1054 = arith.constant 160 : index
          %get3A_1055 = tpu.vector_load %arg6[%get3A_1052, %get3A_1053, %get3A_1054] {strides = array<i32>} : memref<3x112x256xf32, #tpu.memory_space<vmem>>, vector<1x1x16xf32>,
          %get3A_1056 = vector.shape_cast %get3A_1055 : vector<1x1x16xf32> to vector<16xf32>
          %mul3A_1057 = arith.constant 7 : i32
          %mul3A_1058 = arith.muli %scan3A_180, %mul3A_1057 : i32
          %add3A_1059 = arith.constant 5 : i32
          %add3A_1060 = arith.addi %mul3A_1058, %add3A_1059 : i32
          %get3A_1061 = arith.constant 0 : i32
          %get3A_1062 = arith.index_cast %get3A_1061 : i32 to index
          %get3A_1063 = arith.index_cast %add3A_1060 : i32 to index
          %get3A_1064 = arith.constant 160 : index
          %get3A_1065 = tpu.vector_load %arg6[%get3A_1062, %get3A_1063, %get3A_1064] {strides = array<i32>} : memref<3x112x256xf32, #tpu.memory_space<vmem>>, vector<1x1x16xf32>,
          %get3A_1066 = vector.shape_cast %get3A_1065 : vector<1x1x16xf32> to vector<16xf32>
          %mul3A_1067 = arith.constant 7 : i32
          %mul3A_1068 = arith.muli %scan3A_180, %mul3A_1067 : i32
          %add3A_1069 = arith.constant 6 : i32
          %add3A_1070 = arith.addi %mul3A_1068, %add3A_1069 : i32
          %get3A_1071 = arith.constant 0 : i32
          %get3A_1072 = arith.index_cast %get3A_1071 : i32 to index
          %get3A_1073 = arith.index_cast %add3A_1070 : i32 to index
          %get3A_1074 = arith.constant 160 : index
          %get3A_1075 = tpu.vector_load %arg6[%get3A_1072, %get3A_1073, %get3A_1074] {strides = array<i32>} : memref<3x112x256xf32, #tpu.memory_space<vmem>>, vector<1x1x16xf32>,
          %get3A_1076 = vector.shape_cast %get3A_1075 : vector<1x1x16xf32> to vector<16xf32>
          %mul3A_1077 = arith.constant 7 : i32
          %mul3A_1078 = arith.muli %scan3A_180, %mul3A_1077 : i32
          %add3A_1079 = arith.constant 0 : i32
          %add3A_1080 = arith.addi %mul3A_1078, %add3A_1079 : i32
          %get3A_1081 = arith.constant 0 : i32
          %get3A_1082 = arith.index_cast %get3A_1081 : i32 to index
          %get3A_1083 = arith.index_cast %add3A_1080 : i32 to index
          %get3A_1084 = arith.constant 176 : index
          %get3A_1085 = tpu.vector_load %arg6[%get3A_1082, %get3A_1083, %get3A_1084] {strides = array<i32>} : memref<3x112x256xf32, #tpu.memory_space<vmem>>, vector<1x1x16xf32>,
          %get3A_1086 = vector.shape_cast %get3A_1085 : vector<1x1x16xf32> to vector<16xf32>
          %mul3A_1087 = arith.constant 7 : i32
          %mul3A_1088 = arith.muli %scan3A_180, %mul3A_1087 : i32
          %add3A_1089 = arith.constant 1 : i32
          %add3A_1090 = arith.addi %mul3A_1088, %add3A_1089 : i32
          %get3A_1091 = arith.constant 0 : i32
          %get3A_1092 = arith.index_cast %get3A_1091 : i32 to index
          %get3A_1093 = arith.index_cast %add3A_1090 : i32 to index
          %get3A_1094 = arith.constant 176 : index
          %get3A_1095 = tpu.vector_load %arg6[%get3A_1092, %get3A_1093, %get3A_1094] {strides = array<i32>} : memref<3x112x256xf32, #tpu.memory_space<vmem>>, vector<1x1x16xf32>,
          %get3A_1096 = vector.shape_cast %get3A_1095 : vector<1x1x16xf32> to vector<16xf32>
          %mul3A_1097 = arith.constant 7 : i32
          %mul3A_1098 = arith.muli %scan3A_180, %mul3A_1097 : i32
          %add3A_1099 = arith.constant 2 : i32
          %add3A_1100 = arith.addi %mul3A_1098, %add3A_1099 : i32
          %get3A_1101 = arith.constant 0 : i32
          %get3A_1102 = arith.index_cast %get3A_1101 : i32 to index
          %get3A_1103 = arith.index_cast %add3A_1100 : i32 to index
          %get3A_1104 = arith.constant 176 : index
          %get3A_1105 = tpu.vector_load %arg6[%get3A_1102, %get3A_1103, %get3A_1104] {strides = array<i32>} : memref<3x112x256xf32, #tpu.memory_space<vmem>>, vector<1x1x16xf32>,
          %get3A_1106 = vector.shape_cast %get3A_1105 : vector<1x1x16xf32> to vector<16xf32>
          %mul3A_1107 = arith.constant 7 : i32
          %mul3A_1108 = arith.muli %scan3A_180, %mul3A_1107 : i32
          %add3A_1109 = arith.constant 3 : i32
          %add3A_1110 = arith.addi %mul3A_1108, %add3A_1109 : i32
          %get3A_1111 = arith.constant 0 : i32
          %get3A_1112 = arith.index_cast %get3A_1111 : i32 to index
          %get3A_1113 = arith.index_cast %add3A_1110 : i32 to index
          %get3A_1114 = arith.constant 176 : index
          %get3A_1115 = tpu.vector_load %arg6[%get3A_1112, %get3A_1113, %get3A_1114] {strides = array<i32>} : memref<3x112x256xf32, #tpu.memory_space<vmem>>, vector<1x1x16xf32>,
          %get3A_1116 = vector.shape_cast %get3A_1115 : vector<1x1x16xf32> to vector<16xf32>
          %mul3A_1117 = arith.constant 7 : i32
          %mul3A_1118 = arith.muli %scan3A_180, %mul3A_1117 : i32
          %add3A_1119 = arith.constant 4 : i32
          %add3A_1120 = arith.addi %mul3A_1118, %add3A_1119 : i32
          %get3A_1121 = arith.constant 0 : i32
          %get3A_1122 = arith.index_cast %get3A_1121 : i32 to index
          %get3A_1123 = arith.index_cast %add3A_1120 : i32 to index
          %get3A_1124 = arith.constant 176 : index
          %get3A_1125 = tpu.vector_load %arg6[%get3A_1122, %get3A_1123, %get3A_1124] {strides = array<i32>} : memref<3x112x256xf32, #tpu.memory_space<vmem>>, vector<1x1x16xf32>,
          %get3A_1126 = vector.shape_cast %get3A_1125 : vector<1x1x16xf32> to vector<16xf32>
          %mul3A_1127 = arith.constant 7 : i32
          %mul3A_1128 = arith.muli %scan3A_180, %mul3A_1127 : i32
          %add3A_1129 = arith.constant 5 : i32
          %add3A_1130 = arith.addi %mul3A_1128, %add3A_1129 : i32
          %get3A_1131 = arith.constant 0 : i32
          %get3A_1132 = arith.index_cast %get3A_1131 : i32 to index
          %get3A_1133 = arith.index_cast %add3A_1130 : i32 to index
          %get3A_1134 = arith.constant 176 : index
          %get3A_1135 = tpu.vector_load %arg6[%get3A_1132, %get3A_1133, %get3A_1134] {strides = array<i32>} : memref<3x112x256xf32, #tpu.memory_space<vmem>>, vector<1x1x16xf32>,
          %get3A_1136 = vector.shape_cast %get3A_1135 : vector<1x1x16xf32> to vector<16xf32>
          %mul3A_1137 = arith.constant 7 : i32
          %mul3A_1138 = arith.muli %scan3A_180, %mul3A_1137 : i32
          %add3A_1139 = arith.constant 6 : i32
          %add3A_1140 = arith.addi %mul3A_1138, %add3A_1139 : i32
          %get3A_1141 = arith.constant 0 : i32
          %get3A_1142 = arith.index_cast %get3A_1141 : i32 to index
          %get3A_1143 = arith.index_cast %add3A_1140 : i32 to index
          %get3A_1144 = arith.constant 176 : index
          %get3A_1145 = tpu.vector_load %arg6[%get3A_1142, %get3A_1143, %get3A_1144] {strides = array<i32>} : memref<3x112x256xf32, #tpu.memory_space<vmem>>, vector<1x1x16xf32>,
          %get3A_1146 = vector.shape_cast %get3A_1145 : vector<1x1x16xf32> to vector<16xf32>
          %add3A_1147 = arith.addf %get3A_876, %get3A_886 : vector<16xf32>
          %add3A_1148 = arith.addf %get3A_896, %get3A_906 : vector<16xf32>
          %add3A_1149 = arith.addf %add3A_1147, %add3A_1148 : vector<16xf32>
          %add3A_1150 = arith.addf %get3A_916, %get3A_926 : vector<16xf32>
          %add3A_1151 = arith.addf %add3A_1150, %get3A_936 : vector<16xf32>
          %add3A_1152 = arith.addf %add3A_1149, %add3A_1151 : vector<16xf32>
          %mul3A_1153 = arith.constant 0.142857149 : f32
          %mul3A_1154 = vector.broadcast %mul3A_1153 : f32 to vector<16xf32>
          %mul3A_1155 = arith.mulf %add3A_1152, %mul3A_1154 : vector<16xf32>
          %swap3A_1156 = arith.constant 0 : i32
          %swap3A_1157 = arith.index_cast %swap3A_1156 : i32 to index
          %swap3A_1158 = arith.index_cast %scan3A_180 : i32 to index
          %swap3A_1159 = arith.constant 128 : index
          %swap3A_1160 = tpu.vector_load %arg7[%swap3A_1157, %swap3A_1158, %swap3A_1159] {strides = array<i32>} : memref<3x16x256xf32, #tpu.memory_space<vmem>>, vector<1x1x16xf32>,
          %swap3A_1161 = vector.shape_cast %swap3A_1160 : vector<1x1x16xf32> to vector<16xf32>
          %swap3A_1162 = vector.shape_cast %mul3A_1155 : vector<16xf32> to vector<1x1x16xf32>
          tpu.vector_store %arg7[%swap3A_1157, %swap3A_1158, %swap3A_1159], %swap3A_1162 {strides = array<i32>} : memref<3x16x256xf32, #tpu.memory_space<vmem>>, vector<1x1x16xf32>,
          %add3A_1163 = arith.addf %get3A_946, %get3A_956 : vector<16xf32>
          %add3A_1164 = arith.addf %get3A_966, %get3A_976 : vector<16xf32>
          %add3A_1165 = arith.addf %add3A_1163, %add3A_1164 : vector<16xf32>
          %add3A_1166 = arith.addf %get3A_986, %get3A_996 : vector<16xf32>
          %add3A_1167 = arith.addf %add3A_1166, %get3A_1006 : vector<16xf32>
          %add3A_1168 = arith.addf %add3A_1165, %add3A_1167 : vector<16xf32>
          %mul3A_1169 = arith.constant 0.142857149 : f32
          %mul3A_1170 = vector.broadcast %mul3A_1169 : f32 to vector<16xf32>
          %mul3A_1171 = arith.mulf %add3A_1168, %mul3A_1170 : vector<16xf32>
          %swap3A_1172 = arith.constant 0 : i32
          %swap3A_1173 = arith.index_cast %swap3A_1172 : i32 to index
          %swap3A_1174 = arith.index_cast %scan3A_180 : i32 to index
          %swap3A_1175 = arith.constant 144 : index
          %swap3A_1176 = tpu.vector_load %arg7[%swap3A_1173, %swap3A_1174, %swap3A_1175] {strides = array<i32>} : memref<3x16x256xf32, #tpu.memory_space<vmem>>, vector<1x1x16xf32>,
          %swap3A_1177 = vector.shape_cast %swap3A_1176 : vector<1x1x16xf32> to vector<16xf32>
          %swap3A_1178 = vector.shape_cast %mul3A_1171 : vector<16xf32> to vector<1x1x16xf32>
          tpu.vector_store %arg7[%swap3A_1173, %swap3A_1174, %swap3A_1175], %swap3A_1178 {strides = array<i32>} : memref<3x16x256xf32, #tpu.memory_space<vmem>>, vector<1x1x16xf32>,
          %add3A_1179 = arith.addf %get3A_1016, %get3A_1026 : vector<16xf32>
          %add3A_1180 = arith.addf %get3A_1036, %get3A_1046 : vector<16xf32>
          %add3A_1181 = arith.addf %add3A_1179, %add3A_1180 : vector<16xf32>
          %add3A_1182 = arith.addf %get3A_1056, %get3A_1066 : vector<16xf32>
          %add3A_1183 = arith.addf %add3A_1182, %get3A_1076 : vector<16xf32>
          %add3A_1184 = arith.addf %add3A_1181, %add3A_1183 : vector<16xf32>
          %mul3A_1185 = arith.constant 0.142857149 : f32
          %mul3A_1186 = vector.broadcast %mul3A_1185 : f32 to vector<16xf32>
          %mul3A_1187 = arith.mulf %add3A_1184, %mul3A_1186 : vector<16xf32>
          %swap3A_1188 = arith.constant 0 : i32
          %swap3A_1189 = arith.index_cast %swap3A_1188 : i32 to index
          %swap3A_1190 = arith.index_cast %scan3A_180 : i32 to index
          %swap3A_1191 = arith.constant 160 : index
          %swap3A_1192 = tpu.vector_load %arg7[%swap3A_1189, %swap3A_1190, %swap3A_1191] {strides = array<i32>} : memref<3x16x256xf32, #tpu.memory_space<vmem>>, vector<1x1x16xf32>,
          %swap3A_1193 = vector.shape_cast %swap3A_1192 : vector<1x1x16xf32> to vector<16xf32>
          %swap3A_1194 = vector.shape_cast %mul3A_1187 : vector<16xf32> to vector<1x1x16xf32>
          tpu.vector_store %arg7[%swap3A_1189, %swap3A_1190, %swap3A_1191], %swap3A_1194 {strides = array<i32>} : memref<3x16x256xf32, #tpu.memory_space<vmem>>, vector<1x1x16xf32>,
          %add3A_1195 = arith.addf %get3A_1086, %get3A_1096 : vector<16xf32>
          %add3A_1196 = arith.addf %get3A_1106, %get3A_1116 : vector<16xf32>
          %add3A_1197 = arith.addf %add3A_1195, %add3A_1196 : vector<16xf32>
          %add3A_1198 = arith.addf %get3A_1126, %get3A_1136 : vector<16xf32>
          %add3A_1199 = arith.addf %add3A_1198, %get3A_1146 : vector<16xf32>
          %add3A_1200 = arith.addf %add3A_1197, %add3A_1199 : vector<16xf32>
          %mul3A_1201 = arith.constant 0.142857149 : f32
          %mul3A_1202 = vector.broadcast %mul3A_1201 : f32 to vector<16xf32>
          %mul3A_1203 = arith.mulf %add3A_1200, %mul3A_1202 : vector<16xf32>
          %swap3A_1204 = arith.constant 0 : i32
          %swap3A_1205 = arith.index_cast %swap3A_1204 : i32 to index
          %swap3A_1206 = arith.index_cast %scan3A_180 : i32 to index
          %swap3A_1207 = arith.constant 176 : index
          %swap3A_1208 = tpu.vector_load %arg7[%swap3A_1205, %swap3A_1206, %swap3A_1207] {strides = array<i32>} : memref<3x16x256xf32, #tpu.memory_space<vmem>>, vector<1x1x16xf32>,
          %swap3A_1209 = vector.shape_cast %swap3A_1208 : vector<1x1x16xf32> to vector<16xf32>
          %swap3A_1210 = vector.shape_cast %mul3A_1203 : vector<16xf32> to vector<1x1x16xf32>
          tpu.vector_store %arg7[%swap3A_1205, %swap3A_1206, %swap3A_1207], %swap3A_1210 {strides = array<i32>} : memref<3x16x256xf32, #tpu.memory_space<vmem>>, vector<1x1x16xf32>,
          %mul3A_1211 = arith.constant 7 : i32
          %mul3A_1212 = arith.muli %scan3A_180, %mul3A_1211 : i32
          %add3A_1213 = arith.constant 0 : i32
          %add3A_1214 = arith.addi %mul3A_1212, %add3A_1213 : i32
          %get3A_1215 = arith.constant 0 : i32
          %get3A_1216 = arith.index_cast %get3A_1215 : i32 to index
          %get3A_1217 = arith.index_cast %add3A_1214 : i32 to index
          %get3A_1218 = arith.constant 192 : index
          %get3A_1219 = tpu.vector_load %arg6[%get3A_1216, %get3A_1217, %get3A_1218] {strides = array<i32>} : memref<3x112x256xf32, #tpu.memory_space<vmem>>, vector<1x1x16xf32>,
          %get3A_1220 = vector.shape_cast %get3A_1219 : vector<1x1x16xf32> to vector<16xf32>
          %mul3A_1221 = arith.constant 7 : i32
          %mul3A_1222 = arith.muli %scan3A_180, %mul3A_1221 : i32
          %add3A_1223 = arith.constant 1 : i32
          %add3A_1224 = arith.addi %mul3A_1222, %add3A_1223 : i32
          %get3A_1225 = arith.constant 0 : i32
          %get3A_1226 = arith.index_cast %get3A_1225 : i32 to index
          %get3A_1227 = arith.index_cast %add3A_1224 : i32 to index
          %get3A_1228 = arith.constant 192 : index
          %get3A_1229 = tpu.vector_load %arg6[%get3A_1226, %get3A_1227, %get3A_1228] {strides = array<i32>} : memref<3x112x256xf32, #tpu.memory_space<vmem>>, vector<1x1x16xf32>,
          %get3A_1230 = vector.shape_cast %get3A_1229 : vector<1x1x16xf32> to vector<16xf32>
          %mul3A_1231 = arith.constant 7 : i32
          %mul3A_1232 = arith.muli %scan3A_180, %mul3A_1231 : i32
          %add3A_1233 = arith.constant 2 : i32
          %add3A_1234 = arith.addi %mul3A_1232, %add3A_1233 : i32
          %get3A_1235 = arith.constant 0 : i32
          %get3A_1236 = arith.index_cast %get3A_1235 : i32 to index
          %get3A_1237 = arith.index_cast %add3A_1234 : i32 to index
          %get3A_1238 = arith.constant 192 : index
          %get3A_1239 = tpu.vector_load %arg6[%get3A_1236, %get3A_1237, %get3A_1238] {strides = array<i32>} : memref<3x112x256xf32, #tpu.memory_space<vmem>>, vector<1x1x16xf32>,
          %get3A_1240 = vector.shape_cast %get3A_1239 : vector<1x1x16xf32> to vector<16xf32>
          %mul3A_1241 = arith.constant 7 : i32
          %mul3A_1242 = arith.muli %scan3A_180, %mul3A_1241 : i32
          %add3A_1243 = arith.constant 3 : i32
          %add3A_1244 = arith.addi %mul3A_1242, %add3A_1243 : i32
          %get3A_1245 = arith.constant 0 : i32
          %get3A_1246 = arith.index_cast %get3A_1245 : i32 to index
          %get3A_1247 = arith.index_cast %add3A_1244 : i32 to index
          %get3A_1248 = arith.constant 192 : index
          %get3A_1249 = tpu.vector_load %arg6[%get3A_1246, %get3A_1247, %get3A_1248] {strides = array<i32>} : memref<3x112x256xf32, #tpu.memory_space<vmem>>, vector<1x1x16xf32>,
          %get3A_1250 = vector.shape_cast %get3A_1249 : vector<1x1x16xf32> to vector<16xf32>
          %mul3A_1251 = arith.constant 7 : i32
          %mul3A_1252 = arith.muli %scan3A_180, %mul3A_1251 : i32
          %add3A_1253 = arith.constant 4 : i32
          %add3A_1254 = arith.addi %mul3A_1252, %add3A_1253 : i32
          %get3A_1255 = arith.constant 0 : i32
          %get3A_1256 = arith.index_cast %get3A_1255 : i32 to index
          %get3A_1257 = arith.index_cast %add3A_1254 : i32 to index
          %get3A_1258 = arith.constant 192 : index
          %get3A_1259 = tpu.vector_load %arg6[%get3A_1256, %get3A_1257, %get3A_1258] {strides = array<i32>} : memref<3x112x256xf32, #tpu.memory_space<vmem>>, vector<1x1x16xf32>,
          %get3A_1260 = vector.shape_cast %get3A_1259 : vector<1x1x16xf32> to vector<16xf32>
          %mul3A_1261 = arith.constant 7 : i32
          %mul3A_1262 = arith.muli %scan3A_180, %mul3A_1261 : i32
          %add3A_1263 = arith.constant 5 : i32
          %add3A_1264 = arith.addi %mul3A_1262, %add3A_1263 : i32
          %get3A_1265 = arith.constant 0 : i32
          %get3A_1266 = arith.index_cast %get3A_1265 : i32 to index
          %get3A_1267 = arith.index_cast %add3A_1264 : i32 to index
          %get3A_1268 = arith.constant 192 : index
          %get3A_1269 = tpu.vector_load %arg6[%get3A_1266, %get3A_1267, %get3A_1268] {strides = array<i32>} : memref<3x112x256xf32, #tpu.memory_space<vmem>>, vector<1x1x16xf32>,
          %get3A_1270 = vector.shape_cast %get3A_1269 : vector<1x1x16xf32> to vector<16xf32>
          %mul3A_1271 = arith.constant 7 : i32
          %mul3A_1272 = arith.muli %scan3A_180, %mul3A_1271 : i32
          %add3A_1273 = arith.constant 6 : i32
          %add3A_1274 = arith.addi %mul3A_1272, %add3A_1273 : i32
          %get3A_1275 = arith.constant 0 : i32
          %get3A_1276 = arith.index_cast %get3A_1275 : i32 to index
          %get3A_1277 = arith.index_cast %add3A_1274 : i32 to index
          %get3A_1278 = arith.constant 192 : index
          %get3A_1279 = tpu.vector_load %arg6[%get3A_1276, %get3A_1277, %get3A_1278] {strides = array<i32>} : memref<3x112x256xf32, #tpu.memory_space<vmem>>, vector<1x1x16xf32>,
          %get3A_1280 = vector.shape_cast %get3A_1279 : vector<1x1x16xf32> to vector<16xf32>
          %mul3A_1281 = arith.constant 7 : i32
          %mul3A_1282 = arith.muli %scan3A_180, %mul3A_1281 : i32
          %add3A_1283 = arith.constant 0 : i32
          %add3A_1284 = arith.addi %mul3A_1282, %add3A_1283 : i32
          %get3A_1285 = arith.constant 0 : i32
          %get3A_1286 = arith.index_cast %get3A_1285 : i32 to index
          %get3A_1287 = arith.index_cast %add3A_1284 : i32 to index
          %get3A_1288 = arith.constant 208 : index
          %get3A_1289 = tpu.vector_load %arg6[%get3A_1286, %get3A_1287, %get3A_1288] {strides = array<i32>} : memref<3x112x256xf32, #tpu.memory_space<vmem>>, vector<1x1x16xf32>,
          %get3A_1290 = vector.shape_cast %get3A_1289 : vector<1x1x16xf32> to vector<16xf32>
          %mul3A_1291 = arith.constant 7 : i32
          %mul3A_1292 = arith.muli %scan3A_180, %mul3A_1291 : i32
          %add3A_1293 = arith.constant 1 : i32
          %add3A_1294 = arith.addi %mul3A_1292, %add3A_1293 : i32
          %get3A_1295 = arith.constant 0 : i32
          %get3A_1296 = arith.index_cast %get3A_1295 : i32 to index
          %get3A_1297 = arith.index_cast %add3A_1294 : i32 to index
          %get3A_1298 = arith.constant 208 : index
          %get3A_1299 = tpu.vector_load %arg6[%get3A_1296, %get3A_1297, %get3A_1298] {strides = array<i32>} : memref<3x112x256xf32, #tpu.memory_space<vmem>>, vector<1x1x16xf32>,
          %get3A_1300 = vector.shape_cast %get3A_1299 : vector<1x1x16xf32> to vector<16xf32>
          %mul3A_1301 = arith.constant 7 : i32
          %mul3A_1302 = arith.muli %scan3A_180, %mul3A_1301 : i32
          %add3A_1303 = arith.constant 2 : i32
          %add3A_1304 = arith.addi %mul3A_1302, %add3A_1303 : i32
          %get3A_1305 = arith.constant 0 : i32
          %get3A_1306 = arith.index_cast %get3A_1305 : i32 to index
          %get3A_1307 = arith.index_cast %add3A_1304 : i32 to index
          %get3A_1308 = arith.constant 208 : index
          %get3A_1309 = tpu.vector_load %arg6[%get3A_1306, %get3A_1307, %get3A_1308] {strides = array<i32>} : memref<3x112x256xf32, #tpu.memory_space<vmem>>, vector<1x1x16xf32>,
          %get3A_1310 = vector.shape_cast %get3A_1309 : vector<1x1x16xf32> to vector<16xf32>
          %mul3A_1311 = arith.constant 7 : i32
          %mul3A_1312 = arith.muli %scan3A_180, %mul3A_1311 : i32
          %add3A_1313 = arith.constant 3 : i32
          %add3A_1314 = arith.addi %mul3A_1312, %add3A_1313 : i32
          %get3A_1315 = arith.constant 0 : i32
          %get3A_1316 = arith.index_cast %get3A_1315 : i32 to index
          %get3A_1317 = arith.index_cast %add3A_1314 : i32 to index
          %get3A_1318 = arith.constant 208 : index
          %get3A_1319 = tpu.vector_load %arg6[%get3A_1316, %get3A_1317, %get3A_1318] {strides = array<i32>} : memref<3x112x256xf32, #tpu.memory_space<vmem>>, vector<1x1x16xf32>,
          %get3A_1320 = vector.shape_cast %get3A_1319 : vector<1x1x16xf32> to vector<16xf32>
          %mul3A_1321 = arith.constant 7 : i32
          %mul3A_1322 = arith.muli %scan3A_180, %mul3A_1321 : i32
          %add3A_1323 = arith.constant 4 : i32
          %add3A_1324 = arith.addi %mul3A_1322, %add3A_1323 : i32
          %get3A_1325 = arith.constant 0 : i32
          %get3A_1326 = arith.index_cast %get3A_1325 : i32 to index
          %get3A_1327 = arith.index_cast %add3A_1324 : i32 to index
          %get3A_1328 = arith.constant 208 : index
          %get3A_1329 = tpu.vector_load %arg6[%get3A_1326, %get3A_1327, %get3A_1328] {strides = array<i32>} : memref<3x112x256xf32, #tpu.memory_space<vmem>>, vector<1x1x16xf32>,
          %get3A_1330 = vector.shape_cast %get3A_1329 : vector<1x1x16xf32> to vector<16xf32>
          %mul3A_1331 = arith.constant 7 : i32
          %mul3A_1332 = arith.muli %scan3A_180, %mul3A_1331 : i32
          %add3A_1333 = arith.constant 5 : i32
          %add3A_1334 = arith.addi %mul3A_1332, %add3A_1333 : i32
          %get3A_1335 = arith.constant 0 : i32
          %get3A_1336 = arith.index_cast %get3A_1335 : i32 to index
          %get3A_1337 = arith.index_cast %add3A_1334 : i32 to index
          %get3A_1338 = arith.constant 208 : index
          %get3A_1339 = tpu.vector_load %arg6[%get3A_1336, %get3A_1337, %get3A_1338] {strides = array<i32>} : memref<3x112x256xf32, #tpu.memory_space<vmem>>, vector<1x1x16xf32>,
          %get3A_1340 = vector.shape_cast %get3A_1339 : vector<1x1x16xf32> to vector<16xf32>
          %mul3A_1341 = arith.constant 7 : i32
          %mul3A_1342 = arith.muli %scan3A_180, %mul3A_1341 : i32
          %add3A_1343 = arith.constant 6 : i32
          %add3A_1344 = arith.addi %mul3A_1342, %add3A_1343 : i32
          %get3A_1345 = arith.constant 0 : i32
          %get3A_1346 = arith.index_cast %get3A_1345 : i32 to index
          %get3A_1347 = arith.index_cast %add3A_1344 : i32 to index
          %get3A_1348 = arith.constant 208 : index
          %get3A_1349 = tpu.vector_load %arg6[%get3A_1346, %get3A_1347, %get3A_1348] {strides = array<i32>} : memref<3x112x256xf32, #tpu.memory_space<vmem>>, vector<1x1x16xf32>,
          %get3A_1350 = vector.shape_cast %get3A_1349 : vector<1x1x16xf32> to vector<16xf32>
          %mul3A_1351 = arith.constant 7 : i32
          %mul3A_1352 = arith.muli %scan3A_180, %mul3A_1351 : i32
          %add3A_1353 = arith.constant 0 : i32
          %add3A_1354 = arith.addi %mul3A_1352, %add3A_1353 : i32
          %get3A_1355 = arith.constant 0 : i32
          %get3A_1356 = arith.index_cast %get3A_1355 : i32 to index
          %get3A_1357 = arith.index_cast %add3A_1354 : i32 to index
          %get3A_1358 = arith.constant 224 : index
          %get3A_1359 = tpu.vector_load %arg6[%get3A_1356, %get3A_1357, %get3A_1358] {strides = array<i32>} : memref<3x112x256xf32, #tpu.memory_space<vmem>>, vector<1x1x16xf32>,
          %get3A_1360 = vector.shape_cast %get3A_1359 : vector<1x1x16xf32> to vector<16xf32>
          %mul3A_1361 = arith.constant 7 : i32
          %mul3A_1362 = arith.muli %scan3A_180, %mul3A_1361 : i32
          %add3A_1363 = arith.constant 1 : i32
          %add3A_1364 = arith.addi %mul3A_1362, %add3A_1363 : i32
          %get3A_1365 = arith.constant 0 : i32
          %get3A_1366 = arith.index_cast %get3A_1365 : i32 to index
          %get3A_1367 = arith.index_cast %add3A_1364 : i32 to index
          %get3A_1368 = arith.constant 224 : index
          %get3A_1369 = tpu.vector_load %arg6[%get3A_1366, %get3A_1367, %get3A_1368] {strides = array<i32>} : memref<3x112x256xf32, #tpu.memory_space<vmem>>, vector<1x1x16xf32>,
          %get3A_1370 = vector.shape_cast %get3A_1369 : vector<1x1x16xf32> to vector<16xf32>
          %mul3A_1371 = arith.constant 7 : i32
          %mul3A_1372 = arith.muli %scan3A_180, %mul3A_1371 : i32
          %add3A_1373 = arith.constant 2 : i32
          %add3A_1374 = arith.addi %mul3A_1372, %add3A_1373 : i32
          %get3A_1375 = arith.constant 0 : i32
          %get3A_1376 = arith.index_cast %get3A_1375 : i32 to index
          %get3A_1377 = arith.index_cast %add3A_1374 : i32 to index
          %get3A_1378 = arith.constant 224 : index
          %get3A_1379 = tpu.vector_load %arg6[%get3A_1376, %get3A_1377, %get3A_1378] {strides = array<i32>} : memref<3x112x256xf32, #tpu.memory_space<vmem>>, vector<1x1x16xf32>,
          %get3A_1380 = vector.shape_cast %get3A_1379 : vector<1x1x16xf32> to vector<16xf32>
          %mul3A_1381 = arith.constant 7 : i32
          %mul3A_1382 = arith.muli %scan3A_180, %mul3A_1381 : i32
          %add3A_1383 = arith.constant 3 : i32
          %add3A_1384 = arith.addi %mul3A_1382, %add3A_1383 : i32
          %get3A_1385 = arith.constant 0 : i32
          %get3A_1386 = arith.index_cast %get3A_1385 : i32 to index
          %get3A_1387 = arith.index_cast %add3A_1384 : i32 to index
          %get3A_1388 = arith.constant 224 : index
          %get3A_1389 = tpu.vector_load %arg6[%get3A_1386, %get3A_1387, %get3A_1388] {strides = array<i32>} : memref<3x112x256xf32, #tpu.memory_space<vmem>>, vector<1x1x16xf32>,
          %get3A_1390 = vector.shape_cast %get3A_1389 : vector<1x1x16xf32> to vector<16xf32>
          %mul3A_1391 = arith.constant 7 : i32
          %mul3A_1392 = arith.muli %scan3A_180, %mul3A_1391 : i32
          %add3A_1393 = arith.constant 4 : i32
          %add3A_1394 = arith.addi %mul3A_1392, %add3A_1393 : i32
          %get3A_1395 = arith.constant 0 : i32
          %get3A_1396 = arith.index_cast %get3A_1395 : i32 to index
          %get3A_1397 = arith.index_cast %add3A_1394 : i32 to index
          %get3A_1398 = arith.constant 224 : index
          %get3A_1399 = tpu.vector_load %arg6[%get3A_1396, %get3A_1397, %get3A_1398] {strides = array<i32>} : memref<3x112x256xf32, #tpu.memory_space<vmem>>, vector<1x1x16xf32>,
          %get3A_1400 = vector.shape_cast %get3A_1399 : vector<1x1x16xf32> to vector<16xf32>
          %mul3A_1401 = arith.constant 7 : i32
          %mul3A_1402 = arith.muli %scan3A_180, %mul3A_1401 : i32
          %add3A_1403 = arith.constant 5 : i32
          %add3A_1404 = arith.addi %mul3A_1402, %add3A_1403 : i32
          %get3A_1405 = arith.constant 0 : i32
          %get3A_1406 = arith.index_cast %get3A_1405 : i32 to index
          %get3A_1407 = arith.index_cast %add3A_1404 : i32 to index
          %get3A_1408 = arith.constant 224 : index
          %get3A_1409 = tpu.vector_load %arg6[%get3A_1406, %get3A_1407, %get3A_1408] {strides = array<i32>} : memref<3x112x256xf32, #tpu.memory_space<vmem>>, vector<1x1x16xf32>,
          %get3A_1410 = vector.shape_cast %get3A_1409 : vector<1x1x16xf32> to vector<16xf32>
          %mul3A_1411 = arith.constant 7 : i32
          %mul3A_1412 = arith.muli %scan3A_180, %mul3A_1411 : i32
          %add3A_1413 = arith.constant 6 : i32
          %add3A_1414 = arith.addi %mul3A_1412, %add3A_1413 : i32
          %get3A_1415 = arith.constant 0 : i32
          %get3A_1416 = arith.index_cast %get3A_1415 : i32 to index
          %get3A_1417 = arith.index_cast %add3A_1414 : i32 to index
          %get3A_1418 = arith.constant 224 : index
          %get3A_1419 = tpu.vector_load %arg6[%get3A_1416, %get3A_1417, %get3A_1418] {strides = array<i32>} : memref<3x112x256xf32, #tpu.memory_space<vmem>>, vector<1x1x16xf32>,
          %get3A_1420 = vector.shape_cast %get3A_1419 : vector<1x1x16xf32> to vector<16xf32>
          %mul3A_1421 = arith.constant 7 : i32
          %mul3A_1422 = arith.muli %scan3A_180, %mul3A_1421 : i32
          %add3A_1423 = arith.constant 0 : i32
          %add3A_1424 = arith.addi %mul3A_1422, %add3A_1423 : i32
          %get3A_1425 = arith.constant 0 : i32
          %get3A_1426 = arith.index_cast %get3A_1425 : i32 to index
          %get3A_1427 = arith.index_cast %add3A_1424 : i32 to index
          %get3A_1428 = arith.constant 240 : index
          %get3A_1429 = tpu.vector_load %arg6[%get3A_1426, %get3A_1427, %get3A_1428] {strides = array<i32>} : memref<3x112x256xf32, #tpu.memory_space<vmem>>, vector<1x1x16xf32>,
          %get3A_1430 = vector.shape_cast %get3A_1429 : vector<1x1x16xf32> to vector<16xf32>
          %mul3A_1431 = arith.constant 7 : i32
          %mul3A_1432 = arith.muli %scan3A_180, %mul3A_1431 : i32
          %add3A_1433 = arith.constant 1 : i32
          %add3A_1434 = arith.addi %mul3A_1432, %add3A_1433 : i32
          %get3A_1435 = arith.constant 0 : i32
          %get3A_1436 = arith.index_cast %get3A_1435 : i32 to index
          %get3A_1437 = arith.index_cast %add3A_1434 : i32 to index
          %get3A_1438 = arith.constant 240 : index
          %get3A_1439 = tpu.vector_load %arg6[%get3A_1436, %get3A_1437, %get3A_1438] {strides = array<i32>} : memref<3x112x256xf32, #tpu.memory_space<vmem>>, vector<1x1x16xf32>,
          %get3A_1440 = vector.shape_cast %get3A_1439 : vector<1x1x16xf32> to vector<16xf32>
          %mul3A_1441 = arith.constant 7 : i32
          %mul3A_1442 = arith.muli %scan3A_180, %mul3A_1441 : i32
          %add3A_1443 = arith.constant 2 : i32
          %add3A_1444 = arith.addi %mul3A_1442, %add3A_1443 : i32
          %get3A_1445 = arith.constant 0 : i32
          %get3A_1446 = arith.index_cast %get3A_1445 : i32 to index
          %get3A_1447 = arith.index_cast %add3A_1444 : i32 to index
          %get3A_1448 = arith.constant 240 : index
          %get3A_1449 = tpu.vector_load %arg6[%get3A_1446, %get3A_1447, %get3A_1448] {strides = array<i32>} : memref<3x112x256xf32, #tpu.memory_space<vmem>>, vector<1x1x16xf32>,
          %get3A_1450 = vector.shape_cast %get3A_1449 : vector<1x1x16xf32> to vector<16xf32>
          %mul3A_1451 = arith.constant 7 : i32
          %mul3A_1452 = arith.muli %scan3A_180, %mul3A_1451 : i32
          %add3A_1453 = arith.constant 3 : i32
          %add3A_1454 = arith.addi %mul3A_1452, %add3A_1453 : i32
          %get3A_1455 = arith.constant 0 : i32
          %get3A_1456 = arith.index_cast %get3A_1455 : i32 to index
          %get3A_1457 = arith.index_cast %add3A_1454 : i32 to index
          %get3A_1458 = arith.constant 240 : index
          %get3A_1459 = tpu.vector_load %arg6[%get3A_1456, %get3A_1457, %get3A_1458] {strides = array<i32>} : memref<3x112x256xf32, #tpu.memory_space<vmem>>, vector<1x1x16xf32>,
          %get3A_1460 = vector.shape_cast %get3A_1459 : vector<1x1x16xf32> to vector<16xf32>
          %mul3A_1461 = arith.constant 7 : i32
          %mul3A_1462 = arith.muli %scan3A_180, %mul3A_1461 : i32
          %add3A_1463 = arith.constant 4 : i32
          %add3A_1464 = arith.addi %mul3A_1462, %add3A_1463 : i32
          %get3A_1465 = arith.constant 0 : i32
          %get3A_1466 = arith.index_cast %get3A_1465 : i32 to index
          %get3A_1467 = arith.index_cast %add3A_1464 : i32 to index
          %get3A_1468 = arith.constant 240 : index
          %get3A_1469 = tpu.vector_load %arg6[%get3A_1466, %get3A_1467, %get3A_1468] {strides = array<i32>} : memref<3x112x256xf32, #tpu.memory_space<vmem>>, vector<1x1x16xf32>,
          %get3A_1470 = vector.shape_cast %get3A_1469 : vector<1x1x16xf32> to vector<16xf32>
          %mul3A_1471 = arith.constant 7 : i32
          %mul3A_1472 = arith.muli %scan3A_180, %mul3A_1471 : i32
          %add3A_1473 = arith.constant 5 : i32
          %add3A_1474 = arith.addi %mul3A_1472, %add3A_1473 : i32
          %get3A_1475 = arith.constant 0 : i32
          %get3A_1476 = arith.index_cast %get3A_1475 : i32 to index
          %get3A_1477 = arith.index_cast %add3A_1474 : i32 to index
          %get3A_1478 = arith.constant 240 : index
          %get3A_1479 = tpu.vector_load %arg6[%get3A_1476, %get3A_1477, %get3A_1478] {strides = array<i32>} : memref<3x112x256xf32, #tpu.memory_space<vmem>>, vector<1x1x16xf32>,
          %get3A_1480 = vector.shape_cast %get3A_1479 : vector<1x1x16xf32> to vector<16xf32>
          %mul3A_1481 = arith.constant 7 : i32
          %mul3A_1482 = arith.muli %scan3A_180, %mul3A_1481 : i32
          %add3A_1483 = arith.constant 6 : i32
          %add3A_1484 = arith.addi %mul3A_1482, %add3A_1483 : i32
          %get3A_1485 = arith.constant 0 : i32
          %get3A_1486 = arith.index_cast %get3A_1485 : i32 to index
          %get3A_1487 = arith.index_cast %add3A_1484 : i32 to index
          %get3A_1488 = arith.constant 240 : index
          %get3A_1489 = tpu.vector_load %arg6[%get3A_1486, %get3A_1487, %get3A_1488] {strides = array<i32>} : memref<3x112x256xf32, #tpu.memory_space<vmem>>, vector<1x1x16xf32>,
          %get3A_1490 = vector.shape_cast %get3A_1489 : vector<1x1x16xf32> to vector<16xf32>
          %add3A_1491 = arith.addf %get3A_1220, %get3A_1230 : vector<16xf32>
          %add3A_1492 = arith.addf %get3A_1240, %get3A_1250 : vector<16xf32>
          %add3A_1493 = arith.addf %add3A_1491, %add3A_1492 : vector<16xf32>
          %add3A_1494 = arith.addf %get3A_1260, %get3A_1270 : vector<16xf32>
          %add3A_1495 = arith.addf %add3A_1494, %get3A_1280 : vector<16xf32>
          %add3A_1496 = arith.addf %add3A_1493, %add3A_1495 : vector<16xf32>
          %mul3A_1497 = arith.constant 0.142857149 : f32
          %mul3A_1498 = vector.broadcast %mul3A_1497 : f32 to vector<16xf32>
          %mul3A_1499 = arith.mulf %add3A_1496, %mul3A_1498 : vector<16xf32>
          %swap3A_1500 = arith.constant 0 : i32
          %swap3A_1501 = arith.index_cast %swap3A_1500 : i32 to index
          %swap3A_1502 = arith.index_cast %scan3A_180 : i32 to index
          %swap3A_1503 = arith.constant 192 : index
          %swap3A_1504 = tpu.vector_load %arg7[%swap3A_1501, %swap3A_1502, %swap3A_1503] {strides = array<i32>} : memref<3x16x256xf32, #tpu.memory_space<vmem>>, vector<1x1x16xf32>,
          %swap3A_1505 = vector.shape_cast %swap3A_1504 : vector<1x1x16xf32> to vector<16xf32>
          %swap3A_1506 = vector.shape_cast %mul3A_1499 : vector<16xf32> to vector<1x1x16xf32>
          tpu.vector_store %arg7[%swap3A_1501, %swap3A_1502, %swap3A_1503], %swap3A_1506 {strides = array<i32>} : memref<3x16x256xf32, #tpu.memory_space<vmem>>, vector<1x1x16xf32>,
          %add3A_1507 = arith.addf %get3A_1290, %get3A_1300 : vector<16xf32>
          %add3A_1508 = arith.addf %get3A_1310, %get3A_1320 : vector<16xf32>
          %add3A_1509 = arith.addf %add3A_1507, %add3A_1508 : vector<16xf32>
          %add3A_1510 = arith.addf %get3A_1330, %get3A_1340 : vector<16xf32>
          %add3A_1511 = arith.addf %add3A_1510, %get3A_1350 : vector<16xf32>
          %add3A_1512 = arith.addf %add3A_1509, %add3A_1511 : vector<16xf32>
          %mul3A_1513 = arith.constant 0.142857149 : f32
          %mul3A_1514 = vector.broadcast %mul3A_1513 : f32 to vector<16xf32>
          %mul3A_1515 = arith.mulf %add3A_1512, %mul3A_1514 : vector<16xf32>
          %swap3A_1516 = arith.constant 0 : i32
          %swap3A_1517 = arith.index_cast %swap3A_1516 : i32 to index
          %swap3A_1518 = arith.index_cast %scan3A_180 : i32 to index
          %swap3A_1519 = arith.constant 208 : index
          %swap3A_1520 = tpu.vector_load %arg7[%swap3A_1517, %swap3A_1518, %swap3A_1519] {strides = array<i32>} : memref<3x16x256xf32, #tpu.memory_space<vmem>>, vector<1x1x16xf32>,
          %swap3A_1521 = vector.shape_cast %swap3A_1520 : vector<1x1x16xf32> to vector<16xf32>
          %swap3A_1522 = vector.shape_cast %mul3A_1515 : vector<16xf32> to vector<1x1x16xf32>
          tpu.vector_store %arg7[%swap3A_1517, %swap3A_1518, %swap3A_1519], %swap3A_1522 {strides = array<i32>} : memref<3x16x256xf32, #tpu.memory_space<vmem>>, vector<1x1x16xf32>,
          %add3A_1523 = arith.addf %get3A_1360, %get3A_1370 : vector<16xf32>
          %add3A_1524 = arith.addf %get3A_1380, %get3A_1390 : vector<16xf32>
          %add3A_1525 = arith.addf %add3A_1523, %add3A_1524 : vector<16xf32>
          %add3A_1526 = arith.addf %get3A_1400, %get3A_1410 : vector<16xf32>
          %add3A_1527 = arith.addf %add3A_1526, %get3A_1420 : vector<16xf32>
          %add3A_1528 = arith.addf %add3A_1525, %add3A_1527 : vector<16xf32>
          %mul3A_1529 = arith.constant 0.142857149 : f32
          %mul3A_1530 = vector.broadcast %mul3A_1529 : f32 to vector<16xf32>
          %mul3A_1531 = arith.mulf %add3A_1528, %mul3A_1530 : vector<16xf32>
          %swap3A_1532 = arith.constant 0 : i32
          %swap3A_1533 = arith.index_cast %swap3A_1532 : i32 to index
          %swap3A_1534 = arith.index_cast %scan3A_180 : i32 to index
          %swap3A_1535 = arith.constant 224 : index
          %swap3A_1536 = tpu.vector_load %arg7[%swap3A_1533, %swap3A_1534, %swap3A_1535] {strides = array<i32>} : memref<3x16x256xf32, #tpu.memory_space<vmem>>, vector<1x1x16xf32>,
          %swap3A_1537 = vector.shape_cast %swap3A_1536 : vector<1x1x16xf32> to vector<16xf32>
          %swap3A_1538 = vector.shape_cast %mul3A_1531 : vector<16xf32> to vector<1x1x16xf32>
          tpu.vector_store %arg7[%swap3A_1533, %swap3A_1534, %swap3A_1535], %swap3A_1538 {strides = array<i32>} : memref<3x16x256xf32, #tpu.memory_space<vmem>>, vector<1x1x16xf32>,
          %add3A_1539 = arith.addf %get3A_1430, %get3A_1440 : vector<16xf32>
          %add3A_1540 = arith.addf %get3A_1450, %get3A_1460 : vector<16xf32>
          %add3A_1541 = arith.addf %add3A_1539, %add3A_1540 : vector<16xf32>
          %add3A_1542 = arith.addf %get3A_1470, %get3A_1480 : vector<16xf32>
          %add3A_1543 = arith.addf %add3A_1542, %get3A_1490 : vector<16xf32>
          %add3A_1544 = arith.addf %add3A_1541, %add3A_1543 : vector<16xf32>
          %mul3A_1545 = arith.constant 0.142857149 : f32
          %mul3A_1546 = vector.broadcast %mul3A_1545 : f32 to vector<16xf32>
          %mul3A_1547 = arith.mulf %add3A_1544, %mul3A_1546 : vector<16xf32>
          %swap3A_1548 = arith.constant 0 : i32
          %swap3A_1549 = arith.index_cast %swap3A_1548 : i32 to index
          %swap3A_1550 = arith.index_cast %scan3A_180 : i32 to index
          %swap3A_1551 = arith.constant 240 : index
          %swap3A_1552 = tpu.vector_load %arg7[%swap3A_1549, %swap3A_1550, %swap3A_1551] {strides = array<i32>} : memref<3x16x256xf32, #tpu.memory_space<vmem>>, vector<1x1x16xf32>,
          %swap3A_1553 = vector.shape_cast %swap3A_1552 : vector<1x1x16xf32> to vector<16xf32>
          %swap3A_1554 = vector.shape_cast %mul3A_1547 : vector<16xf32> to vector<1x1x16xf32>
          tpu.vector_store %arg7[%swap3A_1549, %swap3A_1550, %swap3A_1551], %swap3A_1554 {strides = array<i32>} : memref<3x16x256xf32, #tpu.memory_space<vmem>>, vector<1x1x16xf32>,
        }
        %scan3A_168 = arith.constant 16 : i32
        %mul3A_169 = arith.constant 16 : i32
        %mul3A_170 = arith.muli %add3A_71, %mul3A_169 : i32
        %lt3A_171 = arith.constant 2560 : i32
        %lt3A_172 = arith.cmpi slt, %add3A_71, %lt3A_171 : i32
        %convert_element_type3A_173 = arith.extui %lt3A_172 : i1 to i32
        %cond3A_174 = arith.constant 0 : i32
        %cond3A_175 = arith.cmpi ne, %convert_element_type3A_173, %cond3A_174 : i32
        scf.if %cond3A_175 {
          %dma_start3A_180 = arith.constant 0 : i32
          %dma_start3A_181 = arith.constant 0 : i32
          %dma_start3A_182 = arith.constant 0 : i32
          %dma_start3A_183 = tpu.memref_slice %arg7[%dma_start3A_180, %dma_start3A_181, %dma_start3A_182] : memref<3x16x256xf32, #tpu.memory_space<vmem>> -> memref<1x16x256xf32, #tpu.memory_space<vmem>>
          %dma_start3A_184 = tpu.memref_squeeze %dma_start3A_183 : memref<1x16x256xf32, #tpu.memory_space<vmem>> -> memref<16x256xf32, #tpu.memory_space<vmem>>
          %dma_start3A_185 = arith.constant 0 : i32
          %dma_start3A_186 = tpu.memref_slice %arg4[%mul3A_170, %dma_start3A_185] : memref<40962x256xf32, #tpu.memory_space<hbm>> -> memref<16x256xf32, #tpu.memory_space<hbm>>
          %dma_start3A_187 = arith.constant 0 : i32
          %dma_start3A_188 = tpu.memref_slice %arg4[%mul3A_170, %dma_start3A_187] : memref<40962x256xf32, #tpu.memory_space<hbm>> -> memref<16x256xf32, #tpu.memory_space<hbm>>
          %dma_start3A_189 = arith.constant 0 : i32
          %dma_start3A_190 = arith.constant 0 : i32
          %dma_start3A_191 = tpu.memref_slice %arg7[%dma_start3A_180, %dma_start3A_189, %dma_start3A_190] : memref<3x16x256xf32, #tpu.memory_space<vmem>> -> memref<1x16x256xf32, #tpu.memory_space<vmem>>
          %dma_start3A_192 = tpu.memref_squeeze %dma_start3A_191 : memref<1x16x256xf32, #tpu.memory_space<vmem>> -> memref<16x256xf32, #tpu.memory_space<vmem>>
          tpu.enqueue_dma source(%dma_start3A_192 : memref<16x256xf32, #tpu.memory_space<vmem>>) target(%dma_start3A_188 : memref<16x256xf32, #tpu.memory_space<hbm>>) target_semaphore(%arg11 : memref<!tpu.dma_semaphore, #tpu.memory_space<semaphore_mem>>)
        } else {
        }
        %eq3A = arith.constant 2560 : i32
        %eq3A_176 = arith.cmpi eq, %add3A_71, %eq3A : i32
        %convert_element_type3A_177 = arith.extui %eq3A_176 : i1 to i32
        %cond3A_178 = arith.constant 0 : i32
        %cond3A_179 = arith.cmpi ne, %convert_element_type3A_177, %cond3A_178 : i32
        scf.if %cond3A_179 {
          %dma_start3A_180 = arith.constant 0 : i32
          %dma_start3A_181 = arith.constant 0 : i32
          %dma_start3A_182 = arith.constant 0 : i32
          %dma_start3A_183 = tpu.memref_slice %arg7[%dma_start3A_180, %dma_start3A_181, %dma_start3A_182] : memref<3x16x256xf32, #tpu.memory_space<vmem>> -> memref<1x2x256xf32, #tpu.memory_space<vmem>>
          %dma_start3A_184 = tpu.memref_squeeze %dma_start3A_183 : memref<1x2x256xf32, #tpu.memory_space<vmem>> -> memref<2x256xf32, #tpu.memory_space<vmem>>
          %dma_start3A_185 = arith.constant 0 : i32
          %dma_start3A_186 = tpu.memref_slice %arg4[%mul3A_170, %dma_start3A_185] : memref<40962x256xf32, #tpu.memory_space<hbm>> -> memref<2x256xf32, #tpu.memory_space<hbm>>
          %dma_start3A_187 = arith.constant 0 : i32
          %dma_start3A_188 = tpu.memref_slice %arg4[%mul3A_170, %dma_start3A_187] : memref<40962x256xf32, #tpu.memory_space<hbm>> -> memref<2x256xf32, #tpu.memory_space<hbm>>
          %dma_start3A_189 = arith.constant 0 : i32
          %dma_start3A_190 = arith.constant 0 : i32
          %dma_start3A_191 = tpu.memref_slice %arg7[%dma_start3A_180, %dma_start3A_189, %dma_start3A_190] : memref<3x16x256xf32, #tpu.memory_space<vmem>> -> memref<1x2x256xf32, #tpu.memory_space<vmem>>
          %dma_start3A_192 = tpu.memref_squeeze %dma_start3A_191 : memref<1x2x256xf32, #tpu.memory_space<vmem>> -> memref<2x256xf32, #tpu.memory_space<vmem>>
          tpu.enqueue_dma source(%dma_start3A_192 : memref<2x256xf32, #tpu.memory_space<vmem>>) target(%dma_start3A_188 : memref<2x256xf32, #tpu.memory_space<hbm>>) target_semaphore(%arg11 : memref<!tpu.dma_semaphore, #tpu.memory_space<semaphore_mem>>)
        } else {
        }
      } else {
      }
      %add3A_83 = arith.constant 3 : i32
      %add3A_84 = arith.addi %add3A_70, %add3A_83 : i32
      %lt3A_85 = arith.constant 81 : i32
      %lt3A_86 = arith.cmpi slt, %add3A_84, %lt3A_85 : i32
      %add3A_87 = arith.constant 3 : i32
      %add3A_88 = arith.addi %add3A_71, %add3A_87 : i32
      %lt3A_89 = arith.constant 2561 : i32
      %lt3A_90 = arith.cmpi slt, %add3A_88, %lt3A_89 : i32
      %and3A = arith.andi %lt3A_86, %lt3A_90 : i1
      %convert_element_type3A_91 = arith.extui %and3A : i1 to i32
      %cond3A_92 = arith.constant 0 : i32
      %cond3A_93 = arith.cmpi ne, %convert_element_type3A_91, %cond3A_92 : i32
      scf.if %cond3A_93 {
        %add3A_152 = arith.constant 3 : i32
        %add3A_153 = arith.addi %add3A_70, %add3A_152 : i32
        %dma_start3A_154 = arith.constant 0 : i32
        %dma_start3A_155 = arith.constant 0 : i32
        %dma_start3A_156 = arith.constant 0 : i32
        %dma_start3A_157 = tpu.memref_slice %arg6[%dma_start3A_154, %dma_start3A_155, %dma_start3A_156] : memref<3x112x256xf32, #tpu.memory_space<vmem>> -> memref<1x112x256xf32, #tpu.memory_space<vmem>>
        %dma_start3A_158 = tpu.memref_squeeze %dma_start3A_157 : memref<1x112x256xf32, #tpu.memory_space<vmem>> -> memref<112x256xf32, #tpu.memory_space<vmem>>
        %dma_start3A_159 = arith.constant 0 : i32
        %dma_start3A_160 = tpu.memref_slice %arg5[%add3A_153, %dma_start3A_159] : memref<81x112xi32, #tpu.memory_space<vmem>> -> memref<1x112xi32, #tpu.memory_space<vmem>>
        %dma_start3A_161 = tpu.memref_squeeze %dma_start3A_160 : memref<1x112xi32, #tpu.memory_space<vmem>> -> memref<112xi32, #tpu.memory_space<vmem>>
        %dma_start3A_162 = arith.constant 0 : i32
        %dma_start3A_163 = arith.constant 0 : i32
        %dma_start3A_164 = tpu.memref_slice %arg2[%dma_start3A_162, %dma_start3A_163] : memref<163842x256xf32, #tpu.memory_space<hbm>> -> memref<163842x256xf32, #tpu.memory_space<hbm>>
        tpu.enqueue_indirect_dma source(%dma_start3A_164 : memref<163842x256xf32, #tpu.memory_space<hbm>>) target(%dma_start3A_158 : memref<112x256xf32, #tpu.memory_space<vmem>>) offsets(%dma_start3A_161 : memref<112xi32, #tpu.memory_space<vmem>>) semaphore(%arg8 : memref<!tpu.dma_semaphore, #tpu.memory_space<semaphore_mem>>)
      } else {
      }
      %mul3A_94 = arith.constant 3 : i32
      %mul3A_95 = arith.muli %scan3A_66, %mul3A_94 : i32
      %add3A_96 = arith.constant 1 : i32
      %add3A_97 = arith.addi %mul3A_95, %add3A_96 : i32
      %add3A_98 = arith.addi %mul3A_2, %add3A_97 : i32
      %sub3A_99 = arith.constant 3 : i32
      %sub3A_100 = arith.subi %add3A_97, %sub3A_99 : i32
      %ge3A_101 = arith.constant 0 : i32
      %ge3A_102 = arith.cmpi sge, %sub3A_100, %ge3A_101 : i32
      %convert_element_type3A_103 = arith.extui %ge3A_102 : i1 to i32
      %cond3A_104 = arith.constant 0 : i32
      %cond3A_105 = arith.cmpi ne, %convert_element_type3A_103, %cond3A_104 : i32
      scf.if %cond3A_105 {
        %sub3A_152 = arith.constant 3 : i32
        %sub3A_153 = arith.subi %add3A_98, %sub3A_152 : i32
        %lt3A_154 = arith.constant 2560 : i32
        %lt3A_155 = arith.cmpi slt, %sub3A_153, %lt3A_154 : i32
        %convert_element_type3A_156 = arith.extui %lt3A_155 : i1 to i32
        %cond3A_157 = arith.constant 0 : i32
        %cond3A_158 = arith.cmpi ne, %convert_element_type3A_156, %cond3A_157 : i32
        scf.if %cond3A_158 {
          %dma_wait3A = arith.constant 1 : i32
          %dma_wait3A_163 = arith.constant 0 : i32
          %dma_wait3A_164 = arith.constant 0 : i32
          %dma_wait3A_165 = tpu.memref_slice %arg7[%dma_wait3A, %dma_wait3A_163, %dma_wait3A_164] : memref<3x16x256xf32, #tpu.memory_space<vmem>> -> memref<1x16x256xf32, #tpu.memory_space<vmem>>
          %dma_wait3A_166 = tpu.memref_squeeze %dma_wait3A_165 : memref<1x16x256xf32, #tpu.memory_space<vmem>> -> memref<16x256xf32, #tpu.memory_space<vmem>>
          %dma_wait3A_167 = arith.constant 0 : i32
          %dma_wait3A_168 = arith.constant 0 : i32
          %dma_wait3A_169 = tpu.memref_slice %arg4[%dma_wait3A_167, %dma_wait3A_168] : memref<40962x256xf32, #tpu.memory_space<hbm>> -> memref<16x256xf32, #tpu.memory_space<hbm>>
          %dma_wait3A_170 = arith.constant 0 : i32
          %dma_wait3A_171 = arith.constant 0 : i32
          %dma_wait3A_172 = tpu.memref_slice %arg4[%dma_wait3A_170, %dma_wait3A_171] : memref<40962x256xf32, #tpu.memory_space<hbm>> -> memref<16x256xf32, #tpu.memory_space<hbm>>
          %dma_wait3A_173 = arith.constant 0 : i32
          %dma_wait3A_174 = arith.constant 0 : i32
          %dma_wait3A_175 = tpu.memref_slice %arg7[%dma_wait3A, %dma_wait3A_173, %dma_wait3A_174] : memref<3x16x256xf32, #tpu.memory_space<vmem>> -> memref<1x16x256xf32, #tpu.memory_space<vmem>>
          %dma_wait3A_176 = tpu.memref_squeeze %dma_wait3A_175 : memref<1x16x256xf32, #tpu.memory_space<vmem>> -> memref<16x256xf32, #tpu.memory_space<vmem>>
          tpu.wait_dma2 semaphore(%arg12 : memref<!tpu.dma_semaphore, #tpu.memory_space<semaphore_mem>>) src(%dma_wait3A_176 : memref<16x256xf32, #tpu.memory_space<vmem>>) dst(%dma_wait3A_172 : memref<16x256xf32, #tpu.memory_space<hbm>>)
        } else {
        }
        %eq3A = arith.constant 2560 : i32
        %eq3A_159 = arith.cmpi eq, %sub3A_153, %eq3A : i32
        %convert_element_type3A_160 = arith.extui %eq3A_159 : i1 to i32
        %cond3A_161 = arith.constant 0 : i32
        %cond3A_162 = arith.cmpi ne, %convert_element_type3A_160, %cond3A_161 : i32
        scf.if %cond3A_162 {
          %dma_wait3A = arith.constant 1 : i32
          %dma_wait3A_163 = arith.constant 0 : i32
          %dma_wait3A_164 = arith.constant 0 : i32
          %dma_wait3A_165 = tpu.memref_slice %arg7[%dma_wait3A, %dma_wait3A_163, %dma_wait3A_164] : memref<3x16x256xf32, #tpu.memory_space<vmem>> -> memref<1x2x256xf32, #tpu.memory_space<vmem>>
          %dma_wait3A_166 = tpu.memref_squeeze %dma_wait3A_165 : memref<1x2x256xf32, #tpu.memory_space<vmem>> -> memref<2x256xf32, #tpu.memory_space<vmem>>
          %dma_wait3A_167 = arith.constant 0 : i32
          %dma_wait3A_168 = arith.constant 0 : i32
          %dma_wait3A_169 = tpu.memref_slice %arg4[%dma_wait3A_167, %dma_wait3A_168] : memref<40962x256xf32, #tpu.memory_space<hbm>> -> memref<2x256xf32, #tpu.memory_space<hbm>>
          %dma_wait3A_170 = arith.constant 0 : i32
          %dma_wait3A_171 = arith.constant 0 : i32
          %dma_wait3A_172 = tpu.memref_slice %arg4[%dma_wait3A_170, %dma_wait3A_171] : memref<40962x256xf32, #tpu.memory_space<hbm>> -> memref<2x256xf32, #tpu.memory_space<hbm>>
          %dma_wait3A_173 = arith.constant 0 : i32
          %dma_wait3A_174 = arith.constant 0 : i32
          %dma_wait3A_175 = tpu.memref_slice %arg7[%dma_wait3A, %dma_wait3A_173, %dma_wait3A_174] : memref<3x16x256xf32, #tpu.memory_space<vmem>> -> memref<1x2x256xf32, #tpu.memory_space<vmem>>
          %dma_wait3A_176 = tpu.memref_squeeze %dma_wait3A_175 : memref<1x2x256xf32, #tpu.memory_space<vmem>> -> memref<2x256xf32, #tpu.memory_space<vmem>>
          tpu.wait_dma2 semaphore(%arg12 : memref<!tpu.dma_semaphore, #tpu.memory_space<semaphore_mem>>) src(%dma_wait3A_176 : memref<2x256xf32, #tpu.memory_space<vmem>>) dst(%dma_wait3A_172 : memref<2x256xf32, #tpu.memory_space<hbm>>)
        } else {
        }
      } else {
      }
      %lt3A_106 = arith.constant 2561 : i32
      %lt3A_107 = arith.cmpi slt, %add3A_98, %lt3A_106 : i32
      %convert_element_type3A_108 = arith.extui %lt3A_107 : i1 to i32
      %cond3A_109 = arith.constant 0 : i32
      %cond3A_110 = arith.cmpi ne, %convert_element_type3A_108, %cond3A_109 : i32
      scf.if %cond3A_110 {
        %dma_wait3A = arith.constant 0 : i32
        %dma_wait3A_152 = arith.constant 1 : i32
        %dma_wait3A_153 = arith.constant 0 : i32
        %dma_wait3A_154 = arith.constant 0 : i32
        %dma_wait3A_155 = tpu.memref_slice %arg6[%dma_wait3A_152, %dma_wait3A_153, %dma_wait3A_154] : memref<3x112x256xf32, #tpu.memory_space<vmem>> -> memref<1x112x256xf32, #tpu.memory_space<vmem>>
        %dma_wait3A_156 = tpu.memref_squeeze %dma_wait3A_155 : memref<1x112x256xf32, #tpu.memory_space<vmem>> -> memref<112x256xf32, #tpu.memory_space<vmem>>
        %dma_wait3A_157 = arith.constant 0 : i32
        %dma_wait3A_158 = tpu.memref_slice %arg5[%dma_wait3A, %dma_wait3A_157] : memref<81x112xi32, #tpu.memory_space<vmem>> -> memref<1x112xi32, #tpu.memory_space<vmem>>
        %dma_wait3A_159 = tpu.memref_squeeze %dma_wait3A_158 : memref<1x112xi32, #tpu.memory_space<vmem>> -> memref<112xi32, #tpu.memory_space<vmem>>
        %dma_wait3A_160 = arith.constant 0 : i32
        %dma_wait3A_161 = arith.constant 0 : i32
        %dma_wait3A_162 = tpu.memref_slice %arg2[%dma_wait3A_160, %dma_wait3A_161] : memref<163842x256xf32, #tpu.memory_space<hbm>> -> memref<163842x256xf32, #tpu.memory_space<hbm>>
        tpu.wait_indirect_dma semaphore(%arg9 : memref<!tpu.dma_semaphore, #tpu.memory_space<semaphore_mem>>) src(%dma_wait3A_162 : memref<163842x256xf32, #tpu.memory_space<hbm>>) dst(%dma_wait3A_156 : memref<112x256xf32, #tpu.memory_space<vmem>>)
        %scan3A_163 = arith.constant 0 : i32
        %scan3A_164 = arith.constant 0 : i32
        %scan3A_165 = arith.constant 16 : i32
        %scan3A_166 = arith.addi %scan3A_164, %scan3A_165 : i32
        %scan3A_167 = arith.constant 1 : i32
        scf.for %scan3A_180 = %scan3A_164 to %scan3A_166 step %scan3A_167  : i32 {
          %mul3A_181 = arith.constant 7 : i32
          %mul3A_182 = arith.muli %scan3A_180, %mul3A_181 : i32
          %add3A_183 = arith.constant 0 : i32
          %add3A_184 = arith.addi %mul3A_182, %add3A_183 : i32
          %get3A = arith.constant 1 : i32
          %get3A_185 = arith.index_cast %get3A : i32 to index
          %get3A_186 = arith.index_cast %add3A_184 : i32 to index
          %get3A_187 = arith.constant 0 : index
          %get3A_188 = tpu.vector_load %arg6[%get3A_185, %get3A_186, %get3A_187] {strides = array<i32>} : memref<3x112x256xf32, #tpu.memory_space<vmem>>, vector<1x1x16xf32>,
          %get3A_189 = vector.shape_cast %get3A_188 : vector<1x1x16xf32> to vector<16xf32>
          %mul3A_190 = arith.constant 7 : i32
          %mul3A_191 = arith.muli %scan3A_180, %mul3A_190 : i32
          %add3A_192 = arith.constant 1 : i32
          %add3A_193 = arith.addi %mul3A_191, %add3A_192 : i32
          %get3A_194 = arith.constant 1 : i32
          %get3A_195 = arith.index_cast %get3A_194 : i32 to index
          %get3A_196 = arith.index_cast %add3A_193 : i32 to index
          %get3A_197 = arith.constant 0 : index
          %get3A_198 = tpu.vector_load %arg6[%get3A_195, %get3A_196, %get3A_197] {strides = array<i32>} : memref<3x112x256xf32, #tpu.memory_space<vmem>>, vector<1x1x16xf32>,
          %get3A_199 = vector.shape_cast %get3A_198 : vector<1x1x16xf32> to vector<16xf32>
          %mul3A_200 = arith.constant 7 : i32
          %mul3A_201 = arith.muli %scan3A_180, %mul3A_200 : i32
          %add3A_202 = arith.constant 2 : i32
          %add3A_203 = arith.addi %mul3A_201, %add3A_202 : i32
          %get3A_204 = arith.constant 1 : i32
          %get3A_205 = arith.index_cast %get3A_204 : i32 to index
          %get3A_206 = arith.index_cast %add3A_203 : i32 to index
          %get3A_207 = arith.constant 0 : index
          %get3A_208 = tpu.vector_load %arg6[%get3A_205, %get3A_206, %get3A_207] {strides = array<i32>} : memref<3x112x256xf32, #tpu.memory_space<vmem>>, vector<1x1x16xf32>,
          %get3A_209 = vector.shape_cast %get3A_208 : vector<1x1x16xf32> to vector<16xf32>
          %mul3A_210 = arith.constant 7 : i32
          %mul3A_211 = arith.muli %scan3A_180, %mul3A_210 : i32
          %add3A_212 = arith.constant 3 : i32
          %add3A_213 = arith.addi %mul3A_211, %add3A_212 : i32
          %get3A_214 = arith.constant 1 : i32
          %get3A_215 = arith.index_cast %get3A_214 : i32 to index
          %get3A_216 = arith.index_cast %add3A_213 : i32 to index
          %get3A_217 = arith.constant 0 : index
          %get3A_218 = tpu.vector_load %arg6[%get3A_215, %get3A_216, %get3A_217] {strides = array<i32>} : memref<3x112x256xf32, #tpu.memory_space<vmem>>, vector<1x1x16xf32>,
          %get3A_219 = vector.shape_cast %get3A_218 : vector<1x1x16xf32> to vector<16xf32>
          %mul3A_220 = arith.constant 7 : i32
          %mul3A_221 = arith.muli %scan3A_180, %mul3A_220 : i32
          %add3A_222 = arith.constant 4 : i32
          %add3A_223 = arith.addi %mul3A_221, %add3A_222 : i32
          %get3A_224 = arith.constant 1 : i32
          %get3A_225 = arith.index_cast %get3A_224 : i32 to index
          %get3A_226 = arith.index_cast %add3A_223 : i32 to index
          %get3A_227 = arith.constant 0 : index
          %get3A_228 = tpu.vector_load %arg6[%get3A_225, %get3A_226, %get3A_227] {strides = array<i32>} : memref<3x112x256xf32, #tpu.memory_space<vmem>>, vector<1x1x16xf32>,
          %get3A_229 = vector.shape_cast %get3A_228 : vector<1x1x16xf32> to vector<16xf32>
          %mul3A_230 = arith.constant 7 : i32
          %mul3A_231 = arith.muli %scan3A_180, %mul3A_230 : i32
          %add3A_232 = arith.constant 5 : i32
          %add3A_233 = arith.addi %mul3A_231, %add3A_232 : i32
          %get3A_234 = arith.constant 1 : i32
          %get3A_235 = arith.index_cast %get3A_234 : i32 to index
          %get3A_236 = arith.index_cast %add3A_233 : i32 to index
          %get3A_237 = arith.constant 0 : index
          %get3A_238 = tpu.vector_load %arg6[%get3A_235, %get3A_236, %get3A_237] {strides = array<i32>} : memref<3x112x256xf32, #tpu.memory_space<vmem>>, vector<1x1x16xf32>,
          %get3A_239 = vector.shape_cast %get3A_238 : vector<1x1x16xf32> to vector<16xf32>
          %mul3A_240 = arith.constant 7 : i32
          %mul3A_241 = arith.muli %scan3A_180, %mul3A_240 : i32
          %add3A_242 = arith.constant 6 : i32
          %add3A_243 = arith.addi %mul3A_241, %add3A_242 : i32
          %get3A_244 = arith.constant 1 : i32
          %get3A_245 = arith.index_cast %get3A_244 : i32 to index
          %get3A_246 = arith.index_cast %add3A_243 : i32 to index
          %get3A_247 = arith.constant 0 : index
          %get3A_248 = tpu.vector_load %arg6[%get3A_245, %get3A_246, %get3A_247] {strides = array<i32>} : memref<3x112x256xf32, #tpu.memory_space<vmem>>, vector<1x1x16xf32>,
          %get3A_249 = vector.shape_cast %get3A_248 : vector<1x1x16xf32> to vector<16xf32>
          %mul3A_250 = arith.constant 7 : i32
          %mul3A_251 = arith.muli %scan3A_180, %mul3A_250 : i32
          %add3A_252 = arith.constant 0 : i32
          %add3A_253 = arith.addi %mul3A_251, %add3A_252 : i32
          %get3A_254 = arith.constant 1 : i32
          %get3A_255 = arith.index_cast %get3A_254 : i32 to index
          %get3A_256 = arith.index_cast %add3A_253 : i32 to index
          %get3A_257 = arith.constant 16 : index
          %get3A_258 = tpu.vector_load %arg6[%get3A_255, %get3A_256, %get3A_257] {strides = array<i32>} : memref<3x112x256xf32, #tpu.memory_space<vmem>>, vector<1x1x16xf32>,
          %get3A_259 = vector.shape_cast %get3A_258 : vector<1x1x16xf32> to vector<16xf32>
          %mul3A_260 = arith.constant 7 : i32
          %mul3A_261 = arith.muli %scan3A_180, %mul3A_260 : i32
          %add3A_262 = arith.constant 1 : i32
          %add3A_263 = arith.addi %mul3A_261, %add3A_262 : i32
          %get3A_264 = arith.constant 1 : i32
          %get3A_265 = arith.index_cast %get3A_264 : i32 to index
          %get3A_266 = arith.index_cast %add3A_263 : i32 to index
          %get3A_267 = arith.constant 16 : index
          %get3A_268 = tpu.vector_load %arg6[%get3A_265, %get3A_266, %get3A_267] {strides = array<i32>} : memref<3x112x256xf32, #tpu.memory_space<vmem>>, vector<1x1x16xf32>,
          %get3A_269 = vector.shape_cast %get3A_268 : vector<1x1x16xf32> to vector<16xf32>
          %mul3A_270 = arith.constant 7 : i32
          %mul3A_271 = arith.muli %scan3A_180, %mul3A_270 : i32
          %add3A_272 = arith.constant 2 : i32
          %add3A_273 = arith.addi %mul3A_271, %add3A_272 : i32
          %get3A_274 = arith.constant 1 : i32
          %get3A_275 = arith.index_cast %get3A_274 : i32 to index
          %get3A_276 = arith.index_cast %add3A_273 : i32 to index
          %get3A_277 = arith.constant 16 : index
          %get3A_278 = tpu.vector_load %arg6[%get3A_275, %get3A_276, %get3A_277] {strides = array<i32>} : memref<3x112x256xf32, #tpu.memory_space<vmem>>, vector<1x1x16xf32>,
          %get3A_279 = vector.shape_cast %get3A_278 : vector<1x1x16xf32> to vector<16xf32>
          %mul3A_280 = arith.constant 7 : i32
          %mul3A_281 = arith.muli %scan3A_180, %mul3A_280 : i32
          %add3A_282 = arith.constant 3 : i32
          %add3A_283 = arith.addi %mul3A_281, %add3A_282 : i32
          %get3A_284 = arith.constant 1 : i32
          %get3A_285 = arith.index_cast %get3A_284 : i32 to index
          %get3A_286 = arith.index_cast %add3A_283 : i32 to index
          %get3A_287 = arith.constant 16 : index
          %get3A_288 = tpu.vector_load %arg6[%get3A_285, %get3A_286, %get3A_287] {strides = array<i32>} : memref<3x112x256xf32, #tpu.memory_space<vmem>>, vector<1x1x16xf32>,
          %get3A_289 = vector.shape_cast %get3A_288 : vector<1x1x16xf32> to vector<16xf32>
          %mul3A_290 = arith.constant 7 : i32
          %mul3A_291 = arith.muli %scan3A_180, %mul3A_290 : i32
          %add3A_292 = arith.constant 4 : i32
          %add3A_293 = arith.addi %mul3A_291, %add3A_292 : i32
          %get3A_294 = arith.constant 1 : i32
          %get3A_295 = arith.index_cast %get3A_294 : i32 to index
          %get3A_296 = arith.index_cast %add3A_293 : i32 to index
          %get3A_297 = arith.constant 16 : index
          %get3A_298 = tpu.vector_load %arg6[%get3A_295, %get3A_296, %get3A_297] {strides = array<i32>} : memref<3x112x256xf32, #tpu.memory_space<vmem>>, vector<1x1x16xf32>,
          %get3A_299 = vector.shape_cast %get3A_298 : vector<1x1x16xf32> to vector<16xf32>
          %mul3A_300 = arith.constant 7 : i32
          %mul3A_301 = arith.muli %scan3A_180, %mul3A_300 : i32
          %add3A_302 = arith.constant 5 : i32
          %add3A_303 = arith.addi %mul3A_301, %add3A_302 : i32
          %get3A_304 = arith.constant 1 : i32
          %get3A_305 = arith.index_cast %get3A_304 : i32 to index
          %get3A_306 = arith.index_cast %add3A_303 : i32 to index
          %get3A_307 = arith.constant 16 : index
          %get3A_308 = tpu.vector_load %arg6[%get3A_305, %get3A_306, %get3A_307] {strides = array<i32>} : memref<3x112x256xf32, #tpu.memory_space<vmem>>, vector<1x1x16xf32>,
          %get3A_309 = vector.shape_cast %get3A_308 : vector<1x1x16xf32> to vector<16xf32>
          %mul3A_310 = arith.constant 7 : i32
          %mul3A_311 = arith.muli %scan3A_180, %mul3A_310 : i32
          %add3A_312 = arith.constant 6 : i32
          %add3A_313 = arith.addi %mul3A_311, %add3A_312 : i32
          %get3A_314 = arith.constant 1 : i32
          %get3A_315 = arith.index_cast %get3A_314 : i32 to index
          %get3A_316 = arith.index_cast %add3A_313 : i32 to index
          %get3A_317 = arith.constant 16 : index
          %get3A_318 = tpu.vector_load %arg6[%get3A_315, %get3A_316, %get3A_317] {strides = array<i32>} : memref<3x112x256xf32, #tpu.memory_space<vmem>>, vector<1x1x16xf32>,
          %get3A_319 = vector.shape_cast %get3A_318 : vector<1x1x16xf32> to vector<16xf32>
          %mul3A_320 = arith.constant 7 : i32
          %mul3A_321 = arith.muli %scan3A_180, %mul3A_320 : i32
          %add3A_322 = arith.constant 0 : i32
          %add3A_323 = arith.addi %mul3A_321, %add3A_322 : i32
          %get3A_324 = arith.constant 1 : i32
          %get3A_325 = arith.index_cast %get3A_324 : i32 to index
          %get3A_326 = arith.index_cast %add3A_323 : i32 to index
          %get3A_327 = arith.constant 32 : index
          %get3A_328 = tpu.vector_load %arg6[%get3A_325, %get3A_326, %get3A_327] {strides = array<i32>} : memref<3x112x256xf32, #tpu.memory_space<vmem>>, vector<1x1x16xf32>,
          %get3A_329 = vector.shape_cast %get3A_328 : vector<1x1x16xf32> to vector<16xf32>
          %mul3A_330 = arith.constant 7 : i32
          %mul3A_331 = arith.muli %scan3A_180, %mul3A_330 : i32
          %add3A_332 = arith.constant 1 : i32
          %add3A_333 = arith.addi %mul3A_331, %add3A_332 : i32
          %get3A_334 = arith.constant 1 : i32
          %get3A_335 = arith.index_cast %get3A_334 : i32 to index
          %get3A_336 = arith.index_cast %add3A_333 : i32 to index
          %get3A_337 = arith.constant 32 : index
          %get3A_338 = tpu.vector_load %arg6[%get3A_335, %get3A_336, %get3A_337] {strides = array<i32>} : memref<3x112x256xf32, #tpu.memory_space<vmem>>, vector<1x1x16xf32>,
          %get3A_339 = vector.shape_cast %get3A_338 : vector<1x1x16xf32> to vector<16xf32>
          %mul3A_340 = arith.constant 7 : i32
          %mul3A_341 = arith.muli %scan3A_180, %mul3A_340 : i32
          %add3A_342 = arith.constant 2 : i32
          %add3A_343 = arith.addi %mul3A_341, %add3A_342 : i32
          %get3A_344 = arith.constant 1 : i32
          %get3A_345 = arith.index_cast %get3A_344 : i32 to index
          %get3A_346 = arith.index_cast %add3A_343 : i32 to index
          %get3A_347 = arith.constant 32 : index
          %get3A_348 = tpu.vector_load %arg6[%get3A_345, %get3A_346, %get3A_347] {strides = array<i32>} : memref<3x112x256xf32, #tpu.memory_space<vmem>>, vector<1x1x16xf32>,
          %get3A_349 = vector.shape_cast %get3A_348 : vector<1x1x16xf32> to vector<16xf32>
          %mul3A_350 = arith.constant 7 : i32
          %mul3A_351 = arith.muli %scan3A_180, %mul3A_350 : i32
          %add3A_352 = arith.constant 3 : i32
          %add3A_353 = arith.addi %mul3A_351, %add3A_352 : i32
          %get3A_354 = arith.constant 1 : i32
          %get3A_355 = arith.index_cast %get3A_354 : i32 to index
          %get3A_356 = arith.index_cast %add3A_353 : i32 to index
          %get3A_357 = arith.constant 32 : index
          %get3A_358 = tpu.vector_load %arg6[%get3A_355, %get3A_356, %get3A_357] {strides = array<i32>} : memref<3x112x256xf32, #tpu.memory_space<vmem>>, vector<1x1x16xf32>,
          %get3A_359 = vector.shape_cast %get3A_358 : vector<1x1x16xf32> to vector<16xf32>
          %mul3A_360 = arith.constant 7 : i32
          %mul3A_361 = arith.muli %scan3A_180, %mul3A_360 : i32
          %add3A_362 = arith.constant 4 : i32
          %add3A_363 = arith.addi %mul3A_361, %add3A_362 : i32
          %get3A_364 = arith.constant 1 : i32
          %get3A_365 = arith.index_cast %get3A_364 : i32 to index
          %get3A_366 = arith.index_cast %add3A_363 : i32 to index
          %get3A_367 = arith.constant 32 : index
          %get3A_368 = tpu.vector_load %arg6[%get3A_365, %get3A_366, %get3A_367] {strides = array<i32>} : memref<3x112x256xf32, #tpu.memory_space<vmem>>, vector<1x1x16xf32>,
          %get3A_369 = vector.shape_cast %get3A_368 : vector<1x1x16xf32> to vector<16xf32>
          %mul3A_370 = arith.constant 7 : i32
          %mul3A_371 = arith.muli %scan3A_180, %mul3A_370 : i32
          %add3A_372 = arith.constant 5 : i32
          %add3A_373 = arith.addi %mul3A_371, %add3A_372 : i32
          %get3A_374 = arith.constant 1 : i32
          %get3A_375 = arith.index_cast %get3A_374 : i32 to index
          %get3A_376 = arith.index_cast %add3A_373 : i32 to index
          %get3A_377 = arith.constant 32 : index
          %get3A_378 = tpu.vector_load %arg6[%get3A_375, %get3A_376, %get3A_377] {strides = array<i32>} : memref<3x112x256xf32, #tpu.memory_space<vmem>>, vector<1x1x16xf32>,
          %get3A_379 = vector.shape_cast %get3A_378 : vector<1x1x16xf32> to vector<16xf32>
          %mul3A_380 = arith.constant 7 : i32
          %mul3A_381 = arith.muli %scan3A_180, %mul3A_380 : i32
          %add3A_382 = arith.constant 6 : i32
          %add3A_383 = arith.addi %mul3A_381, %add3A_382 : i32
          %get3A_384 = arith.constant 1 : i32
          %get3A_385 = arith.index_cast %get3A_384 : i32 to index
          %get3A_386 = arith.index_cast %add3A_383 : i32 to index
          %get3A_387 = arith.constant 32 : index
          %get3A_388 = tpu.vector_load %arg6[%get3A_385, %get3A_386, %get3A_387] {strides = array<i32>} : memref<3x112x256xf32, #tpu.memory_space<vmem>>, vector<1x1x16xf32>,
          %get3A_389 = vector.shape_cast %get3A_388 : vector<1x1x16xf32> to vector<16xf32>
          %mul3A_390 = arith.constant 7 : i32
          %mul3A_391 = arith.muli %scan3A_180, %mul3A_390 : i32
          %add3A_392 = arith.constant 0 : i32
          %add3A_393 = arith.addi %mul3A_391, %add3A_392 : i32
          %get3A_394 = arith.constant 1 : i32
          %get3A_395 = arith.index_cast %get3A_394 : i32 to index
          %get3A_396 = arith.index_cast %add3A_393 : i32 to index
          %get3A_397 = arith.constant 48 : index
          %get3A_398 = tpu.vector_load %arg6[%get3A_395, %get3A_396, %get3A_397] {strides = array<i32>} : memref<3x112x256xf32, #tpu.memory_space<vmem>>, vector<1x1x16xf32>,
          %get3A_399 = vector.shape_cast %get3A_398 : vector<1x1x16xf32> to vector<16xf32>
          %mul3A_400 = arith.constant 7 : i32
          %mul3A_401 = arith.muli %scan3A_180, %mul3A_400 : i32
          %add3A_402 = arith.constant 1 : i32
          %add3A_403 = arith.addi %mul3A_401, %add3A_402 : i32
          %get3A_404 = arith.constant 1 : i32
          %get3A_405 = arith.index_cast %get3A_404 : i32 to index
          %get3A_406 = arith.index_cast %add3A_403 : i32 to index
          %get3A_407 = arith.constant 48 : index
          %get3A_408 = tpu.vector_load %arg6[%get3A_405, %get3A_406, %get3A_407] {strides = array<i32>} : memref<3x112x256xf32, #tpu.memory_space<vmem>>, vector<1x1x16xf32>,
          %get3A_409 = vector.shape_cast %get3A_408 : vector<1x1x16xf32> to vector<16xf32>
          %mul3A_410 = arith.constant 7 : i32
          %mul3A_411 = arith.muli %scan3A_180, %mul3A_410 : i32
          %add3A_412 = arith.constant 2 : i32
          %add3A_413 = arith.addi %mul3A_411, %add3A_412 : i32
          %get3A_414 = arith.constant 1 : i32
          %get3A_415 = arith.index_cast %get3A_414 : i32 to index
          %get3A_416 = arith.index_cast %add3A_413 : i32 to index
          %get3A_417 = arith.constant 48 : index
          %get3A_418 = tpu.vector_load %arg6[%get3A_415, %get3A_416, %get3A_417] {strides = array<i32>} : memref<3x112x256xf32, #tpu.memory_space<vmem>>, vector<1x1x16xf32>,
          %get3A_419 = vector.shape_cast %get3A_418 : vector<1x1x16xf32> to vector<16xf32>
          %mul3A_420 = arith.constant 7 : i32
          %mul3A_421 = arith.muli %scan3A_180, %mul3A_420 : i32
          %add3A_422 = arith.constant 3 : i32
          %add3A_423 = arith.addi %mul3A_421, %add3A_422 : i32
          %get3A_424 = arith.constant 1 : i32
          %get3A_425 = arith.index_cast %get3A_424 : i32 to index
          %get3A_426 = arith.index_cast %add3A_423 : i32 to index
          %get3A_427 = arith.constant 48 : index
          %get3A_428 = tpu.vector_load %arg6[%get3A_425, %get3A_426, %get3A_427] {strides = array<i32>} : memref<3x112x256xf32, #tpu.memory_space<vmem>>, vector<1x1x16xf32>,
          %get3A_429 = vector.shape_cast %get3A_428 : vector<1x1x16xf32> to vector<16xf32>
          %mul3A_430 = arith.constant 7 : i32
          %mul3A_431 = arith.muli %scan3A_180, %mul3A_430 : i32
          %add3A_432 = arith.constant 4 : i32
          %add3A_433 = arith.addi %mul3A_431, %add3A_432 : i32
          %get3A_434 = arith.constant 1 : i32
          %get3A_435 = arith.index_cast %get3A_434 : i32 to index
          %get3A_436 = arith.index_cast %add3A_433 : i32 to index
          %get3A_437 = arith.constant 48 : index
          %get3A_438 = tpu.vector_load %arg6[%get3A_435, %get3A_436, %get3A_437] {strides = array<i32>} : memref<3x112x256xf32, #tpu.memory_space<vmem>>, vector<1x1x16xf32>,
          %get3A_439 = vector.shape_cast %get3A_438 : vector<1x1x16xf32> to vector<16xf32>
          %mul3A_440 = arith.constant 7 : i32
          %mul3A_441 = arith.muli %scan3A_180, %mul3A_440 : i32
          %add3A_442 = arith.constant 5 : i32
          %add3A_443 = arith.addi %mul3A_441, %add3A_442 : i32
          %get3A_444 = arith.constant 1 : i32
          %get3A_445 = arith.index_cast %get3A_444 : i32 to index
          %get3A_446 = arith.index_cast %add3A_443 : i32 to index
          %get3A_447 = arith.constant 48 : index
          %get3A_448 = tpu.vector_load %arg6[%get3A_445, %get3A_446, %get3A_447] {strides = array<i32>} : memref<3x112x256xf32, #tpu.memory_space<vmem>>, vector<1x1x16xf32>,
          %get3A_449 = vector.shape_cast %get3A_448 : vector<1x1x16xf32> to vector<16xf32>
          %mul3A_450 = arith.constant 7 : i32
          %mul3A_451 = arith.muli %scan3A_180, %mul3A_450 : i32
          %add3A_452 = arith.constant 6 : i32
          %add3A_453 = arith.addi %mul3A_451, %add3A_452 : i32
          %get3A_454 = arith.constant 1 : i32
          %get3A_455 = arith.index_cast %get3A_454 : i32 to index
          %get3A_456 = arith.index_cast %add3A_453 : i32 to index
          %get3A_457 = arith.constant 48 : index
          %get3A_458 = tpu.vector_load %arg6[%get3A_455, %get3A_456, %get3A_457] {strides = array<i32>} : memref<3x112x256xf32, #tpu.memory_space<vmem>>, vector<1x1x16xf32>,
          %get3A_459 = vector.shape_cast %get3A_458 : vector<1x1x16xf32> to vector<16xf32>
          %add3A_460 = arith.addf %get3A_189, %get3A_199 : vector<16xf32>
          %add3A_461 = arith.addf %get3A_209, %get3A_219 : vector<16xf32>
          %add3A_462 = arith.addf %add3A_460, %add3A_461 : vector<16xf32>
          %add3A_463 = arith.addf %get3A_229, %get3A_239 : vector<16xf32>
          %add3A_464 = arith.addf %add3A_463, %get3A_249 : vector<16xf32>
          %add3A_465 = arith.addf %add3A_462, %add3A_464 : vector<16xf32>
          %mul3A_466 = arith.constant 0.142857149 : f32
          %mul3A_467 = vector.broadcast %mul3A_466 : f32 to vector<16xf32>
          %mul3A_468 = arith.mulf %add3A_465, %mul3A_467 : vector<16xf32>
          %swap3A = arith.constant 1 : i32
          %swap3A_469 = arith.index_cast %swap3A : i32 to index
          %swap3A_470 = arith.index_cast %scan3A_180 : i32 to index
          %swap3A_471 = arith.constant 0 : index
          %swap3A_472 = tpu.vector_load %arg7[%swap3A_469, %swap3A_470, %swap3A_471] {strides = array<i32>} : memref<3x16x256xf32, #tpu.memory_space<vmem>>, vector<1x1x16xf32>,
          %swap3A_473 = vector.shape_cast %swap3A_472 : vector<1x1x16xf32> to vector<16xf32>
          %swap3A_474 = vector.shape_cast %mul3A_468 : vector<16xf32> to vector<1x1x16xf32>
          tpu.vector_store %arg7[%swap3A_469, %swap3A_470, %swap3A_471], %swap3A_474 {strides = array<i32>} : memref<3x16x256xf32, #tpu.memory_space<vmem>>, vector<1x1x16xf32>,
          %add3A_475 = arith.addf %get3A_259, %get3A_269 : vector<16xf32>
          %add3A_476 = arith.addf %get3A_279, %get3A_289 : vector<16xf32>
          %add3A_477 = arith.addf %add3A_475, %add3A_476 : vector<16xf32>
          %add3A_478 = arith.addf %get3A_299, %get3A_309 : vector<16xf32>
          %add3A_479 = arith.addf %add3A_478, %get3A_319 : vector<16xf32>
          %add3A_480 = arith.addf %add3A_477, %add3A_479 : vector<16xf32>
          %mul3A_481 = arith.constant 0.142857149 : f32
          %mul3A_482 = vector.broadcast %mul3A_481 : f32 to vector<16xf32>
          %mul3A_483 = arith.mulf %add3A_480, %mul3A_482 : vector<16xf32>
          %swap3A_484 = arith.constant 1 : i32
          %swap3A_485 = arith.index_cast %swap3A_484 : i32 to index
          %swap3A_486 = arith.index_cast %scan3A_180 : i32 to index
          %swap3A_487 = arith.constant 16 : index
          %swap3A_488 = tpu.vector_load %arg7[%swap3A_485, %swap3A_486, %swap3A_487] {strides = array<i32>} : memref<3x16x256xf32, #tpu.memory_space<vmem>>, vector<1x1x16xf32>,
          %swap3A_489 = vector.shape_cast %swap3A_488 : vector<1x1x16xf32> to vector<16xf32>
          %swap3A_490 = vector.shape_cast %mul3A_483 : vector<16xf32> to vector<1x1x16xf32>
          tpu.vector_store %arg7[%swap3A_485, %swap3A_486, %swap3A_487], %swap3A_490 {strides = array<i32>} : memref<3x16x256xf32, #tpu.memory_space<vmem>>, vector<1x1x16xf32>,
          %add3A_491 = arith.addf %get3A_329, %get3A_339 : vector<16xf32>
          %add3A_492 = arith.addf %get3A_349, %get3A_359 : vector<16xf32>
          %add3A_493 = arith.addf %add3A_491, %add3A_492 : vector<16xf32>
          %add3A_494 = arith.addf %get3A_369, %get3A_379 : vector<16xf32>
          %add3A_495 = arith.addf %add3A_494, %get3A_389 : vector<16xf32>
          %add3A_496 = arith.addf %add3A_493, %add3A_495 : vector<16xf32>
          %mul3A_497 = arith.constant 0.142857149 : f32
          %mul3A_498 = vector.broadcast %mul3A_497 : f32 to vector<16xf32>
          %mul3A_499 = arith.mulf %add3A_496, %mul3A_498 : vector<16xf32>
          %swap3A_500 = arith.constant 1 : i32
          %swap3A_501 = arith.index_cast %swap3A_500 : i32 to index
          %swap3A_502 = arith.index_cast %scan3A_180 : i32 to index
          %swap3A_503 = arith.constant 32 : index
          %swap3A_504 = tpu.vector_load %arg7[%swap3A_501, %swap3A_502, %swap3A_503] {strides = array<i32>} : memref<3x16x256xf32, #tpu.memory_space<vmem>>, vector<1x1x16xf32>,
          %swap3A_505 = vector.shape_cast %swap3A_504 : vector<1x1x16xf32> to vector<16xf32>
          %swap3A_506 = vector.shape_cast %mul3A_499 : vector<16xf32> to vector<1x1x16xf32>
          tpu.vector_store %arg7[%swap3A_501, %swap3A_502, %swap3A_503], %swap3A_506 {strides = array<i32>} : memref<3x16x256xf32, #tpu.memory_space<vmem>>, vector<1x1x16xf32>,
          %add3A_507 = arith.addf %get3A_399, %get3A_409 : vector<16xf32>
          %add3A_508 = arith.addf %get3A_419, %get3A_429 : vector<16xf32>
          %add3A_509 = arith.addf %add3A_507, %add3A_508 : vector<16xf32>
          %add3A_510 = arith.addf %get3A_439, %get3A_449 : vector<16xf32>
          %add3A_511 = arith.addf %add3A_510, %get3A_459 : vector<16xf32>
          %add3A_512 = arith.addf %add3A_509, %add3A_511 : vector<16xf32>
          %mul3A_513 = arith.constant 0.142857149 : f32
          %mul3A_514 = vector.broadcast %mul3A_513 : f32 to vector<16xf32>
          %mul3A_515 = arith.mulf %add3A_512, %mul3A_514 : vector<16xf32>
          %swap3A_516 = arith.constant 1 : i32
          %swap3A_517 = arith.index_cast %swap3A_516 : i32 to index
          %swap3A_518 = arith.index_cast %scan3A_180 : i32 to index
          %swap3A_519 = arith.constant 48 : index
          %swap3A_520 = tpu.vector_load %arg7[%swap3A_517, %swap3A_518, %swap3A_519] {strides = array<i32>} : memref<3x16x256xf32, #tpu.memory_space<vmem>>, vector<1x1x16xf32>,
          %swap3A_521 = vector.shape_cast %swap3A_520 : vector<1x1x16xf32> to vector<16xf32>
          %swap3A_522 = vector.shape_cast %mul3A_515 : vector<16xf32> to vector<1x1x16xf32>
          tpu.vector_store %arg7[%swap3A_517, %swap3A_518, %swap3A_519], %swap3A_522 {strides = array<i32>} : memref<3x16x256xf32, #tpu.memory_space<vmem>>, vector<1x1x16xf32>,
          %mul3A_523 = arith.constant 7 : i32
          %mul3A_524 = arith.muli %scan3A_180, %mul3A_523 : i32
          %add3A_525 = arith.constant 0 : i32
          %add3A_526 = arith.addi %mul3A_524, %add3A_525 : i32
          %get3A_527 = arith.constant 1 : i32
          %get3A_528 = arith.index_cast %get3A_527 : i32 to index
          %get3A_529 = arith.index_cast %add3A_526 : i32 to index
          %get3A_530 = arith.constant 64 : index
          %get3A_531 = tpu.vector_load %arg6[%get3A_528, %get3A_529, %get3A_530] {strides = array<i32>} : memref<3x112x256xf32, #tpu.memory_space<vmem>>, vector<1x1x16xf32>,
          %get3A_532 = vector.shape_cast %get3A_531 : vector<1x1x16xf32> to vector<16xf32>
          %mul3A_533 = arith.constant 7 : i32
          %mul3A_534 = arith.muli %scan3A_180, %mul3A_533 : i32
          %add3A_535 = arith.constant 1 : i32
          %add3A_536 = arith.addi %mul3A_534, %add3A_535 : i32
          %get3A_537 = arith.constant 1 : i32
          %get3A_538 = arith.index_cast %get3A_537 : i32 to index
          %get3A_539 = arith.index_cast %add3A_536 : i32 to index
          %get3A_540 = arith.constant 64 : index
          %get3A_541 = tpu.vector_load %arg6[%get3A_538, %get3A_539, %get3A_540] {strides = array<i32>} : memref<3x112x256xf32, #tpu.memory_space<vmem>>, vector<1x1x16xf32>,
          %get3A_542 = vector.shape_cast %get3A_541 : vector<1x1x16xf32> to vector<16xf32>
          %mul3A_543 = arith.constant 7 : i32
          %mul3A_544 = arith.muli %scan3A_180, %mul3A_543 : i32
          %add3A_545 = arith.constant 2 : i32
          %add3A_546 = arith.addi %mul3A_544, %add3A_545 : i32
          %get3A_547 = arith.constant 1 : i32
          %get3A_548 = arith.index_cast %get3A_547 : i32 to index
          %get3A_549 = arith.index_cast %add3A_546 : i32 to index
          %get3A_550 = arith.constant 64 : index
          %get3A_551 = tpu.vector_load %arg6[%get3A_548, %get3A_549, %get3A_550] {strides = array<i32>} : memref<3x112x256xf32, #tpu.memory_space<vmem>>, vector<1x1x16xf32>,
          %get3A_552 = vector.shape_cast %get3A_551 : vector<1x1x16xf32> to vector<16xf32>
          %mul3A_553 = arith.constant 7 : i32
          %mul3A_554 = arith.muli %scan3A_180, %mul3A_553 : i32
          %add3A_555 = arith.constant 3 : i32
          %add3A_556 = arith.addi %mul3A_554, %add3A_555 : i32
          %get3A_557 = arith.constant 1 : i32
          %get3A_558 = arith.index_cast %get3A_557 : i32 to index
          %get3A_559 = arith.index_cast %add3A_556 : i32 to index
          %get3A_560 = arith.constant 64 : index
          %get3A_561 = tpu.vector_load %arg6[%get3A_558, %get3A_559, %get3A_560] {strides = array<i32>} : memref<3x112x256xf32, #tpu.memory_space<vmem>>, vector<1x1x16xf32>,
          %get3A_562 = vector.shape_cast %get3A_561 : vector<1x1x16xf32> to vector<16xf32>
          %mul3A_563 = arith.constant 7 : i32
          %mul3A_564 = arith.muli %scan3A_180, %mul3A_563 : i32
          %add3A_565 = arith.constant 4 : i32
          %add3A_566 = arith.addi %mul3A_564, %add3A_565 : i32
          %get3A_567 = arith.constant 1 : i32
          %get3A_568 = arith.index_cast %get3A_567 : i32 to index
          %get3A_569 = arith.index_cast %add3A_566 : i32 to index
          %get3A_570 = arith.constant 64 : index
          %get3A_571 = tpu.vector_load %arg6[%get3A_568, %get3A_569, %get3A_570] {strides = array<i32>} : memref<3x112x256xf32, #tpu.memory_space<vmem>>, vector<1x1x16xf32>,
          %get3A_572 = vector.shape_cast %get3A_571 : vector<1x1x16xf32> to vector<16xf32>
          %mul3A_573 = arith.constant 7 : i32
          %mul3A_574 = arith.muli %scan3A_180, %mul3A_573 : i32
          %add3A_575 = arith.constant 5 : i32
          %add3A_576 = arith.addi %mul3A_574, %add3A_575 : i32
          %get3A_577 = arith.constant 1 : i32
          %get3A_578 = arith.index_cast %get3A_577 : i32 to index
          %get3A_579 = arith.index_cast %add3A_576 : i32 to index
          %get3A_580 = arith.constant 64 : index
          %get3A_581 = tpu.vector_load %arg6[%get3A_578, %get3A_579, %get3A_580] {strides = array<i32>} : memref<3x112x256xf32, #tpu.memory_space<vmem>>, vector<1x1x16xf32>,
          %get3A_582 = vector.shape_cast %get3A_581 : vector<1x1x16xf32> to vector<16xf32>
          %mul3A_583 = arith.constant 7 : i32
          %mul3A_584 = arith.muli %scan3A_180, %mul3A_583 : i32
          %add3A_585 = arith.constant 6 : i32
          %add3A_586 = arith.addi %mul3A_584, %add3A_585 : i32
          %get3A_587 = arith.constant 1 : i32
          %get3A_588 = arith.index_cast %get3A_587 : i32 to index
          %get3A_589 = arith.index_cast %add3A_586 : i32 to index
          %get3A_590 = arith.constant 64 : index
          %get3A_591 = tpu.vector_load %arg6[%get3A_588, %get3A_589, %get3A_590] {strides = array<i32>} : memref<3x112x256xf32, #tpu.memory_space<vmem>>, vector<1x1x16xf32>,
          %get3A_592 = vector.shape_cast %get3A_591 : vector<1x1x16xf32> to vector<16xf32>
          %mul3A_593 = arith.constant 7 : i32
          %mul3A_594 = arith.muli %scan3A_180, %mul3A_593 : i32
          %add3A_595 = arith.constant 0 : i32
          %add3A_596 = arith.addi %mul3A_594, %add3A_595 : i32
          %get3A_597 = arith.constant 1 : i32
          %get3A_598 = arith.index_cast %get3A_597 : i32 to index
          %get3A_599 = arith.index_cast %add3A_596 : i32 to index
          %get3A_600 = arith.constant 80 : index
          %get3A_601 = tpu.vector_load %arg6[%get3A_598, %get3A_599, %get3A_600] {strides = array<i32>} : memref<3x112x256xf32, #tpu.memory_space<vmem>>, vector<1x1x16xf32>,
          %get3A_602 = vector.shape_cast %get3A_601 : vector<1x1x16xf32> to vector<16xf32>
          %mul3A_603 = arith.constant 7 : i32
          %mul3A_604 = arith.muli %scan3A_180, %mul3A_603 : i32
          %add3A_605 = arith.constant 1 : i32
          %add3A_606 = arith.addi %mul3A_604, %add3A_605 : i32
          %get3A_607 = arith.constant 1 : i32
          %get3A_608 = arith.index_cast %get3A_607 : i32 to index
          %get3A_609 = arith.index_cast %add3A_606 : i32 to index
          %get3A_610 = arith.constant 80 : index
          %get3A_611 = tpu.vector_load %arg6[%get3A_608, %get3A_609, %get3A_610] {strides = array<i32>} : memref<3x112x256xf32, #tpu.memory_space<vmem>>, vector<1x1x16xf32>,
          %get3A_612 = vector.shape_cast %get3A_611 : vector<1x1x16xf32> to vector<16xf32>
          %mul3A_613 = arith.constant 7 : i32
          %mul3A_614 = arith.muli %scan3A_180, %mul3A_613 : i32
          %add3A_615 = arith.constant 2 : i32
          %add3A_616 = arith.addi %mul3A_614, %add3A_615 : i32
          %get3A_617 = arith.constant 1 : i32
          %get3A_618 = arith.index_cast %get3A_617 : i32 to index
          %get3A_619 = arith.index_cast %add3A_616 : i32 to index
          %get3A_620 = arith.constant 80 : index
          %get3A_621 = tpu.vector_load %arg6[%get3A_618, %get3A_619, %get3A_620] {strides = array<i32>} : memref<3x112x256xf32, #tpu.memory_space<vmem>>, vector<1x1x16xf32>,
          %get3A_622 = vector.shape_cast %get3A_621 : vector<1x1x16xf32> to vector<16xf32>
          %mul3A_623 = arith.constant 7 : i32
          %mul3A_624 = arith.muli %scan3A_180, %mul3A_623 : i32
          %add3A_625 = arith.constant 3 : i32
          %add3A_626 = arith.addi %mul3A_624, %add3A_625 : i32
          %get3A_627 = arith.constant 1 : i32
          %get3A_628 = arith.index_cast %get3A_627 : i32 to index
          %get3A_629 = arith.index_cast %add3A_626 : i32 to index
          %get3A_630 = arith.constant 80 : index
          %get3A_631 = tpu.vector_load %arg6[%get3A_628, %get3A_629, %get3A_630] {strides = array<i32>} : memref<3x112x256xf32, #tpu.memory_space<vmem>>, vector<1x1x16xf32>,
          %get3A_632 = vector.shape_cast %get3A_631 : vector<1x1x16xf32> to vector<16xf32>
          %mul3A_633 = arith.constant 7 : i32
          %mul3A_634 = arith.muli %scan3A_180, %mul3A_633 : i32
          %add3A_635 = arith.constant 4 : i32
          %add3A_636 = arith.addi %mul3A_634, %add3A_635 : i32
          %get3A_637 = arith.constant 1 : i32
          %get3A_638 = arith.index_cast %get3A_637 : i32 to index
          %get3A_639 = arith.index_cast %add3A_636 : i32 to index
          %get3A_640 = arith.constant 80 : index
          %get3A_641 = tpu.vector_load %arg6[%get3A_638, %get3A_639, %get3A_640] {strides = array<i32>} : memref<3x112x256xf32, #tpu.memory_space<vmem>>, vector<1x1x16xf32>,
          %get3A_642 = vector.shape_cast %get3A_641 : vector<1x1x16xf32> to vector<16xf32>
          %mul3A_643 = arith.constant 7 : i32
          %mul3A_644 = arith.muli %scan3A_180, %mul3A_643 : i32
          %add3A_645 = arith.constant 5 : i32
          %add3A_646 = arith.addi %mul3A_644, %add3A_645 : i32
          %get3A_647 = arith.constant 1 : i32
          %get3A_648 = arith.index_cast %get3A_647 : i32 to index
          %get3A_649 = arith.index_cast %add3A_646 : i32 to index
          %get3A_650 = arith.constant 80 : index
          %get3A_651 = tpu.vector_load %arg6[%get3A_648, %get3A_649, %get3A_650] {strides = array<i32>} : memref<3x112x256xf32, #tpu.memory_space<vmem>>, vector<1x1x16xf32>,
          %get3A_652 = vector.shape_cast %get3A_651 : vector<1x1x16xf32> to vector<16xf32>
          %mul3A_653 = arith.constant 7 : i32
          %mul3A_654 = arith.muli %scan3A_180, %mul3A_653 : i32
          %add3A_655 = arith.constant 6 : i32
          %add3A_656 = arith.addi %mul3A_654, %add3A_655 : i32
          %get3A_657 = arith.constant 1 : i32
          %get3A_658 = arith.index_cast %get3A_657 : i32 to index
          %get3A_659 = arith.index_cast %add3A_656 : i32 to index
          %get3A_660 = arith.constant 80 : index
          %get3A_661 = tpu.vector_load %arg6[%get3A_658, %get3A_659, %get3A_660] {strides = array<i32>} : memref<3x112x256xf32, #tpu.memory_space<vmem>>, vector<1x1x16xf32>,
          %get3A_662 = vector.shape_cast %get3A_661 : vector<1x1x16xf32> to vector<16xf32>
          %mul3A_663 = arith.constant 7 : i32
          %mul3A_664 = arith.muli %scan3A_180, %mul3A_663 : i32
          %add3A_665 = arith.constant 0 : i32
          %add3A_666 = arith.addi %mul3A_664, %add3A_665 : i32
          %get3A_667 = arith.constant 1 : i32
          %get3A_668 = arith.index_cast %get3A_667 : i32 to index
          %get3A_669 = arith.index_cast %add3A_666 : i32 to index
          %get3A_670 = arith.constant 96 : index
          %get3A_671 = tpu.vector_load %arg6[%get3A_668, %get3A_669, %get3A_670] {strides = array<i32>} : memref<3x112x256xf32, #tpu.memory_space<vmem>>, vector<1x1x16xf32>,
          %get3A_672 = vector.shape_cast %get3A_671 : vector<1x1x16xf32> to vector<16xf32>
          %mul3A_673 = arith.constant 7 : i32
          %mul3A_674 = arith.muli %scan3A_180, %mul3A_673 : i32
          %add3A_675 = arith.constant 1 : i32
          %add3A_676 = arith.addi %mul3A_674, %add3A_675 : i32
          %get3A_677 = arith.constant 1 : i32
          %get3A_678 = arith.index_cast %get3A_677 : i32 to index
          %get3A_679 = arith.index_cast %add3A_676 : i32 to index
          %get3A_680 = arith.constant 96 : index
          %get3A_681 = tpu.vector_load %arg6[%get3A_678, %get3A_679, %get3A_680] {strides = array<i32>} : memref<3x112x256xf32, #tpu.memory_space<vmem>>, vector<1x1x16xf32>,
          %get3A_682 = vector.shape_cast %get3A_681 : vector<1x1x16xf32> to vector<16xf32>
          %mul3A_683 = arith.constant 7 : i32
          %mul3A_684 = arith.muli %scan3A_180, %mul3A_683 : i32
          %add3A_685 = arith.constant 2 : i32
          %add3A_686 = arith.addi %mul3A_684, %add3A_685 : i32
          %get3A_687 = arith.constant 1 : i32
          %get3A_688 = arith.index_cast %get3A_687 : i32 to index
          %get3A_689 = arith.index_cast %add3A_686 : i32 to index
          %get3A_690 = arith.constant 96 : index
          %get3A_691 = tpu.vector_load %arg6[%get3A_688, %get3A_689, %get3A_690] {strides = array<i32>} : memref<3x112x256xf32, #tpu.memory_space<vmem>>, vector<1x1x16xf32>,
          %get3A_692 = vector.shape_cast %get3A_691 : vector<1x1x16xf32> to vector<16xf32>
          %mul3A_693 = arith.constant 7 : i32
          %mul3A_694 = arith.muli %scan3A_180, %mul3A_693 : i32
          %add3A_695 = arith.constant 3 : i32
          %add3A_696 = arith.addi %mul3A_694, %add3A_695 : i32
          %get3A_697 = arith.constant 1 : i32
          %get3A_698 = arith.index_cast %get3A_697 : i32 to index
          %get3A_699 = arith.index_cast %add3A_696 : i32 to index
          %get3A_700 = arith.constant 96 : index
          %get3A_701 = tpu.vector_load %arg6[%get3A_698, %get3A_699, %get3A_700] {strides = array<i32>} : memref<3x112x256xf32, #tpu.memory_space<vmem>>, vector<1x1x16xf32>,
          %get3A_702 = vector.shape_cast %get3A_701 : vector<1x1x16xf32> to vector<16xf32>
          %mul3A_703 = arith.constant 7 : i32
          %mul3A_704 = arith.muli %scan3A_180, %mul3A_703 : i32
          %add3A_705 = arith.constant 4 : i32
          %add3A_706 = arith.addi %mul3A_704, %add3A_705 : i32
          %get3A_707 = arith.constant 1 : i32
          %get3A_708 = arith.index_cast %get3A_707 : i32 to index
          %get3A_709 = arith.index_cast %add3A_706 : i32 to index
          %get3A_710 = arith.constant 96 : index
          %get3A_711 = tpu.vector_load %arg6[%get3A_708, %get3A_709, %get3A_710] {strides = array<i32>} : memref<3x112x256xf32, #tpu.memory_space<vmem>>, vector<1x1x16xf32>,
          %get3A_712 = vector.shape_cast %get3A_711 : vector<1x1x16xf32> to vector<16xf32>
          %mul3A_713 = arith.constant 7 : i32
          %mul3A_714 = arith.muli %scan3A_180, %mul3A_713 : i32
          %add3A_715 = arith.constant 5 : i32
          %add3A_716 = arith.addi %mul3A_714, %add3A_715 : i32
          %get3A_717 = arith.constant 1 : i32
          %get3A_718 = arith.index_cast %get3A_717 : i32 to index
          %get3A_719 = arith.index_cast %add3A_716 : i32 to index
          %get3A_720 = arith.constant 96 : index
          %get3A_721 = tpu.vector_load %arg6[%get3A_718, %get3A_719, %get3A_720] {strides = array<i32>} : memref<3x112x256xf32, #tpu.memory_space<vmem>>, vector<1x1x16xf32>,
          %get3A_722 = vector.shape_cast %get3A_721 : vector<1x1x16xf32> to vector<16xf32>
          %mul3A_723 = arith.constant 7 : i32
          %mul3A_724 = arith.muli %scan3A_180, %mul3A_723 : i32
          %add3A_725 = arith.constant 6 : i32
          %add3A_726 = arith.addi %mul3A_724, %add3A_725 : i32
          %get3A_727 = arith.constant 1 : i32
          %get3A_728 = arith.index_cast %get3A_727 : i32 to index
          %get3A_729 = arith.index_cast %add3A_726 : i32 to index
          %get3A_730 = arith.constant 96 : index
          %get3A_731 = tpu.vector_load %arg6[%get3A_728, %get3A_729, %get3A_730] {strides = array<i32>} : memref<3x112x256xf32, #tpu.memory_space<vmem>>, vector<1x1x16xf32>,
          %get3A_732 = vector.shape_cast %get3A_731 : vector<1x1x16xf32> to vector<16xf32>
          %mul3A_733 = arith.constant 7 : i32
          %mul3A_734 = arith.muli %scan3A_180, %mul3A_733 : i32
          %add3A_735 = arith.constant 0 : i32
          %add3A_736 = arith.addi %mul3A_734, %add3A_735 : i32
          %get3A_737 = arith.constant 1 : i32
          %get3A_738 = arith.index_cast %get3A_737 : i32 to index
          %get3A_739 = arith.index_cast %add3A_736 : i32 to index
          %get3A_740 = arith.constant 112 : index
          %get3A_741 = tpu.vector_load %arg6[%get3A_738, %get3A_739, %get3A_740] {strides = array<i32>} : memref<3x112x256xf32, #tpu.memory_space<vmem>>, vector<1x1x16xf32>,
          %get3A_742 = vector.shape_cast %get3A_741 : vector<1x1x16xf32> to vector<16xf32>
          %mul3A_743 = arith.constant 7 : i32
          %mul3A_744 = arith.muli %scan3A_180, %mul3A_743 : i32
          %add3A_745 = arith.constant 1 : i32
          %add3A_746 = arith.addi %mul3A_744, %add3A_745 : i32
          %get3A_747 = arith.constant 1 : i32
          %get3A_748 = arith.index_cast %get3A_747 : i32 to index
          %get3A_749 = arith.index_cast %add3A_746 : i32 to index
          %get3A_750 = arith.constant 112 : index
          %get3A_751 = tpu.vector_load %arg6[%get3A_748, %get3A_749, %get3A_750] {strides = array<i32>} : memref<3x112x256xf32, #tpu.memory_space<vmem>>, vector<1x1x16xf32>,
          %get3A_752 = vector.shape_cast %get3A_751 : vector<1x1x16xf32> to vector<16xf32>
          %mul3A_753 = arith.constant 7 : i32
          %mul3A_754 = arith.muli %scan3A_180, %mul3A_753 : i32
          %add3A_755 = arith.constant 2 : i32
          %add3A_756 = arith.addi %mul3A_754, %add3A_755 : i32
          %get3A_757 = arith.constant 1 : i32
          %get3A_758 = arith.index_cast %get3A_757 : i32 to index
          %get3A_759 = arith.index_cast %add3A_756 : i32 to index
          %get3A_760 = arith.constant 112 : index
          %get3A_761 = tpu.vector_load %arg6[%get3A_758, %get3A_759, %get3A_760] {strides = array<i32>} : memref<3x112x256xf32, #tpu.memory_space<vmem>>, vector<1x1x16xf32>,
          %get3A_762 = vector.shape_cast %get3A_761 : vector<1x1x16xf32> to vector<16xf32>
          %mul3A_763 = arith.constant 7 : i32
          %mul3A_764 = arith.muli %scan3A_180, %mul3A_763 : i32
          %add3A_765 = arith.constant 3 : i32
          %add3A_766 = arith.addi %mul3A_764, %add3A_765 : i32
          %get3A_767 = arith.constant 1 : i32
          %get3A_768 = arith.index_cast %get3A_767 : i32 to index
          %get3A_769 = arith.index_cast %add3A_766 : i32 to index
          %get3A_770 = arith.constant 112 : index
          %get3A_771 = tpu.vector_load %arg6[%get3A_768, %get3A_769, %get3A_770] {strides = array<i32>} : memref<3x112x256xf32, #tpu.memory_space<vmem>>, vector<1x1x16xf32>,
          %get3A_772 = vector.shape_cast %get3A_771 : vector<1x1x16xf32> to vector<16xf32>
          %mul3A_773 = arith.constant 7 : i32
          %mul3A_774 = arith.muli %scan3A_180, %mul3A_773 : i32
          %add3A_775 = arith.constant 4 : i32
          %add3A_776 = arith.addi %mul3A_774, %add3A_775 : i32
          %get3A_777 = arith.constant 1 : i32
          %get3A_778 = arith.index_cast %get3A_777 : i32 to index
          %get3A_779 = arith.index_cast %add3A_776 : i32 to index
          %get3A_780 = arith.constant 112 : index
          %get3A_781 = tpu.vector_load %arg6[%get3A_778, %get3A_779, %get3A_780] {strides = array<i32>} : memref<3x112x256xf32, #tpu.memory_space<vmem>>, vector<1x1x16xf32>,
          %get3A_782 = vector.shape_cast %get3A_781 : vector<1x1x16xf32> to vector<16xf32>
          %mul3A_783 = arith.constant 7 : i32
          %mul3A_784 = arith.muli %scan3A_180, %mul3A_783 : i32
          %add3A_785 = arith.constant 5 : i32
          %add3A_786 = arith.addi %mul3A_784, %add3A_785 : i32
          %get3A_787 = arith.constant 1 : i32
          %get3A_788 = arith.index_cast %get3A_787 : i32 to index
          %get3A_789 = arith.index_cast %add3A_786 : i32 to index
          %get3A_790 = arith.constant 112 : index
          %get3A_791 = tpu.vector_load %arg6[%get3A_788, %get3A_789, %get3A_790] {strides = array<i32>} : memref<3x112x256xf32, #tpu.memory_space<vmem>>, vector<1x1x16xf32>,
          %get3A_792 = vector.shape_cast %get3A_791 : vector<1x1x16xf32> to vector<16xf32>
          %mul3A_793 = arith.constant 7 : i32
          %mul3A_794 = arith.muli %scan3A_180, %mul3A_793 : i32
          %add3A_795 = arith.constant 6 : i32
          %add3A_796 = arith.addi %mul3A_794, %add3A_795 : i32
          %get3A_797 = arith.constant 1 : i32
          %get3A_798 = arith.index_cast %get3A_797 : i32 to index
          %get3A_799 = arith.index_cast %add3A_796 : i32 to index
          %get3A_800 = arith.constant 112 : index
          %get3A_801 = tpu.vector_load %arg6[%get3A_798, %get3A_799, %get3A_800] {strides = array<i32>} : memref<3x112x256xf32, #tpu.memory_space<vmem>>, vector<1x1x16xf32>,
          %get3A_802 = vector.shape_cast %get3A_801 : vector<1x1x16xf32> to vector<16xf32>
          %add3A_803 = arith.addf %get3A_532, %get3A_542 : vector<16xf32>
          %add3A_804 = arith.addf %get3A_552, %get3A_562 : vector<16xf32>
          %add3A_805 = arith.addf %add3A_803, %add3A_804 : vector<16xf32>
          %add3A_806 = arith.addf %get3A_572, %get3A_582 : vector<16xf32>
          %add3A_807 = arith.addf %add3A_806, %get3A_592 : vector<16xf32>
          %add3A_808 = arith.addf %add3A_805, %add3A_807 : vector<16xf32>
          %mul3A_809 = arith.constant 0.142857149 : f32
          %mul3A_810 = vector.broadcast %mul3A_809 : f32 to vector<16xf32>
          %mul3A_811 = arith.mulf %add3A_808, %mul3A_810 : vector<16xf32>
          %swap3A_812 = arith.constant 1 : i32
          %swap3A_813 = arith.index_cast %swap3A_812 : i32 to index
          %swap3A_814 = arith.index_cast %scan3A_180 : i32 to index
          %swap3A_815 = arith.constant 64 : index
          %swap3A_816 = tpu.vector_load %arg7[%swap3A_813, %swap3A_814, %swap3A_815] {strides = array<i32>} : memref<3x16x256xf32, #tpu.memory_space<vmem>>, vector<1x1x16xf32>,
          %swap3A_817 = vector.shape_cast %swap3A_816 : vector<1x1x16xf32> to vector<16xf32>
          %swap3A_818 = vector.shape_cast %mul3A_811 : vector<16xf32> to vector<1x1x16xf32>
          tpu.vector_store %arg7[%swap3A_813, %swap3A_814, %swap3A_815], %swap3A_818 {strides = array<i32>} : memref<3x16x256xf32, #tpu.memory_space<vmem>>, vector<1x1x16xf32>,
          %add3A_819 = arith.addf %get3A_602, %get3A_612 : vector<16xf32>
          %add3A_820 = arith.addf %get3A_622, %get3A_632 : vector<16xf32>
          %add3A_821 = arith.addf %add3A_819, %add3A_820 : vector<16xf32>
          %add3A_822 = arith.addf %get3A_642, %get3A_652 : vector<16xf32>
          %add3A_823 = arith.addf %add3A_822, %get3A_662 : vector<16xf32>
          %add3A_824 = arith.addf %add3A_821, %add3A_823 : vector<16xf32>
          %mul3A_825 = arith.constant 0.142857149 : f32
          %mul3A_826 = vector.broadcast %mul3A_825 : f32 to vector<16xf32>
          %mul3A_827 = arith.mulf %add3A_824, %mul3A_826 : vector<16xf32>
          %swap3A_828 = arith.constant 1 : i32
          %swap3A_829 = arith.index_cast %swap3A_828 : i32 to index
          %swap3A_830 = arith.index_cast %scan3A_180 : i32 to index
          %swap3A_831 = arith.constant 80 : index
          %swap3A_832 = tpu.vector_load %arg7[%swap3A_829, %swap3A_830, %swap3A_831] {strides = array<i32>} : memref<3x16x256xf32, #tpu.memory_space<vmem>>, vector<1x1x16xf32>,
          %swap3A_833 = vector.shape_cast %swap3A_832 : vector<1x1x16xf32> to vector<16xf32>
          %swap3A_834 = vector.shape_cast %mul3A_827 : vector<16xf32> to vector<1x1x16xf32>
          tpu.vector_store %arg7[%swap3A_829, %swap3A_830, %swap3A_831], %swap3A_834 {strides = array<i32>} : memref<3x16x256xf32, #tpu.memory_space<vmem>>, vector<1x1x16xf32>,
          %add3A_835 = arith.addf %get3A_672, %get3A_682 : vector<16xf32>
          %add3A_836 = arith.addf %get3A_692, %get3A_702 : vector<16xf32>
          %add3A_837 = arith.addf %add3A_835, %add3A_836 : vector<16xf32>
          %add3A_838 = arith.addf %get3A_712, %get3A_722 : vector<16xf32>
          %add3A_839 = arith.addf %add3A_838, %get3A_732 : vector<16xf32>
          %add3A_840 = arith.addf %add3A_837, %add3A_839 : vector<16xf32>
          %mul3A_841 = arith.constant 0.142857149 : f32
          %mul3A_842 = vector.broadcast %mul3A_841 : f32 to vector<16xf32>
          %mul3A_843 = arith.mulf %add3A_840, %mul3A_842 : vector<16xf32>
          %swap3A_844 = arith.constant 1 : i32
          %swap3A_845 = arith.index_cast %swap3A_844 : i32 to index
          %swap3A_846 = arith.index_cast %scan3A_180 : i32 to index
          %swap3A_847 = arith.constant 96 : index
          %swap3A_848 = tpu.vector_load %arg7[%swap3A_845, %swap3A_846, %swap3A_847] {strides = array<i32>} : memref<3x16x256xf32, #tpu.memory_space<vmem>>, vector<1x1x16xf32>,
          %swap3A_849 = vector.shape_cast %swap3A_848 : vector<1x1x16xf32> to vector<16xf32>
          %swap3A_850 = vector.shape_cast %mul3A_843 : vector<16xf32> to vector<1x1x16xf32>
          tpu.vector_store %arg7[%swap3A_845, %swap3A_846, %swap3A_847], %swap3A_850 {strides = array<i32>} : memref<3x16x256xf32, #tpu.memory_space<vmem>>, vector<1x1x16xf32>,
          %add3A_851 = arith.addf %get3A_742, %get3A_752 : vector<16xf32>
          %add3A_852 = arith.addf %get3A_762, %get3A_772 : vector<16xf32>
          %add3A_853 = arith.addf %add3A_851, %add3A_852 : vector<16xf32>
          %add3A_854 = arith.addf %get3A_782, %get3A_792 : vector<16xf32>
          %add3A_855 = arith.addf %add3A_854, %get3A_802 : vector<16xf32>
          %add3A_856 = arith.addf %add3A_853, %add3A_855 : vector<16xf32>
          %mul3A_857 = arith.constant 0.142857149 : f32
          %mul3A_858 = vector.broadcast %mul3A_857 : f32 to vector<16xf32>
          %mul3A_859 = arith.mulf %add3A_856, %mul3A_858 : vector<16xf32>
          %swap3A_860 = arith.constant 1 : i32
          %swap3A_861 = arith.index_cast %swap3A_860 : i32 to index
          %swap3A_862 = arith.index_cast %scan3A_180 : i32 to index
          %swap3A_863 = arith.constant 112 : index
          %swap3A_864 = tpu.vector_load %arg7[%swap3A_861, %swap3A_862, %swap3A_863] {strides = array<i32>} : memref<3x16x256xf32, #tpu.memory_space<vmem>>, vector<1x1x16xf32>,
          %swap3A_865 = vector.shape_cast %swap3A_864 : vector<1x1x16xf32> to vector<16xf32>
          %swap3A_866 = vector.shape_cast %mul3A_859 : vector<16xf32> to vector<1x1x16xf32>
          tpu.vector_store %arg7[%swap3A_861, %swap3A_862, %swap3A_863], %swap3A_866 {strides = array<i32>} : memref<3x16x256xf32, #tpu.memory_space<vmem>>, vector<1x1x16xf32>,
          %mul3A_867 = arith.constant 7 : i32
          %mul3A_868 = arith.muli %scan3A_180, %mul3A_867 : i32
          %add3A_869 = arith.constant 0 : i32
          %add3A_870 = arith.addi %mul3A_868, %add3A_869 : i32
          %get3A_871 = arith.constant 1 : i32
          %get3A_872 = arith.index_cast %get3A_871 : i32 to index
          %get3A_873 = arith.index_cast %add3A_870 : i32 to index
          %get3A_874 = arith.constant 128 : index
          %get3A_875 = tpu.vector_load %arg6[%get3A_872, %get3A_873, %get3A_874] {strides = array<i32>} : memref<3x112x256xf32, #tpu.memory_space<vmem>>, vector<1x1x16xf32>,
          %get3A_876 = vector.shape_cast %get3A_875 : vector<1x1x16xf32> to vector<16xf32>
          %mul3A_877 = arith.constant 7 : i32
          %mul3A_878 = arith.muli %scan3A_180, %mul3A_877 : i32
          %add3A_879 = arith.constant 1 : i32
          %add3A_880 = arith.addi %mul3A_878, %add3A_879 : i32
          %get3A_881 = arith.constant 1 : i32
          %get3A_882 = arith.index_cast %get3A_881 : i32 to index
          %get3A_883 = arith.index_cast %add3A_880 : i32 to index
          %get3A_884 = arith.constant 128 : index
          %get3A_885 = tpu.vector_load %arg6[%get3A_882, %get3A_883, %get3A_884] {strides = array<i32>} : memref<3x112x256xf32, #tpu.memory_space<vmem>>, vector<1x1x16xf32>,
          %get3A_886 = vector.shape_cast %get3A_885 : vector<1x1x16xf32> to vector<16xf32>
          %mul3A_887 = arith.constant 7 : i32
          %mul3A_888 = arith.muli %scan3A_180, %mul3A_887 : i32
          %add3A_889 = arith.constant 2 : i32
          %add3A_890 = arith.addi %mul3A_888, %add3A_889 : i32
          %get3A_891 = arith.constant 1 : i32
          %get3A_892 = arith.index_cast %get3A_891 : i32 to index
          %get3A_893 = arith.index_cast %add3A_890 : i32 to index
          %get3A_894 = arith.constant 128 : index
          %get3A_895 = tpu.vector_load %arg6[%get3A_892, %get3A_893, %get3A_894] {strides = array<i32>} : memref<3x112x256xf32, #tpu.memory_space<vmem>>, vector<1x1x16xf32>,
          %get3A_896 = vector.shape_cast %get3A_895 : vector<1x1x16xf32> to vector<16xf32>
          %mul3A_897 = arith.constant 7 : i32
          %mul3A_898 = arith.muli %scan3A_180, %mul3A_897 : i32
          %add3A_899 = arith.constant 3 : i32
          %add3A_900 = arith.addi %mul3A_898, %add3A_899 : i32
          %get3A_901 = arith.constant 1 : i32
          %get3A_902 = arith.index_cast %get3A_901 : i32 to index
          %get3A_903 = arith.index_cast %add3A_900 : i32 to index
          %get3A_904 = arith.constant 128 : index
          %get3A_905 = tpu.vector_load %arg6[%get3A_902, %get3A_903, %get3A_904] {strides = array<i32>} : memref<3x112x256xf32, #tpu.memory_space<vmem>>, vector<1x1x16xf32>,
          %get3A_906 = vector.shape_cast %get3A_905 : vector<1x1x16xf32> to vector<16xf32>
          %mul3A_907 = arith.constant 7 : i32
          %mul3A_908 = arith.muli %scan3A_180, %mul3A_907 : i32
          %add3A_909 = arith.constant 4 : i32
          %add3A_910 = arith.addi %mul3A_908, %add3A_909 : i32
          %get3A_911 = arith.constant 1 : i32
          %get3A_912 = arith.index_cast %get3A_911 : i32 to index
          %get3A_913 = arith.index_cast %add3A_910 : i32 to index
          %get3A_914 = arith.constant 128 : index
          %get3A_915 = tpu.vector_load %arg6[%get3A_912, %get3A_913, %get3A_914] {strides = array<i32>} : memref<3x112x256xf32, #tpu.memory_space<vmem>>, vector<1x1x16xf32>,
          %get3A_916 = vector.shape_cast %get3A_915 : vector<1x1x16xf32> to vector<16xf32>
          %mul3A_917 = arith.constant 7 : i32
          %mul3A_918 = arith.muli %scan3A_180, %mul3A_917 : i32
          %add3A_919 = arith.constant 5 : i32
          %add3A_920 = arith.addi %mul3A_918, %add3A_919 : i32
          %get3A_921 = arith.constant 1 : i32
          %get3A_922 = arith.index_cast %get3A_921 : i32 to index
          %get3A_923 = arith.index_cast %add3A_920 : i32 to index
          %get3A_924 = arith.constant 128 : index
          %get3A_925 = tpu.vector_load %arg6[%get3A_922, %get3A_923, %get3A_924] {strides = array<i32>} : memref<3x112x256xf32, #tpu.memory_space<vmem>>, vector<1x1x16xf32>,
          %get3A_926 = vector.shape_cast %get3A_925 : vector<1x1x16xf32> to vector<16xf32>
          %mul3A_927 = arith.constant 7 : i32
          %mul3A_928 = arith.muli %scan3A_180, %mul3A_927 : i32
          %add3A_929 = arith.constant 6 : i32
          %add3A_930 = arith.addi %mul3A_928, %add3A_929 : i32
          %get3A_931 = arith.constant 1 : i32
          %get3A_932 = arith.index_cast %get3A_931 : i32 to index
          %get3A_933 = arith.index_cast %add3A_930 : i32 to index
          %get3A_934 = arith.constant 128 : index
          %get3A_935 = tpu.vector_load %arg6[%get3A_932, %get3A_933, %get3A_934] {strides = array<i32>} : memref<3x112x256xf32, #tpu.memory_space<vmem>>, vector<1x1x16xf32>,
          %get3A_936 = vector.shape_cast %get3A_935 : vector<1x1x16xf32> to vector<16xf32>
          %mul3A_937 = arith.constant 7 : i32
          %mul3A_938 = arith.muli %scan3A_180, %mul3A_937 : i32
          %add3A_939 = arith.constant 0 : i32
          %add3A_940 = arith.addi %mul3A_938, %add3A_939 : i32
          %get3A_941 = arith.constant 1 : i32
          %get3A_942 = arith.index_cast %get3A_941 : i32 to index
          %get3A_943 = arith.index_cast %add3A_940 : i32 to index
          %get3A_944 = arith.constant 144 : index
          %get3A_945 = tpu.vector_load %arg6[%get3A_942, %get3A_943, %get3A_944] {strides = array<i32>} : memref<3x112x256xf32, #tpu.memory_space<vmem>>, vector<1x1x16xf32>,
          %get3A_946 = vector.shape_cast %get3A_945 : vector<1x1x16xf32> to vector<16xf32>
          %mul3A_947 = arith.constant 7 : i32
          %mul3A_948 = arith.muli %scan3A_180, %mul3A_947 : i32
          %add3A_949 = arith.constant 1 : i32
          %add3A_950 = arith.addi %mul3A_948, %add3A_949 : i32
          %get3A_951 = arith.constant 1 : i32
          %get3A_952 = arith.index_cast %get3A_951 : i32 to index
          %get3A_953 = arith.index_cast %add3A_950 : i32 to index
          %get3A_954 = arith.constant 144 : index
          %get3A_955 = tpu.vector_load %arg6[%get3A_952, %get3A_953, %get3A_954] {strides = array<i32>} : memref<3x112x256xf32, #tpu.memory_space<vmem>>, vector<1x1x16xf32>,
          %get3A_956 = vector.shape_cast %get3A_955 : vector<1x1x16xf32> to vector<16xf32>
          %mul3A_957 = arith.constant 7 : i32
          %mul3A_958 = arith.muli %scan3A_180, %mul3A_957 : i32
          %add3A_959 = arith.constant 2 : i32
          %add3A_960 = arith.addi %mul3A_958, %add3A_959 : i32
          %get3A_961 = arith.constant 1 : i32
          %get3A_962 = arith.index_cast %get3A_961 : i32 to index
          %get3A_963 = arith.index_cast %add3A_960 : i32 to index
          %get3A_964 = arith.constant 144 : index
          %get3A_965 = tpu.vector_load %arg6[%get3A_962, %get3A_963, %get3A_964] {strides = array<i32>} : memref<3x112x256xf32, #tpu.memory_space<vmem>>, vector<1x1x16xf32>,
          %get3A_966 = vector.shape_cast %get3A_965 : vector<1x1x16xf32> to vector<16xf32>
          %mul3A_967 = arith.constant 7 : i32
          %mul3A_968 = arith.muli %scan3A_180, %mul3A_967 : i32
          %add3A_969 = arith.constant 3 : i32
          %add3A_970 = arith.addi %mul3A_968, %add3A_969 : i32
          %get3A_971 = arith.constant 1 : i32
          %get3A_972 = arith.index_cast %get3A_971 : i32 to index
          %get3A_973 = arith.index_cast %add3A_970 : i32 to index
          %get3A_974 = arith.constant 144 : index
          %get3A_975 = tpu.vector_load %arg6[%get3A_972, %get3A_973, %get3A_974] {strides = array<i32>} : memref<3x112x256xf32, #tpu.memory_space<vmem>>, vector<1x1x16xf32>,
          %get3A_976 = vector.shape_cast %get3A_975 : vector<1x1x16xf32> to vector<16xf32>
          %mul3A_977 = arith.constant 7 : i32
          %mul3A_978 = arith.muli %scan3A_180, %mul3A_977 : i32
          %add3A_979 = arith.constant 4 : i32
          %add3A_980 = arith.addi %mul3A_978, %add3A_979 : i32
          %get3A_981 = arith.constant 1 : i32
          %get3A_982 = arith.index_cast %get3A_981 : i32 to index
          %get3A_983 = arith.index_cast %add3A_980 : i32 to index
          %get3A_984 = arith.constant 144 : index
          %get3A_985 = tpu.vector_load %arg6[%get3A_982, %get3A_983, %get3A_984] {strides = array<i32>} : memref<3x112x256xf32, #tpu.memory_space<vmem>>, vector<1x1x16xf32>,
          %get3A_986 = vector.shape_cast %get3A_985 : vector<1x1x16xf32> to vector<16xf32>
          %mul3A_987 = arith.constant 7 : i32
          %mul3A_988 = arith.muli %scan3A_180, %mul3A_987 : i32
          %add3A_989 = arith.constant 5 : i32
          %add3A_990 = arith.addi %mul3A_988, %add3A_989 : i32
          %get3A_991 = arith.constant 1 : i32
          %get3A_992 = arith.index_cast %get3A_991 : i32 to index
          %get3A_993 = arith.index_cast %add3A_990 : i32 to index
          %get3A_994 = arith.constant 144 : index
          %get3A_995 = tpu.vector_load %arg6[%get3A_992, %get3A_993, %get3A_994] {strides = array<i32>} : memref<3x112x256xf32, #tpu.memory_space<vmem>>, vector<1x1x16xf32>,
          %get3A_996 = vector.shape_cast %get3A_995 : vector<1x1x16xf32> to vector<16xf32>
          %mul3A_997 = arith.constant 7 : i32
          %mul3A_998 = arith.muli %scan3A_180, %mul3A_997 : i32
          %add3A_999 = arith.constant 6 : i32
          %add3A_1000 = arith.addi %mul3A_998, %add3A_999 : i32
          %get3A_1001 = arith.constant 1 : i32
          %get3A_1002 = arith.index_cast %get3A_1001 : i32 to index
          %get3A_1003 = arith.index_cast %add3A_1000 : i32 to index
          %get3A_1004 = arith.constant 144 : index
          %get3A_1005 = tpu.vector_load %arg6[%get3A_1002, %get3A_1003, %get3A_1004] {strides = array<i32>} : memref<3x112x256xf32, #tpu.memory_space<vmem>>, vector<1x1x16xf32>,
          %get3A_1006 = vector.shape_cast %get3A_1005 : vector<1x1x16xf32> to vector<16xf32>
          %mul3A_1007 = arith.constant 7 : i32
          %mul3A_1008 = arith.muli %scan3A_180, %mul3A_1007 : i32
          %add3A_1009 = arith.constant 0 : i32
          %add3A_1010 = arith.addi %mul3A_1008, %add3A_1009 : i32
          %get3A_1011 = arith.constant 1 : i32
          %get3A_1012 = arith.index_cast %get3A_1011 : i32 to index
          %get3A_1013 = arith.index_cast %add3A_1010 : i32 to index
          %get3A_1014 = arith.constant 160 : index
          %get3A_1015 = tpu.vector_load %arg6[%get3A_1012, %get3A_1013, %get3A_1014] {strides = array<i32>} : memref<3x112x256xf32, #tpu.memory_space<vmem>>, vector<1x1x16xf32>,
          %get3A_1016 = vector.shape_cast %get3A_1015 : vector<1x1x16xf32> to vector<16xf32>
          %mul3A_1017 = arith.constant 7 : i32
          %mul3A_1018 = arith.muli %scan3A_180, %mul3A_1017 : i32
          %add3A_1019 = arith.constant 1 : i32
          %add3A_1020 = arith.addi %mul3A_1018, %add3A_1019 : i32
          %get3A_1021 = arith.constant 1 : i32
          %get3A_1022 = arith.index_cast %get3A_1021 : i32 to index
          %get3A_1023 = arith.index_cast %add3A_1020 : i32 to index
          %get3A_1024 = arith.constant 160 : index
          %get3A_1025 = tpu.vector_load %arg6[%get3A_1022, %get3A_1023, %get3A_1024] {strides = array<i32>} : memref<3x112x256xf32, #tpu.memory_space<vmem>>, vector<1x1x16xf32>,
          %get3A_1026 = vector.shape_cast %get3A_1025 : vector<1x1x16xf32> to vector<16xf32>
          %mul3A_1027 = arith.constant 7 : i32
          %mul3A_1028 = arith.muli %scan3A_180, %mul3A_1027 : i32
          %add3A_1029 = arith.constant 2 : i32
          %add3A_1030 = arith.addi %mul3A_1028, %add3A_1029 : i32
          %get3A_1031 = arith.constant 1 : i32
          %get3A_1032 = arith.index_cast %get3A_1031 : i32 to index
          %get3A_1033 = arith.index_cast %add3A_1030 : i32 to index
          %get3A_1034 = arith.constant 160 : index
          %get3A_1035 = tpu.vector_load %arg6[%get3A_1032, %get3A_1033, %get3A_1034] {strides = array<i32>} : memref<3x112x256xf32, #tpu.memory_space<vmem>>, vector<1x1x16xf32>,
          %get3A_1036 = vector.shape_cast %get3A_1035 : vector<1x1x16xf32> to vector<16xf32>
          %mul3A_1037 = arith.constant 7 : i32
          %mul3A_1038 = arith.muli %scan3A_180, %mul3A_1037 : i32
          %add3A_1039 = arith.constant 3 : i32
          %add3A_1040 = arith.addi %mul3A_1038, %add3A_1039 : i32
          %get3A_1041 = arith.constant 1 : i32
          %get3A_1042 = arith.index_cast %get3A_1041 : i32 to index
          %get3A_1043 = arith.index_cast %add3A_1040 : i32 to index
          %get3A_1044 = arith.constant 160 : index
          %get3A_1045 = tpu.vector_load %arg6[%get3A_1042, %get3A_1043, %get3A_1044] {strides = array<i32>} : memref<3x112x256xf32, #tpu.memory_space<vmem>>, vector<1x1x16xf32>,
          %get3A_1046 = vector.shape_cast %get3A_1045 : vector<1x1x16xf32> to vector<16xf32>
          %mul3A_1047 = arith.constant 7 : i32
          %mul3A_1048 = arith.muli %scan3A_180, %mul3A_1047 : i32
          %add3A_1049 = arith.constant 4 : i32
          %add3A_1050 = arith.addi %mul3A_1048, %add3A_1049 : i32
          %get3A_1051 = arith.constant 1 : i32
          %get3A_1052 = arith.index_cast %get3A_1051 : i32 to index
          %get3A_1053 = arith.index_cast %add3A_1050 : i32 to index
          %get3A_1054 = arith.constant 160 : index
          %get3A_1055 = tpu.vector_load %arg6[%get3A_1052, %get3A_1053, %get3A_1054] {strides = array<i32>} : memref<3x112x256xf32, #tpu.memory_space<vmem>>, vector<1x1x16xf32>,
          %get3A_1056 = vector.shape_cast %get3A_1055 : vector<1x1x16xf32> to vector<16xf32>
          %mul3A_1057 = arith.constant 7 : i32
          %mul3A_1058 = arith.muli %scan3A_180, %mul3A_1057 : i32
          %add3A_1059 = arith.constant 5 : i32
          %add3A_1060 = arith.addi %mul3A_1058, %add3A_1059 : i32
          %get3A_1061 = arith.constant 1 : i32
          %get3A_1062 = arith.index_cast %get3A_1061 : i32 to index
          %get3A_1063 = arith.index_cast %add3A_1060 : i32 to index
          %get3A_1064 = arith.constant 160 : index
          %get3A_1065 = tpu.vector_load %arg6[%get3A_1062, %get3A_1063, %get3A_1064] {strides = array<i32>} : memref<3x112x256xf32, #tpu.memory_space<vmem>>, vector<1x1x16xf32>,
          %get3A_1066 = vector.shape_cast %get3A_1065 : vector<1x1x16xf32> to vector<16xf32>
          %mul3A_1067 = arith.constant 7 : i32
          %mul3A_1068 = arith.muli %scan3A_180, %mul3A_1067 : i32
          %add3A_1069 = arith.constant 6 : i32
          %add3A_1070 = arith.addi %mul3A_1068, %add3A_1069 : i32
          %get3A_1071 = arith.constant 1 : i32
          %get3A_1072 = arith.index_cast %get3A_1071 : i32 to index
          %get3A_1073 = arith.index_cast %add3A_1070 : i32 to index
          %get3A_1074 = arith.constant 160 : index
          %get3A_1075 = tpu.vector_load %arg6[%get3A_1072, %get3A_1073, %get3A_1074] {strides = array<i32>} : memref<3x112x256xf32, #tpu.memory_space<vmem>>, vector<1x1x16xf32>,
          %get3A_1076 = vector.shape_cast %get3A_1075 : vector<1x1x16xf32> to vector<16xf32>
          %mul3A_1077 = arith.constant 7 : i32
          %mul3A_1078 = arith.muli %scan3A_180, %mul3A_1077 : i32
          %add3A_1079 = arith.constant 0 : i32
          %add3A_1080 = arith.addi %mul3A_1078, %add3A_1079 : i32
          %get3A_1081 = arith.constant 1 : i32
          %get3A_1082 = arith.index_cast %get3A_1081 : i32 to index
          %get3A_1083 = arith.index_cast %add3A_1080 : i32 to index
          %get3A_1084 = arith.constant 176 : index
          %get3A_1085 = tpu.vector_load %arg6[%get3A_1082, %get3A_1083, %get3A_1084] {strides = array<i32>} : memref<3x112x256xf32, #tpu.memory_space<vmem>>, vector<1x1x16xf32>,
          %get3A_1086 = vector.shape_cast %get3A_1085 : vector<1x1x16xf32> to vector<16xf32>
          %mul3A_1087 = arith.constant 7 : i32
          %mul3A_1088 = arith.muli %scan3A_180, %mul3A_1087 : i32
          %add3A_1089 = arith.constant 1 : i32
          %add3A_1090 = arith.addi %mul3A_1088, %add3A_1089 : i32
          %get3A_1091 = arith.constant 1 : i32
          %get3A_1092 = arith.index_cast %get3A_1091 : i32 to index
          %get3A_1093 = arith.index_cast %add3A_1090 : i32 to index
          %get3A_1094 = arith.constant 176 : index
          %get3A_1095 = tpu.vector_load %arg6[%get3A_1092, %get3A_1093, %get3A_1094] {strides = array<i32>} : memref<3x112x256xf32, #tpu.memory_space<vmem>>, vector<1x1x16xf32>,
          %get3A_1096 = vector.shape_cast %get3A_1095 : vector<1x1x16xf32> to vector<16xf32>
          %mul3A_1097 = arith.constant 7 : i32
          %mul3A_1098 = arith.muli %scan3A_180, %mul3A_1097 : i32
          %add3A_1099 = arith.constant 2 : i32
          %add3A_1100 = arith.addi %mul3A_1098, %add3A_1099 : i32
          %get3A_1101 = arith.constant 1 : i32
          %get3A_1102 = arith.index_cast %get3A_1101 : i32 to index
          %get3A_1103 = arith.index_cast %add3A_1100 : i32 to index
          %get3A_1104 = arith.constant 176 : index
          %get3A_1105 = tpu.vector_load %arg6[%get3A_1102, %get3A_1103, %get3A_1104] {strides = array<i32>} : memref<3x112x256xf32, #tpu.memory_space<vmem>>, vector<1x1x16xf32>,
          %get3A_1106 = vector.shape_cast %get3A_1105 : vector<1x1x16xf32> to vector<16xf32>
          %mul3A_1107 = arith.constant 7 : i32
          %mul3A_1108 = arith.muli %scan3A_180, %mul3A_1107 : i32
          %add3A_1109 = arith.constant 3 : i32
          %add3A_1110 = arith.addi %mul3A_1108, %add3A_1109 : i32
          %get3A_1111 = arith.constant 1 : i32
          %get3A_1112 = arith.index_cast %get3A_1111 : i32 to index
          %get3A_1113 = arith.index_cast %add3A_1110 : i32 to index
          %get3A_1114 = arith.constant 176 : index
          %get3A_1115 = tpu.vector_load %arg6[%get3A_1112, %get3A_1113, %get3A_1114] {strides = array<i32>} : memref<3x112x256xf32, #tpu.memory_space<vmem>>, vector<1x1x16xf32>,
          %get3A_1116 = vector.shape_cast %get3A_1115 : vector<1x1x16xf32> to vector<16xf32>
          %mul3A_1117 = arith.constant 7 : i32
          %mul3A_1118 = arith.muli %scan3A_180, %mul3A_1117 : i32
          %add3A_1119 = arith.constant 4 : i32
          %add3A_1120 = arith.addi %mul3A_1118, %add3A_1119 : i32
          %get3A_1121 = arith.constant 1 : i32
          %get3A_1122 = arith.index_cast %get3A_1121 : i32 to index
          %get3A_1123 = arith.index_cast %add3A_1120 : i32 to index
          %get3A_1124 = arith.constant 176 : index
          %get3A_1125 = tpu.vector_load %arg6[%get3A_1122, %get3A_1123, %get3A_1124] {strides = array<i32>} : memref<3x112x256xf32, #tpu.memory_space<vmem>>, vector<1x1x16xf32>,
          %get3A_1126 = vector.shape_cast %get3A_1125 : vector<1x1x16xf32> to vector<16xf32>
          %mul3A_1127 = arith.constant 7 : i32
          %mul3A_1128 = arith.muli %scan3A_180, %mul3A_1127 : i32
          %add3A_1129 = arith.constant 5 : i32
          %add3A_1130 = arith.addi %mul3A_1128, %add3A_1129 : i32
          %get3A_1131 = arith.constant 1 : i32
          %get3A_1132 = arith.index_cast %get3A_1131 : i32 to index
          %get3A_1133 = arith.index_cast %add3A_1130 : i32 to index
          %get3A_1134 = arith.constant 176 : index
          %get3A_1135 = tpu.vector_load %arg6[%get3A_1132, %get3A_1133, %get3A_1134] {strides = array<i32>} : memref<3x112x256xf32, #tpu.memory_space<vmem>>, vector<1x1x16xf32>,
          %get3A_1136 = vector.shape_cast %get3A_1135 : vector<1x1x16xf32> to vector<16xf32>
          %mul3A_1137 = arith.constant 7 : i32
          %mul3A_1138 = arith.muli %scan3A_180, %mul3A_1137 : i32
          %add3A_1139 = arith.constant 6 : i32
          %add3A_1140 = arith.addi %mul3A_1138, %add3A_1139 : i32
          %get3A_1141 = arith.constant 1 : i32
          %get3A_1142 = arith.index_cast %get3A_1141 : i32 to index
          %get3A_1143 = arith.index_cast %add3A_1140 : i32 to index
          %get3A_1144 = arith.constant 176 : index
          %get3A_1145 = tpu.vector_load %arg6[%get3A_1142, %get3A_1143, %get3A_1144] {strides = array<i32>} : memref<3x112x256xf32, #tpu.memory_space<vmem>>, vector<1x1x16xf32>,
          %get3A_1146 = vector.shape_cast %get3A_1145 : vector<1x1x16xf32> to vector<16xf32>
          %add3A_1147 = arith.addf %get3A_876, %get3A_886 : vector<16xf32>
          %add3A_1148 = arith.addf %get3A_896, %get3A_906 : vector<16xf32>
          %add3A_1149 = arith.addf %add3A_1147, %add3A_1148 : vector<16xf32>
          %add3A_1150 = arith.addf %get3A_916, %get3A_926 : vector<16xf32>
          %add3A_1151 = arith.addf %add3A_1150, %get3A_936 : vector<16xf32>
          %add3A_1152 = arith.addf %add3A_1149, %add3A_1151 : vector<16xf32>
          %mul3A_1153 = arith.constant 0.142857149 : f32
          %mul3A_1154 = vector.broadcast %mul3A_1153 : f32 to vector<16xf32>
          %mul3A_1155 = arith.mulf %add3A_1152, %mul3A_1154 : vector<16xf32>
          %swap3A_1156 = arith.constant 1 : i32
          %swap3A_1157 = arith.index_cast %swap3A_1156 : i32 to index
          %swap3A_1158 = arith.index_cast %scan3A_180 : i32 to index
          %swap3A_1159 = arith.constant 128 : index
          %swap3A_1160 = tpu.vector_load %arg7[%swap3A_1157, %swap3A_1158, %swap3A_1159] {strides = array<i32>} : memref<3x16x256xf32, #tpu.memory_space<vmem>>, vector<1x1x16xf32>,
          %swap3A_1161 = vector.shape_cast %swap3A_1160 : vector<1x1x16xf32> to vector<16xf32>
          %swap3A_1162 = vector.shape_cast %mul3A_1155 : vector<16xf32> to vector<1x1x16xf32>
          tpu.vector_store %arg7[%swap3A_1157, %swap3A_1158, %swap3A_1159], %swap3A_1162 {strides = array<i32>} : memref<3x16x256xf32, #tpu.memory_space<vmem>>, vector<1x1x16xf32>,
          %add3A_1163 = arith.addf %get3A_946, %get3A_956 : vector<16xf32>
          %add3A_1164 = arith.addf %get3A_966, %get3A_976 : vector<16xf32>
          %add3A_1165 = arith.addf %add3A_1163, %add3A_1164 : vector<16xf32>
          %add3A_1166 = arith.addf %get3A_986, %get3A_996 : vector<16xf32>
          %add3A_1167 = arith.addf %add3A_1166, %get3A_1006 : vector<16xf32>
          %add3A_1168 = arith.addf %add3A_1165, %add3A_1167 : vector<16xf32>
          %mul3A_1169 = arith.constant 0.142857149 : f32
          %mul3A_1170 = vector.broadcast %mul3A_1169 : f32 to vector<16xf32>
          %mul3A_1171 = arith.mulf %add3A_1168, %mul3A_1170 : vector<16xf32>
          %swap3A_1172 = arith.constant 1 : i32
          %swap3A_1173 = arith.index_cast %swap3A_1172 : i32 to index
          %swap3A_1174 = arith.index_cast %scan3A_180 : i32 to index
          %swap3A_1175 = arith.constant 144 : index
          %swap3A_1176 = tpu.vector_load %arg7[%swap3A_1173, %swap3A_1174, %swap3A_1175] {strides = array<i32>} : memref<3x16x256xf32, #tpu.memory_space<vmem>>, vector<1x1x16xf32>,
          %swap3A_1177 = vector.shape_cast %swap3A_1176 : vector<1x1x16xf32> to vector<16xf32>
          %swap3A_1178 = vector.shape_cast %mul3A_1171 : vector<16xf32> to vector<1x1x16xf32>
          tpu.vector_store %arg7[%swap3A_1173, %swap3A_1174, %swap3A_1175], %swap3A_1178 {strides = array<i32>} : memref<3x16x256xf32, #tpu.memory_space<vmem>>, vector<1x1x16xf32>,
          %add3A_1179 = arith.addf %get3A_1016, %get3A_1026 : vector<16xf32>
          %add3A_1180 = arith.addf %get3A_1036, %get3A_1046 : vector<16xf32>
          %add3A_1181 = arith.addf %add3A_1179, %add3A_1180 : vector<16xf32>
          %add3A_1182 = arith.addf %get3A_1056, %get3A_1066 : vector<16xf32>
          %add3A_1183 = arith.addf %add3A_1182, %get3A_1076 : vector<16xf32>
          %add3A_1184 = arith.addf %add3A_1181, %add3A_1183 : vector<16xf32>
          %mul3A_1185 = arith.constant 0.142857149 : f32
          %mul3A_1186 = vector.broadcast %mul3A_1185 : f32 to vector<16xf32>
          %mul3A_1187 = arith.mulf %add3A_1184, %mul3A_1186 : vector<16xf32>
          %swap3A_1188 = arith.constant 1 : i32
          %swap3A_1189 = arith.index_cast %swap3A_1188 : i32 to index
          %swap3A_1190 = arith.index_cast %scan3A_180 : i32 to index
          %swap3A_1191 = arith.constant 160 : index
          %swap3A_1192 = tpu.vector_load %arg7[%swap3A_1189, %swap3A_1190, %swap3A_1191] {strides = array<i32>} : memref<3x16x256xf32, #tpu.memory_space<vmem>>, vector<1x1x16xf32>,
          %swap3A_1193 = vector.shape_cast %swap3A_1192 : vector<1x1x16xf32> to vector<16xf32>
          %swap3A_1194 = vector.shape_cast %mul3A_1187 : vector<16xf32> to vector<1x1x16xf32>
          tpu.vector_store %arg7[%swap3A_1189, %swap3A_1190, %swap3A_1191], %swap3A_1194 {strides = array<i32>} : memref<3x16x256xf32, #tpu.memory_space<vmem>>, vector<1x1x16xf32>,
          %add3A_1195 = arith.addf %get3A_1086, %get3A_1096 : vector<16xf32>
          %add3A_1196 = arith.addf %get3A_1106, %get3A_1116 : vector<16xf32>
          %add3A_1197 = arith.addf %add3A_1195, %add3A_1196 : vector<16xf32>
          %add3A_1198 = arith.addf %get3A_1126, %get3A_1136 : vector<16xf32>
          %add3A_1199 = arith.addf %add3A_1198, %get3A_1146 : vector<16xf32>
          %add3A_1200 = arith.addf %add3A_1197, %add3A_1199 : vector<16xf32>
          %mul3A_1201 = arith.constant 0.142857149 : f32
          %mul3A_1202 = vector.broadcast %mul3A_1201 : f32 to vector<16xf32>
          %mul3A_1203 = arith.mulf %add3A_1200, %mul3A_1202 : vector<16xf32>
          %swap3A_1204 = arith.constant 1 : i32
          %swap3A_1205 = arith.index_cast %swap3A_1204 : i32 to index
          %swap3A_1206 = arith.index_cast %scan3A_180 : i32 to index
          %swap3A_1207 = arith.constant 176 : index
          %swap3A_1208 = tpu.vector_load %arg7[%swap3A_1205, %swap3A_1206, %swap3A_1207] {strides = array<i32>} : memref<3x16x256xf32, #tpu.memory_space<vmem>>, vector<1x1x16xf32>,
          %swap3A_1209 = vector.shape_cast %swap3A_1208 : vector<1x1x16xf32> to vector<16xf32>
          %swap3A_1210 = vector.shape_cast %mul3A_1203 : vector<16xf32> to vector<1x1x16xf32>
          tpu.vector_store %arg7[%swap3A_1205, %swap3A_1206, %swap3A_1207], %swap3A_1210 {strides = array<i32>} : memref<3x16x256xf32, #tpu.memory_space<vmem>>, vector<1x1x16xf32>,
          %mul3A_1211 = arith.constant 7 : i32
          %mul3A_1212 = arith.muli %scan3A_180, %mul3A_1211 : i32
          %add3A_1213 = arith.constant 0 : i32
          %add3A_1214 = arith.addi %mul3A_1212, %add3A_1213 : i32
          %get3A_1215 = arith.constant 1 : i32
          %get3A_1216 = arith.index_cast %get3A_1215 : i32 to index
          %get3A_1217 = arith.index_cast %add3A_1214 : i32 to index
          %get3A_1218 = arith.constant 192 : index
          %get3A_1219 = tpu.vector_load %arg6[%get3A_1216, %get3A_1217, %get3A_1218] {strides = array<i32>} : memref<3x112x256xf32, #tpu.memory_space<vmem>>, vector<1x1x16xf32>,
          %get3A_1220 = vector.shape_cast %get3A_1219 : vector<1x1x16xf32> to vector<16xf32>
          %mul3A_1221 = arith.constant 7 : i32
          %mul3A_1222 = arith.muli %scan3A_180, %mul3A_1221 : i32
          %add3A_1223 = arith.constant 1 : i32
          %add3A_1224 = arith.addi %mul3A_1222, %add3A_1223 : i32
          %get3A_1225 = arith.constant 1 : i32
          %get3A_1226 = arith.index_cast %get3A_1225 : i32 to index
          %get3A_1227 = arith.index_cast %add3A_1224 : i32 to index
          %get3A_1228 = arith.constant 192 : index
          %get3A_1229 = tpu.vector_load %arg6[%get3A_1226, %get3A_1227, %get3A_1228] {strides = array<i32>} : memref<3x112x256xf32, #tpu.memory_space<vmem>>, vector<1x1x16xf32>,
          %get3A_1230 = vector.shape_cast %get3A_1229 : vector<1x1x16xf32> to vector<16xf32>
          %mul3A_1231 = arith.constant 7 : i32
          %mul3A_1232 = arith.muli %scan3A_180, %mul3A_1231 : i32
          %add3A_1233 = arith.constant 2 : i32
          %add3A_1234 = arith.addi %mul3A_1232, %add3A_1233 : i32
          %get3A_1235 = arith.constant 1 : i32
          %get3A_1236 = arith.index_cast %get3A_1235 : i32 to index
          %get3A_1237 = arith.index_cast %add3A_1234 : i32 to index
          %get3A_1238 = arith.constant 192 : index
          %get3A_1239 = tpu.vector_load %arg6[%get3A_1236, %get3A_1237, %get3A_1238] {strides = array<i32>} : memref<3x112x256xf32, #tpu.memory_space<vmem>>, vector<1x1x16xf32>,
          %get3A_1240 = vector.shape_cast %get3A_1239 : vector<1x1x16xf32> to vector<16xf32>
          %mul3A_1241 = arith.constant 7 : i32
          %mul3A_1242 = arith.muli %scan3A_180, %mul3A_1241 : i32
          %add3A_1243 = arith.constant 3 : i32
          %add3A_1244 = arith.addi %mul3A_1242, %add3A_1243 : i32
          %get3A_1245 = arith.constant 1 : i32
          %get3A_1246 = arith.index_cast %get3A_1245 : i32 to index
          %get3A_1247 = arith.index_cast %add3A_1244 : i32 to index
          %get3A_1248 = arith.constant 192 : index
          %get3A_1249 = tpu.vector_load %arg6[%get3A_1246, %get3A_1247, %get3A_1248] {strides = array<i32>} : memref<3x112x256xf32, #tpu.memory_space<vmem>>, vector<1x1x16xf32>,
          %get3A_1250 = vector.shape_cast %get3A_1249 : vector<1x1x16xf32> to vector<16xf32>
          %mul3A_1251 = arith.constant 7 : i32
          %mul3A_1252 = arith.muli %scan3A_180, %mul3A_1251 : i32
          %add3A_1253 = arith.constant 4 : i32
          %add3A_1254 = arith.addi %mul3A_1252, %add3A_1253 : i32
          %get3A_1255 = arith.constant 1 : i32
          %get3A_1256 = arith.index_cast %get3A_1255 : i32 to index
          %get3A_1257 = arith.index_cast %add3A_1254 : i32 to index
          %get3A_1258 = arith.constant 192 : index
          %get3A_1259 = tpu.vector_load %arg6[%get3A_1256, %get3A_1257, %get3A_1258] {strides = array<i32>} : memref<3x112x256xf32, #tpu.memory_space<vmem>>, vector<1x1x16xf32>,
          %get3A_1260 = vector.shape_cast %get3A_1259 : vector<1x1x16xf32> to vector<16xf32>
          %mul3A_1261 = arith.constant 7 : i32
          %mul3A_1262 = arith.muli %scan3A_180, %mul3A_1261 : i32
          %add3A_1263 = arith.constant 5 : i32
          %add3A_1264 = arith.addi %mul3A_1262, %add3A_1263 : i32
          %get3A_1265 = arith.constant 1 : i32
          %get3A_1266 = arith.index_cast %get3A_1265 : i32 to index
          %get3A_1267 = arith.index_cast %add3A_1264 : i32 to index
          %get3A_1268 = arith.constant 192 : index
          %get3A_1269 = tpu.vector_load %arg6[%get3A_1266, %get3A_1267, %get3A_1268] {strides = array<i32>} : memref<3x112x256xf32, #tpu.memory_space<vmem>>, vector<1x1x16xf32>,
          %get3A_1270 = vector.shape_cast %get3A_1269 : vector<1x1x16xf32> to vector<16xf32>
          %mul3A_1271 = arith.constant 7 : i32
          %mul3A_1272 = arith.muli %scan3A_180, %mul3A_1271 : i32
          %add3A_1273 = arith.constant 6 : i32
          %add3A_1274 = arith.addi %mul3A_1272, %add3A_1273 : i32
          %get3A_1275 = arith.constant 1 : i32
          %get3A_1276 = arith.index_cast %get3A_1275 : i32 to index
          %get3A_1277 = arith.index_cast %add3A_1274 : i32 to index
          %get3A_1278 = arith.constant 192 : index
          %get3A_1279 = tpu.vector_load %arg6[%get3A_1276, %get3A_1277, %get3A_1278] {strides = array<i32>} : memref<3x112x256xf32, #tpu.memory_space<vmem>>, vector<1x1x16xf32>,
          %get3A_1280 = vector.shape_cast %get3A_1279 : vector<1x1x16xf32> to vector<16xf32>
          %mul3A_1281 = arith.constant 7 : i32
          %mul3A_1282 = arith.muli %scan3A_180, %mul3A_1281 : i32
          %add3A_1283 = arith.constant 0 : i32
          %add3A_1284 = arith.addi %mul3A_1282, %add3A_1283 : i32
          %get3A_1285 = arith.constant 1 : i32
          %get3A_1286 = arith.index_cast %get3A_1285 : i32 to index
          %get3A_1287 = arith.index_cast %add3A_1284 : i32 to index
          %get3A_1288 = arith.constant 208 : index
          %get3A_1289 = tpu.vector_load %arg6[%get3A_1286, %get3A_1287, %get3A_1288] {strides = array<i32>} : memref<3x112x256xf32, #tpu.memory_space<vmem>>, vector<1x1x16xf32>,
          %get3A_1290 = vector.shape_cast %get3A_1289 : vector<1x1x16xf32> to vector<16xf32>
          %mul3A_1291 = arith.constant 7 : i32
          %mul3A_1292 = arith.muli %scan3A_180, %mul3A_1291 : i32
          %add3A_1293 = arith.constant 1 : i32
          %add3A_1294 = arith.addi %mul3A_1292, %add3A_1293 : i32
          %get3A_1295 = arith.constant 1 : i32
          %get3A_1296 = arith.index_cast %get3A_1295 : i32 to index
          %get3A_1297 = arith.index_cast %add3A_1294 : i32 to index
          %get3A_1298 = arith.constant 208 : index
          %get3A_1299 = tpu.vector_load %arg6[%get3A_1296, %get3A_1297, %get3A_1298] {strides = array<i32>} : memref<3x112x256xf32, #tpu.memory_space<vmem>>, vector<1x1x16xf32>,
          %get3A_1300 = vector.shape_cast %get3A_1299 : vector<1x1x16xf32> to vector<16xf32>
          %mul3A_1301 = arith.constant 7 : i32
          %mul3A_1302 = arith.muli %scan3A_180, %mul3A_1301 : i32
          %add3A_1303 = arith.constant 2 : i32
          %add3A_1304 = arith.addi %mul3A_1302, %add3A_1303 : i32
          %get3A_1305 = arith.constant 1 : i32
          %get3A_1306 = arith.index_cast %get3A_1305 : i32 to index
          %get3A_1307 = arith.index_cast %add3A_1304 : i32 to index
          %get3A_1308 = arith.constant 208 : index
          %get3A_1309 = tpu.vector_load %arg6[%get3A_1306, %get3A_1307, %get3A_1308] {strides = array<i32>} : memref<3x112x256xf32, #tpu.memory_space<vmem>>, vector<1x1x16xf32>,
          %get3A_1310 = vector.shape_cast %get3A_1309 : vector<1x1x16xf32> to vector<16xf32>
          %mul3A_1311 = arith.constant 7 : i32
          %mul3A_1312 = arith.muli %scan3A_180, %mul3A_1311 : i32
          %add3A_1313 = arith.constant 3 : i32
          %add3A_1314 = arith.addi %mul3A_1312, %add3A_1313 : i32
          %get3A_1315 = arith.constant 1 : i32
          %get3A_1316 = arith.index_cast %get3A_1315 : i32 to index
          %get3A_1317 = arith.index_cast %add3A_1314 : i32 to index
          %get3A_1318 = arith.constant 208 : index
          %get3A_1319 = tpu.vector_load %arg6[%get3A_1316, %get3A_1317, %get3A_1318] {strides = array<i32>} : memref<3x112x256xf32, #tpu.memory_space<vmem>>, vector<1x1x16xf32>,
          %get3A_1320 = vector.shape_cast %get3A_1319 : vector<1x1x16xf32> to vector<16xf32>
          %mul3A_1321 = arith.constant 7 : i32
          %mul3A_1322 = arith.muli %scan3A_180, %mul3A_1321 : i32
          %add3A_1323 = arith.constant 4 : i32
          %add3A_1324 = arith.addi %mul3A_1322, %add3A_1323 : i32
          %get3A_1325 = arith.constant 1 : i32
          %get3A_1326 = arith.index_cast %get3A_1325 : i32 to index
          %get3A_1327 = arith.index_cast %add3A_1324 : i32 to index
          %get3A_1328 = arith.constant 208 : index
          %get3A_1329 = tpu.vector_load %arg6[%get3A_1326, %get3A_1327, %get3A_1328] {strides = array<i32>} : memref<3x112x256xf32, #tpu.memory_space<vmem>>, vector<1x1x16xf32>,
          %get3A_1330 = vector.shape_cast %get3A_1329 : vector<1x1x16xf32> to vector<16xf32>
          %mul3A_1331 = arith.constant 7 : i32
          %mul3A_1332 = arith.muli %scan3A_180, %mul3A_1331 : i32
          %add3A_1333 = arith.constant 5 : i32
          %add3A_1334 = arith.addi %mul3A_1332, %add3A_1333 : i32
          %get3A_1335 = arith.constant 1 : i32
          %get3A_1336 = arith.index_cast %get3A_1335 : i32 to index
          %get3A_1337 = arith.index_cast %add3A_1334 : i32 to index
          %get3A_1338 = arith.constant 208 : index
          %get3A_1339 = tpu.vector_load %arg6[%get3A_1336, %get3A_1337, %get3A_1338] {strides = array<i32>} : memref<3x112x256xf32, #tpu.memory_space<vmem>>, vector<1x1x16xf32>,
          %get3A_1340 = vector.shape_cast %get3A_1339 : vector<1x1x16xf32> to vector<16xf32>
          %mul3A_1341 = arith.constant 7 : i32
          %mul3A_1342 = arith.muli %scan3A_180, %mul3A_1341 : i32
          %add3A_1343 = arith.constant 6 : i32
          %add3A_1344 = arith.addi %mul3A_1342, %add3A_1343 : i32
          %get3A_1345 = arith.constant 1 : i32
          %get3A_1346 = arith.index_cast %get3A_1345 : i32 to index
          %get3A_1347 = arith.index_cast %add3A_1344 : i32 to index
          %get3A_1348 = arith.constant 208 : index
          %get3A_1349 = tpu.vector_load %arg6[%get3A_1346, %get3A_1347, %get3A_1348] {strides = array<i32>} : memref<3x112x256xf32, #tpu.memory_space<vmem>>, vector<1x1x16xf32>,
          %get3A_1350 = vector.shape_cast %get3A_1349 : vector<1x1x16xf32> to vector<16xf32>
          %mul3A_1351 = arith.constant 7 : i32
          %mul3A_1352 = arith.muli %scan3A_180, %mul3A_1351 : i32
          %add3A_1353 = arith.constant 0 : i32
          %add3A_1354 = arith.addi %mul3A_1352, %add3A_1353 : i32
          %get3A_1355 = arith.constant 1 : i32
          %get3A_1356 = arith.index_cast %get3A_1355 : i32 to index
          %get3A_1357 = arith.index_cast %add3A_1354 : i32 to index
          %get3A_1358 = arith.constant 224 : index
          %get3A_1359 = tpu.vector_load %arg6[%get3A_1356, %get3A_1357, %get3A_1358] {strides = array<i32>} : memref<3x112x256xf32, #tpu.memory_space<vmem>>, vector<1x1x16xf32>,
          %get3A_1360 = vector.shape_cast %get3A_1359 : vector<1x1x16xf32> to vector<16xf32>
          %mul3A_1361 = arith.constant 7 : i32
          %mul3A_1362 = arith.muli %scan3A_180, %mul3A_1361 : i32
          %add3A_1363 = arith.constant 1 : i32
          %add3A_1364 = arith.addi %mul3A_1362, %add3A_1363 : i32
          %get3A_1365 = arith.constant 1 : i32
          %get3A_1366 = arith.index_cast %get3A_1365 : i32 to index
          %get3A_1367 = arith.index_cast %add3A_1364 : i32 to index
          %get3A_1368 = arith.constant 224 : index
          %get3A_1369 = tpu.vector_load %arg6[%get3A_1366, %get3A_1367, %get3A_1368] {strides = array<i32>} : memref<3x112x256xf32, #tpu.memory_space<vmem>>, vector<1x1x16xf32>,
          %get3A_1370 = vector.shape_cast %get3A_1369 : vector<1x1x16xf32> to vector<16xf32>
          %mul3A_1371 = arith.constant 7 : i32
          %mul3A_1372 = arith.muli %scan3A_180, %mul3A_1371 : i32
          %add3A_1373 = arith.constant 2 : i32
          %add3A_1374 = arith.addi %mul3A_1372, %add3A_1373 : i32
          %get3A_1375 = arith.constant 1 : i32
          %get3A_1376 = arith.index_cast %get3A_1375 : i32 to index
          %get3A_1377 = arith.index_cast %add3A_1374 : i32 to index
          %get3A_1378 = arith.constant 224 : index
          %get3A_1379 = tpu.vector_load %arg6[%get3A_1376, %get3A_1377, %get3A_1378] {strides = array<i32>} : memref<3x112x256xf32, #tpu.memory_space<vmem>>, vector<1x1x16xf32>,
          %get3A_1380 = vector.shape_cast %get3A_1379 : vector<1x1x16xf32> to vector<16xf32>
          %mul3A_1381 = arith.constant 7 : i32
          %mul3A_1382 = arith.muli %scan3A_180, %mul3A_1381 : i32
          %add3A_1383 = arith.constant 3 : i32
          %add3A_1384 = arith.addi %mul3A_1382, %add3A_1383 : i32
          %get3A_1385 = arith.constant 1 : i32
          %get3A_1386 = arith.index_cast %get3A_1385 : i32 to index
          %get3A_1387 = arith.index_cast %add3A_1384 : i32 to index
          %get3A_1388 = arith.constant 224 : index
          %get3A_1389 = tpu.vector_load %arg6[%get3A_1386, %get3A_1387, %get3A_1388] {strides = array<i32>} : memref<3x112x256xf32, #tpu.memory_space<vmem>>, vector<1x1x16xf32>,
          %get3A_1390 = vector.shape_cast %get3A_1389 : vector<1x1x16xf32> to vector<16xf32>
          %mul3A_1391 = arith.constant 7 : i32
          %mul3A_1392 = arith.muli %scan3A_180, %mul3A_1391 : i32
          %add3A_1393 = arith.constant 4 : i32
          %add3A_1394 = arith.addi %mul3A_1392, %add3A_1393 : i32
          %get3A_1395 = arith.constant 1 : i32
          %get3A_1396 = arith.index_cast %get3A_1395 : i32 to index
          %get3A_1397 = arith.index_cast %add3A_1394 : i32 to index
          %get3A_1398 = arith.constant 224 : index
          %get3A_1399 = tpu.vector_load %arg6[%get3A_1396, %get3A_1397, %get3A_1398] {strides = array<i32>} : memref<3x112x256xf32, #tpu.memory_space<vmem>>, vector<1x1x16xf32>,
          %get3A_1400 = vector.shape_cast %get3A_1399 : vector<1x1x16xf32> to vector<16xf32>
          %mul3A_1401 = arith.constant 7 : i32
          %mul3A_1402 = arith.muli %scan3A_180, %mul3A_1401 : i32
          %add3A_1403 = arith.constant 5 : i32
          %add3A_1404 = arith.addi %mul3A_1402, %add3A_1403 : i32
          %get3A_1405 = arith.constant 1 : i32
          %get3A_1406 = arith.index_cast %get3A_1405 : i32 to index
          %get3A_1407 = arith.index_cast %add3A_1404 : i32 to index
          %get3A_1408 = arith.constant 224 : index
          %get3A_1409 = tpu.vector_load %arg6[%get3A_1406, %get3A_1407, %get3A_1408] {strides = array<i32>} : memref<3x112x256xf32, #tpu.memory_space<vmem>>, vector<1x1x16xf32>,
          %get3A_1410 = vector.shape_cast %get3A_1409 : vector<1x1x16xf32> to vector<16xf32>
          %mul3A_1411 = arith.constant 7 : i32
          %mul3A_1412 = arith.muli %scan3A_180, %mul3A_1411 : i32
          %add3A_1413 = arith.constant 6 : i32
          %add3A_1414 = arith.addi %mul3A_1412, %add3A_1413 : i32
          %get3A_1415 = arith.constant 1 : i32
          %get3A_1416 = arith.index_cast %get3A_1415 : i32 to index
          %get3A_1417 = arith.index_cast %add3A_1414 : i32 to index
          %get3A_1418 = arith.constant 224 : index
          %get3A_1419 = tpu.vector_load %arg6[%get3A_1416, %get3A_1417, %get3A_1418] {strides = array<i32>} : memref<3x112x256xf32, #tpu.memory_space<vmem>>, vector<1x1x16xf32>,
          %get3A_1420 = vector.shape_cast %get3A_1419 : vector<1x1x16xf32> to vector<16xf32>
          %mul3A_1421 = arith.constant 7 : i32
          %mul3A_1422 = arith.muli %scan3A_180, %mul3A_1421 : i32
          %add3A_1423 = arith.constant 0 : i32
          %add3A_1424 = arith.addi %mul3A_1422, %add3A_1423 : i32
          %get3A_1425 = arith.constant 1 : i32
          %get3A_1426 = arith.index_cast %get3A_1425 : i32 to index
          %get3A_1427 = arith.index_cast %add3A_1424 : i32 to index
          %get3A_1428 = arith.constant 240 : index
          %get3A_1429 = tpu.vector_load %arg6[%get3A_1426, %get3A_1427, %get3A_1428] {strides = array<i32>} : memref<3x112x256xf32, #tpu.memory_space<vmem>>, vector<1x1x16xf32>,
          %get3A_1430 = vector.shape_cast %get3A_1429 : vector<1x1x16xf32> to vector<16xf32>
          %mul3A_1431 = arith.constant 7 : i32
          %mul3A_1432 = arith.muli %scan3A_180, %mul3A_1431 : i32
          %add3A_1433 = arith.constant 1 : i32
          %add3A_1434 = arith.addi %mul3A_1432, %add3A_1433 : i32
          %get3A_1435 = arith.constant 1 : i32
          %get3A_1436 = arith.index_cast %get3A_1435 : i32 to index
          %get3A_1437 = arith.index_cast %add3A_1434 : i32 to index
          %get3A_1438 = arith.constant 240 : index
          %get3A_1439 = tpu.vector_load %arg6[%get3A_1436, %get3A_1437, %get3A_1438] {strides = array<i32>} : memref<3x112x256xf32, #tpu.memory_space<vmem>>, vector<1x1x16xf32>,
          %get3A_1440 = vector.shape_cast %get3A_1439 : vector<1x1x16xf32> to vector<16xf32>
          %mul3A_1441 = arith.constant 7 : i32
          %mul3A_1442 = arith.muli %scan3A_180, %mul3A_1441 : i32
          %add3A_1443 = arith.constant 2 : i32
          %add3A_1444 = arith.addi %mul3A_1442, %add3A_1443 : i32
          %get3A_1445 = arith.constant 1 : i32
          %get3A_1446 = arith.index_cast %get3A_1445 : i32 to index
          %get3A_1447 = arith.index_cast %add3A_1444 : i32 to index
          %get3A_1448 = arith.constant 240 : index
          %get3A_1449 = tpu.vector_load %arg6[%get3A_1446, %get3A_1447, %get3A_1448] {strides = array<i32>} : memref<3x112x256xf32, #tpu.memory_space<vmem>>, vector<1x1x16xf32>,
          %get3A_1450 = vector.shape_cast %get3A_1449 : vector<1x1x16xf32> to vector<16xf32>
          %mul3A_1451 = arith.constant 7 : i32
          %mul3A_1452 = arith.muli %scan3A_180, %mul3A_1451 : i32
          %add3A_1453 = arith.constant 3 : i32
          %add3A_1454 = arith.addi %mul3A_1452, %add3A_1453 : i32
          %get3A_1455 = arith.constant 1 : i32
          %get3A_1456 = arith.index_cast %get3A_1455 : i32 to index
          %get3A_1457 = arith.index_cast %add3A_1454 : i32 to index
          %get3A_1458 = arith.constant 240 : index
          %get3A_1459 = tpu.vector_load %arg6[%get3A_1456, %get3A_1457, %get3A_1458] {strides = array<i32>} : memref<3x112x256xf32, #tpu.memory_space<vmem>>, vector<1x1x16xf32>,
          %get3A_1460 = vector.shape_cast %get3A_1459 : vector<1x1x16xf32> to vector<16xf32>
          %mul3A_1461 = arith.constant 7 : i32
          %mul3A_1462 = arith.muli %scan3A_180, %mul3A_1461 : i32
          %add3A_1463 = arith.constant 4 : i32
          %add3A_1464 = arith.addi %mul3A_1462, %add3A_1463 : i32
          %get3A_1465 = arith.constant 1 : i32
          %get3A_1466 = arith.index_cast %get3A_1465 : i32 to index
          %get3A_1467 = arith.index_cast %add3A_1464 : i32 to index
          %get3A_1468 = arith.constant 240 : index
          %get3A_1469 = tpu.vector_load %arg6[%get3A_1466, %get3A_1467, %get3A_1468] {strides = array<i32>} : memref<3x112x256xf32, #tpu.memory_space<vmem>>, vector<1x1x16xf32>,
          %get3A_1470 = vector.shape_cast %get3A_1469 : vector<1x1x16xf32> to vector<16xf32>
          %mul3A_1471 = arith.constant 7 : i32
          %mul3A_1472 = arith.muli %scan3A_180, %mul3A_1471 : i32
          %add3A_1473 = arith.constant 5 : i32
          %add3A_1474 = arith.addi %mul3A_1472, %add3A_1473 : i32
          %get3A_1475 = arith.constant 1 : i32
          %get3A_1476 = arith.index_cast %get3A_1475 : i32 to index
          %get3A_1477 = arith.index_cast %add3A_1474 : i32 to index
          %get3A_1478 = arith.constant 240 : index
          %get3A_1479 = tpu.vector_load %arg6[%get3A_1476, %get3A_1477, %get3A_1478] {strides = array<i32>} : memref<3x112x256xf32, #tpu.memory_space<vmem>>, vector<1x1x16xf32>,
          %get3A_1480 = vector.shape_cast %get3A_1479 : vector<1x1x16xf32> to vector<16xf32>
          %mul3A_1481 = arith.constant 7 : i32
          %mul3A_1482 = arith.muli %scan3A_180, %mul3A_1481 : i32
          %add3A_1483 = arith.constant 6 : i32
          %add3A_1484 = arith.addi %mul3A_1482, %add3A_1483 : i32
          %get3A_1485 = arith.constant 1 : i32
          %get3A_1486 = arith.index_cast %get3A_1485 : i32 to index
          %get3A_1487 = arith.index_cast %add3A_1484 : i32 to index
          %get3A_1488 = arith.constant 240 : index
          %get3A_1489 = tpu.vector_load %arg6[%get3A_1486, %get3A_1487, %get3A_1488] {strides = array<i32>} : memref<3x112x256xf32, #tpu.memory_space<vmem>>, vector<1x1x16xf32>,
          %get3A_1490 = vector.shape_cast %get3A_1489 : vector<1x1x16xf32> to vector<16xf32>
          %add3A_1491 = arith.addf %get3A_1220, %get3A_1230 : vector<16xf32>
          %add3A_1492 = arith.addf %get3A_1240, %get3A_1250 : vector<16xf32>
          %add3A_1493 = arith.addf %add3A_1491, %add3A_1492 : vector<16xf32>
          %add3A_1494 = arith.addf %get3A_1260, %get3A_1270 : vector<16xf32>
          %add3A_1495 = arith.addf %add3A_1494, %get3A_1280 : vector<16xf32>
          %add3A_1496 = arith.addf %add3A_1493, %add3A_1495 : vector<16xf32>
          %mul3A_1497 = arith.constant 0.142857149 : f32
          %mul3A_1498 = vector.broadcast %mul3A_1497 : f32 to vector<16xf32>
          %mul3A_1499 = arith.mulf %add3A_1496, %mul3A_1498 : vector<16xf32>
          %swap3A_1500 = arith.constant 1 : i32
          %swap3A_1501 = arith.index_cast %swap3A_1500 : i32 to index
          %swap3A_1502 = arith.index_cast %scan3A_180 : i32 to index
          %swap3A_1503 = arith.constant 192 : index
          %swap3A_1504 = tpu.vector_load %arg7[%swap3A_1501, %swap3A_1502, %swap3A_1503] {strides = array<i32>} : memref<3x16x256xf32, #tpu.memory_space<vmem>>, vector<1x1x16xf32>,
          %swap3A_1505 = vector.shape_cast %swap3A_1504 : vector<1x1x16xf32> to vector<16xf32>
          %swap3A_1506 = vector.shape_cast %mul3A_1499 : vector<16xf32> to vector<1x1x16xf32>
          tpu.vector_store %arg7[%swap3A_1501, %swap3A_1502, %swap3A_1503], %swap3A_1506 {strides = array<i32>} : memref<3x16x256xf32, #tpu.memory_space<vmem>>, vector<1x1x16xf32>,
          %add3A_1507 = arith.addf %get3A_1290, %get3A_1300 : vector<16xf32>
          %add3A_1508 = arith.addf %get3A_1310, %get3A_1320 : vector<16xf32>
          %add3A_1509 = arith.addf %add3A_1507, %add3A_1508 : vector<16xf32>
          %add3A_1510 = arith.addf %get3A_1330, %get3A_1340 : vector<16xf32>
          %add3A_1511 = arith.addf %add3A_1510, %get3A_1350 : vector<16xf32>
          %add3A_1512 = arith.addf %add3A_1509, %add3A_1511 : vector<16xf32>
          %mul3A_1513 = arith.constant 0.142857149 : f32
          %mul3A_1514 = vector.broadcast %mul3A_1513 : f32 to vector<16xf32>
          %mul3A_1515 = arith.mulf %add3A_1512, %mul3A_1514 : vector<16xf32>
          %swap3A_1516 = arith.constant 1 : i32
          %swap3A_1517 = arith.index_cast %swap3A_1516 : i32 to index
          %swap3A_1518 = arith.index_cast %scan3A_180 : i32 to index
          %swap3A_1519 = arith.constant 208 : index
          %swap3A_1520 = tpu.vector_load %arg7[%swap3A_1517, %swap3A_1518, %swap3A_1519] {strides = array<i32>} : memref<3x16x256xf32, #tpu.memory_space<vmem>>, vector<1x1x16xf32>,
          %swap3A_1521 = vector.shape_cast %swap3A_1520 : vector<1x1x16xf32> to vector<16xf32>
          %swap3A_1522 = vector.shape_cast %mul3A_1515 : vector<16xf32> to vector<1x1x16xf32>
          tpu.vector_store %arg7[%swap3A_1517, %swap3A_1518, %swap3A_1519], %swap3A_1522 {strides = array<i32>} : memref<3x16x256xf32, #tpu.memory_space<vmem>>, vector<1x1x16xf32>,
          %add3A_1523 = arith.addf %get3A_1360, %get3A_1370 : vector<16xf32>
          %add3A_1524 = arith.addf %get3A_1380, %get3A_1390 : vector<16xf32>
          %add3A_1525 = arith.addf %add3A_1523, %add3A_1524 : vector<16xf32>
          %add3A_1526 = arith.addf %get3A_1400, %get3A_1410 : vector<16xf32>
          %add3A_1527 = arith.addf %add3A_1526, %get3A_1420 : vector<16xf32>
          %add3A_1528 = arith.addf %add3A_1525, %add3A_1527 : vector<16xf32>
          %mul3A_1529 = arith.constant 0.142857149 : f32
          %mul3A_1530 = vector.broadcast %mul3A_1529 : f32 to vector<16xf32>
          %mul3A_1531 = arith.mulf %add3A_1528, %mul3A_1530 : vector<16xf32>
          %swap3A_1532 = arith.constant 1 : i32
          %swap3A_1533 = arith.index_cast %swap3A_1532 : i32 to index
          %swap3A_1534 = arith.index_cast %scan3A_180 : i32 to index
          %swap3A_1535 = arith.constant 224 : index
          %swap3A_1536 = tpu.vector_load %arg7[%swap3A_1533, %swap3A_1534, %swap3A_1535] {strides = array<i32>} : memref<3x16x256xf32, #tpu.memory_space<vmem>>, vector<1x1x16xf32>,
          %swap3A_1537 = vector.shape_cast %swap3A_1536 : vector<1x1x16xf32> to vector<16xf32>
          %swap3A_1538 = vector.shape_cast %mul3A_1531 : vector<16xf32> to vector<1x1x16xf32>
          tpu.vector_store %arg7[%swap3A_1533, %swap3A_1534, %swap3A_1535], %swap3A_1538 {strides = array<i32>} : memref<3x16x256xf32, #tpu.memory_space<vmem>>, vector<1x1x16xf32>,
          %add3A_1539 = arith.addf %get3A_1430, %get3A_1440 : vector<16xf32>
          %add3A_1540 = arith.addf %get3A_1450, %get3A_1460 : vector<16xf32>
          %add3A_1541 = arith.addf %add3A_1539, %add3A_1540 : vector<16xf32>
          %add3A_1542 = arith.addf %get3A_1470, %get3A_1480 : vector<16xf32>
          %add3A_1543 = arith.addf %add3A_1542, %get3A_1490 : vector<16xf32>
          %add3A_1544 = arith.addf %add3A_1541, %add3A_1543 : vector<16xf32>
          %mul3A_1545 = arith.constant 0.142857149 : f32
          %mul3A_1546 = vector.broadcast %mul3A_1545 : f32 to vector<16xf32>
          %mul3A_1547 = arith.mulf %add3A_1544, %mul3A_1546 : vector<16xf32>
          %swap3A_1548 = arith.constant 1 : i32
          %swap3A_1549 = arith.index_cast %swap3A_1548 : i32 to index
          %swap3A_1550 = arith.index_cast %scan3A_180 : i32 to index
          %swap3A_1551 = arith.constant 240 : index
          %swap3A_1552 = tpu.vector_load %arg7[%swap3A_1549, %swap3A_1550, %swap3A_1551] {strides = array<i32>} : memref<3x16x256xf32, #tpu.memory_space<vmem>>, vector<1x1x16xf32>,
          %swap3A_1553 = vector.shape_cast %swap3A_1552 : vector<1x1x16xf32> to vector<16xf32>
          %swap3A_1554 = vector.shape_cast %mul3A_1547 : vector<16xf32> to vector<1x1x16xf32>
          tpu.vector_store %arg7[%swap3A_1549, %swap3A_1550, %swap3A_1551], %swap3A_1554 {strides = array<i32>} : memref<3x16x256xf32, #tpu.memory_space<vmem>>, vector<1x1x16xf32>,
        }
        %scan3A_168 = arith.constant 16 : i32
        %mul3A_169 = arith.constant 16 : i32
        %mul3A_170 = arith.muli %add3A_98, %mul3A_169 : i32
        %lt3A_171 = arith.constant 2560 : i32
        %lt3A_172 = arith.cmpi slt, %add3A_98, %lt3A_171 : i32
        %convert_element_type3A_173 = arith.extui %lt3A_172 : i1 to i32
        %cond3A_174 = arith.constant 0 : i32
        %cond3A_175 = arith.cmpi ne, %convert_element_type3A_173, %cond3A_174 : i32
        scf.if %cond3A_175 {
          %dma_start3A_180 = arith.constant 1 : i32
          %dma_start3A_181 = arith.constant 0 : i32
          %dma_start3A_182 = arith.constant 0 : i32
          %dma_start3A_183 = tpu.memref_slice %arg7[%dma_start3A_180, %dma_start3A_181, %dma_start3A_182] : memref<3x16x256xf32, #tpu.memory_space<vmem>> -> memref<1x16x256xf32, #tpu.memory_space<vmem>>
          %dma_start3A_184 = tpu.memref_squeeze %dma_start3A_183 : memref<1x16x256xf32, #tpu.memory_space<vmem>> -> memref<16x256xf32, #tpu.memory_space<vmem>>
          %dma_start3A_185 = arith.constant 0 : i32
          %dma_start3A_186 = tpu.memref_slice %arg4[%mul3A_170, %dma_start3A_185] : memref<40962x256xf32, #tpu.memory_space<hbm>> -> memref<16x256xf32, #tpu.memory_space<hbm>>
          %dma_start3A_187 = arith.constant 0 : i32
          %dma_start3A_188 = tpu.memref_slice %arg4[%mul3A_170, %dma_start3A_187] : memref<40962x256xf32, #tpu.memory_space<hbm>> -> memref<16x256xf32, #tpu.memory_space<hbm>>
          %dma_start3A_189 = arith.constant 0 : i32
          %dma_start3A_190 = arith.constant 0 : i32
          %dma_start3A_191 = tpu.memref_slice %arg7[%dma_start3A_180, %dma_start3A_189, %dma_start3A_190] : memref<3x16x256xf32, #tpu.memory_space<vmem>> -> memref<1x16x256xf32, #tpu.memory_space<vmem>>
          %dma_start3A_192 = tpu.memref_squeeze %dma_start3A_191 : memref<1x16x256xf32, #tpu.memory_space<vmem>> -> memref<16x256xf32, #tpu.memory_space<vmem>>
          tpu.enqueue_dma source(%dma_start3A_192 : memref<16x256xf32, #tpu.memory_space<vmem>>) target(%dma_start3A_188 : memref<16x256xf32, #tpu.memory_space<hbm>>) target_semaphore(%arg12 : memref<!tpu.dma_semaphore, #tpu.memory_space<semaphore_mem>>)
        } else {
        }
        %eq3A = arith.constant 2560 : i32
        %eq3A_176 = arith.cmpi eq, %add3A_98, %eq3A : i32
        %convert_element_type3A_177 = arith.extui %eq3A_176 : i1 to i32
        %cond3A_178 = arith.constant 0 : i32
        %cond3A_179 = arith.cmpi ne, %convert_element_type3A_177, %cond3A_178 : i32
        scf.if %cond3A_179 {
          %dma_start3A_180 = arith.constant 1 : i32
          %dma_start3A_181 = arith.constant 0 : i32
          %dma_start3A_182 = arith.constant 0 : i32
          %dma_start3A_183 = tpu.memref_slice %arg7[%dma_start3A_180, %dma_start3A_181, %dma_start3A_182] : memref<3x16x256xf32, #tpu.memory_space<vmem>> -> memref<1x2x256xf32, #tpu.memory_space<vmem>>
          %dma_start3A_184 = tpu.memref_squeeze %dma_start3A_183 : memref<1x2x256xf32, #tpu.memory_space<vmem>> -> memref<2x256xf32, #tpu.memory_space<vmem>>
          %dma_start3A_185 = arith.constant 0 : i32
          %dma_start3A_186 = tpu.memref_slice %arg4[%mul3A_170, %dma_start3A_185] : memref<40962x256xf32, #tpu.memory_space<hbm>> -> memref<2x256xf32, #tpu.memory_space<hbm>>
          %dma_start3A_187 = arith.constant 0 : i32
          %dma_start3A_188 = tpu.memref_slice %arg4[%mul3A_170, %dma_start3A_187] : memref<40962x256xf32, #tpu.memory_space<hbm>> -> memref<2x256xf32, #tpu.memory_space<hbm>>
          %dma_start3A_189 = arith.constant 0 : i32
          %dma_start3A_190 = arith.constant 0 : i32
          %dma_start3A_191 = tpu.memref_slice %arg7[%dma_start3A_180, %dma_start3A_189, %dma_start3A_190] : memref<3x16x256xf32, #tpu.memory_space<vmem>> -> memref<1x2x256xf32, #tpu.memory_space<vmem>>
          %dma_start3A_192 = tpu.memref_squeeze %dma_start3A_191 : memref<1x2x256xf32, #tpu.memory_space<vmem>> -> memref<2x256xf32, #tpu.memory_space<vmem>>
          tpu.enqueue_dma source(%dma_start3A_192 : memref<2x256xf32, #tpu.memory_space<vmem>>) target(%dma_start3A_188 : memref<2x256xf32, #tpu.memory_space<hbm>>) target_semaphore(%arg12 : memref<!tpu.dma_semaphore, #tpu.memory_space<semaphore_mem>>)
        } else {
        }
      } else {
      }
      %add3A_111 = arith.constant 3 : i32
      %add3A_112 = arith.addi %add3A_97, %add3A_111 : i32
      %lt3A_113 = arith.constant 81 : i32
      %lt3A_114 = arith.cmpi slt, %add3A_112, %lt3A_113 : i32
      %add3A_115 = arith.constant 3 : i32
      %add3A_116 = arith.addi %add3A_98, %add3A_115 : i32
      %lt3A_117 = arith.constant 2561 : i32
      %lt3A_118 = arith.cmpi slt, %add3A_116, %lt3A_117 : i32
      %and3A_119 = arith.andi %lt3A_114, %lt3A_118 : i1
      %convert_element_type3A_120 = arith.extui %and3A_119 : i1 to i32
      %cond3A_121 = arith.constant 0 : i32
      %cond3A_122 = arith.cmpi ne, %convert_element_type3A_120, %cond3A_121 : i32
      scf.if %cond3A_122 {
        %add3A_152 = arith.constant 3 : i32
        %add3A_153 = arith.addi %add3A_97, %add3A_152 : i32
        %dma_start3A_154 = arith.constant 1 : i32
        %dma_start3A_155 = arith.constant 0 : i32
        %dma_start3A_156 = arith.constant 0 : i32
        %dma_start3A_157 = tpu.memref_slice %arg6[%dma_start3A_154, %dma_start3A_155, %dma_start3A_156] : memref<3x112x256xf32, #tpu.memory_space<vmem>> -> memref<1x112x256xf32, #tpu.memory_space<vmem>>
        %dma_start3A_158 = tpu.memref_squeeze %dma_start3A_157 : memref<1x112x256xf32, #tpu.memory_space<vmem>> -> memref<112x256xf32, #tpu.memory_space<vmem>>
        %dma_start3A_159 = arith.constant 0 : i32
        %dma_start3A_160 = tpu.memref_slice %arg5[%add3A_153, %dma_start3A_159] : memref<81x112xi32, #tpu.memory_space<vmem>> -> memref<1x112xi32, #tpu.memory_space<vmem>>
        %dma_start3A_161 = tpu.memref_squeeze %dma_start3A_160 : memref<1x112xi32, #tpu.memory_space<vmem>> -> memref<112xi32, #tpu.memory_space<vmem>>
        %dma_start3A_162 = arith.constant 0 : i32
        %dma_start3A_163 = arith.constant 0 : i32
        %dma_start3A_164 = tpu.memref_slice %arg2[%dma_start3A_162, %dma_start3A_163] : memref<163842x256xf32, #tpu.memory_space<hbm>> -> memref<163842x256xf32, #tpu.memory_space<hbm>>
        tpu.enqueue_indirect_dma source(%dma_start3A_164 : memref<163842x256xf32, #tpu.memory_space<hbm>>) target(%dma_start3A_158 : memref<112x256xf32, #tpu.memory_space<vmem>>) offsets(%dma_start3A_161 : memref<112xi32, #tpu.memory_space<vmem>>) semaphore(%arg9 : memref<!tpu.dma_semaphore, #tpu.memory_space<semaphore_mem>>)
      } else {
      }
      %mul3A_123 = arith.constant 3 : i32
      %mul3A_124 = arith.muli %scan3A_66, %mul3A_123 : i32
      %add3A_125 = arith.constant 2 : i32
      %add3A_126 = arith.addi %mul3A_124, %add3A_125 : i32
      %add3A_127 = arith.addi %mul3A_2, %add3A_126 : i32
      %sub3A_128 = arith.constant 3 : i32
      %sub3A_129 = arith.subi %add3A_126, %sub3A_128 : i32
      %ge3A_130 = arith.constant 0 : i32
      %ge3A_131 = arith.cmpi sge, %sub3A_129, %ge3A_130 : i32
      %convert_element_type3A_132 = arith.extui %ge3A_131 : i1 to i32
      %cond3A_133 = arith.constant 0 : i32
      %cond3A_134 = arith.cmpi ne, %convert_element_type3A_132, %cond3A_133 : i32
      scf.if %cond3A_134 {
        %sub3A_152 = arith.constant 3 : i32
        %sub3A_153 = arith.subi %add3A_127, %sub3A_152 : i32
        %lt3A_154 = arith.constant 2560 : i32
        %lt3A_155 = arith.cmpi slt, %sub3A_153, %lt3A_154 : i32
        %convert_element_type3A_156 = arith.extui %lt3A_155 : i1 to i32
        %cond3A_157 = arith.constant 0 : i32
        %cond3A_158 = arith.cmpi ne, %convert_element_type3A_156, %cond3A_157 : i32
        scf.if %cond3A_158 {
          %dma_wait3A = arith.constant 2 : i32
          %dma_wait3A_163 = arith.constant 0 : i32
          %dma_wait3A_164 = arith.constant 0 : i32
          %dma_wait3A_165 = tpu.memref_slice %arg7[%dma_wait3A, %dma_wait3A_163, %dma_wait3A_164] : memref<3x16x256xf32, #tpu.memory_space<vmem>> -> memref<1x16x256xf32, #tpu.memory_space<vmem>>
          %dma_wait3A_166 = tpu.memref_squeeze %dma_wait3A_165 : memref<1x16x256xf32, #tpu.memory_space<vmem>> -> memref<16x256xf32, #tpu.memory_space<vmem>>
          %dma_wait3A_167 = arith.constant 0 : i32
          %dma_wait3A_168 = arith.constant 0 : i32
          %dma_wait3A_169 = tpu.memref_slice %arg4[%dma_wait3A_167, %dma_wait3A_168] : memref<40962x256xf32, #tpu.memory_space<hbm>> -> memref<16x256xf32, #tpu.memory_space<hbm>>
          %dma_wait3A_170 = arith.constant 0 : i32
          %dma_wait3A_171 = arith.constant 0 : i32
          %dma_wait3A_172 = tpu.memref_slice %arg4[%dma_wait3A_170, %dma_wait3A_171] : memref<40962x256xf32, #tpu.memory_space<hbm>> -> memref<16x256xf32, #tpu.memory_space<hbm>>
          %dma_wait3A_173 = arith.constant 0 : i32
          %dma_wait3A_174 = arith.constant 0 : i32
          %dma_wait3A_175 = tpu.memref_slice %arg7[%dma_wait3A, %dma_wait3A_173, %dma_wait3A_174] : memref<3x16x256xf32, #tpu.memory_space<vmem>> -> memref<1x16x256xf32, #tpu.memory_space<vmem>>
          %dma_wait3A_176 = tpu.memref_squeeze %dma_wait3A_175 : memref<1x16x256xf32, #tpu.memory_space<vmem>> -> memref<16x256xf32, #tpu.memory_space<vmem>>
          tpu.wait_dma2 semaphore(%arg13 : memref<!tpu.dma_semaphore, #tpu.memory_space<semaphore_mem>>) src(%dma_wait3A_176 : memref<16x256xf32, #tpu.memory_space<vmem>>) dst(%dma_wait3A_172 : memref<16x256xf32, #tpu.memory_space<hbm>>)
        } else {
        }
        %eq3A = arith.constant 2560 : i32
        %eq3A_159 = arith.cmpi eq, %sub3A_153, %eq3A : i32
        %convert_element_type3A_160 = arith.extui %eq3A_159 : i1 to i32
        %cond3A_161 = arith.constant 0 : i32
        %cond3A_162 = arith.cmpi ne, %convert_element_type3A_160, %cond3A_161 : i32
        scf.if %cond3A_162 {
          %dma_wait3A = arith.constant 2 : i32
          %dma_wait3A_163 = arith.constant 0 : i32
          %dma_wait3A_164 = arith.constant 0 : i32
          %dma_wait3A_165 = tpu.memref_slice %arg7[%dma_wait3A, %dma_wait3A_163, %dma_wait3A_164] : memref<3x16x256xf32, #tpu.memory_space<vmem>> -> memref<1x2x256xf32, #tpu.memory_space<vmem>>
          %dma_wait3A_166 = tpu.memref_squeeze %dma_wait3A_165 : memref<1x2x256xf32, #tpu.memory_space<vmem>> -> memref<2x256xf32, #tpu.memory_space<vmem>>
          %dma_wait3A_167 = arith.constant 0 : i32
          %dma_wait3A_168 = arith.constant 0 : i32
          %dma_wait3A_169 = tpu.memref_slice %arg4[%dma_wait3A_167, %dma_wait3A_168] : memref<40962x256xf32, #tpu.memory_space<hbm>> -> memref<2x256xf32, #tpu.memory_space<hbm>>
          %dma_wait3A_170 = arith.constant 0 : i32
          %dma_wait3A_171 = arith.constant 0 : i32
          %dma_wait3A_172 = tpu.memref_slice %arg4[%dma_wait3A_170, %dma_wait3A_171] : memref<40962x256xf32, #tpu.memory_space<hbm>> -> memref<2x256xf32, #tpu.memory_space<hbm>>
          %dma_wait3A_173 = arith.constant 0 : i32
          %dma_wait3A_174 = arith.constant 0 : i32
          %dma_wait3A_175 = tpu.memref_slice %arg7[%dma_wait3A, %dma_wait3A_173, %dma_wait3A_174] : memref<3x16x256xf32, #tpu.memory_space<vmem>> -> memref<1x2x256xf32, #tpu.memory_space<vmem>>
          %dma_wait3A_176 = tpu.memref_squeeze %dma_wait3A_175 : memref<1x2x256xf32, #tpu.memory_space<vmem>> -> memref<2x256xf32, #tpu.memory_space<vmem>>
          tpu.wait_dma2 semaphore(%arg13 : memref<!tpu.dma_semaphore, #tpu.memory_space<semaphore_mem>>) src(%dma_wait3A_176 : memref<2x256xf32, #tpu.memory_space<vmem>>) dst(%dma_wait3A_172 : memref<2x256xf32, #tpu.memory_space<hbm>>)
        } else {
        }
      } else {
      }
      %lt3A_135 = arith.constant 2561 : i32
      %lt3A_136 = arith.cmpi slt, %add3A_127, %lt3A_135 : i32
      %convert_element_type3A_137 = arith.extui %lt3A_136 : i1 to i32
      %cond3A_138 = arith.constant 0 : i32
      %cond3A_139 = arith.cmpi ne, %convert_element_type3A_137, %cond3A_138 : i32
      scf.if %cond3A_139 {
        %dma_wait3A = arith.constant 0 : i32
        %dma_wait3A_152 = arith.constant 2 : i32
        %dma_wait3A_153 = arith.constant 0 : i32
        %dma_wait3A_154 = arith.constant 0 : i32
        %dma_wait3A_155 = tpu.memref_slice %arg6[%dma_wait3A_152, %dma_wait3A_153, %dma_wait3A_154] : memref<3x112x256xf32, #tpu.memory_space<vmem>> -> memref<1x112x256xf32, #tpu.memory_space<vmem>>
        %dma_wait3A_156 = tpu.memref_squeeze %dma_wait3A_155 : memref<1x112x256xf32, #tpu.memory_space<vmem>> -> memref<112x256xf32, #tpu.memory_space<vmem>>
        %dma_wait3A_157 = arith.constant 0 : i32
        %dma_wait3A_158 = tpu.memref_slice %arg5[%dma_wait3A, %dma_wait3A_157] : memref<81x112xi32, #tpu.memory_space<vmem>> -> memref<1x112xi32, #tpu.memory_space<vmem>>
        %dma_wait3A_159 = tpu.memref_squeeze %dma_wait3A_158 : memref<1x112xi32, #tpu.memory_space<vmem>> -> memref<112xi32, #tpu.memory_space<vmem>>
        %dma_wait3A_160 = arith.constant 0 : i32
        %dma_wait3A_161 = arith.constant 0 : i32
        %dma_wait3A_162 = tpu.memref_slice %arg2[%dma_wait3A_160, %dma_wait3A_161] : memref<163842x256xf32, #tpu.memory_space<hbm>> -> memref<163842x256xf32, #tpu.memory_space<hbm>>
        tpu.wait_indirect_dma semaphore(%arg10 : memref<!tpu.dma_semaphore, #tpu.memory_space<semaphore_mem>>) src(%dma_wait3A_162 : memref<163842x256xf32, #tpu.memory_space<hbm>>) dst(%dma_wait3A_156 : memref<112x256xf32, #tpu.memory_space<vmem>>)
        %scan3A_163 = arith.constant 0 : i32
        %scan3A_164 = arith.constant 0 : i32
        %scan3A_165 = arith.constant 16 : i32
        %scan3A_166 = arith.addi %scan3A_164, %scan3A_165 : i32
        %scan3A_167 = arith.constant 1 : i32
        scf.for %scan3A_180 = %scan3A_164 to %scan3A_166 step %scan3A_167  : i32 {
          %mul3A_181 = arith.constant 7 : i32
          %mul3A_182 = arith.muli %scan3A_180, %mul3A_181 : i32
          %add3A_183 = arith.constant 0 : i32
          %add3A_184 = arith.addi %mul3A_182, %add3A_183 : i32
          %get3A = arith.constant 2 : i32
          %get3A_185 = arith.index_cast %get3A : i32 to index
          %get3A_186 = arith.index_cast %add3A_184 : i32 to index
          %get3A_187 = arith.constant 0 : index
          %get3A_188 = tpu.vector_load %arg6[%get3A_185, %get3A_186, %get3A_187] {strides = array<i32>} : memref<3x112x256xf32, #tpu.memory_space<vmem>>, vector<1x1x16xf32>,
          %get3A_189 = vector.shape_cast %get3A_188 : vector<1x1x16xf32> to vector<16xf32>
          %mul3A_190 = arith.constant 7 : i32
          %mul3A_191 = arith.muli %scan3A_180, %mul3A_190 : i32
          %add3A_192 = arith.constant 1 : i32
          %add3A_193 = arith.addi %mul3A_191, %add3A_192 : i32
          %get3A_194 = arith.constant 2 : i32
          %get3A_195 = arith.index_cast %get3A_194 : i32 to index
          %get3A_196 = arith.index_cast %add3A_193 : i32 to index
          %get3A_197 = arith.constant 0 : index
          %get3A_198 = tpu.vector_load %arg6[%get3A_195, %get3A_196, %get3A_197] {strides = array<i32>} : memref<3x112x256xf32, #tpu.memory_space<vmem>>, vector<1x1x16xf32>,
          %get3A_199 = vector.shape_cast %get3A_198 : vector<1x1x16xf32> to vector<16xf32>
          %mul3A_200 = arith.constant 7 : i32
          %mul3A_201 = arith.muli %scan3A_180, %mul3A_200 : i32
          %add3A_202 = arith.constant 2 : i32
          %add3A_203 = arith.addi %mul3A_201, %add3A_202 : i32
          %get3A_204 = arith.constant 2 : i32
          %get3A_205 = arith.index_cast %get3A_204 : i32 to index
          %get3A_206 = arith.index_cast %add3A_203 : i32 to index
          %get3A_207 = arith.constant 0 : index
          %get3A_208 = tpu.vector_load %arg6[%get3A_205, %get3A_206, %get3A_207] {strides = array<i32>} : memref<3x112x256xf32, #tpu.memory_space<vmem>>, vector<1x1x16xf32>,
          %get3A_209 = vector.shape_cast %get3A_208 : vector<1x1x16xf32> to vector<16xf32>
          %mul3A_210 = arith.constant 7 : i32
          %mul3A_211 = arith.muli %scan3A_180, %mul3A_210 : i32
          %add3A_212 = arith.constant 3 : i32
          %add3A_213 = arith.addi %mul3A_211, %add3A_212 : i32
          %get3A_214 = arith.constant 2 : i32
          %get3A_215 = arith.index_cast %get3A_214 : i32 to index
          %get3A_216 = arith.index_cast %add3A_213 : i32 to index
          %get3A_217 = arith.constant 0 : index
          %get3A_218 = tpu.vector_load %arg6[%get3A_215, %get3A_216, %get3A_217] {strides = array<i32>} : memref<3x112x256xf32, #tpu.memory_space<vmem>>, vector<1x1x16xf32>,
          %get3A_219 = vector.shape_cast %get3A_218 : vector<1x1x16xf32> to vector<16xf32>
          %mul3A_220 = arith.constant 7 : i32
          %mul3A_221 = arith.muli %scan3A_180, %mul3A_220 : i32
          %add3A_222 = arith.constant 4 : i32
          %add3A_223 = arith.addi %mul3A_221, %add3A_222 : i32
          %get3A_224 = arith.constant 2 : i32
          %get3A_225 = arith.index_cast %get3A_224 : i32 to index
          %get3A_226 = arith.index_cast %add3A_223 : i32 to index
          %get3A_227 = arith.constant 0 : index
          %get3A_228 = tpu.vector_load %arg6[%get3A_225, %get3A_226, %get3A_227] {strides = array<i32>} : memref<3x112x256xf32, #tpu.memory_space<vmem>>, vector<1x1x16xf32>,
          %get3A_229 = vector.shape_cast %get3A_228 : vector<1x1x16xf32> to vector<16xf32>
          %mul3A_230 = arith.constant 7 : i32
          %mul3A_231 = arith.muli %scan3A_180, %mul3A_230 : i32
          %add3A_232 = arith.constant 5 : i32
          %add3A_233 = arith.addi %mul3A_231, %add3A_232 : i32
          %get3A_234 = arith.constant 2 : i32
          %get3A_235 = arith.index_cast %get3A_234 : i32 to index
          %get3A_236 = arith.index_cast %add3A_233 : i32 to index
          %get3A_237 = arith.constant 0 : index
          %get3A_238 = tpu.vector_load %arg6[%get3A_235, %get3A_236, %get3A_237] {strides = array<i32>} : memref<3x112x256xf32, #tpu.memory_space<vmem>>, vector<1x1x16xf32>,
          %get3A_239 = vector.shape_cast %get3A_238 : vector<1x1x16xf32> to vector<16xf32>
          %mul3A_240 = arith.constant 7 : i32
          %mul3A_241 = arith.muli %scan3A_180, %mul3A_240 : i32
          %add3A_242 = arith.constant 6 : i32
          %add3A_243 = arith.addi %mul3A_241, %add3A_242 : i32
          %get3A_244 = arith.constant 2 : i32
          %get3A_245 = arith.index_cast %get3A_244 : i32 to index
          %get3A_246 = arith.index_cast %add3A_243 : i32 to index
          %get3A_247 = arith.constant 0 : index
          %get3A_248 = tpu.vector_load %arg6[%get3A_245, %get3A_246, %get3A_247] {strides = array<i32>} : memref<3x112x256xf32, #tpu.memory_space<vmem>>, vector<1x1x16xf32>,
          %get3A_249 = vector.shape_cast %get3A_248 : vector<1x1x16xf32> to vector<16xf32>
          %mul3A_250 = arith.constant 7 : i32
          %mul3A_251 = arith.muli %scan3A_180, %mul3A_250 : i32
          %add3A_252 = arith.constant 0 : i32
          %add3A_253 = arith.addi %mul3A_251, %add3A_252 : i32
          %get3A_254 = arith.constant 2 : i32
          %get3A_255 = arith.index_cast %get3A_254 : i32 to index
          %get3A_256 = arith.index_cast %add3A_253 : i32 to index
          %get3A_257 = arith.constant 16 : index
          %get3A_258 = tpu.vector_load %arg6[%get3A_255, %get3A_256, %get3A_257] {strides = array<i32>} : memref<3x112x256xf32, #tpu.memory_space<vmem>>, vector<1x1x16xf32>,
          %get3A_259 = vector.shape_cast %get3A_258 : vector<1x1x16xf32> to vector<16xf32>
          %mul3A_260 = arith.constant 7 : i32
          %mul3A_261 = arith.muli %scan3A_180, %mul3A_260 : i32
          %add3A_262 = arith.constant 1 : i32
          %add3A_263 = arith.addi %mul3A_261, %add3A_262 : i32
          %get3A_264 = arith.constant 2 : i32
          %get3A_265 = arith.index_cast %get3A_264 : i32 to index
          %get3A_266 = arith.index_cast %add3A_263 : i32 to index
          %get3A_267 = arith.constant 16 : index
          %get3A_268 = tpu.vector_load %arg6[%get3A_265, %get3A_266, %get3A_267] {strides = array<i32>} : memref<3x112x256xf32, #tpu.memory_space<vmem>>, vector<1x1x16xf32>,
          %get3A_269 = vector.shape_cast %get3A_268 : vector<1x1x16xf32> to vector<16xf32>
          %mul3A_270 = arith.constant 7 : i32
          %mul3A_271 = arith.muli %scan3A_180, %mul3A_270 : i32
          %add3A_272 = arith.constant 2 : i32
          %add3A_273 = arith.addi %mul3A_271, %add3A_272 : i32
          %get3A_274 = arith.constant 2 : i32
          %get3A_275 = arith.index_cast %get3A_274 : i32 to index
          %get3A_276 = arith.index_cast %add3A_273 : i32 to index
          %get3A_277 = arith.constant 16 : index
          %get3A_278 = tpu.vector_load %arg6[%get3A_275, %get3A_276, %get3A_277] {strides = array<i32>} : memref<3x112x256xf32, #tpu.memory_space<vmem>>, vector<1x1x16xf32>,
          %get3A_279 = vector.shape_cast %get3A_278 : vector<1x1x16xf32> to vector<16xf32>
          %mul3A_280 = arith.constant 7 : i32
          %mul3A_281 = arith.muli %scan3A_180, %mul3A_280 : i32
          %add3A_282 = arith.constant 3 : i32
          %add3A_283 = arith.addi %mul3A_281, %add3A_282 : i32
          %get3A_284 = arith.constant 2 : i32
          %get3A_285 = arith.index_cast %get3A_284 : i32 to index
          %get3A_286 = arith.index_cast %add3A_283 : i32 to index
          %get3A_287 = arith.constant 16 : index
          %get3A_288 = tpu.vector_load %arg6[%get3A_285, %get3A_286, %get3A_287] {strides = array<i32>} : memref<3x112x256xf32, #tpu.memory_space<vmem>>, vector<1x1x16xf32>,
          %get3A_289 = vector.shape_cast %get3A_288 : vector<1x1x16xf32> to vector<16xf32>
          %mul3A_290 = arith.constant 7 : i32
          %mul3A_291 = arith.muli %scan3A_180, %mul3A_290 : i32
          %add3A_292 = arith.constant 4 : i32
          %add3A_293 = arith.addi %mul3A_291, %add3A_292 : i32
          %get3A_294 = arith.constant 2 : i32
          %get3A_295 = arith.index_cast %get3A_294 : i32 to index
          %get3A_296 = arith.index_cast %add3A_293 : i32 to index
          %get3A_297 = arith.constant 16 : index
          %get3A_298 = tpu.vector_load %arg6[%get3A_295, %get3A_296, %get3A_297] {strides = array<i32>} : memref<3x112x256xf32, #tpu.memory_space<vmem>>, vector<1x1x16xf32>,
          %get3A_299 = vector.shape_cast %get3A_298 : vector<1x1x16xf32> to vector<16xf32>
          %mul3A_300 = arith.constant 7 : i32
          %mul3A_301 = arith.muli %scan3A_180, %mul3A_300 : i32
          %add3A_302 = arith.constant 5 : i32
          %add3A_303 = arith.addi %mul3A_301, %add3A_302 : i32
          %get3A_304 = arith.constant 2 : i32
          %get3A_305 = arith.index_cast %get3A_304 : i32 to index
          %get3A_306 = arith.index_cast %add3A_303 : i32 to index
          %get3A_307 = arith.constant 16 : index
          %get3A_308 = tpu.vector_load %arg6[%get3A_305, %get3A_306, %get3A_307] {strides = array<i32>} : memref<3x112x256xf32, #tpu.memory_space<vmem>>, vector<1x1x16xf32>,
          %get3A_309 = vector.shape_cast %get3A_308 : vector<1x1x16xf32> to vector<16xf32>
          %mul3A_310 = arith.constant 7 : i32
          %mul3A_311 = arith.muli %scan3A_180, %mul3A_310 : i32
          %add3A_312 = arith.constant 6 : i32
          %add3A_313 = arith.addi %mul3A_311, %add3A_312 : i32
          %get3A_314 = arith.constant 2 : i32
          %get3A_315 = arith.index_cast %get3A_314 : i32 to index
          %get3A_316 = arith.index_cast %add3A_313 : i32 to index
          %get3A_317 = arith.constant 16 : index
          %get3A_318 = tpu.vector_load %arg6[%get3A_315, %get3A_316, %get3A_317] {strides = array<i32>} : memref<3x112x256xf32, #tpu.memory_space<vmem>>, vector<1x1x16xf32>,
          %get3A_319 = vector.shape_cast %get3A_318 : vector<1x1x16xf32> to vector<16xf32>
          %mul3A_320 = arith.constant 7 : i32
          %mul3A_321 = arith.muli %scan3A_180, %mul3A_320 : i32
          %add3A_322 = arith.constant 0 : i32
          %add3A_323 = arith.addi %mul3A_321, %add3A_322 : i32
          %get3A_324 = arith.constant 2 : i32
          %get3A_325 = arith.index_cast %get3A_324 : i32 to index
          %get3A_326 = arith.index_cast %add3A_323 : i32 to index
          %get3A_327 = arith.constant 32 : index
          %get3A_328 = tpu.vector_load %arg6[%get3A_325, %get3A_326, %get3A_327] {strides = array<i32>} : memref<3x112x256xf32, #tpu.memory_space<vmem>>, vector<1x1x16xf32>,
          %get3A_329 = vector.shape_cast %get3A_328 : vector<1x1x16xf32> to vector<16xf32>
          %mul3A_330 = arith.constant 7 : i32
          %mul3A_331 = arith.muli %scan3A_180, %mul3A_330 : i32
          %add3A_332 = arith.constant 1 : i32
          %add3A_333 = arith.addi %mul3A_331, %add3A_332 : i32
          %get3A_334 = arith.constant 2 : i32
          %get3A_335 = arith.index_cast %get3A_334 : i32 to index
          %get3A_336 = arith.index_cast %add3A_333 : i32 to index
          %get3A_337 = arith.constant 32 : index
          %get3A_338 = tpu.vector_load %arg6[%get3A_335, %get3A_336, %get3A_337] {strides = array<i32>} : memref<3x112x256xf32, #tpu.memory_space<vmem>>, vector<1x1x16xf32>,
          %get3A_339 = vector.shape_cast %get3A_338 : vector<1x1x16xf32> to vector<16xf32>
          %mul3A_340 = arith.constant 7 : i32
          %mul3A_341 = arith.muli %scan3A_180, %mul3A_340 : i32
          %add3A_342 = arith.constant 2 : i32
          %add3A_343 = arith.addi %mul3A_341, %add3A_342 : i32
          %get3A_344 = arith.constant 2 : i32
          %get3A_345 = arith.index_cast %get3A_344 : i32 to index
          %get3A_346 = arith.index_cast %add3A_343 : i32 to index
          %get3A_347 = arith.constant 32 : index
          %get3A_348 = tpu.vector_load %arg6[%get3A_345, %get3A_346, %get3A_347] {strides = array<i32>} : memref<3x112x256xf32, #tpu.memory_space<vmem>>, vector<1x1x16xf32>,
          %get3A_349 = vector.shape_cast %get3A_348 : vector<1x1x16xf32> to vector<16xf32>
          %mul3A_350 = arith.constant 7 : i32
          %mul3A_351 = arith.muli %scan3A_180, %mul3A_350 : i32
          %add3A_352 = arith.constant 3 : i32
          %add3A_353 = arith.addi %mul3A_351, %add3A_352 : i32
          %get3A_354 = arith.constant 2 : i32
          %get3A_355 = arith.index_cast %get3A_354 : i32 to index
          %get3A_356 = arith.index_cast %add3A_353 : i32 to index
          %get3A_357 = arith.constant 32 : index
          %get3A_358 = tpu.vector_load %arg6[%get3A_355, %get3A_356, %get3A_357] {strides = array<i32>} : memref<3x112x256xf32, #tpu.memory_space<vmem>>, vector<1x1x16xf32>,
          %get3A_359 = vector.shape_cast %get3A_358 : vector<1x1x16xf32> to vector<16xf32>
          %mul3A_360 = arith.constant 7 : i32
          %mul3A_361 = arith.muli %scan3A_180, %mul3A_360 : i32
          %add3A_362 = arith.constant 4 : i32
          %add3A_363 = arith.addi %mul3A_361, %add3A_362 : i32
          %get3A_364 = arith.constant 2 : i32
          %get3A_365 = arith.index_cast %get3A_364 : i32 to index
          %get3A_366 = arith.index_cast %add3A_363 : i32 to index
          %get3A_367 = arith.constant 32 : index
          %get3A_368 = tpu.vector_load %arg6[%get3A_365, %get3A_366, %get3A_367] {strides = array<i32>} : memref<3x112x256xf32, #tpu.memory_space<vmem>>, vector<1x1x16xf32>,
          %get3A_369 = vector.shape_cast %get3A_368 : vector<1x1x16xf32> to vector<16xf32>
          %mul3A_370 = arith.constant 7 : i32
          %mul3A_371 = arith.muli %scan3A_180, %mul3A_370 : i32
          %add3A_372 = arith.constant 5 : i32
          %add3A_373 = arith.addi %mul3A_371, %add3A_372 : i32
          %get3A_374 = arith.constant 2 : i32
          %get3A_375 = arith.index_cast %get3A_374 : i32 to index
          %get3A_376 = arith.index_cast %add3A_373 : i32 to index
          %get3A_377 = arith.constant 32 : index
          %get3A_378 = tpu.vector_load %arg6[%get3A_375, %get3A_376, %get3A_377] {strides = array<i32>} : memref<3x112x256xf32, #tpu.memory_space<vmem>>, vector<1x1x16xf32>,
          %get3A_379 = vector.shape_cast %get3A_378 : vector<1x1x16xf32> to vector<16xf32>
          %mul3A_380 = arith.constant 7 : i32
          %mul3A_381 = arith.muli %scan3A_180, %mul3A_380 : i32
          %add3A_382 = arith.constant 6 : i32
          %add3A_383 = arith.addi %mul3A_381, %add3A_382 : i32
          %get3A_384 = arith.constant 2 : i32
          %get3A_385 = arith.index_cast %get3A_384 : i32 to index
          %get3A_386 = arith.index_cast %add3A_383 : i32 to index
          %get3A_387 = arith.constant 32 : index
          %get3A_388 = tpu.vector_load %arg6[%get3A_385, %get3A_386, %get3A_387] {strides = array<i32>} : memref<3x112x256xf32, #tpu.memory_space<vmem>>, vector<1x1x16xf32>,
          %get3A_389 = vector.shape_cast %get3A_388 : vector<1x1x16xf32> to vector<16xf32>
          %mul3A_390 = arith.constant 7 : i32
          %mul3A_391 = arith.muli %scan3A_180, %mul3A_390 : i32
          %add3A_392 = arith.constant 0 : i32
          %add3A_393 = arith.addi %mul3A_391, %add3A_392 : i32
          %get3A_394 = arith.constant 2 : i32
          %get3A_395 = arith.index_cast %get3A_394 : i32 to index
          %get3A_396 = arith.index_cast %add3A_393 : i32 to index
          %get3A_397 = arith.constant 48 : index
          %get3A_398 = tpu.vector_load %arg6[%get3A_395, %get3A_396, %get3A_397] {strides = array<i32>} : memref<3x112x256xf32, #tpu.memory_space<vmem>>, vector<1x1x16xf32>,
          %get3A_399 = vector.shape_cast %get3A_398 : vector<1x1x16xf32> to vector<16xf32>
          %mul3A_400 = arith.constant 7 : i32
          %mul3A_401 = arith.muli %scan3A_180, %mul3A_400 : i32
          %add3A_402 = arith.constant 1 : i32
          %add3A_403 = arith.addi %mul3A_401, %add3A_402 : i32
          %get3A_404 = arith.constant 2 : i32
          %get3A_405 = arith.index_cast %get3A_404 : i32 to index
          %get3A_406 = arith.index_cast %add3A_403 : i32 to index
          %get3A_407 = arith.constant 48 : index
          %get3A_408 = tpu.vector_load %arg6[%get3A_405, %get3A_406, %get3A_407] {strides = array<i32>} : memref<3x112x256xf32, #tpu.memory_space<vmem>>, vector<1x1x16xf32>,
          %get3A_409 = vector.shape_cast %get3A_408 : vector<1x1x16xf32> to vector<16xf32>
          %mul3A_410 = arith.constant 7 : i32
          %mul3A_411 = arith.muli %scan3A_180, %mul3A_410 : i32
          %add3A_412 = arith.constant 2 : i32
          %add3A_413 = arith.addi %mul3A_411, %add3A_412 : i32
          %get3A_414 = arith.constant 2 : i32
          %get3A_415 = arith.index_cast %get3A_414 : i32 to index
          %get3A_416 = arith.index_cast %add3A_413 : i32 to index
          %get3A_417 = arith.constant 48 : index
          %get3A_418 = tpu.vector_load %arg6[%get3A_415, %get3A_416, %get3A_417] {strides = array<i32>} : memref<3x112x256xf32, #tpu.memory_space<vmem>>, vector<1x1x16xf32>,
          %get3A_419 = vector.shape_cast %get3A_418 : vector<1x1x16xf32> to vector<16xf32>
          %mul3A_420 = arith.constant 7 : i32
          %mul3A_421 = arith.muli %scan3A_180, %mul3A_420 : i32
          %add3A_422 = arith.constant 3 : i32
          %add3A_423 = arith.addi %mul3A_421, %add3A_422 : i32
          %get3A_424 = arith.constant 2 : i32
          %get3A_425 = arith.index_cast %get3A_424 : i32 to index
          %get3A_426 = arith.index_cast %add3A_423 : i32 to index
          %get3A_427 = arith.constant 48 : index
          %get3A_428 = tpu.vector_load %arg6[%get3A_425, %get3A_426, %get3A_427] {strides = array<i32>} : memref<3x112x256xf32, #tpu.memory_space<vmem>>, vector<1x1x16xf32>,
          %get3A_429 = vector.shape_cast %get3A_428 : vector<1x1x16xf32> to vector<16xf32>
          %mul3A_430 = arith.constant 7 : i32
          %mul3A_431 = arith.muli %scan3A_180, %mul3A_430 : i32
          %add3A_432 = arith.constant 4 : i32
          %add3A_433 = arith.addi %mul3A_431, %add3A_432 : i32
          %get3A_434 = arith.constant 2 : i32
          %get3A_435 = arith.index_cast %get3A_434 : i32 to index
          %get3A_436 = arith.index_cast %add3A_433 : i32 to index
          %get3A_437 = arith.constant 48 : index
          %get3A_438 = tpu.vector_load %arg6[%get3A_435, %get3A_436, %get3A_437] {strides = array<i32>} : memref<3x112x256xf32, #tpu.memory_space<vmem>>, vector<1x1x16xf32>,
          %get3A_439 = vector.shape_cast %get3A_438 : vector<1x1x16xf32> to vector<16xf32>
          %mul3A_440 = arith.constant 7 : i32
          %mul3A_441 = arith.muli %scan3A_180, %mul3A_440 : i32
          %add3A_442 = arith.constant 5 : i32
          %add3A_443 = arith.addi %mul3A_441, %add3A_442 : i32
          %get3A_444 = arith.constant 2 : i32
          %get3A_445 = arith.index_cast %get3A_444 : i32 to index
          %get3A_446 = arith.index_cast %add3A_443 : i32 to index
          %get3A_447 = arith.constant 48 : index
          %get3A_448 = tpu.vector_load %arg6[%get3A_445, %get3A_446, %get3A_447] {strides = array<i32>} : memref<3x112x256xf32, #tpu.memory_space<vmem>>, vector<1x1x16xf32>,
          %get3A_449 = vector.shape_cast %get3A_448 : vector<1x1x16xf32> to vector<16xf32>
          %mul3A_450 = arith.constant 7 : i32
          %mul3A_451 = arith.muli %scan3A_180, %mul3A_450 : i32
          %add3A_452 = arith.constant 6 : i32
          %add3A_453 = arith.addi %mul3A_451, %add3A_452 : i32
          %get3A_454 = arith.constant 2 : i32
          %get3A_455 = arith.index_cast %get3A_454 : i32 to index
          %get3A_456 = arith.index_cast %add3A_453 : i32 to index
          %get3A_457 = arith.constant 48 : index
          %get3A_458 = tpu.vector_load %arg6[%get3A_455, %get3A_456, %get3A_457] {strides = array<i32>} : memref<3x112x256xf32, #tpu.memory_space<vmem>>, vector<1x1x16xf32>,
          %get3A_459 = vector.shape_cast %get3A_458 : vector<1x1x16xf32> to vector<16xf32>
          %add3A_460 = arith.addf %get3A_189, %get3A_199 : vector<16xf32>
          %add3A_461 = arith.addf %get3A_209, %get3A_219 : vector<16xf32>
          %add3A_462 = arith.addf %add3A_460, %add3A_461 : vector<16xf32>
          %add3A_463 = arith.addf %get3A_229, %get3A_239 : vector<16xf32>
          %add3A_464 = arith.addf %add3A_463, %get3A_249 : vector<16xf32>
          %add3A_465 = arith.addf %add3A_462, %add3A_464 : vector<16xf32>
          %mul3A_466 = arith.constant 0.142857149 : f32
          %mul3A_467 = vector.broadcast %mul3A_466 : f32 to vector<16xf32>
          %mul3A_468 = arith.mulf %add3A_465, %mul3A_467 : vector<16xf32>
          %swap3A = arith.constant 2 : i32
          %swap3A_469 = arith.index_cast %swap3A : i32 to index
          %swap3A_470 = arith.index_cast %scan3A_180 : i32 to index
          %swap3A_471 = arith.constant 0 : index
          %swap3A_472 = tpu.vector_load %arg7[%swap3A_469, %swap3A_470, %swap3A_471] {strides = array<i32>} : memref<3x16x256xf32, #tpu.memory_space<vmem>>, vector<1x1x16xf32>,
          %swap3A_473 = vector.shape_cast %swap3A_472 : vector<1x1x16xf32> to vector<16xf32>
          %swap3A_474 = vector.shape_cast %mul3A_468 : vector<16xf32> to vector<1x1x16xf32>
          tpu.vector_store %arg7[%swap3A_469, %swap3A_470, %swap3A_471], %swap3A_474 {strides = array<i32>} : memref<3x16x256xf32, #tpu.memory_space<vmem>>, vector<1x1x16xf32>,
          %add3A_475 = arith.addf %get3A_259, %get3A_269 : vector<16xf32>
          %add3A_476 = arith.addf %get3A_279, %get3A_289 : vector<16xf32>
          %add3A_477 = arith.addf %add3A_475, %add3A_476 : vector<16xf32>
          %add3A_478 = arith.addf %get3A_299, %get3A_309 : vector<16xf32>
          %add3A_479 = arith.addf %add3A_478, %get3A_319 : vector<16xf32>
          %add3A_480 = arith.addf %add3A_477, %add3A_479 : vector<16xf32>
          %mul3A_481 = arith.constant 0.142857149 : f32
          %mul3A_482 = vector.broadcast %mul3A_481 : f32 to vector<16xf32>
          %mul3A_483 = arith.mulf %add3A_480, %mul3A_482 : vector<16xf32>
          %swap3A_484 = arith.constant 2 : i32
          %swap3A_485 = arith.index_cast %swap3A_484 : i32 to index
          %swap3A_486 = arith.index_cast %scan3A_180 : i32 to index
          %swap3A_487 = arith.constant 16 : index
          %swap3A_488 = tpu.vector_load %arg7[%swap3A_485, %swap3A_486, %swap3A_487] {strides = array<i32>} : memref<3x16x256xf32, #tpu.memory_space<vmem>>, vector<1x1x16xf32>,
          %swap3A_489 = vector.shape_cast %swap3A_488 : vector<1x1x16xf32> to vector<16xf32>
          %swap3A_490 = vector.shape_cast %mul3A_483 : vector<16xf32> to vector<1x1x16xf32>
          tpu.vector_store %arg7[%swap3A_485, %swap3A_486, %swap3A_487], %swap3A_490 {strides = array<i32>} : memref<3x16x256xf32, #tpu.memory_space<vmem>>, vector<1x1x16xf32>,
          %add3A_491 = arith.addf %get3A_329, %get3A_339 : vector<16xf32>
          %add3A_492 = arith.addf %get3A_349, %get3A_359 : vector<16xf32>
          %add3A_493 = arith.addf %add3A_491, %add3A_492 : vector<16xf32>
          %add3A_494 = arith.addf %get3A_369, %get3A_379 : vector<16xf32>
          %add3A_495 = arith.addf %add3A_494, %get3A_389 : vector<16xf32>
          %add3A_496 = arith.addf %add3A_493, %add3A_495 : vector<16xf32>
          %mul3A_497 = arith.constant 0.142857149 : f32
          %mul3A_498 = vector.broadcast %mul3A_497 : f32 to vector<16xf32>
          %mul3A_499 = arith.mulf %add3A_496, %mul3A_498 : vector<16xf32>
          %swap3A_500 = arith.constant 2 : i32
          %swap3A_501 = arith.index_cast %swap3A_500 : i32 to index
          %swap3A_502 = arith.index_cast %scan3A_180 : i32 to index
          %swap3A_503 = arith.constant 32 : index
          %swap3A_504 = tpu.vector_load %arg7[%swap3A_501, %swap3A_502, %swap3A_503] {strides = array<i32>} : memref<3x16x256xf32, #tpu.memory_space<vmem>>, vector<1x1x16xf32>,
          %swap3A_505 = vector.shape_cast %swap3A_504 : vector<1x1x16xf32> to vector<16xf32>
          %swap3A_506 = vector.shape_cast %mul3A_499 : vector<16xf32> to vector<1x1x16xf32>
          tpu.vector_store %arg7[%swap3A_501, %swap3A_502, %swap3A_503], %swap3A_506 {strides = array<i32>} : memref<3x16x256xf32, #tpu.memory_space<vmem>>, vector<1x1x16xf32>,
          %add3A_507 = arith.addf %get3A_399, %get3A_409 : vector<16xf32>
          %add3A_508 = arith.addf %get3A_419, %get3A_429 : vector<16xf32>
          %add3A_509 = arith.addf %add3A_507, %add3A_508 : vector<16xf32>
          %add3A_510 = arith.addf %get3A_439, %get3A_449 : vector<16xf32>
          %add3A_511 = arith.addf %add3A_510, %get3A_459 : vector<16xf32>
          %add3A_512 = arith.addf %add3A_509, %add3A_511 : vector<16xf32>
          %mul3A_513 = arith.constant 0.142857149 : f32
          %mul3A_514 = vector.broadcast %mul3A_513 : f32 to vector<16xf32>
          %mul3A_515 = arith.mulf %add3A_512, %mul3A_514 : vector<16xf32>
          %swap3A_516 = arith.constant 2 : i32
          %swap3A_517 = arith.index_cast %swap3A_516 : i32 to index
          %swap3A_518 = arith.index_cast %scan3A_180 : i32 to index
          %swap3A_519 = arith.constant 48 : index
          %swap3A_520 = tpu.vector_load %arg7[%swap3A_517, %swap3A_518, %swap3A_519] {strides = array<i32>} : memref<3x16x256xf32, #tpu.memory_space<vmem>>, vector<1x1x16xf32>,
          %swap3A_521 = vector.shape_cast %swap3A_520 : vector<1x1x16xf32> to vector<16xf32>
          %swap3A_522 = vector.shape_cast %mul3A_515 : vector<16xf32> to vector<1x1x16xf32>
          tpu.vector_store %arg7[%swap3A_517, %swap3A_518, %swap3A_519], %swap3A_522 {strides = array<i32>} : memref<3x16x256xf32, #tpu.memory_space<vmem>>, vector<1x1x16xf32>,
          %mul3A_523 = arith.constant 7 : i32
          %mul3A_524 = arith.muli %scan3A_180, %mul3A_523 : i32
          %add3A_525 = arith.constant 0 : i32
          %add3A_526 = arith.addi %mul3A_524, %add3A_525 : i32
          %get3A_527 = arith.constant 2 : i32
          %get3A_528 = arith.index_cast %get3A_527 : i32 to index
          %get3A_529 = arith.index_cast %add3A_526 : i32 to index
          %get3A_530 = arith.constant 64 : index
          %get3A_531 = tpu.vector_load %arg6[%get3A_528, %get3A_529, %get3A_530] {strides = array<i32>} : memref<3x112x256xf32, #tpu.memory_space<vmem>>, vector<1x1x16xf32>,
          %get3A_532 = vector.shape_cast %get3A_531 : vector<1x1x16xf32> to vector<16xf32>
          %mul3A_533 = arith.constant 7 : i32
          %mul3A_534 = arith.muli %scan3A_180, %mul3A_533 : i32
          %add3A_535 = arith.constant 1 : i32
          %add3A_536 = arith.addi %mul3A_534, %add3A_535 : i32
          %get3A_537 = arith.constant 2 : i32
          %get3A_538 = arith.index_cast %get3A_537 : i32 to index
          %get3A_539 = arith.index_cast %add3A_536 : i32 to index
          %get3A_540 = arith.constant 64 : index
          %get3A_541 = tpu.vector_load %arg6[%get3A_538, %get3A_539, %get3A_540] {strides = array<i32>} : memref<3x112x256xf32, #tpu.memory_space<vmem>>, vector<1x1x16xf32>,
          %get3A_542 = vector.shape_cast %get3A_541 : vector<1x1x16xf32> to vector<16xf32>
          %mul3A_543 = arith.constant 7 : i32
          %mul3A_544 = arith.muli %scan3A_180, %mul3A_543 : i32
          %add3A_545 = arith.constant 2 : i32
          %add3A_546 = arith.addi %mul3A_544, %add3A_545 : i32
          %get3A_547 = arith.constant 2 : i32
          %get3A_548 = arith.index_cast %get3A_547 : i32 to index
          %get3A_549 = arith.index_cast %add3A_546 : i32 to index
          %get3A_550 = arith.constant 64 : index
          %get3A_551 = tpu.vector_load %arg6[%get3A_548, %get3A_549, %get3A_550] {strides = array<i32>} : memref<3x112x256xf32, #tpu.memory_space<vmem>>, vector<1x1x16xf32>,
          %get3A_552 = vector.shape_cast %get3A_551 : vector<1x1x16xf32> to vector<16xf32>
          %mul3A_553 = arith.constant 7 : i32
          %mul3A_554 = arith.muli %scan3A_180, %mul3A_553 : i32
          %add3A_555 = arith.constant 3 : i32
          %add3A_556 = arith.addi %mul3A_554, %add3A_555 : i32
          %get3A_557 = arith.constant 2 : i32
          %get3A_558 = arith.index_cast %get3A_557 : i32 to index
          %get3A_559 = arith.index_cast %add3A_556 : i32 to index
          %get3A_560 = arith.constant 64 : index
          %get3A_561 = tpu.vector_load %arg6[%get3A_558, %get3A_559, %get3A_560] {strides = array<i32>} : memref<3x112x256xf32, #tpu.memory_space<vmem>>, vector<1x1x16xf32>,
          %get3A_562 = vector.shape_cast %get3A_561 : vector<1x1x16xf32> to vector<16xf32>
          %mul3A_563 = arith.constant 7 : i32
          %mul3A_564 = arith.muli %scan3A_180, %mul3A_563 : i32
          %add3A_565 = arith.constant 4 : i32
          %add3A_566 = arith.addi %mul3A_564, %add3A_565 : i32
          %get3A_567 = arith.constant 2 : i32
          %get3A_568 = arith.index_cast %get3A_567 : i32 to index
          %get3A_569 = arith.index_cast %add3A_566 : i32 to index
          %get3A_570 = arith.constant 64 : index
          %get3A_571 = tpu.vector_load %arg6[%get3A_568, %get3A_569, %get3A_570] {strides = array<i32>} : memref<3x112x256xf32, #tpu.memory_space<vmem>>, vector<1x1x16xf32>,
          %get3A_572 = vector.shape_cast %get3A_571 : vector<1x1x16xf32> to vector<16xf32>
          %mul3A_573 = arith.constant 7 : i32
          %mul3A_574 = arith.muli %scan3A_180, %mul3A_573 : i32
          %add3A_575 = arith.constant 5 : i32
          %add3A_576 = arith.addi %mul3A_574, %add3A_575 : i32
          %get3A_577 = arith.constant 2 : i32
          %get3A_578 = arith.index_cast %get3A_577 : i32 to index
          %get3A_579 = arith.index_cast %add3A_576 : i32 to index
          %get3A_580 = arith.constant 64 : index
          %get3A_581 = tpu.vector_load %arg6[%get3A_578, %get3A_579, %get3A_580] {strides = array<i32>} : memref<3x112x256xf32, #tpu.memory_space<vmem>>, vector<1x1x16xf32>,
          %get3A_582 = vector.shape_cast %get3A_581 : vector<1x1x16xf32> to vector<16xf32>
          %mul3A_583 = arith.constant 7 : i32
          %mul3A_584 = arith.muli %scan3A_180, %mul3A_583 : i32
          %add3A_585 = arith.constant 6 : i32
          %add3A_586 = arith.addi %mul3A_584, %add3A_585 : i32
          %get3A_587 = arith.constant 2 : i32
          %get3A_588 = arith.index_cast %get3A_587 : i32 to index
          %get3A_589 = arith.index_cast %add3A_586 : i32 to index
          %get3A_590 = arith.constant 64 : index
          %get3A_591 = tpu.vector_load %arg6[%get3A_588, %get3A_589, %get3A_590] {strides = array<i32>} : memref<3x112x256xf32, #tpu.memory_space<vmem>>, vector<1x1x16xf32>,
          %get3A_592 = vector.shape_cast %get3A_591 : vector<1x1x16xf32> to vector<16xf32>
          %mul3A_593 = arith.constant 7 : i32
          %mul3A_594 = arith.muli %scan3A_180, %mul3A_593 : i32
          %add3A_595 = arith.constant 0 : i32
          %add3A_596 = arith.addi %mul3A_594, %add3A_595 : i32
          %get3A_597 = arith.constant 2 : i32
          %get3A_598 = arith.index_cast %get3A_597 : i32 to index
          %get3A_599 = arith.index_cast %add3A_596 : i32 to index
          %get3A_600 = arith.constant 80 : index
          %get3A_601 = tpu.vector_load %arg6[%get3A_598, %get3A_599, %get3A_600] {strides = array<i32>} : memref<3x112x256xf32, #tpu.memory_space<vmem>>, vector<1x1x16xf32>,
          %get3A_602 = vector.shape_cast %get3A_601 : vector<1x1x16xf32> to vector<16xf32>
          %mul3A_603 = arith.constant 7 : i32
          %mul3A_604 = arith.muli %scan3A_180, %mul3A_603 : i32
          %add3A_605 = arith.constant 1 : i32
          %add3A_606 = arith.addi %mul3A_604, %add3A_605 : i32
          %get3A_607 = arith.constant 2 : i32
          %get3A_608 = arith.index_cast %get3A_607 : i32 to index
          %get3A_609 = arith.index_cast %add3A_606 : i32 to index
          %get3A_610 = arith.constant 80 : index
          %get3A_611 = tpu.vector_load %arg6[%get3A_608, %get3A_609, %get3A_610] {strides = array<i32>} : memref<3x112x256xf32, #tpu.memory_space<vmem>>, vector<1x1x16xf32>,
          %get3A_612 = vector.shape_cast %get3A_611 : vector<1x1x16xf32> to vector<16xf32>
          %mul3A_613 = arith.constant 7 : i32
          %mul3A_614 = arith.muli %scan3A_180, %mul3A_613 : i32
          %add3A_615 = arith.constant 2 : i32
          %add3A_616 = arith.addi %mul3A_614, %add3A_615 : i32
          %get3A_617 = arith.constant 2 : i32
          %get3A_618 = arith.index_cast %get3A_617 : i32 to index
          %get3A_619 = arith.index_cast %add3A_616 : i32 to index
          %get3A_620 = arith.constant 80 : index
          %get3A_621 = tpu.vector_load %arg6[%get3A_618, %get3A_619, %get3A_620] {strides = array<i32>} : memref<3x112x256xf32, #tpu.memory_space<vmem>>, vector<1x1x16xf32>,
          %get3A_622 = vector.shape_cast %get3A_621 : vector<1x1x16xf32> to vector<16xf32>
          %mul3A_623 = arith.constant 7 : i32
          %mul3A_624 = arith.muli %scan3A_180, %mul3A_623 : i32
          %add3A_625 = arith.constant 3 : i32
          %add3A_626 = arith.addi %mul3A_624, %add3A_625 : i32
          %get3A_627 = arith.constant 2 : i32
          %get3A_628 = arith.index_cast %get3A_627 : i32 to index
          %get3A_629 = arith.index_cast %add3A_626 : i32 to index
          %get3A_630 = arith.constant 80 : index
          %get3A_631 = tpu.vector_load %arg6[%get3A_628, %get3A_629, %get3A_630] {strides = array<i32>} : memref<3x112x256xf32, #tpu.memory_space<vmem>>, vector<1x1x16xf32>,
          %get3A_632 = vector.shape_cast %get3A_631 : vector<1x1x16xf32> to vector<16xf32>
          %mul3A_633 = arith.constant 7 : i32
          %mul3A_634 = arith.muli %scan3A_180, %mul3A_633 : i32
          %add3A_635 = arith.constant 4 : i32
          %add3A_636 = arith.addi %mul3A_634, %add3A_635 : i32
          %get3A_637 = arith.constant 2 : i32
          %get3A_638 = arith.index_cast %get3A_637 : i32 to index
          %get3A_639 = arith.index_cast %add3A_636 : i32 to index
          %get3A_640 = arith.constant 80 : index
          %get3A_641 = tpu.vector_load %arg6[%get3A_638, %get3A_639, %get3A_640] {strides = array<i32>} : memref<3x112x256xf32, #tpu.memory_space<vmem>>, vector<1x1x16xf32>,
          %get3A_642 = vector.shape_cast %get3A_641 : vector<1x1x16xf32> to vector<16xf32>
          %mul3A_643 = arith.constant 7 : i32
          %mul3A_644 = arith.muli %scan3A_180, %mul3A_643 : i32
          %add3A_645 = arith.constant 5 : i32
          %add3A_646 = arith.addi %mul3A_644, %add3A_645 : i32
          %get3A_647 = arith.constant 2 : i32
          %get3A_648 = arith.index_cast %get3A_647 : i32 to index
          %get3A_649 = arith.index_cast %add3A_646 : i32 to index
          %get3A_650 = arith.constant 80 : index
          %get3A_651 = tpu.vector_load %arg6[%get3A_648, %get3A_649, %get3A_650] {strides = array<i32>} : memref<3x112x256xf32, #tpu.memory_space<vmem>>, vector<1x1x16xf32>,
          %get3A_652 = vector.shape_cast %get3A_651 : vector<1x1x16xf32> to vector<16xf32>
          %mul3A_653 = arith.constant 7 : i32
          %mul3A_654 = arith.muli %scan3A_180, %mul3A_653 : i32
          %add3A_655 = arith.constant 6 : i32
          %add3A_656 = arith.addi %mul3A_654, %add3A_655 : i32
          %get3A_657 = arith.constant 2 : i32
          %get3A_658 = arith.index_cast %get3A_657 : i32 to index
          %get3A_659 = arith.index_cast %add3A_656 : i32 to index
          %get3A_660 = arith.constant 80 : index
          %get3A_661 = tpu.vector_load %arg6[%get3A_658, %get3A_659, %get3A_660] {strides = array<i32>} : memref<3x112x256xf32, #tpu.memory_space<vmem>>, vector<1x1x16xf32>,
          %get3A_662 = vector.shape_cast %get3A_661 : vector<1x1x16xf32> to vector<16xf32>
          %mul3A_663 = arith.constant 7 : i32
          %mul3A_664 = arith.muli %scan3A_180, %mul3A_663 : i32
          %add3A_665 = arith.constant 0 : i32
          %add3A_666 = arith.addi %mul3A_664, %add3A_665 : i32
          %get3A_667 = arith.constant 2 : i32
          %get3A_668 = arith.index_cast %get3A_667 : i32 to index
          %get3A_669 = arith.index_cast %add3A_666 : i32 to index
          %get3A_670 = arith.constant 96 : index
          %get3A_671 = tpu.vector_load %arg6[%get3A_668, %get3A_669, %get3A_670] {strides = array<i32>} : memref<3x112x256xf32, #tpu.memory_space<vmem>>, vector<1x1x16xf32>,
          %get3A_672 = vector.shape_cast %get3A_671 : vector<1x1x16xf32> to vector<16xf32>
          %mul3A_673 = arith.constant 7 : i32
          %mul3A_674 = arith.muli %scan3A_180, %mul3A_673 : i32
          %add3A_675 = arith.constant 1 : i32
          %add3A_676 = arith.addi %mul3A_674, %add3A_675 : i32
          %get3A_677 = arith.constant 2 : i32
          %get3A_678 = arith.index_cast %get3A_677 : i32 to index
          %get3A_679 = arith.index_cast %add3A_676 : i32 to index
          %get3A_680 = arith.constant 96 : index
          %get3A_681 = tpu.vector_load %arg6[%get3A_678, %get3A_679, %get3A_680] {strides = array<i32>} : memref<3x112x256xf32, #tpu.memory_space<vmem>>, vector<1x1x16xf32>,
          %get3A_682 = vector.shape_cast %get3A_681 : vector<1x1x16xf32> to vector<16xf32>
          %mul3A_683 = arith.constant 7 : i32
          %mul3A_684 = arith.muli %scan3A_180, %mul3A_683 : i32
          %add3A_685 = arith.constant 2 : i32
          %add3A_686 = arith.addi %mul3A_684, %add3A_685 : i32
          %get3A_687 = arith.constant 2 : i32
          %get3A_688 = arith.index_cast %get3A_687 : i32 to index
          %get3A_689 = arith.index_cast %add3A_686 : i32 to index
          %get3A_690 = arith.constant 96 : index
          %get3A_691 = tpu.vector_load %arg6[%get3A_688, %get3A_689, %get3A_690] {strides = array<i32>} : memref<3x112x256xf32, #tpu.memory_space<vmem>>, vector<1x1x16xf32>,
          %get3A_692 = vector.shape_cast %get3A_691 : vector<1x1x16xf32> to vector<16xf32>
          %mul3A_693 = arith.constant 7 : i32
          %mul3A_694 = arith.muli %scan3A_180, %mul3A_693 : i32
          %add3A_695 = arith.constant 3 : i32
          %add3A_696 = arith.addi %mul3A_694, %add3A_695 : i32
          %get3A_697 = arith.constant 2 : i32
          %get3A_698 = arith.index_cast %get3A_697 : i32 to index
          %get3A_699 = arith.index_cast %add3A_696 : i32 to index
          %get3A_700 = arith.constant 96 : index
          %get3A_701 = tpu.vector_load %arg6[%get3A_698, %get3A_699, %get3A_700] {strides = array<i32>} : memref<3x112x256xf32, #tpu.memory_space<vmem>>, vector<1x1x16xf32>,
          %get3A_702 = vector.shape_cast %get3A_701 : vector<1x1x16xf32> to vector<16xf32>
          %mul3A_703 = arith.constant 7 : i32
          %mul3A_704 = arith.muli %scan3A_180, %mul3A_703 : i32
          %add3A_705 = arith.constant 4 : i32
          %add3A_706 = arith.addi %mul3A_704, %add3A_705 : i32
          %get3A_707 = arith.constant 2 : i32
          %get3A_708 = arith.index_cast %get3A_707 : i32 to index
          %get3A_709 = arith.index_cast %add3A_706 : i32 to index
          %get3A_710 = arith.constant 96 : index
          %get3A_711 = tpu.vector_load %arg6[%get3A_708, %get3A_709, %get3A_710] {strides = array<i32>} : memref<3x112x256xf32, #tpu.memory_space<vmem>>, vector<1x1x16xf32>,
          %get3A_712 = vector.shape_cast %get3A_711 : vector<1x1x16xf32> to vector<16xf32>
          %mul3A_713 = arith.constant 7 : i32
          %mul3A_714 = arith.muli %scan3A_180, %mul3A_713 : i32
          %add3A_715 = arith.constant 5 : i32
          %add3A_716 = arith.addi %mul3A_714, %add3A_715 : i32
          %get3A_717 = arith.constant 2 : i32
          %get3A_718 = arith.index_cast %get3A_717 : i32 to index
          %get3A_719 = arith.index_cast %add3A_716 : i32 to index
          %get3A_720 = arith.constant 96 : index
          %get3A_721 = tpu.vector_load %arg6[%get3A_718, %get3A_719, %get3A_720] {strides = array<i32>} : memref<3x112x256xf32, #tpu.memory_space<vmem>>, vector<1x1x16xf32>,
          %get3A_722 = vector.shape_cast %get3A_721 : vector<1x1x16xf32> to vector<16xf32>
          %mul3A_723 = arith.constant 7 : i32
          %mul3A_724 = arith.muli %scan3A_180, %mul3A_723 : i32
          %add3A_725 = arith.constant 6 : i32
          %add3A_726 = arith.addi %mul3A_724, %add3A_725 : i32
          %get3A_727 = arith.constant 2 : i32
          %get3A_728 = arith.index_cast %get3A_727 : i32 to index
          %get3A_729 = arith.index_cast %add3A_726 : i32 to index
          %get3A_730 = arith.constant 96 : index
          %get3A_731 = tpu.vector_load %arg6[%get3A_728, %get3A_729, %get3A_730] {strides = array<i32>} : memref<3x112x256xf32, #tpu.memory_space<vmem>>, vector<1x1x16xf32>,
          %get3A_732 = vector.shape_cast %get3A_731 : vector<1x1x16xf32> to vector<16xf32>
          %mul3A_733 = arith.constant 7 : i32
          %mul3A_734 = arith.muli %scan3A_180, %mul3A_733 : i32
          %add3A_735 = arith.constant 0 : i32
          %add3A_736 = arith.addi %mul3A_734, %add3A_735 : i32
          %get3A_737 = arith.constant 2 : i32
          %get3A_738 = arith.index_cast %get3A_737 : i32 to index
          %get3A_739 = arith.index_cast %add3A_736 : i32 to index
          %get3A_740 = arith.constant 112 : index
          %get3A_741 = tpu.vector_load %arg6[%get3A_738, %get3A_739, %get3A_740] {strides = array<i32>} : memref<3x112x256xf32, #tpu.memory_space<vmem>>, vector<1x1x16xf32>,
          %get3A_742 = vector.shape_cast %get3A_741 : vector<1x1x16xf32> to vector<16xf32>
          %mul3A_743 = arith.constant 7 : i32
          %mul3A_744 = arith.muli %scan3A_180, %mul3A_743 : i32
          %add3A_745 = arith.constant 1 : i32
          %add3A_746 = arith.addi %mul3A_744, %add3A_745 : i32
          %get3A_747 = arith.constant 2 : i32
          %get3A_748 = arith.index_cast %get3A_747 : i32 to index
          %get3A_749 = arith.index_cast %add3A_746 : i32 to index
          %get3A_750 = arith.constant 112 : index
          %get3A_751 = tpu.vector_load %arg6[%get3A_748, %get3A_749, %get3A_750] {strides = array<i32>} : memref<3x112x256xf32, #tpu.memory_space<vmem>>, vector<1x1x16xf32>,
          %get3A_752 = vector.shape_cast %get3A_751 : vector<1x1x16xf32> to vector<16xf32>
          %mul3A_753 = arith.constant 7 : i32
          %mul3A_754 = arith.muli %scan3A_180, %mul3A_753 : i32
          %add3A_755 = arith.constant 2 : i32
          %add3A_756 = arith.addi %mul3A_754, %add3A_755 : i32
          %get3A_757 = arith.constant 2 : i32
          %get3A_758 = arith.index_cast %get3A_757 : i32 to index
          %get3A_759 = arith.index_cast %add3A_756 : i32 to index
          %get3A_760 = arith.constant 112 : index
          %get3A_761 = tpu.vector_load %arg6[%get3A_758, %get3A_759, %get3A_760] {strides = array<i32>} : memref<3x112x256xf32, #tpu.memory_space<vmem>>, vector<1x1x16xf32>,
          %get3A_762 = vector.shape_cast %get3A_761 : vector<1x1x16xf32> to vector<16xf32>
          %mul3A_763 = arith.constant 7 : i32
          %mul3A_764 = arith.muli %scan3A_180, %mul3A_763 : i32
          %add3A_765 = arith.constant 3 : i32
          %add3A_766 = arith.addi %mul3A_764, %add3A_765 : i32
          %get3A_767 = arith.constant 2 : i32
          %get3A_768 = arith.index_cast %get3A_767 : i32 to index
          %get3A_769 = arith.index_cast %add3A_766 : i32 to index
          %get3A_770 = arith.constant 112 : index
          %get3A_771 = tpu.vector_load %arg6[%get3A_768, %get3A_769, %get3A_770] {strides = array<i32>} : memref<3x112x256xf32, #tpu.memory_space<vmem>>, vector<1x1x16xf32>,
          %get3A_772 = vector.shape_cast %get3A_771 : vector<1x1x16xf32> to vector<16xf32>
          %mul3A_773 = arith.constant 7 : i32
          %mul3A_774 = arith.muli %scan3A_180, %mul3A_773 : i32
          %add3A_775 = arith.constant 4 : i32
          %add3A_776 = arith.addi %mul3A_774, %add3A_775 : i32
          %get3A_777 = arith.constant 2 : i32
          %get3A_778 = arith.index_cast %get3A_777 : i32 to index
          %get3A_779 = arith.index_cast %add3A_776 : i32 to index
          %get3A_780 = arith.constant 112 : index
          %get3A_781 = tpu.vector_load %arg6[%get3A_778, %get3A_779, %get3A_780] {strides = array<i32>} : memref<3x112x256xf32, #tpu.memory_space<vmem>>, vector<1x1x16xf32>,
          %get3A_782 = vector.shape_cast %get3A_781 : vector<1x1x16xf32> to vector<16xf32>
          %mul3A_783 = arith.constant 7 : i32
          %mul3A_784 = arith.muli %scan3A_180, %mul3A_783 : i32
          %add3A_785 = arith.constant 5 : i32
          %add3A_786 = arith.addi %mul3A_784, %add3A_785 : i32
          %get3A_787 = arith.constant 2 : i32
          %get3A_788 = arith.index_cast %get3A_787 : i32 to index
          %get3A_789 = arith.index_cast %add3A_786 : i32 to index
          %get3A_790 = arith.constant 112 : index
          %get3A_791 = tpu.vector_load %arg6[%get3A_788, %get3A_789, %get3A_790] {strides = array<i32>} : memref<3x112x256xf32, #tpu.memory_space<vmem>>, vector<1x1x16xf32>,
          %get3A_792 = vector.shape_cast %get3A_791 : vector<1x1x16xf32> to vector<16xf32>
          %mul3A_793 = arith.constant 7 : i32
          %mul3A_794 = arith.muli %scan3A_180, %mul3A_793 : i32
          %add3A_795 = arith.constant 6 : i32
          %add3A_796 = arith.addi %mul3A_794, %add3A_795 : i32
          %get3A_797 = arith.constant 2 : i32
          %get3A_798 = arith.index_cast %get3A_797 : i32 to index
          %get3A_799 = arith.index_cast %add3A_796 : i32 to index
          %get3A_800 = arith.constant 112 : index
          %get3A_801 = tpu.vector_load %arg6[%get3A_798, %get3A_799, %get3A_800] {strides = array<i32>} : memref<3x112x256xf32, #tpu.memory_space<vmem>>, vector<1x1x16xf32>,
          %get3A_802 = vector.shape_cast %get3A_801 : vector<1x1x16xf32> to vector<16xf32>
          %add3A_803 = arith.addf %get3A_532, %get3A_542 : vector<16xf32>
          %add3A_804 = arith.addf %get3A_552, %get3A_562 : vector<16xf32>
          %add3A_805 = arith.addf %add3A_803, %add3A_804 : vector<16xf32>
          %add3A_806 = arith.addf %get3A_572, %get3A_582 : vector<16xf32>
          %add3A_807 = arith.addf %add3A_806, %get3A_592 : vector<16xf32>
          %add3A_808 = arith.addf %add3A_805, %add3A_807 : vector<16xf32>
          %mul3A_809 = arith.constant 0.142857149 : f32
          %mul3A_810 = vector.broadcast %mul3A_809 : f32 to vector<16xf32>
          %mul3A_811 = arith.mulf %add3A_808, %mul3A_810 : vector<16xf32>
          %swap3A_812 = arith.constant 2 : i32
          %swap3A_813 = arith.index_cast %swap3A_812 : i32 to index
          %swap3A_814 = arith.index_cast %scan3A_180 : i32 to index
          %swap3A_815 = arith.constant 64 : index
          %swap3A_816 = tpu.vector_load %arg7[%swap3A_813, %swap3A_814, %swap3A_815] {strides = array<i32>} : memref<3x16x256xf32, #tpu.memory_space<vmem>>, vector<1x1x16xf32>,
          %swap3A_817 = vector.shape_cast %swap3A_816 : vector<1x1x16xf32> to vector<16xf32>
          %swap3A_818 = vector.shape_cast %mul3A_811 : vector<16xf32> to vector<1x1x16xf32>
          tpu.vector_store %arg7[%swap3A_813, %swap3A_814, %swap3A_815], %swap3A_818 {strides = array<i32>} : memref<3x16x256xf32, #tpu.memory_space<vmem>>, vector<1x1x16xf32>,
          %add3A_819 = arith.addf %get3A_602, %get3A_612 : vector<16xf32>
          %add3A_820 = arith.addf %get3A_622, %get3A_632 : vector<16xf32>
          %add3A_821 = arith.addf %add3A_819, %add3A_820 : vector<16xf32>
          %add3A_822 = arith.addf %get3A_642, %get3A_652 : vector<16xf32>
          %add3A_823 = arith.addf %add3A_822, %get3A_662 : vector<16xf32>
          %add3A_824 = arith.addf %add3A_821, %add3A_823 : vector<16xf32>
          %mul3A_825 = arith.constant 0.142857149 : f32
          %mul3A_826 = vector.broadcast %mul3A_825 : f32 to vector<16xf32>
          %mul3A_827 = arith.mulf %add3A_824, %mul3A_826 : vector<16xf32>
          %swap3A_828 = arith.constant 2 : i32
          %swap3A_829 = arith.index_cast %swap3A_828 : i32 to index
          %swap3A_830 = arith.index_cast %scan3A_180 : i32 to index
          %swap3A_831 = arith.constant 80 : index
          %swap3A_832 = tpu.vector_load %arg7[%swap3A_829, %swap3A_830, %swap3A_831] {strides = array<i32>} : memref<3x16x256xf32, #tpu.memory_space<vmem>>, vector<1x1x16xf32>,
          %swap3A_833 = vector.shape_cast %swap3A_832 : vector<1x1x16xf32> to vector<16xf32>
          %swap3A_834 = vector.shape_cast %mul3A_827 : vector<16xf32> to vector<1x1x16xf32>
          tpu.vector_store %arg7[%swap3A_829, %swap3A_830, %swap3A_831], %swap3A_834 {strides = array<i32>} : memref<3x16x256xf32, #tpu.memory_space<vmem>>, vector<1x1x16xf32>,
          %add3A_835 = arith.addf %get3A_672, %get3A_682 : vector<16xf32>
          %add3A_836 = arith.addf %get3A_692, %get3A_702 : vector<16xf32>
          %add3A_837 = arith.addf %add3A_835, %add3A_836 : vector<16xf32>
          %add3A_838 = arith.addf %get3A_712, %get3A_722 : vector<16xf32>
          %add3A_839 = arith.addf %add3A_838, %get3A_732 : vector<16xf32>
          %add3A_840 = arith.addf %add3A_837, %add3A_839 : vector<16xf32>
          %mul3A_841 = arith.constant 0.142857149 : f32
          %mul3A_842 = vector.broadcast %mul3A_841 : f32 to vector<16xf32>
          %mul3A_843 = arith.mulf %add3A_840, %mul3A_842 : vector<16xf32>
          %swap3A_844 = arith.constant 2 : i32
          %swap3A_845 = arith.index_cast %swap3A_844 : i32 to index
          %swap3A_846 = arith.index_cast %scan3A_180 : i32 to index
          %swap3A_847 = arith.constant 96 : index
          %swap3A_848 = tpu.vector_load %arg7[%swap3A_845, %swap3A_846, %swap3A_847] {strides = array<i32>} : memref<3x16x256xf32, #tpu.memory_space<vmem>>, vector<1x1x16xf32>,
          %swap3A_849 = vector.shape_cast %swap3A_848 : vector<1x1x16xf32> to vector<16xf32>
          %swap3A_850 = vector.shape_cast %mul3A_843 : vector<16xf32> to vector<1x1x16xf32>
          tpu.vector_store %arg7[%swap3A_845, %swap3A_846, %swap3A_847], %swap3A_850 {strides = array<i32>} : memref<3x16x256xf32, #tpu.memory_space<vmem>>, vector<1x1x16xf32>,
          %add3A_851 = arith.addf %get3A_742, %get3A_752 : vector<16xf32>
          %add3A_852 = arith.addf %get3A_762, %get3A_772 : vector<16xf32>
          %add3A_853 = arith.addf %add3A_851, %add3A_852 : vector<16xf32>
          %add3A_854 = arith.addf %get3A_782, %get3A_792 : vector<16xf32>
          %add3A_855 = arith.addf %add3A_854, %get3A_802 : vector<16xf32>
          %add3A_856 = arith.addf %add3A_853, %add3A_855 : vector<16xf32>
          %mul3A_857 = arith.constant 0.142857149 : f32
          %mul3A_858 = vector.broadcast %mul3A_857 : f32 to vector<16xf32>
          %mul3A_859 = arith.mulf %add3A_856, %mul3A_858 : vector<16xf32>
          %swap3A_860 = arith.constant 2 : i32
          %swap3A_861 = arith.index_cast %swap3A_860 : i32 to index
          %swap3A_862 = arith.index_cast %scan3A_180 : i32 to index
          %swap3A_863 = arith.constant 112 : index
          %swap3A_864 = tpu.vector_load %arg7[%swap3A_861, %swap3A_862, %swap3A_863] {strides = array<i32>} : memref<3x16x256xf32, #tpu.memory_space<vmem>>, vector<1x1x16xf32>,
          %swap3A_865 = vector.shape_cast %swap3A_864 : vector<1x1x16xf32> to vector<16xf32>
          %swap3A_866 = vector.shape_cast %mul3A_859 : vector<16xf32> to vector<1x1x16xf32>
          tpu.vector_store %arg7[%swap3A_861, %swap3A_862, %swap3A_863], %swap3A_866 {strides = array<i32>} : memref<3x16x256xf32, #tpu.memory_space<vmem>>, vector<1x1x16xf32>,
          %mul3A_867 = arith.constant 7 : i32
          %mul3A_868 = arith.muli %scan3A_180, %mul3A_867 : i32
          %add3A_869 = arith.constant 0 : i32
          %add3A_870 = arith.addi %mul3A_868, %add3A_869 : i32
          %get3A_871 = arith.constant 2 : i32
          %get3A_872 = arith.index_cast %get3A_871 : i32 to index
          %get3A_873 = arith.index_cast %add3A_870 : i32 to index
          %get3A_874 = arith.constant 128 : index
          %get3A_875 = tpu.vector_load %arg6[%get3A_872, %get3A_873, %get3A_874] {strides = array<i32>} : memref<3x112x256xf32, #tpu.memory_space<vmem>>, vector<1x1x16xf32>,
          %get3A_876 = vector.shape_cast %get3A_875 : vector<1x1x16xf32> to vector<16xf32>
          %mul3A_877 = arith.constant 7 : i32
          %mul3A_878 = arith.muli %scan3A_180, %mul3A_877 : i32
          %add3A_879 = arith.constant 1 : i32
          %add3A_880 = arith.addi %mul3A_878, %add3A_879 : i32
          %get3A_881 = arith.constant 2 : i32
          %get3A_882 = arith.index_cast %get3A_881 : i32 to index
          %get3A_883 = arith.index_cast %add3A_880 : i32 to index
          %get3A_884 = arith.constant 128 : index
          %get3A_885 = tpu.vector_load %arg6[%get3A_882, %get3A_883, %get3A_884] {strides = array<i32>} : memref<3x112x256xf32, #tpu.memory_space<vmem>>, vector<1x1x16xf32>,
          %get3A_886 = vector.shape_cast %get3A_885 : vector<1x1x16xf32> to vector<16xf32>
          %mul3A_887 = arith.constant 7 : i32
          %mul3A_888 = arith.muli %scan3A_180, %mul3A_887 : i32
          %add3A_889 = arith.constant 2 : i32
          %add3A_890 = arith.addi %mul3A_888, %add3A_889 : i32
          %get3A_891 = arith.constant 2 : i32
          %get3A_892 = arith.index_cast %get3A_891 : i32 to index
          %get3A_893 = arith.index_cast %add3A_890 : i32 to index
          %get3A_894 = arith.constant 128 : index
          %get3A_895 = tpu.vector_load %arg6[%get3A_892, %get3A_893, %get3A_894] {strides = array<i32>} : memref<3x112x256xf32, #tpu.memory_space<vmem>>, vector<1x1x16xf32>,
          %get3A_896 = vector.shape_cast %get3A_895 : vector<1x1x16xf32> to vector<16xf32>
          %mul3A_897 = arith.constant 7 : i32
          %mul3A_898 = arith.muli %scan3A_180, %mul3A_897 : i32
          %add3A_899 = arith.constant 3 : i32
          %add3A_900 = arith.addi %mul3A_898, %add3A_899 : i32
          %get3A_901 = arith.constant 2 : i32
          %get3A_902 = arith.index_cast %get3A_901 : i32 to index
          %get3A_903 = arith.index_cast %add3A_900 : i32 to index
          %get3A_904 = arith.constant 128 : index
          %get3A_905 = tpu.vector_load %arg6[%get3A_902, %get3A_903, %get3A_904] {strides = array<i32>} : memref<3x112x256xf32, #tpu.memory_space<vmem>>, vector<1x1x16xf32>,
          %get3A_906 = vector.shape_cast %get3A_905 : vector<1x1x16xf32> to vector<16xf32>
          %mul3A_907 = arith.constant 7 : i32
          %mul3A_908 = arith.muli %scan3A_180, %mul3A_907 : i32
          %add3A_909 = arith.constant 4 : i32
          %add3A_910 = arith.addi %mul3A_908, %add3A_909 : i32
          %get3A_911 = arith.constant 2 : i32
          %get3A_912 = arith.index_cast %get3A_911 : i32 to index
          %get3A_913 = arith.index_cast %add3A_910 : i32 to index
          %get3A_914 = arith.constant 128 : index
          %get3A_915 = tpu.vector_load %arg6[%get3A_912, %get3A_913, %get3A_914] {strides = array<i32>} : memref<3x112x256xf32, #tpu.memory_space<vmem>>, vector<1x1x16xf32>,
          %get3A_916 = vector.shape_cast %get3A_915 : vector<1x1x16xf32> to vector<16xf32>
          %mul3A_917 = arith.constant 7 : i32
          %mul3A_918 = arith.muli %scan3A_180, %mul3A_917 : i32
          %add3A_919 = arith.constant 5 : i32
          %add3A_920 = arith.addi %mul3A_918, %add3A_919 : i32
          %get3A_921 = arith.constant 2 : i32
          %get3A_922 = arith.index_cast %get3A_921 : i32 to index
          %get3A_923 = arith.index_cast %add3A_920 : i32 to index
          %get3A_924 = arith.constant 128 : index
          %get3A_925 = tpu.vector_load %arg6[%get3A_922, %get3A_923, %get3A_924] {strides = array<i32>} : memref<3x112x256xf32, #tpu.memory_space<vmem>>, vector<1x1x16xf32>,
          %get3A_926 = vector.shape_cast %get3A_925 : vector<1x1x16xf32> to vector<16xf32>
          %mul3A_927 = arith.constant 7 : i32
          %mul3A_928 = arith.muli %scan3A_180, %mul3A_927 : i32
          %add3A_929 = arith.constant 6 : i32
          %add3A_930 = arith.addi %mul3A_928, %add3A_929 : i32
          %get3A_931 = arith.constant 2 : i32
          %get3A_932 = arith.index_cast %get3A_931 : i32 to index
          %get3A_933 = arith.index_cast %add3A_930 : i32 to index
          %get3A_934 = arith.constant 128 : index
          %get3A_935 = tpu.vector_load %arg6[%get3A_932, %get3A_933, %get3A_934] {strides = array<i32>} : memref<3x112x256xf32, #tpu.memory_space<vmem>>, vector<1x1x16xf32>,
          %get3A_936 = vector.shape_cast %get3A_935 : vector<1x1x16xf32> to vector<16xf32>
          %mul3A_937 = arith.constant 7 : i32
          %mul3A_938 = arith.muli %scan3A_180, %mul3A_937 : i32
          %add3A_939 = arith.constant 0 : i32
          %add3A_940 = arith.addi %mul3A_938, %add3A_939 : i32
          %get3A_941 = arith.constant 2 : i32
          %get3A_942 = arith.index_cast %get3A_941 : i32 to index
          %get3A_943 = arith.index_cast %add3A_940 : i32 to index
          %get3A_944 = arith.constant 144 : index
          %get3A_945 = tpu.vector_load %arg6[%get3A_942, %get3A_943, %get3A_944] {strides = array<i32>} : memref<3x112x256xf32, #tpu.memory_space<vmem>>, vector<1x1x16xf32>,
          %get3A_946 = vector.shape_cast %get3A_945 : vector<1x1x16xf32> to vector<16xf32>
          %mul3A_947 = arith.constant 7 : i32
          %mul3A_948 = arith.muli %scan3A_180, %mul3A_947 : i32
          %add3A_949 = arith.constant 1 : i32
          %add3A_950 = arith.addi %mul3A_948, %add3A_949 : i32
          %get3A_951 = arith.constant 2 : i32
          %get3A_952 = arith.index_cast %get3A_951 : i32 to index
          %get3A_953 = arith.index_cast %add3A_950 : i32 to index
          %get3A_954 = arith.constant 144 : index
          %get3A_955 = tpu.vector_load %arg6[%get3A_952, %get3A_953, %get3A_954] {strides = array<i32>} : memref<3x112x256xf32, #tpu.memory_space<vmem>>, vector<1x1x16xf32>,
          %get3A_956 = vector.shape_cast %get3A_955 : vector<1x1x16xf32> to vector<16xf32>
          %mul3A_957 = arith.constant 7 : i32
          %mul3A_958 = arith.muli %scan3A_180, %mul3A_957 : i32
          %add3A_959 = arith.constant 2 : i32
          %add3A_960 = arith.addi %mul3A_958, %add3A_959 : i32
          %get3A_961 = arith.constant 2 : i32
          %get3A_962 = arith.index_cast %get3A_961 : i32 to index
          %get3A_963 = arith.index_cast %add3A_960 : i32 to index
          %get3A_964 = arith.constant 144 : index
          %get3A_965 = tpu.vector_load %arg6[%get3A_962, %get3A_963, %get3A_964] {strides = array<i32>} : memref<3x112x256xf32, #tpu.memory_space<vmem>>, vector<1x1x16xf32>,
          %get3A_966 = vector.shape_cast %get3A_965 : vector<1x1x16xf32> to vector<16xf32>
          %mul3A_967 = arith.constant 7 : i32
          %mul3A_968 = arith.muli %scan3A_180, %mul3A_967 : i32
          %add3A_969 = arith.constant 3 : i32
          %add3A_970 = arith.addi %mul3A_968, %add3A_969 : i32
          %get3A_971 = arith.constant 2 : i32
          %get3A_972 = arith.index_cast %get3A_971 : i32 to index
          %get3A_973 = arith.index_cast %add3A_970 : i32 to index
          %get3A_974 = arith.constant 144 : index
          %get3A_975 = tpu.vector_load %arg6[%get3A_972, %get3A_973, %get3A_974] {strides = array<i32>} : memref<3x112x256xf32, #tpu.memory_space<vmem>>, vector<1x1x16xf32>,
          %get3A_976 = vector.shape_cast %get3A_975 : vector<1x1x16xf32> to vector<16xf32>
          %mul3A_977 = arith.constant 7 : i32
          %mul3A_978 = arith.muli %scan3A_180, %mul3A_977 : i32
          %add3A_979 = arith.constant 4 : i32
          %add3A_980 = arith.addi %mul3A_978, %add3A_979 : i32
          %get3A_981 = arith.constant 2 : i32
          %get3A_982 = arith.index_cast %get3A_981 : i32 to index
          %get3A_983 = arith.index_cast %add3A_980 : i32 to index
          %get3A_984 = arith.constant 144 : index
          %get3A_985 = tpu.vector_load %arg6[%get3A_982, %get3A_983, %get3A_984] {strides = array<i32>} : memref<3x112x256xf32, #tpu.memory_space<vmem>>, vector<1x1x16xf32>,
          %get3A_986 = vector.shape_cast %get3A_985 : vector<1x1x16xf32> to vector<16xf32>
          %mul3A_987 = arith.constant 7 : i32
          %mul3A_988 = arith.muli %scan3A_180, %mul3A_987 : i32
          %add3A_989 = arith.constant 5 : i32
          %add3A_990 = arith.addi %mul3A_988, %add3A_989 : i32
          %get3A_991 = arith.constant 2 : i32
          %get3A_992 = arith.index_cast %get3A_991 : i32 to index
          %get3A_993 = arith.index_cast %add3A_990 : i32 to index
          %get3A_994 = arith.constant 144 : index
          %get3A_995 = tpu.vector_load %arg6[%get3A_992, %get3A_993, %get3A_994] {strides = array<i32>} : memref<3x112x256xf32, #tpu.memory_space<vmem>>, vector<1x1x16xf32>,
          %get3A_996 = vector.shape_cast %get3A_995 : vector<1x1x16xf32> to vector<16xf32>
          %mul3A_997 = arith.constant 7 : i32
          %mul3A_998 = arith.muli %scan3A_180, %mul3A_997 : i32
          %add3A_999 = arith.constant 6 : i32
          %add3A_1000 = arith.addi %mul3A_998, %add3A_999 : i32
          %get3A_1001 = arith.constant 2 : i32
          %get3A_1002 = arith.index_cast %get3A_1001 : i32 to index
          %get3A_1003 = arith.index_cast %add3A_1000 : i32 to index
          %get3A_1004 = arith.constant 144 : index
          %get3A_1005 = tpu.vector_load %arg6[%get3A_1002, %get3A_1003, %get3A_1004] {strides = array<i32>} : memref<3x112x256xf32, #tpu.memory_space<vmem>>, vector<1x1x16xf32>,
          %get3A_1006 = vector.shape_cast %get3A_1005 : vector<1x1x16xf32> to vector<16xf32>
          %mul3A_1007 = arith.constant 7 : i32
          %mul3A_1008 = arith.muli %scan3A_180, %mul3A_1007 : i32
          %add3A_1009 = arith.constant 0 : i32
          %add3A_1010 = arith.addi %mul3A_1008, %add3A_1009 : i32
          %get3A_1011 = arith.constant 2 : i32
          %get3A_1012 = arith.index_cast %get3A_1011 : i32 to index
          %get3A_1013 = arith.index_cast %add3A_1010 : i32 to index
          %get3A_1014 = arith.constant 160 : index
          %get3A_1015 = tpu.vector_load %arg6[%get3A_1012, %get3A_1013, %get3A_1014] {strides = array<i32>} : memref<3x112x256xf32, #tpu.memory_space<vmem>>, vector<1x1x16xf32>,
          %get3A_1016 = vector.shape_cast %get3A_1015 : vector<1x1x16xf32> to vector<16xf32>
          %mul3A_1017 = arith.constant 7 : i32
          %mul3A_1018 = arith.muli %scan3A_180, %mul3A_1017 : i32
          %add3A_1019 = arith.constant 1 : i32
          %add3A_1020 = arith.addi %mul3A_1018, %add3A_1019 : i32
          %get3A_1021 = arith.constant 2 : i32
          %get3A_1022 = arith.index_cast %get3A_1021 : i32 to index
          %get3A_1023 = arith.index_cast %add3A_1020 : i32 to index
          %get3A_1024 = arith.constant 160 : index
          %get3A_1025 = tpu.vector_load %arg6[%get3A_1022, %get3A_1023, %get3A_1024] {strides = array<i32>} : memref<3x112x256xf32, #tpu.memory_space<vmem>>, vector<1x1x16xf32>,
          %get3A_1026 = vector.shape_cast %get3A_1025 : vector<1x1x16xf32> to vector<16xf32>
          %mul3A_1027 = arith.constant 7 : i32
          %mul3A_1028 = arith.muli %scan3A_180, %mul3A_1027 : i32
          %add3A_1029 = arith.constant 2 : i32
          %add3A_1030 = arith.addi %mul3A_1028, %add3A_1029 : i32
          %get3A_1031 = arith.constant 2 : i32
          %get3A_1032 = arith.index_cast %get3A_1031 : i32 to index
          %get3A_1033 = arith.index_cast %add3A_1030 : i32 to index
          %get3A_1034 = arith.constant 160 : index
          %get3A_1035 = tpu.vector_load %arg6[%get3A_1032, %get3A_1033, %get3A_1034] {strides = array<i32>} : memref<3x112x256xf32, #tpu.memory_space<vmem>>, vector<1x1x16xf32>,
          %get3A_1036 = vector.shape_cast %get3A_1035 : vector<1x1x16xf32> to vector<16xf32>
          %mul3A_1037 = arith.constant 7 : i32
          %mul3A_1038 = arith.muli %scan3A_180, %mul3A_1037 : i32
          %add3A_1039 = arith.constant 3 : i32
          %add3A_1040 = arith.addi %mul3A_1038, %add3A_1039 : i32
          %get3A_1041 = arith.constant 2 : i32
          %get3A_1042 = arith.index_cast %get3A_1041 : i32 to index
          %get3A_1043 = arith.index_cast %add3A_1040 : i32 to index
          %get3A_1044 = arith.constant 160 : index
          %get3A_1045 = tpu.vector_load %arg6[%get3A_1042, %get3A_1043, %get3A_1044] {strides = array<i32>} : memref<3x112x256xf32, #tpu.memory_space<vmem>>, vector<1x1x16xf32>,
          %get3A_1046 = vector.shape_cast %get3A_1045 : vector<1x1x16xf32> to vector<16xf32>
          %mul3A_1047 = arith.constant 7 : i32
          %mul3A_1048 = arith.muli %scan3A_180, %mul3A_1047 : i32
          %add3A_1049 = arith.constant 4 : i32
          %add3A_1050 = arith.addi %mul3A_1048, %add3A_1049 : i32
          %get3A_1051 = arith.constant 2 : i32
          %get3A_1052 = arith.index_cast %get3A_1051 : i32 to index
          %get3A_1053 = arith.index_cast %add3A_1050 : i32 to index
          %get3A_1054 = arith.constant 160 : index
          %get3A_1055 = tpu.vector_load %arg6[%get3A_1052, %get3A_1053, %get3A_1054] {strides = array<i32>} : memref<3x112x256xf32, #tpu.memory_space<vmem>>, vector<1x1x16xf32>,
          %get3A_1056 = vector.shape_cast %get3A_1055 : vector<1x1x16xf32> to vector<16xf32>
          %mul3A_1057 = arith.constant 7 : i32
          %mul3A_1058 = arith.muli %scan3A_180, %mul3A_1057 : i32
          %add3A_1059 = arith.constant 5 : i32
          %add3A_1060 = arith.addi %mul3A_1058, %add3A_1059 : i32
          %get3A_1061 = arith.constant 2 : i32
          %get3A_1062 = arith.index_cast %get3A_1061 : i32 to index
          %get3A_1063 = arith.index_cast %add3A_1060 : i32 to index
          %get3A_1064 = arith.constant 160 : index
          %get3A_1065 = tpu.vector_load %arg6[%get3A_1062, %get3A_1063, %get3A_1064] {strides = array<i32>} : memref<3x112x256xf32, #tpu.memory_space<vmem>>, vector<1x1x16xf32>,
          %get3A_1066 = vector.shape_cast %get3A_1065 : vector<1x1x16xf32> to vector<16xf32>
          %mul3A_1067 = arith.constant 7 : i32
          %mul3A_1068 = arith.muli %scan3A_180, %mul3A_1067 : i32
          %add3A_1069 = arith.constant 6 : i32
          %add3A_1070 = arith.addi %mul3A_1068, %add3A_1069 : i32
          %get3A_1071 = arith.constant 2 : i32
          %get3A_1072 = arith.index_cast %get3A_1071 : i32 to index
          %get3A_1073 = arith.index_cast %add3A_1070 : i32 to index
          %get3A_1074 = arith.constant 160 : index
          %get3A_1075 = tpu.vector_load %arg6[%get3A_1072, %get3A_1073, %get3A_1074] {strides = array<i32>} : memref<3x112x256xf32, #tpu.memory_space<vmem>>, vector<1x1x16xf32>,
          %get3A_1076 = vector.shape_cast %get3A_1075 : vector<1x1x16xf32> to vector<16xf32>
          %mul3A_1077 = arith.constant 7 : i32
          %mul3A_1078 = arith.muli %scan3A_180, %mul3A_1077 : i32
          %add3A_1079 = arith.constant 0 : i32
          %add3A_1080 = arith.addi %mul3A_1078, %add3A_1079 : i32
          %get3A_1081 = arith.constant 2 : i32
          %get3A_1082 = arith.index_cast %get3A_1081 : i32 to index
          %get3A_1083 = arith.index_cast %add3A_1080 : i32 to index
          %get3A_1084 = arith.constant 176 : index
          %get3A_1085 = tpu.vector_load %arg6[%get3A_1082, %get3A_1083, %get3A_1084] {strides = array<i32>} : memref<3x112x256xf32, #tpu.memory_space<vmem>>, vector<1x1x16xf32>,
          %get3A_1086 = vector.shape_cast %get3A_1085 : vector<1x1x16xf32> to vector<16xf32>
          %mul3A_1087 = arith.constant 7 : i32
          %mul3A_1088 = arith.muli %scan3A_180, %mul3A_1087 : i32
          %add3A_1089 = arith.constant 1 : i32
          %add3A_1090 = arith.addi %mul3A_1088, %add3A_1089 : i32
          %get3A_1091 = arith.constant 2 : i32
          %get3A_1092 = arith.index_cast %get3A_1091 : i32 to index
          %get3A_1093 = arith.index_cast %add3A_1090 : i32 to index
          %get3A_1094 = arith.constant 176 : index
          %get3A_1095 = tpu.vector_load %arg6[%get3A_1092, %get3A_1093, %get3A_1094] {strides = array<i32>} : memref<3x112x256xf32, #tpu.memory_space<vmem>>, vector<1x1x16xf32>,
          %get3A_1096 = vector.shape_cast %get3A_1095 : vector<1x1x16xf32> to vector<16xf32>
          %mul3A_1097 = arith.constant 7 : i32
          %mul3A_1098 = arith.muli %scan3A_180, %mul3A_1097 : i32
          %add3A_1099 = arith.constant 2 : i32
          %add3A_1100 = arith.addi %mul3A_1098, %add3A_1099 : i32
          %get3A_1101 = arith.constant 2 : i32
          %get3A_1102 = arith.index_cast %get3A_1101 : i32 to index
          %get3A_1103 = arith.index_cast %add3A_1100 : i32 to index
          %get3A_1104 = arith.constant 176 : index
          %get3A_1105 = tpu.vector_load %arg6[%get3A_1102, %get3A_1103, %get3A_1104] {strides = array<i32>} : memref<3x112x256xf32, #tpu.memory_space<vmem>>, vector<1x1x16xf32>,
          %get3A_1106 = vector.shape_cast %get3A_1105 : vector<1x1x16xf32> to vector<16xf32>
          %mul3A_1107 = arith.constant 7 : i32
          %mul3A_1108 = arith.muli %scan3A_180, %mul3A_1107 : i32
          %add3A_1109 = arith.constant 3 : i32
          %add3A_1110 = arith.addi %mul3A_1108, %add3A_1109 : i32
          %get3A_1111 = arith.constant 2 : i32
          %get3A_1112 = arith.index_cast %get3A_1111 : i32 to index
          %get3A_1113 = arith.index_cast %add3A_1110 : i32 to index
          %get3A_1114 = arith.constant 176 : index
          %get3A_1115 = tpu.vector_load %arg6[%get3A_1112, %get3A_1113, %get3A_1114] {strides = array<i32>} : memref<3x112x256xf32, #tpu.memory_space<vmem>>, vector<1x1x16xf32>,
          %get3A_1116 = vector.shape_cast %get3A_1115 : vector<1x1x16xf32> to vector<16xf32>
          %mul3A_1117 = arith.constant 7 : i32
          %mul3A_1118 = arith.muli %scan3A_180, %mul3A_1117 : i32
          %add3A_1119 = arith.constant 4 : i32
          %add3A_1120 = arith.addi %mul3A_1118, %add3A_1119 : i32
          %get3A_1121 = arith.constant 2 : i32
          %get3A_1122 = arith.index_cast %get3A_1121 : i32 to index
          %get3A_1123 = arith.index_cast %add3A_1120 : i32 to index
          %get3A_1124 = arith.constant 176 : index
          %get3A_1125 = tpu.vector_load %arg6[%get3A_1122, %get3A_1123, %get3A_1124] {strides = array<i32>} : memref<3x112x256xf32, #tpu.memory_space<vmem>>, vector<1x1x16xf32>,
          %get3A_1126 = vector.shape_cast %get3A_1125 : vector<1x1x16xf32> to vector<16xf32>
          %mul3A_1127 = arith.constant 7 : i32
          %mul3A_1128 = arith.muli %scan3A_180, %mul3A_1127 : i32
          %add3A_1129 = arith.constant 5 : i32
          %add3A_1130 = arith.addi %mul3A_1128, %add3A_1129 : i32
          %get3A_1131 = arith.constant 2 : i32
          %get3A_1132 = arith.index_cast %get3A_1131 : i32 to index
          %get3A_1133 = arith.index_cast %add3A_1130 : i32 to index
          %get3A_1134 = arith.constant 176 : index
          %get3A_1135 = tpu.vector_load %arg6[%get3A_1132, %get3A_1133, %get3A_1134] {strides = array<i32>} : memref<3x112x256xf32, #tpu.memory_space<vmem>>, vector<1x1x16xf32>,
          %get3A_1136 = vector.shape_cast %get3A_1135 : vector<1x1x16xf32> to vector<16xf32>
          %mul3A_1137 = arith.constant 7 : i32
          %mul3A_1138 = arith.muli %scan3A_180, %mul3A_1137 : i32
          %add3A_1139 = arith.constant 6 : i32
          %add3A_1140 = arith.addi %mul3A_1138, %add3A_1139 : i32
          %get3A_1141 = arith.constant 2 : i32
          %get3A_1142 = arith.index_cast %get3A_1141 : i32 to index
          %get3A_1143 = arith.index_cast %add3A_1140 : i32 to index
          %get3A_1144 = arith.constant 176 : index
          %get3A_1145 = tpu.vector_load %arg6[%get3A_1142, %get3A_1143, %get3A_1144] {strides = array<i32>} : memref<3x112x256xf32, #tpu.memory_space<vmem>>, vector<1x1x16xf32>,
          %get3A_1146 = vector.shape_cast %get3A_1145 : vector<1x1x16xf32> to vector<16xf32>
          %add3A_1147 = arith.addf %get3A_876, %get3A_886 : vector<16xf32>
          %add3A_1148 = arith.addf %get3A_896, %get3A_906 : vector<16xf32>
          %add3A_1149 = arith.addf %add3A_1147, %add3A_1148 : vector<16xf32>
          %add3A_1150 = arith.addf %get3A_916, %get3A_926 : vector<16xf32>
          %add3A_1151 = arith.addf %add3A_1150, %get3A_936 : vector<16xf32>
          %add3A_1152 = arith.addf %add3A_1149, %add3A_1151 : vector<16xf32>
          %mul3A_1153 = arith.constant 0.142857149 : f32
          %mul3A_1154 = vector.broadcast %mul3A_1153 : f32 to vector<16xf32>
          %mul3A_1155 = arith.mulf %add3A_1152, %mul3A_1154 : vector<16xf32>
          %swap3A_1156 = arith.constant 2 : i32
          %swap3A_1157 = arith.index_cast %swap3A_1156 : i32 to index
          %swap3A_1158 = arith.index_cast %scan3A_180 : i32 to index
          %swap3A_1159 = arith.constant 128 : index
          %swap3A_1160 = tpu.vector_load %arg7[%swap3A_1157, %swap3A_1158, %swap3A_1159] {strides = array<i32>} : memref<3x16x256xf32, #tpu.memory_space<vmem>>, vector<1x1x16xf32>,
          %swap3A_1161 = vector.shape_cast %swap3A_1160 : vector<1x1x16xf32> to vector<16xf32>
          %swap3A_1162 = vector.shape_cast %mul3A_1155 : vector<16xf32> to vector<1x1x16xf32>
          tpu.vector_store %arg7[%swap3A_1157, %swap3A_1158, %swap3A_1159], %swap3A_1162 {strides = array<i32>} : memref<3x16x256xf32, #tpu.memory_space<vmem>>, vector<1x1x16xf32>,
          %add3A_1163 = arith.addf %get3A_946, %get3A_956 : vector<16xf32>
          %add3A_1164 = arith.addf %get3A_966, %get3A_976 : vector<16xf32>
          %add3A_1165 = arith.addf %add3A_1163, %add3A_1164 : vector<16xf32>
          %add3A_1166 = arith.addf %get3A_986, %get3A_996 : vector<16xf32>
          %add3A_1167 = arith.addf %add3A_1166, %get3A_1006 : vector<16xf32>
          %add3A_1168 = arith.addf %add3A_1165, %add3A_1167 : vector<16xf32>
          %mul3A_1169 = arith.constant 0.142857149 : f32
          %mul3A_1170 = vector.broadcast %mul3A_1169 : f32 to vector<16xf32>
          %mul3A_1171 = arith.mulf %add3A_1168, %mul3A_1170 : vector<16xf32>
          %swap3A_1172 = arith.constant 2 : i32
          %swap3A_1173 = arith.index_cast %swap3A_1172 : i32 to index
          %swap3A_1174 = arith.index_cast %scan3A_180 : i32 to index
          %swap3A_1175 = arith.constant 144 : index
          %swap3A_1176 = tpu.vector_load %arg7[%swap3A_1173, %swap3A_1174, %swap3A_1175] {strides = array<i32>} : memref<3x16x256xf32, #tpu.memory_space<vmem>>, vector<1x1x16xf32>,
          %swap3A_1177 = vector.shape_cast %swap3A_1176 : vector<1x1x16xf32> to vector<16xf32>
          %swap3A_1178 = vector.shape_cast %mul3A_1171 : vector<16xf32> to vector<1x1x16xf32>
          tpu.vector_store %arg7[%swap3A_1173, %swap3A_1174, %swap3A_1175], %swap3A_1178 {strides = array<i32>} : memref<3x16x256xf32, #tpu.memory_space<vmem>>, vector<1x1x16xf32>,
          %add3A_1179 = arith.addf %get3A_1016, %get3A_1026 : vector<16xf32>
          %add3A_1180 = arith.addf %get3A_1036, %get3A_1046 : vector<16xf32>
          %add3A_1181 = arith.addf %add3A_1179, %add3A_1180 : vector<16xf32>
          %add3A_1182 = arith.addf %get3A_1056, %get3A_1066 : vector<16xf32>
          %add3A_1183 = arith.addf %add3A_1182, %get3A_1076 : vector<16xf32>
          %add3A_1184 = arith.addf %add3A_1181, %add3A_1183 : vector<16xf32>
          %mul3A_1185 = arith.constant 0.142857149 : f32
          %mul3A_1186 = vector.broadcast %mul3A_1185 : f32 to vector<16xf32>
          %mul3A_1187 = arith.mulf %add3A_1184, %mul3A_1186 : vector<16xf32>
          %swap3A_1188 = arith.constant 2 : i32
          %swap3A_1189 = arith.index_cast %swap3A_1188 : i32 to index
          %swap3A_1190 = arith.index_cast %scan3A_180 : i32 to index
          %swap3A_1191 = arith.constant 160 : index
          %swap3A_1192 = tpu.vector_load %arg7[%swap3A_1189, %swap3A_1190, %swap3A_1191] {strides = array<i32>} : memref<3x16x256xf32, #tpu.memory_space<vmem>>, vector<1x1x16xf32>,
          %swap3A_1193 = vector.shape_cast %swap3A_1192 : vector<1x1x16xf32> to vector<16xf32>
          %swap3A_1194 = vector.shape_cast %mul3A_1187 : vector<16xf32> to vector<1x1x16xf32>
          tpu.vector_store %arg7[%swap3A_1189, %swap3A_1190, %swap3A_1191], %swap3A_1194 {strides = array<i32>} : memref<3x16x256xf32, #tpu.memory_space<vmem>>, vector<1x1x16xf32>,
          %add3A_1195 = arith.addf %get3A_1086, %get3A_1096 : vector<16xf32>
          %add3A_1196 = arith.addf %get3A_1106, %get3A_1116 : vector<16xf32>
          %add3A_1197 = arith.addf %add3A_1195, %add3A_1196 : vector<16xf32>
          %add3A_1198 = arith.addf %get3A_1126, %get3A_1136 : vector<16xf32>
          %add3A_1199 = arith.addf %add3A_1198, %get3A_1146 : vector<16xf32>
          %add3A_1200 = arith.addf %add3A_1197, %add3A_1199 : vector<16xf32>
          %mul3A_1201 = arith.constant 0.142857149 : f32
          %mul3A_1202 = vector.broadcast %mul3A_1201 : f32 to vector<16xf32>
          %mul3A_1203 = arith.mulf %add3A_1200, %mul3A_1202 : vector<16xf32>
          %swap3A_1204 = arith.constant 2 : i32
          %swap3A_1205 = arith.index_cast %swap3A_1204 : i32 to index
          %swap3A_1206 = arith.index_cast %scan3A_180 : i32 to index
          %swap3A_1207 = arith.constant 176 : index
          %swap3A_1208 = tpu.vector_load %arg7[%swap3A_1205, %swap3A_1206, %swap3A_1207] {strides = array<i32>} : memref<3x16x256xf32, #tpu.memory_space<vmem>>, vector<1x1x16xf32>,
          %swap3A_1209 = vector.shape_cast %swap3A_1208 : vector<1x1x16xf32> to vector<16xf32>
          %swap3A_1210 = vector.shape_cast %mul3A_1203 : vector<16xf32> to vector<1x1x16xf32>
          tpu.vector_store %arg7[%swap3A_1205, %swap3A_1206, %swap3A_1207], %swap3A_1210 {strides = array<i32>} : memref<3x16x256xf32, #tpu.memory_space<vmem>>, vector<1x1x16xf32>,
          %mul3A_1211 = arith.constant 7 : i32
          %mul3A_1212 = arith.muli %scan3A_180, %mul3A_1211 : i32
          %add3A_1213 = arith.constant 0 : i32
          %add3A_1214 = arith.addi %mul3A_1212, %add3A_1213 : i32
          %get3A_1215 = arith.constant 2 : i32
          %get3A_1216 = arith.index_cast %get3A_1215 : i32 to index
          %get3A_1217 = arith.index_cast %add3A_1214 : i32 to index
          %get3A_1218 = arith.constant 192 : index
          %get3A_1219 = tpu.vector_load %arg6[%get3A_1216, %get3A_1217, %get3A_1218] {strides = array<i32>} : memref<3x112x256xf32, #tpu.memory_space<vmem>>, vector<1x1x16xf32>,
          %get3A_1220 = vector.shape_cast %get3A_1219 : vector<1x1x16xf32> to vector<16xf32>
          %mul3A_1221 = arith.constant 7 : i32
          %mul3A_1222 = arith.muli %scan3A_180, %mul3A_1221 : i32
          %add3A_1223 = arith.constant 1 : i32
          %add3A_1224 = arith.addi %mul3A_1222, %add3A_1223 : i32
          %get3A_1225 = arith.constant 2 : i32
          %get3A_1226 = arith.index_cast %get3A_1225 : i32 to index
          %get3A_1227 = arith.index_cast %add3A_1224 : i32 to index
          %get3A_1228 = arith.constant 192 : index
          %get3A_1229 = tpu.vector_load %arg6[%get3A_1226, %get3A_1227, %get3A_1228] {strides = array<i32>} : memref<3x112x256xf32, #tpu.memory_space<vmem>>, vector<1x1x16xf32>,
          %get3A_1230 = vector.shape_cast %get3A_1229 : vector<1x1x16xf32> to vector<16xf32>
          %mul3A_1231 = arith.constant 7 : i32
          %mul3A_1232 = arith.muli %scan3A_180, %mul3A_1231 : i32
          %add3A_1233 = arith.constant 2 : i32
          %add3A_1234 = arith.addi %mul3A_1232, %add3A_1233 : i32
          %get3A_1235 = arith.constant 2 : i32
          %get3A_1236 = arith.index_cast %get3A_1235 : i32 to index
          %get3A_1237 = arith.index_cast %add3A_1234 : i32 to index
          %get3A_1238 = arith.constant 192 : index
          %get3A_1239 = tpu.vector_load %arg6[%get3A_1236, %get3A_1237, %get3A_1238] {strides = array<i32>} : memref<3x112x256xf32, #tpu.memory_space<vmem>>, vector<1x1x16xf32>,
          %get3A_1240 = vector.shape_cast %get3A_1239 : vector<1x1x16xf32> to vector<16xf32>
          %mul3A_1241 = arith.constant 7 : i32
          %mul3A_1242 = arith.muli %scan3A_180, %mul3A_1241 : i32
          %add3A_1243 = arith.constant 3 : i32
          %add3A_1244 = arith.addi %mul3A_1242, %add3A_1243 : i32
          %get3A_1245 = arith.constant 2 : i32
          %get3A_1246 = arith.index_cast %get3A_1245 : i32 to index
          %get3A_1247 = arith.index_cast %add3A_1244 : i32 to index
          %get3A_1248 = arith.constant 192 : index
          %get3A_1249 = tpu.vector_load %arg6[%get3A_1246, %get3A_1247, %get3A_1248] {strides = array<i32>} : memref<3x112x256xf32, #tpu.memory_space<vmem>>, vector<1x1x16xf32>,
          %get3A_1250 = vector.shape_cast %get3A_1249 : vector<1x1x16xf32> to vector<16xf32>
          %mul3A_1251 = arith.constant 7 : i32
          %mul3A_1252 = arith.muli %scan3A_180, %mul3A_1251 : i32
          %add3A_1253 = arith.constant 4 : i32
          %add3A_1254 = arith.addi %mul3A_1252, %add3A_1253 : i32
          %get3A_1255 = arith.constant 2 : i32
          %get3A_1256 = arith.index_cast %get3A_1255 : i32 to index
          %get3A_1257 = arith.index_cast %add3A_1254 : i32 to index
          %get3A_1258 = arith.constant 192 : index
          %get3A_1259 = tpu.vector_load %arg6[%get3A_1256, %get3A_1257, %get3A_1258] {strides = array<i32>} : memref<3x112x256xf32, #tpu.memory_space<vmem>>, vector<1x1x16xf32>,
          %get3A_1260 = vector.shape_cast %get3A_1259 : vector<1x1x16xf32> to vector<16xf32>
          %mul3A_1261 = arith.constant 7 : i32
          %mul3A_1262 = arith.muli %scan3A_180, %mul3A_1261 : i32
          %add3A_1263 = arith.constant 5 : i32
          %add3A_1264 = arith.addi %mul3A_1262, %add3A_1263 : i32
          %get3A_1265 = arith.constant 2 : i32
          %get3A_1266 = arith.index_cast %get3A_1265 : i32 to index
          %get3A_1267 = arith.index_cast %add3A_1264 : i32 to index
          %get3A_1268 = arith.constant 192 : index
          %get3A_1269 = tpu.vector_load %arg6[%get3A_1266, %get3A_1267, %get3A_1268] {strides = array<i32>} : memref<3x112x256xf32, #tpu.memory_space<vmem>>, vector<1x1x16xf32>,
          %get3A_1270 = vector.shape_cast %get3A_1269 : vector<1x1x16xf32> to vector<16xf32>
          %mul3A_1271 = arith.constant 7 : i32
          %mul3A_1272 = arith.muli %scan3A_180, %mul3A_1271 : i32
          %add3A_1273 = arith.constant 6 : i32
          %add3A_1274 = arith.addi %mul3A_1272, %add3A_1273 : i32
          %get3A_1275 = arith.constant 2 : i32
          %get3A_1276 = arith.index_cast %get3A_1275 : i32 to index
          %get3A_1277 = arith.index_cast %add3A_1274 : i32 to index
          %get3A_1278 = arith.constant 192 : index
          %get3A_1279 = tpu.vector_load %arg6[%get3A_1276, %get3A_1277, %get3A_1278] {strides = array<i32>} : memref<3x112x256xf32, #tpu.memory_space<vmem>>, vector<1x1x16xf32>,
          %get3A_1280 = vector.shape_cast %get3A_1279 : vector<1x1x16xf32> to vector<16xf32>
          %mul3A_1281 = arith.constant 7 : i32
          %mul3A_1282 = arith.muli %scan3A_180, %mul3A_1281 : i32
          %add3A_1283 = arith.constant 0 : i32
          %add3A_1284 = arith.addi %mul3A_1282, %add3A_1283 : i32
          %get3A_1285 = arith.constant 2 : i32
          %get3A_1286 = arith.index_cast %get3A_1285 : i32 to index
          %get3A_1287 = arith.index_cast %add3A_1284 : i32 to index
          %get3A_1288 = arith.constant 208 : index
          %get3A_1289 = tpu.vector_load %arg6[%get3A_1286, %get3A_1287, %get3A_1288] {strides = array<i32>} : memref<3x112x256xf32, #tpu.memory_space<vmem>>, vector<1x1x16xf32>,
          %get3A_1290 = vector.shape_cast %get3A_1289 : vector<1x1x16xf32> to vector<16xf32>
          %mul3A_1291 = arith.constant 7 : i32
          %mul3A_1292 = arith.muli %scan3A_180, %mul3A_1291 : i32
          %add3A_1293 = arith.constant 1 : i32
          %add3A_1294 = arith.addi %mul3A_1292, %add3A_1293 : i32
          %get3A_1295 = arith.constant 2 : i32
          %get3A_1296 = arith.index_cast %get3A_1295 : i32 to index
          %get3A_1297 = arith.index_cast %add3A_1294 : i32 to index
          %get3A_1298 = arith.constant 208 : index
          %get3A_1299 = tpu.vector_load %arg6[%get3A_1296, %get3A_1297, %get3A_1298] {strides = array<i32>} : memref<3x112x256xf32, #tpu.memory_space<vmem>>, vector<1x1x16xf32>,
          %get3A_1300 = vector.shape_cast %get3A_1299 : vector<1x1x16xf32> to vector<16xf32>
          %mul3A_1301 = arith.constant 7 : i32
          %mul3A_1302 = arith.muli %scan3A_180, %mul3A_1301 : i32
          %add3A_1303 = arith.constant 2 : i32
          %add3A_1304 = arith.addi %mul3A_1302, %add3A_1303 : i32
          %get3A_1305 = arith.constant 2 : i32
          %get3A_1306 = arith.index_cast %get3A_1305 : i32 to index
          %get3A_1307 = arith.index_cast %add3A_1304 : i32 to index
          %get3A_1308 = arith.constant 208 : index
          %get3A_1309 = tpu.vector_load %arg6[%get3A_1306, %get3A_1307, %get3A_1308] {strides = array<i32>} : memref<3x112x256xf32, #tpu.memory_space<vmem>>, vector<1x1x16xf32>,
          %get3A_1310 = vector.shape_cast %get3A_1309 : vector<1x1x16xf32> to vector<16xf32>
          %mul3A_1311 = arith.constant 7 : i32
          %mul3A_1312 = arith.muli %scan3A_180, %mul3A_1311 : i32
          %add3A_1313 = arith.constant 3 : i32
          %add3A_1314 = arith.addi %mul3A_1312, %add3A_1313 : i32
          %get3A_1315 = arith.constant 2 : i32
          %get3A_1316 = arith.index_cast %get3A_1315 : i32 to index
          %get3A_1317 = arith.index_cast %add3A_1314 : i32 to index
          %get3A_1318 = arith.constant 208 : index
          %get3A_1319 = tpu.vector_load %arg6[%get3A_1316, %get3A_1317, %get3A_1318] {strides = array<i32>} : memref<3x112x256xf32, #tpu.memory_space<vmem>>, vector<1x1x16xf32>,
          %get3A_1320 = vector.shape_cast %get3A_1319 : vector<1x1x16xf32> to vector<16xf32>
          %mul3A_1321 = arith.constant 7 : i32
          %mul3A_1322 = arith.muli %scan3A_180, %mul3A_1321 : i32
          %add3A_1323 = arith.constant 4 : i32
          %add3A_1324 = arith.addi %mul3A_1322, %add3A_1323 : i32
          %get3A_1325 = arith.constant 2 : i32
          %get3A_1326 = arith.index_cast %get3A_1325 : i32 to index
          %get3A_1327 = arith.index_cast %add3A_1324 : i32 to index
          %get3A_1328 = arith.constant 208 : index
          %get3A_1329 = tpu.vector_load %arg6[%get3A_1326, %get3A_1327, %get3A_1328] {strides = array<i32>} : memref<3x112x256xf32, #tpu.memory_space<vmem>>, vector<1x1x16xf32>,
          %get3A_1330 = vector.shape_cast %get3A_1329 : vector<1x1x16xf32> to vector<16xf32>
          %mul3A_1331 = arith.constant 7 : i32
          %mul3A_1332 = arith.muli %scan3A_180, %mul3A_1331 : i32
          %add3A_1333 = arith.constant 5 : i32
          %add3A_1334 = arith.addi %mul3A_1332, %add3A_1333 : i32
          %get3A_1335 = arith.constant 2 : i32
          %get3A_1336 = arith.index_cast %get3A_1335 : i32 to index
          %get3A_1337 = arith.index_cast %add3A_1334 : i32 to index
          %get3A_1338 = arith.constant 208 : index
          %get3A_1339 = tpu.vector_load %arg6[%get3A_1336, %get3A_1337, %get3A_1338] {strides = array<i32>} : memref<3x112x256xf32, #tpu.memory_space<vmem>>, vector<1x1x16xf32>,
          %get3A_1340 = vector.shape_cast %get3A_1339 : vector<1x1x16xf32> to vector<16xf32>
          %mul3A_1341 = arith.constant 7 : i32
          %mul3A_1342 = arith.muli %scan3A_180, %mul3A_1341 : i32
          %add3A_1343 = arith.constant 6 : i32
          %add3A_1344 = arith.addi %mul3A_1342, %add3A_1343 : i32
          %get3A_1345 = arith.constant 2 : i32
          %get3A_1346 = arith.index_cast %get3A_1345 : i32 to index
          %get3A_1347 = arith.index_cast %add3A_1344 : i32 to index
          %get3A_1348 = arith.constant 208 : index
          %get3A_1349 = tpu.vector_load %arg6[%get3A_1346, %get3A_1347, %get3A_1348] {strides = array<i32>} : memref<3x112x256xf32, #tpu.memory_space<vmem>>, vector<1x1x16xf32>,
          %get3A_1350 = vector.shape_cast %get3A_1349 : vector<1x1x16xf32> to vector<16xf32>
          %mul3A_1351 = arith.constant 7 : i32
          %mul3A_1352 = arith.muli %scan3A_180, %mul3A_1351 : i32
          %add3A_1353 = arith.constant 0 : i32
          %add3A_1354 = arith.addi %mul3A_1352, %add3A_1353 : i32
          %get3A_1355 = arith.constant 2 : i32
          %get3A_1356 = arith.index_cast %get3A_1355 : i32 to index
          %get3A_1357 = arith.index_cast %add3A_1354 : i32 to index
          %get3A_1358 = arith.constant 224 : index
          %get3A_1359 = tpu.vector_load %arg6[%get3A_1356, %get3A_1357, %get3A_1358] {strides = array<i32>} : memref<3x112x256xf32, #tpu.memory_space<vmem>>, vector<1x1x16xf32>,
          %get3A_1360 = vector.shape_cast %get3A_1359 : vector<1x1x16xf32> to vector<16xf32>
          %mul3A_1361 = arith.constant 7 : i32
          %mul3A_1362 = arith.muli %scan3A_180, %mul3A_1361 : i32
          %add3A_1363 = arith.constant 1 : i32
          %add3A_1364 = arith.addi %mul3A_1362, %add3A_1363 : i32
          %get3A_1365 = arith.constant 2 : i32
          %get3A_1366 = arith.index_cast %get3A_1365 : i32 to index
          %get3A_1367 = arith.index_cast %add3A_1364 : i32 to index
          %get3A_1368 = arith.constant 224 : index
          %get3A_1369 = tpu.vector_load %arg6[%get3A_1366, %get3A_1367, %get3A_1368] {strides = array<i32>} : memref<3x112x256xf32, #tpu.memory_space<vmem>>, vector<1x1x16xf32>,
          %get3A_1370 = vector.shape_cast %get3A_1369 : vector<1x1x16xf32> to vector<16xf32>
          %mul3A_1371 = arith.constant 7 : i32
          %mul3A_1372 = arith.muli %scan3A_180, %mul3A_1371 : i32
          %add3A_1373 = arith.constant 2 : i32
          %add3A_1374 = arith.addi %mul3A_1372, %add3A_1373 : i32
          %get3A_1375 = arith.constant 2 : i32
          %get3A_1376 = arith.index_cast %get3A_1375 : i32 to index
          %get3A_1377 = arith.index_cast %add3A_1374 : i32 to index
          %get3A_1378 = arith.constant 224 : index
          %get3A_1379 = tpu.vector_load %arg6[%get3A_1376, %get3A_1377, %get3A_1378] {strides = array<i32>} : memref<3x112x256xf32, #tpu.memory_space<vmem>>, vector<1x1x16xf32>,
          %get3A_1380 = vector.shape_cast %get3A_1379 : vector<1x1x16xf32> to vector<16xf32>
          %mul3A_1381 = arith.constant 7 : i32
          %mul3A_1382 = arith.muli %scan3A_180, %mul3A_1381 : i32
          %add3A_1383 = arith.constant 3 : i32
          %add3A_1384 = arith.addi %mul3A_1382, %add3A_1383 : i32
          %get3A_1385 = arith.constant 2 : i32
          %get3A_1386 = arith.index_cast %get3A_1385 : i32 to index
          %get3A_1387 = arith.index_cast %add3A_1384 : i32 to index
          %get3A_1388 = arith.constant 224 : index
          %get3A_1389 = tpu.vector_load %arg6[%get3A_1386, %get3A_1387, %get3A_1388] {strides = array<i32>} : memref<3x112x256xf32, #tpu.memory_space<vmem>>, vector<1x1x16xf32>,
          %get3A_1390 = vector.shape_cast %get3A_1389 : vector<1x1x16xf32> to vector<16xf32>
          %mul3A_1391 = arith.constant 7 : i32
          %mul3A_1392 = arith.muli %scan3A_180, %mul3A_1391 : i32
          %add3A_1393 = arith.constant 4 : i32
          %add3A_1394 = arith.addi %mul3A_1392, %add3A_1393 : i32
          %get3A_1395 = arith.constant 2 : i32
          %get3A_1396 = arith.index_cast %get3A_1395 : i32 to index
          %get3A_1397 = arith.index_cast %add3A_1394 : i32 to index
          %get3A_1398 = arith.constant 224 : index
          %get3A_1399 = tpu.vector_load %arg6[%get3A_1396, %get3A_1397, %get3A_1398] {strides = array<i32>} : memref<3x112x256xf32, #tpu.memory_space<vmem>>, vector<1x1x16xf32>,
          %get3A_1400 = vector.shape_cast %get3A_1399 : vector<1x1x16xf32> to vector<16xf32>
          %mul3A_1401 = arith.constant 7 : i32
          %mul3A_1402 = arith.muli %scan3A_180, %mul3A_1401 : i32
          %add3A_1403 = arith.constant 5 : i32
          %add3A_1404 = arith.addi %mul3A_1402, %add3A_1403 : i32
          %get3A_1405 = arith.constant 2 : i32
          %get3A_1406 = arith.index_cast %get3A_1405 : i32 to index
          %get3A_1407 = arith.index_cast %add3A_1404 : i32 to index
          %get3A_1408 = arith.constant 224 : index
          %get3A_1409 = tpu.vector_load %arg6[%get3A_1406, %get3A_1407, %get3A_1408] {strides = array<i32>} : memref<3x112x256xf32, #tpu.memory_space<vmem>>, vector<1x1x16xf32>,
          %get3A_1410 = vector.shape_cast %get3A_1409 : vector<1x1x16xf32> to vector<16xf32>
          %mul3A_1411 = arith.constant 7 : i32
          %mul3A_1412 = arith.muli %scan3A_180, %mul3A_1411 : i32
          %add3A_1413 = arith.constant 6 : i32
          %add3A_1414 = arith.addi %mul3A_1412, %add3A_1413 : i32
          %get3A_1415 = arith.constant 2 : i32
          %get3A_1416 = arith.index_cast %get3A_1415 : i32 to index
          %get3A_1417 = arith.index_cast %add3A_1414 : i32 to index
          %get3A_1418 = arith.constant 224 : index
          %get3A_1419 = tpu.vector_load %arg6[%get3A_1416, %get3A_1417, %get3A_1418] {strides = array<i32>} : memref<3x112x256xf32, #tpu.memory_space<vmem>>, vector<1x1x16xf32>,
          %get3A_1420 = vector.shape_cast %get3A_1419 : vector<1x1x16xf32> to vector<16xf32>
          %mul3A_1421 = arith.constant 7 : i32
          %mul3A_1422 = arith.muli %scan3A_180, %mul3A_1421 : i32
          %add3A_1423 = arith.constant 0 : i32
          %add3A_1424 = arith.addi %mul3A_1422, %add3A_1423 : i32
          %get3A_1425 = arith.constant 2 : i32
          %get3A_1426 = arith.index_cast %get3A_1425 : i32 to index
          %get3A_1427 = arith.index_cast %add3A_1424 : i32 to index
          %get3A_1428 = arith.constant 240 : index
          %get3A_1429 = tpu.vector_load %arg6[%get3A_1426, %get3A_1427, %get3A_1428] {strides = array<i32>} : memref<3x112x256xf32, #tpu.memory_space<vmem>>, vector<1x1x16xf32>,
          %get3A_1430 = vector.shape_cast %get3A_1429 : vector<1x1x16xf32> to vector<16xf32>
          %mul3A_1431 = arith.constant 7 : i32
          %mul3A_1432 = arith.muli %scan3A_180, %mul3A_1431 : i32
          %add3A_1433 = arith.constant 1 : i32
          %add3A_1434 = arith.addi %mul3A_1432, %add3A_1433 : i32
          %get3A_1435 = arith.constant 2 : i32
          %get3A_1436 = arith.index_cast %get3A_1435 : i32 to index
          %get3A_1437 = arith.index_cast %add3A_1434 : i32 to index
          %get3A_1438 = arith.constant 240 : index
          %get3A_1439 = tpu.vector_load %arg6[%get3A_1436, %get3A_1437, %get3A_1438] {strides = array<i32>} : memref<3x112x256xf32, #tpu.memory_space<vmem>>, vector<1x1x16xf32>,
          %get3A_1440 = vector.shape_cast %get3A_1439 : vector<1x1x16xf32> to vector<16xf32>
          %mul3A_1441 = arith.constant 7 : i32
          %mul3A_1442 = arith.muli %scan3A_180, %mul3A_1441 : i32
          %add3A_1443 = arith.constant 2 : i32
          %add3A_1444 = arith.addi %mul3A_1442, %add3A_1443 : i32
          %get3A_1445 = arith.constant 2 : i32
          %get3A_1446 = arith.index_cast %get3A_1445 : i32 to index
          %get3A_1447 = arith.index_cast %add3A_1444 : i32 to index
          %get3A_1448 = arith.constant 240 : index
          %get3A_1449 = tpu.vector_load %arg6[%get3A_1446, %get3A_1447, %get3A_1448] {strides = array<i32>} : memref<3x112x256xf32, #tpu.memory_space<vmem>>, vector<1x1x16xf32>,
          %get3A_1450 = vector.shape_cast %get3A_1449 : vector<1x1x16xf32> to vector<16xf32>
          %mul3A_1451 = arith.constant 7 : i32
          %mul3A_1452 = arith.muli %scan3A_180, %mul3A_1451 : i32
          %add3A_1453 = arith.constant 3 : i32
          %add3A_1454 = arith.addi %mul3A_1452, %add3A_1453 : i32
          %get3A_1455 = arith.constant 2 : i32
          %get3A_1456 = arith.index_cast %get3A_1455 : i32 to index
          %get3A_1457 = arith.index_cast %add3A_1454 : i32 to index
          %get3A_1458 = arith.constant 240 : index
          %get3A_1459 = tpu.vector_load %arg6[%get3A_1456, %get3A_1457, %get3A_1458] {strides = array<i32>} : memref<3x112x256xf32, #tpu.memory_space<vmem>>, vector<1x1x16xf32>,
          %get3A_1460 = vector.shape_cast %get3A_1459 : vector<1x1x16xf32> to vector<16xf32>
          %mul3A_1461 = arith.constant 7 : i32
          %mul3A_1462 = arith.muli %scan3A_180, %mul3A_1461 : i32
          %add3A_1463 = arith.constant 4 : i32
          %add3A_1464 = arith.addi %mul3A_1462, %add3A_1463 : i32
          %get3A_1465 = arith.constant 2 : i32
          %get3A_1466 = arith.index_cast %get3A_1465 : i32 to index
          %get3A_1467 = arith.index_cast %add3A_1464 : i32 to index
          %get3A_1468 = arith.constant 240 : index
          %get3A_1469 = tpu.vector_load %arg6[%get3A_1466, %get3A_1467, %get3A_1468] {strides = array<i32>} : memref<3x112x256xf32, #tpu.memory_space<vmem>>, vector<1x1x16xf32>,
          %get3A_1470 = vector.shape_cast %get3A_1469 : vector<1x1x16xf32> to vector<16xf32>
          %mul3A_1471 = arith.constant 7 : i32
          %mul3A_1472 = arith.muli %scan3A_180, %mul3A_1471 : i32
          %add3A_1473 = arith.constant 5 : i32
          %add3A_1474 = arith.addi %mul3A_1472, %add3A_1473 : i32
          %get3A_1475 = arith.constant 2 : i32
          %get3A_1476 = arith.index_cast %get3A_1475 : i32 to index
          %get3A_1477 = arith.index_cast %add3A_1474 : i32 to index
          %get3A_1478 = arith.constant 240 : index
          %get3A_1479 = tpu.vector_load %arg6[%get3A_1476, %get3A_1477, %get3A_1478] {strides = array<i32>} : memref<3x112x256xf32, #tpu.memory_space<vmem>>, vector<1x1x16xf32>,
          %get3A_1480 = vector.shape_cast %get3A_1479 : vector<1x1x16xf32> to vector<16xf32>
          %mul3A_1481 = arith.constant 7 : i32
          %mul3A_1482 = arith.muli %scan3A_180, %mul3A_1481 : i32
          %add3A_1483 = arith.constant 6 : i32
          %add3A_1484 = arith.addi %mul3A_1482, %add3A_1483 : i32
          %get3A_1485 = arith.constant 2 : i32
          %get3A_1486 = arith.index_cast %get3A_1485 : i32 to index
          %get3A_1487 = arith.index_cast %add3A_1484 : i32 to index
          %get3A_1488 = arith.constant 240 : index
          %get3A_1489 = tpu.vector_load %arg6[%get3A_1486, %get3A_1487, %get3A_1488] {strides = array<i32>} : memref<3x112x256xf32, #tpu.memory_space<vmem>>, vector<1x1x16xf32>,
          %get3A_1490 = vector.shape_cast %get3A_1489 : vector<1x1x16xf32> to vector<16xf32>
          %add3A_1491 = arith.addf %get3A_1220, %get3A_1230 : vector<16xf32>
          %add3A_1492 = arith.addf %get3A_1240, %get3A_1250 : vector<16xf32>
          %add3A_1493 = arith.addf %add3A_1491, %add3A_1492 : vector<16xf32>
          %add3A_1494 = arith.addf %get3A_1260, %get3A_1270 : vector<16xf32>
          %add3A_1495 = arith.addf %add3A_1494, %get3A_1280 : vector<16xf32>
          %add3A_1496 = arith.addf %add3A_1493, %add3A_1495 : vector<16xf32>
          %mul3A_1497 = arith.constant 0.142857149 : f32
          %mul3A_1498 = vector.broadcast %mul3A_1497 : f32 to vector<16xf32>
          %mul3A_1499 = arith.mulf %add3A_1496, %mul3A_1498 : vector<16xf32>
          %swap3A_1500 = arith.constant 2 : i32
          %swap3A_1501 = arith.index_cast %swap3A_1500 : i32 to index
          %swap3A_1502 = arith.index_cast %scan3A_180 : i32 to index
          %swap3A_1503 = arith.constant 192 : index
          %swap3A_1504 = tpu.vector_load %arg7[%swap3A_1501, %swap3A_1502, %swap3A_1503] {strides = array<i32>} : memref<3x16x256xf32, #tpu.memory_space<vmem>>, vector<1x1x16xf32>,
          %swap3A_1505 = vector.shape_cast %swap3A_1504 : vector<1x1x16xf32> to vector<16xf32>
          %swap3A_1506 = vector.shape_cast %mul3A_1499 : vector<16xf32> to vector<1x1x16xf32>
          tpu.vector_store %arg7[%swap3A_1501, %swap3A_1502, %swap3A_1503], %swap3A_1506 {strides = array<i32>} : memref<3x16x256xf32, #tpu.memory_space<vmem>>, vector<1x1x16xf32>,
          %add3A_1507 = arith.addf %get3A_1290, %get3A_1300 : vector<16xf32>
          %add3A_1508 = arith.addf %get3A_1310, %get3A_1320 : vector<16xf32>
          %add3A_1509 = arith.addf %add3A_1507, %add3A_1508 : vector<16xf32>
          %add3A_1510 = arith.addf %get3A_1330, %get3A_1340 : vector<16xf32>
          %add3A_1511 = arith.addf %add3A_1510, %get3A_1350 : vector<16xf32>
          %add3A_1512 = arith.addf %add3A_1509, %add3A_1511 : vector<16xf32>
          %mul3A_1513 = arith.constant 0.142857149 : f32
          %mul3A_1514 = vector.broadcast %mul3A_1513 : f32 to vector<16xf32>
          %mul3A_1515 = arith.mulf %add3A_1512, %mul3A_1514 : vector<16xf32>
          %swap3A_1516 = arith.constant 2 : i32
          %swap3A_1517 = arith.index_cast %swap3A_1516 : i32 to index
          %swap3A_1518 = arith.index_cast %scan3A_180 : i32 to index
          %swap3A_1519 = arith.constant 208 : index
          %swap3A_1520 = tpu.vector_load %arg7[%swap3A_1517, %swap3A_1518, %swap3A_1519] {strides = array<i32>} : memref<3x16x256xf32, #tpu.memory_space<vmem>>, vector<1x1x16xf32>,
          %swap3A_1521 = vector.shape_cast %swap3A_1520 : vector<1x1x16xf32> to vector<16xf32>
          %swap3A_1522 = vector.shape_cast %mul3A_1515 : vector<16xf32> to vector<1x1x16xf32>
          tpu.vector_store %arg7[%swap3A_1517, %swap3A_1518, %swap3A_1519], %swap3A_1522 {strides = array<i32>} : memref<3x16x256xf32, #tpu.memory_space<vmem>>, vector<1x1x16xf32>,
          %add3A_1523 = arith.addf %get3A_1360, %get3A_1370 : vector<16xf32>
          %add3A_1524 = arith.addf %get3A_1380, %get3A_1390 : vector<16xf32>
          %add3A_1525 = arith.addf %add3A_1523, %add3A_1524 : vector<16xf32>
          %add3A_1526 = arith.addf %get3A_1400, %get3A_1410 : vector<16xf32>
          %add3A_1527 = arith.addf %add3A_1526, %get3A_1420 : vector<16xf32>
          %add3A_1528 = arith.addf %add3A_1525, %add3A_1527 : vector<16xf32>
          %mul3A_1529 = arith.constant 0.142857149 : f32
          %mul3A_1530 = vector.broadcast %mul3A_1529 : f32 to vector<16xf32>
          %mul3A_1531 = arith.mulf %add3A_1528, %mul3A_1530 : vector<16xf32>
          %swap3A_1532 = arith.constant 2 : i32
          %swap3A_1533 = arith.index_cast %swap3A_1532 : i32 to index
          %swap3A_1534 = arith.index_cast %scan3A_180 : i32 to index
          %swap3A_1535 = arith.constant 224 : index
          %swap3A_1536 = tpu.vector_load %arg7[%swap3A_1533, %swap3A_1534, %swap3A_1535] {strides = array<i32>} : memref<3x16x256xf32, #tpu.memory_space<vmem>>, vector<1x1x16xf32>,
          %swap3A_1537 = vector.shape_cast %swap3A_1536 : vector<1x1x16xf32> to vector<16xf32>
          %swap3A_1538 = vector.shape_cast %mul3A_1531 : vector<16xf32> to vector<1x1x16xf32>
          tpu.vector_store %arg7[%swap3A_1533, %swap3A_1534, %swap3A_1535], %swap3A_1538 {strides = array<i32>} : memref<3x16x256xf32, #tpu.memory_space<vmem>>, vector<1x1x16xf32>,
          %add3A_1539 = arith.addf %get3A_1430, %get3A_1440 : vector<16xf32>
          %add3A_1540 = arith.addf %get3A_1450, %get3A_1460 : vector<16xf32>
          %add3A_1541 = arith.addf %add3A_1539, %add3A_1540 : vector<16xf32>
          %add3A_1542 = arith.addf %get3A_1470, %get3A_1480 : vector<16xf32>
          %add3A_1543 = arith.addf %add3A_1542, %get3A_1490 : vector<16xf32>
          %add3A_1544 = arith.addf %add3A_1541, %add3A_1543 : vector<16xf32>
          %mul3A_1545 = arith.constant 0.142857149 : f32
          %mul3A_1546 = vector.broadcast %mul3A_1545 : f32 to vector<16xf32>
          %mul3A_1547 = arith.mulf %add3A_1544, %mul3A_1546 : vector<16xf32>
          %swap3A_1548 = arith.constant 2 : i32
          %swap3A_1549 = arith.index_cast %swap3A_1548 : i32 to index
          %swap3A_1550 = arith.index_cast %scan3A_180 : i32 to index
          %swap3A_1551 = arith.constant 240 : index
          %swap3A_1552 = tpu.vector_load %arg7[%swap3A_1549, %swap3A_1550, %swap3A_1551] {strides = array<i32>} : memref<3x16x256xf32, #tpu.memory_space<vmem>>, vector<1x1x16xf32>,
          %swap3A_1553 = vector.shape_cast %swap3A_1552 : vector<1x1x16xf32> to vector<16xf32>
          %swap3A_1554 = vector.shape_cast %mul3A_1547 : vector<16xf32> to vector<1x1x16xf32>
          tpu.vector_store %arg7[%swap3A_1549, %swap3A_1550, %swap3A_1551], %swap3A_1554 {strides = array<i32>} : memref<3x16x256xf32, #tpu.memory_space<vmem>>, vector<1x1x16xf32>,
        }
        %scan3A_168 = arith.constant 16 : i32
        %mul3A_169 = arith.constant 16 : i32
        %mul3A_170 = arith.muli %add3A_127, %mul3A_169 : i32
        %lt3A_171 = arith.constant 2560 : i32
        %lt3A_172 = arith.cmpi slt, %add3A_127, %lt3A_171 : i32
        %convert_element_type3A_173 = arith.extui %lt3A_172 : i1 to i32
        %cond3A_174 = arith.constant 0 : i32
        %cond3A_175 = arith.cmpi ne, %convert_element_type3A_173, %cond3A_174 : i32
        scf.if %cond3A_175 {
          %dma_start3A_180 = arith.constant 2 : i32
          %dma_start3A_181 = arith.constant 0 : i32
          %dma_start3A_182 = arith.constant 0 : i32
          %dma_start3A_183 = tpu.memref_slice %arg7[%dma_start3A_180, %dma_start3A_181, %dma_start3A_182] : memref<3x16x256xf32, #tpu.memory_space<vmem>> -> memref<1x16x256xf32, #tpu.memory_space<vmem>>
          %dma_start3A_184 = tpu.memref_squeeze %dma_start3A_183 : memref<1x16x256xf32, #tpu.memory_space<vmem>> -> memref<16x256xf32, #tpu.memory_space<vmem>>
          %dma_start3A_185 = arith.constant 0 : i32
          %dma_start3A_186 = tpu.memref_slice %arg4[%mul3A_170, %dma_start3A_185] : memref<40962x256xf32, #tpu.memory_space<hbm>> -> memref<16x256xf32, #tpu.memory_space<hbm>>
          %dma_start3A_187 = arith.constant 0 : i32
          %dma_start3A_188 = tpu.memref_slice %arg4[%mul3A_170, %dma_start3A_187] : memref<40962x256xf32, #tpu.memory_space<hbm>> -> memref<16x256xf32, #tpu.memory_space<hbm>>
          %dma_start3A_189 = arith.constant 0 : i32
          %dma_start3A_190 = arith.constant 0 : i32
          %dma_start3A_191 = tpu.memref_slice %arg7[%dma_start3A_180, %dma_start3A_189, %dma_start3A_190] : memref<3x16x256xf32, #tpu.memory_space<vmem>> -> memref<1x16x256xf32, #tpu.memory_space<vmem>>
          %dma_start3A_192 = tpu.memref_squeeze %dma_start3A_191 : memref<1x16x256xf32, #tpu.memory_space<vmem>> -> memref<16x256xf32, #tpu.memory_space<vmem>>
          tpu.enqueue_dma source(%dma_start3A_192 : memref<16x256xf32, #tpu.memory_space<vmem>>) target(%dma_start3A_188 : memref<16x256xf32, #tpu.memory_space<hbm>>) target_semaphore(%arg13 : memref<!tpu.dma_semaphore, #tpu.memory_space<semaphore_mem>>)
        } else {
        }
        %eq3A = arith.constant 2560 : i32
        %eq3A_176 = arith.cmpi eq, %add3A_127, %eq3A : i32
        %convert_element_type3A_177 = arith.extui %eq3A_176 : i1 to i32
        %cond3A_178 = arith.constant 0 : i32
        %cond3A_179 = arith.cmpi ne, %convert_element_type3A_177, %cond3A_178 : i32
        scf.if %cond3A_179 {
          %dma_start3A_180 = arith.constant 2 : i32
          %dma_start3A_181 = arith.constant 0 : i32
          %dma_start3A_182 = arith.constant 0 : i32
          %dma_start3A_183 = tpu.memref_slice %arg7[%dma_start3A_180, %dma_start3A_181, %dma_start3A_182] : memref<3x16x256xf32, #tpu.memory_space<vmem>> -> memref<1x2x256xf32, #tpu.memory_space<vmem>>
          %dma_start3A_184 = tpu.memref_squeeze %dma_start3A_183 : memref<1x2x256xf32, #tpu.memory_space<vmem>> -> memref<2x256xf32, #tpu.memory_space<vmem>>
          %dma_start3A_185 = arith.constant 0 : i32
          %dma_start3A_186 = tpu.memref_slice %arg4[%mul3A_170, %dma_start3A_185] : memref<40962x256xf32, #tpu.memory_space<hbm>> -> memref<2x256xf32, #tpu.memory_space<hbm>>
          %dma_start3A_187 = arith.constant 0 : i32
          %dma_start3A_188 = tpu.memref_slice %arg4[%mul3A_170, %dma_start3A_187] : memref<40962x256xf32, #tpu.memory_space<hbm>> -> memref<2x256xf32, #tpu.memory_space<hbm>>
          %dma_start3A_189 = arith.constant 0 : i32
          %dma_start3A_190 = arith.constant 0 : i32
          %dma_start3A_191 = tpu.memref_slice %arg7[%dma_start3A_180, %dma_start3A_189, %dma_start3A_190] : memref<3x16x256xf32, #tpu.memory_space<vmem>> -> memref<1x2x256xf32, #tpu.memory_space<vmem>>
          %dma_start3A_192 = tpu.memref_squeeze %dma_start3A_191 : memref<1x2x256xf32, #tpu.memory_space<vmem>> -> memref<2x256xf32, #tpu.memory_space<vmem>>
          tpu.enqueue_dma source(%dma_start3A_192 : memref<2x256xf32, #tpu.memory_space<vmem>>) target(%dma_start3A_188 : memref<2x256xf32, #tpu.memory_space<hbm>>) target_semaphore(%arg13 : memref<!tpu.dma_semaphore, #tpu.memory_space<semaphore_mem>>)
        } else {
        }
      } else {
      }
      %add3A_140 = arith.constant 3 : i32
      %add3A_141 = arith.addi %add3A_126, %add3A_140 : i32
      %lt3A_142 = arith.constant 81 : i32
      %lt3A_143 = arith.cmpi slt, %add3A_141, %lt3A_142 : i32
      %add3A_144 = arith.constant 3 : i32
      %add3A_145 = arith.addi %add3A_127, %add3A_144 : i32
      %lt3A_146 = arith.constant 2561 : i32
      %lt3A_147 = arith.cmpi slt, %add3A_145, %lt3A_146 : i32
      %and3A_148 = arith.andi %lt3A_143, %lt3A_147 : i1
      %convert_element_type3A_149 = arith.extui %and3A_148 : i1 to i32
      %cond3A_150 = arith.constant 0 : i32
      %cond3A_151 = arith.cmpi ne, %convert_element_type3A_149, %cond3A_150 : i32
      scf.if %cond3A_151 {
        %add3A_152 = arith.constant 3 : i32
        %add3A_153 = arith.addi %add3A_126, %add3A_152 : i32
        %dma_start3A_154 = arith.constant 2 : i32
        %dma_start3A_155 = arith.constant 0 : i32
        %dma_start3A_156 = arith.constant 0 : i32
        %dma_start3A_157 = tpu.memref_slice %arg6[%dma_start3A_154, %dma_start3A_155, %dma_start3A_156] : memref<3x112x256xf32, #tpu.memory_space<vmem>> -> memref<1x112x256xf32, #tpu.memory_space<vmem>>
        %dma_start3A_158 = tpu.memref_squeeze %dma_start3A_157 : memref<1x112x256xf32, #tpu.memory_space<vmem>> -> memref<112x256xf32, #tpu.memory_space<vmem>>
        %dma_start3A_159 = arith.constant 0 : i32
        %dma_start3A_160 = tpu.memref_slice %arg5[%add3A_153, %dma_start3A_159] : memref<81x112xi32, #tpu.memory_space<vmem>> -> memref<1x112xi32, #tpu.memory_space<vmem>>
        %dma_start3A_161 = tpu.memref_squeeze %dma_start3A_160 : memref<1x112xi32, #tpu.memory_space<vmem>> -> memref<112xi32, #tpu.memory_space<vmem>>
        %dma_start3A_162 = arith.constant 0 : i32
        %dma_start3A_163 = arith.constant 0 : i32
        %dma_start3A_164 = tpu.memref_slice %arg2[%dma_start3A_162, %dma_start3A_163] : memref<163842x256xf32, #tpu.memory_space<hbm>> -> memref<163842x256xf32, #tpu.memory_space<hbm>>
        tpu.enqueue_indirect_dma source(%dma_start3A_164 : memref<163842x256xf32, #tpu.memory_space<hbm>>) target(%dma_start3A_158 : memref<112x256xf32, #tpu.memory_space<vmem>>) offsets(%dma_start3A_161 : memref<112xi32, #tpu.memory_space<vmem>>) semaphore(%arg10 : memref<!tpu.dma_semaphore, #tpu.memory_space<semaphore_mem>>)
      } else {
      }
    }
    %scan3A_42 = arith.constant 27 : i32
    %add3A_43 = arith.constant 81 : i32
    %add3A_44 = arith.addi %mul3A_2, %add3A_43 : i32
    %sub3A = arith.constant 3 : i32
    %sub3A_45 = arith.subi %add3A_44, %sub3A : i32
    %lt3A = arith.constant 2561 : i32
    %lt3A_46 = arith.cmpi slt, %sub3A_45, %lt3A : i32
    %convert_element_type3A = arith.extui %lt3A_46 : i1 to i32
    %cond3A = arith.constant 0 : i32
    %cond3A_47 = arith.cmpi ne, %convert_element_type3A, %cond3A : i32
    scf.if %cond3A_47 {
      %lt3A_66 = arith.constant 2560 : i32
      %lt3A_67 = arith.cmpi slt, %sub3A_45, %lt3A_66 : i32
      %convert_element_type3A_68 = arith.extui %lt3A_67 : i1 to i32
      %cond3A_69 = arith.constant 0 : i32
      %cond3A_70 = arith.cmpi ne, %convert_element_type3A_68, %cond3A_69 : i32
      scf.if %cond3A_70 {
        %dma_wait3A = arith.constant 0 : i32
        %dma_wait3A_75 = arith.constant 0 : i32
        %dma_wait3A_76 = arith.constant 0 : i32
        %dma_wait3A_77 = tpu.memref_slice %arg7[%dma_wait3A, %dma_wait3A_75, %dma_wait3A_76] : memref<3x16x256xf32, #tpu.memory_space<vmem>> -> memref<1x16x256xf32, #tpu.memory_space<vmem>>
        %dma_wait3A_78 = tpu.memref_squeeze %dma_wait3A_77 : memref<1x16x256xf32, #tpu.memory_space<vmem>> -> memref<16x256xf32, #tpu.memory_space<vmem>>
        %dma_wait3A_79 = arith.constant 0 : i32
        %dma_wait3A_80 = arith.constant 0 : i32
        %dma_wait3A_81 = tpu.memref_slice %arg4[%dma_wait3A_79, %dma_wait3A_80] : memref<40962x256xf32, #tpu.memory_space<hbm>> -> memref<16x256xf32, #tpu.memory_space<hbm>>
        %dma_wait3A_82 = arith.constant 0 : i32
        %dma_wait3A_83 = arith.constant 0 : i32
        %dma_wait3A_84 = tpu.memref_slice %arg4[%dma_wait3A_82, %dma_wait3A_83] : memref<40962x256xf32, #tpu.memory_space<hbm>> -> memref<16x256xf32, #tpu.memory_space<hbm>>
        %dma_wait3A_85 = arith.constant 0 : i32
        %dma_wait3A_86 = arith.constant 0 : i32
        %dma_wait3A_87 = tpu.memref_slice %arg7[%dma_wait3A, %dma_wait3A_85, %dma_wait3A_86] : memref<3x16x256xf32, #tpu.memory_space<vmem>> -> memref<1x16x256xf32, #tpu.memory_space<vmem>>
        %dma_wait3A_88 = tpu.memref_squeeze %dma_wait3A_87 : memref<1x16x256xf32, #tpu.memory_space<vmem>> -> memref<16x256xf32, #tpu.memory_space<vmem>>
        tpu.wait_dma2 semaphore(%arg11 : memref<!tpu.dma_semaphore, #tpu.memory_space<semaphore_mem>>) src(%dma_wait3A_88 : memref<16x256xf32, #tpu.memory_space<vmem>>) dst(%dma_wait3A_84 : memref<16x256xf32, #tpu.memory_space<hbm>>)
      } else {
      }
      %eq3A = arith.constant 2560 : i32
      %eq3A_71 = arith.cmpi eq, %sub3A_45, %eq3A : i32
      %convert_element_type3A_72 = arith.extui %eq3A_71 : i1 to i32
      %cond3A_73 = arith.constant 0 : i32
      %cond3A_74 = arith.cmpi ne, %convert_element_type3A_72, %cond3A_73 : i32
      scf.if %cond3A_74 {
        %dma_wait3A = arith.constant 0 : i32
        %dma_wait3A_75 = arith.constant 0 : i32
        %dma_wait3A_76 = arith.constant 0 : i32
        %dma_wait3A_77 = tpu.memref_slice %arg7[%dma_wait3A, %dma_wait3A_75, %dma_wait3A_76] : memref<3x16x256xf32, #tpu.memory_space<vmem>> -> memref<1x2x256xf32, #tpu.memory_space<vmem>>
        %dma_wait3A_78 = tpu.memref_squeeze %dma_wait3A_77 : memref<1x2x256xf32, #tpu.memory_space<vmem>> -> memref<2x256xf32, #tpu.memory_space<vmem>>
        %dma_wait3A_79 = arith.constant 0 : i32
        %dma_wait3A_80 = arith.constant 0 : i32
        %dma_wait3A_81 = tpu.memref_slice %arg4[%dma_wait3A_79, %dma_wait3A_80] : memref<40962x256xf32, #tpu.memory_space<hbm>> -> memref<2x256xf32, #tpu.memory_space<hbm>>
        %dma_wait3A_82 = arith.constant 0 : i32
        %dma_wait3A_83 = arith.constant 0 : i32
        %dma_wait3A_84 = tpu.memref_slice %arg4[%dma_wait3A_82, %dma_wait3A_83] : memref<40962x256xf32, #tpu.memory_space<hbm>> -> memref<2x256xf32, #tpu.memory_space<hbm>>
        %dma_wait3A_85 = arith.constant 0 : i32
        %dma_wait3A_86 = arith.constant 0 : i32
        %dma_wait3A_87 = tpu.memref_slice %arg7[%dma_wait3A, %dma_wait3A_85, %dma_wait3A_86] : memref<3x16x256xf32, #tpu.memory_space<vmem>> -> memref<1x2x256xf32, #tpu.memory_space<vmem>>
        %dma_wait3A_88 = tpu.memref_squeeze %dma_wait3A_87 : memref<1x2x256xf32, #tpu.memory_space<vmem>> -> memref<2x256xf32, #tpu.memory_space<vmem>>
        tpu.wait_dma2 semaphore(%arg11 : memref<!tpu.dma_semaphore, #tpu.memory_space<semaphore_mem>>) src(%dma_wait3A_88 : memref<2x256xf32, #tpu.memory_space<vmem>>) dst(%dma_wait3A_84 : memref<2x256xf32, #tpu.memory_space<hbm>>)
      } else {
      }
    } else {
    }
    %add3A_48 = arith.constant 82 : i32
    %add3A_49 = arith.addi %mul3A_2, %add3A_48 : i32
    %sub3A_50 = arith.constant 3 : i32
    %sub3A_51 = arith.subi %add3A_49, %sub3A_50 : i32
    %lt3A_52 = arith.constant 2561 : i32
    %lt3A_53 = arith.cmpi slt, %sub3A_51, %lt3A_52 : i32
    %convert_element_type3A_54 = arith.extui %lt3A_53 : i1 to i32
    %cond3A_55 = arith.constant 0 : i32
    %cond3A_56 = arith.cmpi ne, %convert_element_type3A_54, %cond3A_55 : i32
    scf.if %cond3A_56 {
      %lt3A_66 = arith.constant 2560 : i32
      %lt3A_67 = arith.cmpi slt, %sub3A_51, %lt3A_66 : i32
      %convert_element_type3A_68 = arith.extui %lt3A_67 : i1 to i32
      %cond3A_69 = arith.constant 0 : i32
      %cond3A_70 = arith.cmpi ne, %convert_element_type3A_68, %cond3A_69 : i32
      scf.if %cond3A_70 {
        %dma_wait3A = arith.constant 1 : i32
        %dma_wait3A_75 = arith.constant 0 : i32
        %dma_wait3A_76 = arith.constant 0 : i32
        %dma_wait3A_77 = tpu.memref_slice %arg7[%dma_wait3A, %dma_wait3A_75, %dma_wait3A_76] : memref<3x16x256xf32, #tpu.memory_space<vmem>> -> memref<1x16x256xf32, #tpu.memory_space<vmem>>
        %dma_wait3A_78 = tpu.memref_squeeze %dma_wait3A_77 : memref<1x16x256xf32, #tpu.memory_space<vmem>> -> memref<16x256xf32, #tpu.memory_space<vmem>>
        %dma_wait3A_79 = arith.constant 0 : i32
        %dma_wait3A_80 = arith.constant 0 : i32
        %dma_wait3A_81 = tpu.memref_slice %arg4[%dma_wait3A_79, %dma_wait3A_80] : memref<40962x256xf32, #tpu.memory_space<hbm>> -> memref<16x256xf32, #tpu.memory_space<hbm>>
        %dma_wait3A_82 = arith.constant 0 : i32
        %dma_wait3A_83 = arith.constant 0 : i32
        %dma_wait3A_84 = tpu.memref_slice %arg4[%dma_wait3A_82, %dma_wait3A_83] : memref<40962x256xf32, #tpu.memory_space<hbm>> -> memref<16x256xf32, #tpu.memory_space<hbm>>
        %dma_wait3A_85 = arith.constant 0 : i32
        %dma_wait3A_86 = arith.constant 0 : i32
        %dma_wait3A_87 = tpu.memref_slice %arg7[%dma_wait3A, %dma_wait3A_85, %dma_wait3A_86] : memref<3x16x256xf32, #tpu.memory_space<vmem>> -> memref<1x16x256xf32, #tpu.memory_space<vmem>>
        %dma_wait3A_88 = tpu.memref_squeeze %dma_wait3A_87 : memref<1x16x256xf32, #tpu.memory_space<vmem>> -> memref<16x256xf32, #tpu.memory_space<vmem>>
        tpu.wait_dma2 semaphore(%arg12 : memref<!tpu.dma_semaphore, #tpu.memory_space<semaphore_mem>>) src(%dma_wait3A_88 : memref<16x256xf32, #tpu.memory_space<vmem>>) dst(%dma_wait3A_84 : memref<16x256xf32, #tpu.memory_space<hbm>>)
      } else {
      }
      %eq3A = arith.constant 2560 : i32
      %eq3A_71 = arith.cmpi eq, %sub3A_51, %eq3A : i32
      %convert_element_type3A_72 = arith.extui %eq3A_71 : i1 to i32
      %cond3A_73 = arith.constant 0 : i32
      %cond3A_74 = arith.cmpi ne, %convert_element_type3A_72, %cond3A_73 : i32
      scf.if %cond3A_74 {
        %dma_wait3A = arith.constant 1 : i32
        %dma_wait3A_75 = arith.constant 0 : i32
        %dma_wait3A_76 = arith.constant 0 : i32
        %dma_wait3A_77 = tpu.memref_slice %arg7[%dma_wait3A, %dma_wait3A_75, %dma_wait3A_76] : memref<3x16x256xf32, #tpu.memory_space<vmem>> -> memref<1x2x256xf32, #tpu.memory_space<vmem>>
        %dma_wait3A_78 = tpu.memref_squeeze %dma_wait3A_77 : memref<1x2x256xf32, #tpu.memory_space<vmem>> -> memref<2x256xf32, #tpu.memory_space<vmem>>
        %dma_wait3A_79 = arith.constant 0 : i32
        %dma_wait3A_80 = arith.constant 0 : i32
        %dma_wait3A_81 = tpu.memref_slice %arg4[%dma_wait3A_79, %dma_wait3A_80] : memref<40962x256xf32, #tpu.memory_space<hbm>> -> memref<2x256xf32, #tpu.memory_space<hbm>>
        %dma_wait3A_82 = arith.constant 0 : i32
        %dma_wait3A_83 = arith.constant 0 : i32
        %dma_wait3A_84 = tpu.memref_slice %arg4[%dma_wait3A_82, %dma_wait3A_83] : memref<40962x256xf32, #tpu.memory_space<hbm>> -> memref<2x256xf32, #tpu.memory_space<hbm>>
        %dma_wait3A_85 = arith.constant 0 : i32
        %dma_wait3A_86 = arith.constant 0 : i32
        %dma_wait3A_87 = tpu.memref_slice %arg7[%dma_wait3A, %dma_wait3A_85, %dma_wait3A_86] : memref<3x16x256xf32, #tpu.memory_space<vmem>> -> memref<1x2x256xf32, #tpu.memory_space<vmem>>
        %dma_wait3A_88 = tpu.memref_squeeze %dma_wait3A_87 : memref<1x2x256xf32, #tpu.memory_space<vmem>> -> memref<2x256xf32, #tpu.memory_space<vmem>>
        tpu.wait_dma2 semaphore(%arg12 : memref<!tpu.dma_semaphore, #tpu.memory_space<semaphore_mem>>) src(%dma_wait3A_88 : memref<2x256xf32, #tpu.memory_space<vmem>>) dst(%dma_wait3A_84 : memref<2x256xf32, #tpu.memory_space<hbm>>)
      } else {
      }
    } else {
    }
    %add3A_57 = arith.constant 83 : i32
    %add3A_58 = arith.addi %mul3A_2, %add3A_57 : i32
    %sub3A_59 = arith.constant 3 : i32
    %sub3A_60 = arith.subi %add3A_58, %sub3A_59 : i32
    %lt3A_61 = arith.constant 2561 : i32
    %lt3A_62 = arith.cmpi slt, %sub3A_60, %lt3A_61 : i32
    %convert_element_type3A_63 = arith.extui %lt3A_62 : i1 to i32
    %cond3A_64 = arith.constant 0 : i32
    %cond3A_65 = arith.cmpi ne, %convert_element_type3A_63, %cond3A_64 : i32
    scf.if %cond3A_65 {
      %lt3A_66 = arith.constant 2560 : i32
      %lt3A_67 = arith.cmpi slt, %sub3A_60, %lt3A_66 : i32
      %convert_element_type3A_68 = arith.extui %lt3A_67 : i1 to i32
      %cond3A_69 = arith.constant 0 : i32
      %cond3A_70 = arith.cmpi ne, %convert_element_type3A_68, %cond3A_69 : i32
      scf.if %cond3A_70 {
        %dma_wait3A = arith.constant 2 : i32
        %dma_wait3A_75 = arith.constant 0 : i32
        %dma_wait3A_76 = arith.constant 0 : i32
        %dma_wait3A_77 = tpu.memref_slice %arg7[%dma_wait3A, %dma_wait3A_75, %dma_wait3A_76] : memref<3x16x256xf32, #tpu.memory_space<vmem>> -> memref<1x16x256xf32, #tpu.memory_space<vmem>>
        %dma_wait3A_78 = tpu.memref_squeeze %dma_wait3A_77 : memref<1x16x256xf32, #tpu.memory_space<vmem>> -> memref<16x256xf32, #tpu.memory_space<vmem>>
        %dma_wait3A_79 = arith.constant 0 : i32
        %dma_wait3A_80 = arith.constant 0 : i32
        %dma_wait3A_81 = tpu.memref_slice %arg4[%dma_wait3A_79, %dma_wait3A_80] : memref<40962x256xf32, #tpu.memory_space<hbm>> -> memref<16x256xf32, #tpu.memory_space<hbm>>
        %dma_wait3A_82 = arith.constant 0 : i32
        %dma_wait3A_83 = arith.constant 0 : i32
        %dma_wait3A_84 = tpu.memref_slice %arg4[%dma_wait3A_82, %dma_wait3A_83] : memref<40962x256xf32, #tpu.memory_space<hbm>> -> memref<16x256xf32, #tpu.memory_space<hbm>>
        %dma_wait3A_85 = arith.constant 0 : i32
        %dma_wait3A_86 = arith.constant 0 : i32
        %dma_wait3A_87 = tpu.memref_slice %arg7[%dma_wait3A, %dma_wait3A_85, %dma_wait3A_86] : memref<3x16x256xf32, #tpu.memory_space<vmem>> -> memref<1x16x256xf32, #tpu.memory_space<vmem>>
        %dma_wait3A_88 = tpu.memref_squeeze %dma_wait3A_87 : memref<1x16x256xf32, #tpu.memory_space<vmem>> -> memref<16x256xf32, #tpu.memory_space<vmem>>
        tpu.wait_dma2 semaphore(%arg13 : memref<!tpu.dma_semaphore, #tpu.memory_space<semaphore_mem>>) src(%dma_wait3A_88 : memref<16x256xf32, #tpu.memory_space<vmem>>) dst(%dma_wait3A_84 : memref<16x256xf32, #tpu.memory_space<hbm>>)
      } else {
      }
      %eq3A = arith.constant 2560 : i32
      %eq3A_71 = arith.cmpi eq, %sub3A_60, %eq3A : i32
      %convert_element_type3A_72 = arith.extui %eq3A_71 : i1 to i32
      %cond3A_73 = arith.constant 0 : i32
      %cond3A_74 = arith.cmpi ne, %convert_element_type3A_72, %cond3A_73 : i32
      scf.if %cond3A_74 {
        %dma_wait3A = arith.constant 2 : i32
        %dma_wait3A_75 = arith.constant 0 : i32
        %dma_wait3A_76 = arith.constant 0 : i32
        %dma_wait3A_77 = tpu.memref_slice %arg7[%dma_wait3A, %dma_wait3A_75, %dma_wait3A_76] : memref<3x16x256xf32, #tpu.memory_space<vmem>> -> memref<1x2x256xf32, #tpu.memory_space<vmem>>
        %dma_wait3A_78 = tpu.memref_squeeze %dma_wait3A_77 : memref<1x2x256xf32, #tpu.memory_space<vmem>> -> memref<2x256xf32, #tpu.memory_space<vmem>>
        %dma_wait3A_79 = arith.constant 0 : i32
        %dma_wait3A_80 = arith.constant 0 : i32
        %dma_wait3A_81 = tpu.memref_slice %arg4[%dma_wait3A_79, %dma_wait3A_80] : memref<40962x256xf32, #tpu.memory_space<hbm>> -> memref<2x256xf32, #tpu.memory_space<hbm>>
        %dma_wait3A_82 = arith.constant 0 : i32
        %dma_wait3A_83 = arith.constant 0 : i32
        %dma_wait3A_84 = tpu.memref_slice %arg4[%dma_wait3A_82, %dma_wait3A_83] : memref<40962x256xf32, #tpu.memory_space<hbm>> -> memref<2x256xf32, #tpu.memory_space<hbm>>
        %dma_wait3A_85 = arith.constant 0 : i32
        %dma_wait3A_86 = arith.constant 0 : i32
        %dma_wait3A_87 = tpu.memref_slice %arg7[%dma_wait3A, %dma_wait3A_85, %dma_wait3A_86] : memref<3x16x256xf32, #tpu.memory_space<vmem>> -> memref<1x2x256xf32, #tpu.memory_space<vmem>>
        %dma_wait3A_88 = tpu.memref_squeeze %dma_wait3A_87 : memref<1x2x256xf32, #tpu.memory_space<vmem>> -> memref<2x256xf32, #tpu.memory_space<vmem>>
        tpu.wait_dma2 semaphore(%arg13 : memref<!tpu.dma_semaphore, #tpu.memory_space<semaphore_mem>>) src(%dma_wait3A_88 : memref<2x256xf32, #tpu.memory_space<vmem>>) dst(%dma_wait3A_84 : memref<2x256xf32, #tpu.memory_space<hbm>>)
      } else {
      }
    } else {
    }
    return
  }
}

</mosaic_0001>

<sc_bundles>
// kernel: kernel.3.cloned.1.call-start
scs
__scs_entry_jumppad:
0x0: {  	(pc) =	sbr.rel $0x88, $3  }
0x1: {  	(tag) =	ssettag $0x0;
	lr =	simm.s32 $0x1  }
0x2: {  	[smem:$0x3F9F] =	sst lr;
	_ =	strace $0xD0000000  }
0x3: {  	_ = 	snop  }
0x4: {  	_ = 	snop  }
0x5: {  	_ = 	snop  }
0x6: {  	_ = 	snop  }
0x7: {  	_ = 	snop  }
__scs_overlays_trampoline_lowered:
0x8: {  	[smem:$0x3FAE] =	sst s0  }
0x9: {  	[smem:$0x3FAF] =	sst s1  }
0xa: {  	[smem:$0x3FB0] =	sst s2  }
0xb: {  	[smem:$0x3FB1] =	sst s3  }
0xc: {  	[smem:$0x3FB2] =	sst s4  }
0xd: {  	[smem:$0x3FB3] =	sst s5  }
0xe: {  	[smem:$0x3FB4] =	sst s6  }
0xf: {  	[smem:$0x3FB5] =	sst s7  }
0x10: {  	[smem:$0x3FB6] =	sst s8  }
0x11: {  	[smem:$0x3FB7] =	sst s9;
	s0 =	simm.s32 @!p0 $0x0  }
0x12: {  	s1 =	sld [smem:$0x3F9D];
	s0 =	simm.s32 @p0 $0x1  }
0x13: {  	[smem:$0x3FB8] =	sst s0;
	s0 =	simm.s32 @!p1 $0x0  }
0x14: {  	s2 =	sld [smem:$0x3F9C];
	s0 =	simm.s32 @p1 $0x1  }
0x15: {  	[smem:$0x3FB9] =	sst s0;
	s0 =	simm.s32 @!p2 $0x0  }
0x16: {  	s3 =	sld [smem:$0x3FDB];
	s0 =	simm.s32 @p2 $0x1  }
0x17: {  	s4 =	simm.s32 $0x1BF5;
	[smem:$0x3FBB] =	sst s0  }
0x18: {  	s0 =	sld [smem:$0x3F9E];
	_ =	swait.ge [sflag:s4], $0x0  }
0x19: {  	s7 =	sld [smem:$0x3F9F]  }
0x1a: {  	s8 =	sadd.s32 $0xFFFFE003, lr  }
0x1b: {  	s9 =	sadd.s32 $0xFFFFFEF7, lr;
	s5 =	simm.s32 $0xFFFFFFFF;
	p2 =	slt.u32 s8, $0xFFFFF086  }
0x1c: {  	p1 =	slt.u32 s9, $0xF7A;
	s5 =	simm.s32 @!p2 $0x0  }
0x1d: {  	s5 =	simm.s32 @p1 $0x1;
	p0 =	seq.s32 s7, s2  }
0x1e: {  	s7 =	smul.u32 @!p0 $0xF7A, s2;
	p2 =	seq.s32 @!p0 s5, $0x0  }
0x1f: {  	s9 =	smul.u32 $0xF7A, s1;
	s8 =	simm.s32 @!p0 $0x1BF5;
	p2 =	por !p2, p0  }
0x20: {  	[sflag:s8] =	ssyncset.s32 @!p0 $0xFFFFF086;
	s6 =	sadd.s32 @!p0 s3, s7;
	s7 =	simm.s32 @!p0 $0x108  }
0x21: {  	s3 =	sadd.s32 s3, s9;
	s6 =	sadd.s32 @!p0 $0x88, s6;
	s7 =	simm.s32 @p2 $0x1082  }
0x22: {  	[simem:s7], [sflag:s8] =	dma.local @!p0 [hbm:s6], $0xF7A  }
0x23: {  	s9 =	sor.u32 $0xD0000000, s2;
	s6 =	simm.s32 $0x108;
	_ =	swait.ge @!p0 [sflag:s8], $0x0  }
0x24: {  	s3 =	sadd.s32 $0x88, s3;
	s6 =	simm.s32 @!p1 $0x1082;
	[sflag:s4] =	ssyncset.s32 $0xFFFFF086  }
0x25: {  	[simem:s6], [sflag:s4] =	dma.local [hbm:s3], $0xF7A  }
0x26: {  	[smem:$0x3F9F] =	sst s1;
	(tag) =	ssettag s2;
	_ =	strace s9  }
0x27: {  	s1 =	sld [smem:$0x3FAF]  }
0x28: {  	s2 =	sld [smem:$0x3FB0]  }
0x29: {  	s4 =	sld [smem:$0x3FB2]  }
0x2a: {  	p0 =	seq.s32 s5, $0x0;
	s5 =	sld [smem:$0x3FB3]  }
0x2b: {  	s6 =	sld [smem:$0x3FB4]  }
0x2c: {  	s7 =	sld [smem:$0x3FB5]  }
0x2d: {  	s3 =	simm.s32 $0x108;
	s8 =	sld [smem:$0x3FB6]  }
0x2e: {  	s3 =	simm.s32 @!p0 $0x1082;
	s9 =	sld [smem:$0x3FB7]  }
0x2f: {  	lr =	sadd.s32 s0, s3;
	s0 =	sld [smem:$0x3FAE]  }
0x30: {  	s3 =	sld [smem:$0x3FB1]  }
0x31: {  	[smem:$0x3FBA] =	sst s10  }
0x32: {  	s10 =	sld [smem:$0x3FB8];
	_ =	sdelay $0x3  }
0x33: {  	p0 =	seq.s32 s10, $0x1;
	s10 =	sld [smem:$0x3FBA];
	_ =	sdelay $0x3  }
0x34: {  	[smem:$0x3FBA] =	sst s10  }
0x35: {  	s10 =	sld [smem:$0x3FB9];
	_ =	sdelay $0x3  }
0x36: {  	p1 =	seq.s32 s10, $0x1;
	s10 =	sld [smem:$0x3FBA];
	_ =	sdelay $0x3  }
0x37: {  	[smem:$0x3FBA] =	sst s10  }
0x38: {  	s10 =	sld [smem:$0x3FBB]  }
0x39: {  	_ = 	snop;
	(pc) =	sbr.ind lr, $3  }
0x3a: {  	_ = 	snop  }
0x3b: {  	_ = 	snop  }
0x3c: {  	p2 =	seq.s32 s10, $0x1;
	s10 =	sld [smem:$0x3FBA]  }
0x3d: {  	_ =	shalt  }
0x3e: {  	_ =	shalt  }
0x3f: {  	_ =	shalt  }
0x40: {  	_ =	shalt  }
0x41: {  	_ =	shalt  }
0x42: {  	_ =	shalt  }
0x43: {  	_ =	shalt  }
0x44: {  	_ =	shalt  }
0x45: {  	_ =	shalt  }
0x46: {  	_ =	shalt  }
0x47: {  	_ =	shalt  }
0x48: {  	_ =	shalt  }
0x49: {  	_ =	shalt  }
0x4a: {  	_ =	shalt  }
0x4b: {  	_ =	shalt  }
0x4c: {  	_ =	shalt  }
0x4d: {  	_ =	shalt  }
0x4e: {  	_ =	shalt  }
0x4f: {  	_ =	shalt  }
0x50: {  	_ =	shalt  }
0x51: {  	_ =	shalt  }
0x52: {  	_ =	shalt  }
0x53: {  	_ =	shalt  }
0x54: {  	_ =	shalt  }
0x55: {  	_ =	shalt  }
0x56: {  	_ =	shalt  }
0x57: {  	_ =	shalt  }
0x58: {  	_ =	shalt  }
0x59: {  	_ =	shalt  }
0x5a: {  	_ =	shalt  }
0x5b: {  	_ =	shalt  }
0x5c: {  	_ =	shalt  }
0x5d: {  	_ =	shalt  }
0x5e: {  	_ =	shalt  }
0x5f: {  	_ =	shalt  }
0x60: {  	_ =	shalt  }
0x61: {  	_ =	shalt  }
0x62: {  	_ =	shalt  }
0x63: {  	_ =	shalt  }
0x64: {  	_ =	shalt  }
0x65: {  	_ =	shalt  }
0x66: {  	_ =	shalt  }
0x67: {  	_ =	shalt  }
0x68: {  	_ =	shalt  }
0x69: {  	_ =	shalt  }
0x6a: {  	_ =	shalt  }
0x6b: {  	_ =	shalt  }
0x6c: {  	_ =	shalt  }
0x6d: {  	_ =	shalt  }
0x6e: {  	_ =	shalt  }
0x6f: {  	_ =	shalt  }
0x70: {  	_ =	shalt  }
0x71: {  	_ =	shalt  }
0x72: {  	_ =	shalt  }
0x73: {  	_ =	shalt  }
0x74: {  	_ =	shalt  }
0x75: {  	_ =	shalt  }
0x76: {  	_ =	shalt  }
0x77: {  	_ =	shalt  }
0x78: {  	_ =	shalt  }
0x79: {  	_ =	shalt  }
0x7a: {  	_ =	shalt  }
0x7b: {  	_ =	shalt  }
0x7c: {  	_ =	shalt  }
0x7d: {  	_ =	shalt  }
0x7e: {  	_ =	shalt  }
0x7f: {  	_ =	shalt  }
0x80: {  	_ =	shalt  }
0x81: {  	_ =	shalt  }
0x82: {  	_ =	shalt  }
0x83: {  	_ =	shalt  }
0x84: {  	_ =	shalt  }
0x85: {  	_ =	shalt  }
0x86: {  	_ =	shalt  }
0x87: {  	_ =	shalt  }
.Lfunc_end0:
.L_simem_size_0:
called_computation_lowered:
.L_overlay_start_0:
0x88: {  	s2 =	sld [smem:$0x3FD9]  }
0x89: {  	s3 =	sld [smem:$0x3FFE];
	_ =	sdelay $0x1  }
0x8a: {  	s1 =	srdreg.scid  }
0x8b: {  	s0 =	sand.u32 $0x1, s1  }
0x8c: {  	s17 =	sshll.u32 s0, $0xA;
	s2 =	sadd.s32 s3, s2  }
0x8d: {  	s2 =	sadd.s32 s2, s17  }
0x8e: {  	[smem:$0x3FC6] =	sst s2  }
0x8f: {  	_ = 	snop  }
0x90: {  	s2 =	sld [smem:$0x3FC9]  }
0x91: {  	s18 =	sld [smem:$0x3FD0];
	(tm) =	ssettm $0x1  }
0x92: {  	s4 =	sld [smem:$0x3FFB];
	_ =	sdelay $0x3  }
0x93: {  	_ =	strace s4  }
0x94: {  	s4 =	sld [smem:$0x3FFC];
	_ =	sdelay $0x3  }
0x95: {  	_ =	strace s4  }
0x96: {  	s4 =	sld [smem:$0x3FFD];
	_ =	sdelay $0x3  }
0x97: {  	_ =	strace s4  }
0x98: {  	_ =	strace $0x8FFFFFFF  }
0x99: {  	s19 =	sld [smem:$0x3FDB];
	_ =	sdelay $0x1  }
0x9a: {  	s5 =	simm.s32 $_scs_section_size  }
0x9b: {  	s6 =	simm.s32 $_size__tile_overlayer_lowered;
	s7 =	simm.s32 $_tile_overlayer_lowered  }
0x9c: {  	s22 =	simm.s32 $0x1BFF;
	s21 =	sshll.u32 s7, $0x1;
	s4 =	sadd.s32 s5, s19  }
0x9d: {  	s8 =	simm.s32 $0x0;
	s20 =	sshll.u32 s6, $0x1;
	s6 =	sadd.s32 s21, s4  }
0x9e: {  	[timem:s8], [sflag:s22] =	dma.local [hbm:s6], s20  }
0x9f: {  	_ =	swait.ge [sflag:s22], s20  }
0xa0: {  	s5 =	ssub.s32 $0x0, s20;
	[sflag:s22] =	ssyncset.done $0x0  }
0xa1: {  	[sflag:s22] =	ssyncadd.s32 s5;
	_ =	sdelay $0x1  }
0xa2: {  	s23 =	simm.s32 $0x1B8B  }
0xa3: {  	_ =	swait.ge [sflag:s23], $0x1  }
0xa4: {  	[sflag:s23] =	ssyncset.done $0x0  }
0xa5: {  	s25 =	simm.s32 $0x1B8E;
	s24 =	sld [smem:$0x3FFE];
	[sflag:s23] =	ssyncadd.s32 $0xFFFFFFFF  }
0xa6: {  	s26 =	simm.s32 $execute0_lowered;
	[smem:$0x3FD2] =	sst s25  }
0xa7: {  	s6 =	sshll.u32 s26, $0x1;
	_ =	strace $0x80000046;
	[dreg:$0x1] =	wrdreg $0xFFFFFFFF  }
0xa8: {  	s28 =	simm.s32 $_size_execute0_lowered;
	s4 =	sadd.s32 s4, s6;
	[dreg:$0x0] =	wrdreg $0x0  }
0xa9: {  	s6 =	sshll.u32 s28, $0x1;
	[dreg:$0x2] =	wrdreg s4  }
0xaa: {  	[dreg:$0x3] =	wrdreg s6  }
0xab: {  	[dreg:$0x4] =	wrdreg $0xC0  }
0xac: {  	_ =	task [dreg:s8], $0x5FFFF  }
0xad: {  	[dreg:$0x1] =	wrdreg $0xFFFFFFFF  }
0xae: {  	[dreg:$0x0] =	wrdreg $0x60  }
0xaf: {  	[dreg:$0x2] =	wrdreg s2  }
0xb0: {  	[dreg:$0x3] =	wrdreg s24  }
0xb1: {  	[dreg:$0x4] =	wrdreg s18  }
0xb2: {  	[dreg:$0x5] =	wrdreg $0x9  }
0xb3: {  	_ =	task.clear_ibuf [dreg:s8], $0x6FFFF;
	_ =	strace $0x90000046  }
0xb4: {  	s29 =	simm.s32 $0x9;
	_ =	strace $0x80000048  }
0xb5: {  	_ =	swait.ge [sflag:s29], $0x1  }
0xb6: {  	[sflag:s29] =	ssyncadd.s32 $0xFFFFFFFF  }
0xb7: {  	_ =	strace $0x90000048  }
0xb8: {  	_ =	sfence  }
0xb9: {  	s30 =	sld [smem:$0x0];
	_ =	sdelay $0x2  }
0xba: {  	s31 =	sshll.u32 s1, $0xD;
	s1 =	sshrl.u32 s1, $0x2  }
0xbb: {  	s3 =	sand.u32 $0x4000, s31;
	s1 =	sadd.s32 s1, s30  }
0xbc: {  	s0 =	sor.u32 s3, s0;
	s1 =	sshll.u32 s1, $0x11  }
0xbd: {  	s0 =	sor.u32 s1, s0  }
0xbe: {  	s0 =	sadd.s32 $0x8F2B, s0  }
0xbf: {  	[sflag:s0] =	ssyncadd.remote.s32 $0x1  }
0xc0: {  	_ =	sfence.sel $0xFFFF  }
0xc1: {  	[dreg:$0x0] =	wrdreg $0xFFFFFFFF;
	(pc) =	sbr.abs _section_cstart, $3  }
0xc2: {  	[dreg:$0x1] =	wrdreg $0xFFFFFFFF  }
0xc3: {  	_ =	task.clear_ibuf [dreg:s8], $0x2FFFF;
	_ =	strace $0x9FFFFFFF  }
0xc4: {  	(tm) =	ssettm $0x7FFFFFFF  }
0xc5: {  	_ =	shalt  }
tec
execute0_lowered:
.L_overlay_start_1:
0x0: {  	(tag) =	ssettag $0x1  }
0x1: {  	s1 =	rddreg [dreg:$0x0]  }
0x2: {  	s0 =	rddreg [dreg:$0x1];
	s2 =	srdreg.scid  }
0x3: {  	s3 =	stileid.u32;
	s7 =	rddreg [dreg:$0x2];
	s4 =	simm.s32 $0x0  }
0x4: {  	s31 =	simm.s32 $0x1;
	s2 =	sand.u32 $0x1, s2;
	s3 =	sshll.u32 s3, $0x1  }
0x5: {  	s30 =	simm.s32 $0x6;
	[smem:$0x7FF] =	sst s4;
	s3 =	sor.u32 s2, s3  }
0x6: {  	s7 =	sadd.s32 $0x140000, s7;
	s2 =	ssub.s32 $0x2, s2;
	s5 =	smul.u32 $0x580, s3  }
.Ltmp0:
0x7: {  	_ =	strace $0x80000047;
	s6 =	sshrl.u32 s2, $0x1;
	(pc) =	sbr.rel .LBB2_1-.Ltmp0, $4  }
0x8: {  	p0 =	seq.s32 s3, $0x1F;
	s2 =	ssub.s32 s2, s6;
	s6 =	simm.s32 $0x2  }
0x9: {  	v2 =	vlaneseq.u32;
	s0 =	sadd.s32 s5, s0;
	s5 =	smul.u32 $0x51, s3;
	s29 =	smax.u32 s2, $0x1  }
0xa: {  	vm0 =	vmmov $0xffff;
	v1 =	vshrl.u32 v2, $0x3;
	s3 =	simm.s32 $0x0;
	s0 =	sadd.s32 $0x400, s0;
	[dreg:$0x5] =	wrdreg s29  }
0xb: {  	v0 =	vand.u32 $0x7, v2;
	v2 =	vor.u32 $0x8, v2;
	v1 =	vmul.u32 $0x8, v1;
	[dreg:$0x4] =	wrdreg s0;
	s8 =	sadd.s32 $0x1, s5;
	s9 =	sadd.s32 $0x2, s5  }
.LBB2_37:
0xc: {  	s0 =	simm.s32 @!p0 $0x4  }
0xd: {  	_ =	swait.ge @!p0 [sflag:s0], $0x1000  }
0xe: {  	[sflag:s0] =	ssyncset.done @!p0 $0x0  }
0xf: {  	[sflag:s0] =	ssyncadd.s32 @!p0 $0xFFFFF000;
	s0 =	simm.s32 @!p0 $0x5  }
0x10: {  	_ =	swait.ge @!p0 [sflag:s0], $0x1000  }
0x11: {  	[sflag:s0] =	ssyncset.done @!p0 $0x0  }
0x12: {  	[sflag:s0] =	ssyncadd.s32 @!p0 $0xFFFFF000;
	s0 =	simm.s32 @!p0 $0x6  }
0x13: {  	_ =	swait.ge @!p0 [sflag:s0], $0x1000  }
0x14: {  	s3 =	rddreg [dreg:$0x6]  }
0x15: {  	s2 =	rddreg [dreg:$0x5];
	s3 =	sadd.s32 $0x1, s3  }
0x16: {  	p1 =	sne.s32 s3, s2  }
.Ltmp1:
0x17: {  	_ = 	snop;
	(pc) =	sbr.rel @!p1 .LBB2_38-.Ltmp1, $3  }
0x18: {  	_ =	sdelay $0x1  }
0x19: {  	[sflag:s0] =	ssyncset.done @!p0 $0x0  }
0x1a: {  	[sflag:s0] =	ssyncadd.s32 @!p0 $0xFFFFF000  }
.LBB2_1:
0x1b: {  	[dreg:$0x6] =	wrdreg s3  }
0x1c: {  	s0 =	rddreg [dreg:$0x4];
	s29 =	simm.s32 $0x7  }
0x1d: {  	[tilespmem:s4], [sflag:$0x7] =	stream.linear.gather [hbm4b:s0+s4], $0x2880, $0x38;
	[tilespmem:$0x1AC00] =	vst v63  }
0x1e: {  	_ =	swait.ge [sflag:s29], $0x2880  }
0x1f: {  	[sflag:s29] =	ssyncset.done $0x0  }
0x20: {  	[sflag:s29] =	ssyncadd.s32 $0xFFFFD780  }
0x21: {  	v3 =	vld [tilespmem:$0x0];
	_ =	sdelay $0x4  }
0x22: {  	v4 =	vshll.u32 v3, $0x1  }
0x23: {  	v3 =	vand.u32 $0x7, v3;
	v4 =	vand.u32 $0xFFFFFFF0, v4  }
0x24: {  	v3 =	vor.u32 v3, v4  }
0x25: {  	v4 =	vperm.xlane v3, v0;
	_ =	sdelay $0x1  }
0x26: {  	v3 =	vperm.xlane v3, v2;
	v4 =	vadd.s32 v1, v4;
	_ =	sdelay $0x1  }
0x27: {  	v3 =	vadd.s32 v1, v3;
	_ =	sdelay $0x1  }
0x28: {  	s2 =	simm.s32 $0x2C00  }
0x29: {  	[tilespmem:s2], [sflag:$0x1] =	stream.indirect_vreg.gather [hbm4b:s1+s4], $0x80, v4, vm0, $0xb8;
	[tilespmem:$0x1AC00] =	vst v63  }
0x2a: {  	s3 =	simm.s32 $0x3400  }
0x2b: {  	[tilespmem:s3], [sflag:$0x1] =	stream.indirect_vreg.gather [hbm4b:s1+s4], $0x80, v3, vm0, $0xb8;
	[tilespmem:$0x1AC00] =	vst v63  }
0x2c: {  	v3 =	vld [tilespmem:$0x10];
	_ =	sdelay $0x4  }
0x2d: {  	v44 =	vshll.u32 v3, $0x1  }
0x2e: {  	v3 =	vand.u32 $0x7, v3;
	v4 =	vand.u32 $0xFFFFFFF0, v44  }
0x2f: {  	v3 =	vor.u32 v3, v4  }
0x30: {  	v4 =	vperm.xlane v3, v0;
	_ =	sdelay $0x1  }
0x31: {  	v3 =	vperm.xlane v3, v2;
	v4 =	vadd.s32 v1, v4;
	_ =	sdelay $0x1  }
0x32: {  	v3 =	vadd.s32 v1, v3;
	_ =	sdelay $0x1  }
0x33: {  	s10 =	simm.s32 $0x3C00  }
0x34: {  	[tilespmem:s10], [sflag:$0x1] =	stream.indirect_vreg.gather [hbm4b:s1+s4], $0x80, v4, vm0, $0xb8;
	[tilespmem:$0x1AC00] =	vst v63  }
0x35: {  	s11 =	simm.s32 $0x4400  }
0x36: {  	[tilespmem:s11], [sflag:$0x1] =	stream.indirect_vreg.gather [hbm4b:s1+s4], $0x80, v3, vm0, $0xb8;
	[tilespmem:$0x1AC00] =	vst v63  }
0x37: {  	v3 =	vld [tilespmem:$0x20];
	_ =	sdelay $0x4  }
0x38: {  	v45 =	vshll.u32 v3, $0x1  }
0x39: {  	v3 =	vand.u32 $0x7, v3;
	v4 =	vand.u32 $0xFFFFFFF0, v45  }
0x3a: {  	v3 =	vor.u32 v3, v4  }
0x3b: {  	v4 =	vperm.xlane v3, v0;
	_ =	sdelay $0x1  }
0x3c: {  	v3 =	vperm.xlane v3, v2;
	v4 =	vadd.s32 v1, v4;
	_ =	sdelay $0x1  }
0x3d: {  	v3 =	vadd.s32 v1, v3;
	_ =	sdelay $0x1  }
0x3e: {  	s12 =	simm.s32 $0x4C00  }
0x3f: {  	[tilespmem:s12], [sflag:$0x1] =	stream.indirect_vreg.gather [hbm4b:s1+s4], $0x80, v4, vm0, $0xb8;
	[tilespmem:$0x1AC00] =	vst v63  }
0x40: {  	s13 =	simm.s32 $0x5400  }
0x41: {  	[tilespmem:s13], [sflag:$0x1] =	stream.indirect_vreg.gather [hbm4b:s1+s4], $0x80, v3, vm0, $0xb8;
	[tilespmem:$0x1AC00] =	vst v63  }
0x42: {  	v3 =	vld [tilespmem:$0x30];
	_ =	sdelay $0x4  }
0x43: {  	v46 =	vshll.u32 v3, $0x1  }
0x44: {  	v3 =	vand.u32 $0x7, v3;
	v4 =	vand.u32 $0xFFFFFFF0, v46  }
0x45: {  	v3 =	vor.u32 v3, v4  }
0x46: {  	v4 =	vperm.xlane v3, v0;
	_ =	sdelay $0x1  }
0x47: {  	v3 =	vperm.xlane v3, v2;
	v4 =	vadd.s32 v1, v4;
	_ =	sdelay $0x1  }
0x48: {  	v3 =	vadd.s32 v1, v3;
	_ =	sdelay $0x1  }
0x49: {  	s14 =	simm.s32 $0x5C00  }
0x4a: {  	[tilespmem:s14], [sflag:$0x1] =	stream.indirect_vreg.gather [hbm4b:s1+s4], $0x80, v4, vm0, $0xb8;
	[tilespmem:$0x1AC00] =	vst v63  }
0x4b: {  	s15 =	simm.s32 $0x6400  }
0x4c: {  	[tilespmem:s15], [sflag:$0x1] =	stream.indirect_vreg.gather [hbm4b:s1+s4], $0x80, v3, vm0, $0xb8;
	[tilespmem:$0x1AC00] =	vst v63  }
0x4d: {  	v3 =	vld [tilespmem:$0x40];
	_ =	sdelay $0x4  }
0x4e: {  	v47 =	vshll.u32 v3, $0x1  }
0x4f: {  	v3 =	vand.u32 $0x7, v3;
	v4 =	vand.u32 $0xFFFFFFF0, v47  }
0x50: {  	v3 =	vor.u32 v3, v4  }
0x51: {  	v4 =	vperm.xlane v3, v0;
	_ =	sdelay $0x1  }
0x52: {  	v3 =	vperm.xlane v3, v2;
	v4 =	vadd.s32 v1, v4;
	_ =	sdelay $0x1  }
0x53: {  	v3 =	vadd.s32 v1, v3;
	_ =	sdelay $0x1  }
0x54: {  	s16 =	simm.s32 $0x6C00  }
0x55: {  	[tilespmem:s16], [sflag:$0x1] =	stream.indirect_vreg.gather [hbm4b:s1+s4], $0x80, v4, vm0, $0xb8;
	[tilespmem:$0x1AC00] =	vst v63  }
0x56: {  	s17 =	simm.s32 $0x7400  }
0x57: {  	[tilespmem:s17], [sflag:$0x1] =	stream.indirect_vreg.gather [hbm4b:s1+s4], $0x80, v3, vm0, $0xb8;
	[tilespmem:$0x1AC00] =	vst v63  }
0x58: {  	v3 =	vld [tilespmem:$0x50];
	_ =	sdelay $0x4  }
0x59: {  	v48 =	vshll.u32 v3, $0x1  }
0x5a: {  	v3 =	vand.u32 $0x7, v3;
	v4 =	vand.u32 $0xFFFFFFF0, v48  }
0x5b: {  	v3 =	vor.u32 v3, v4  }
0x5c: {  	v4 =	vperm.xlane v3, v0;
	_ =	sdelay $0x1  }
0x5d: {  	v3 =	vperm.xlane v3, v2;
	v4 =	vadd.s32 v1, v4;
	_ =	sdelay $0x1  }
0x5e: {  	v3 =	vadd.s32 v1, v3;
	_ =	sdelay $0x1  }
0x5f: {  	s18 =	simm.s32 $0x7C00  }
0x60: {  	[tilespmem:s18], [sflag:$0x1] =	stream.indirect_vreg.gather [hbm4b:s1+s4], $0x80, v4, vm0, $0xb8;
	[tilespmem:$0x1AC00] =	vst v63  }
0x61: {  	s19 =	simm.s32 $0x8400  }
0x62: {  	[tilespmem:s19], [sflag:$0x1] =	stream.indirect_vreg.gather [hbm4b:s1+s4], $0x80, v3, vm0, $0xb8;
	[tilespmem:$0x1AC00] =	vst v63  }
0x63: {  	v3 =	vld [tilespmem:$0x60];
	_ =	sdelay $0x4  }
0x64: {  	v49 =	vshll.u32 v3, $0x1  }
0x65: {  	v3 =	vand.u32 $0x7, v3;
	v4 =	vand.u32 $0xFFFFFFF0, v49  }
0x66: {  	v3 =	vor.u32 v3, v4  }
0x67: {  	v4 =	vperm.xlane v3, v0;
	_ =	sdelay $0x1  }
0x68: {  	v3 =	vperm.xlane v3, v2;
	v4 =	vadd.s32 v1, v4;
	_ =	sdelay $0x1  }
0x69: {  	v3 =	vadd.s32 v1, v3;
	_ =	sdelay $0x1  }
0x6a: {  	s20 =	simm.s32 $0x8C00  }
0x6b: {  	[tilespmem:s20], [sflag:$0x1] =	stream.indirect_vreg.gather [hbm4b:s1+s4], $0x80, v4, vm0, $0xb8;
	[tilespmem:$0x1AC00] =	vst v63  }
0x6c: {  	s21 =	simm.s32 $0x9400  }
0x6d: {  	[tilespmem:s21], [sflag:$0x1] =	stream.indirect_vreg.gather [hbm4b:s1+s4], $0x80, v3, vm0, $0xb8;
	[tilespmem:$0x1AC00] =	vst v63  }
0x6e: {  	v3 =	vld [tilespmem:$0x80];
	_ =	sdelay $0x4  }
0x6f: {  	v50 =	vshll.u32 v3, $0x1  }
0x70: {  	v3 =	vand.u32 $0x7, v3;
	v4 =	vand.u32 $0xFFFFFFF0, v50  }
0x71: {  	v3 =	vor.u32 v3, v4  }
0x72: {  	v4 =	vperm.xlane v3, v0;
	_ =	sdelay $0x1  }
0x73: {  	v3 =	vperm.xlane v3, v2;
	v4 =	vadd.s32 v1, v4;
	_ =	sdelay $0x1  }
0x74: {  	v3 =	vadd.s32 v1, v3;
	_ =	sdelay $0x1  }
0x75: {  	s22 =	simm.s32 $0x9C00  }
0x76: {  	[tilespmem:s22], [sflag:$0x2] =	stream.indirect_vreg.gather [hbm4b:s1+s4], $0x80, v4, vm0, $0xb8;
	[tilespmem:$0x1AC00] =	vst v63  }
0x77: {  	s23 =	simm.s32 $0xA400  }
0x78: {  	[tilespmem:s23], [sflag:$0x2] =	stream.indirect_vreg.gather [hbm4b:s1+s4], $0x80, v3, vm0, $0xb8;
	[tilespmem:$0x1AC00] =	vst v63  }
0x79: {  	v3 =	vld [tilespmem:$0x90];
	_ =	sdelay $0x4  }
0x7a: {  	v51 =	vshll.u32 v3, $0x1  }
0x7b: {  	v3 =	vand.u32 $0x7, v3;
	v4 =	vand.u32 $0xFFFFFFF0, v51  }
0x7c: {  	v3 =	vor.u32 v3, v4  }
0x7d: {  	v4 =	vperm.xlane v3, v0;
	_ =	sdelay $0x1  }
0x7e: {  	v3 =	vperm.xlane v3, v2;
	v4 =	vadd.s32 v1, v4;
	_ =	sdelay $0x1  }
0x7f: {  	v3 =	vadd.s32 v1, v3;
	_ =	sdelay $0x1  }
0x80: {  	s24 =	simm.s32 $0xAC00  }
0x81: {  	[tilespmem:s24], [sflag:$0x2] =	stream.indirect_vreg.gather [hbm4b:s1+s4], $0x80, v4, vm0, $0xb8;
	[tilespmem:$0x1AC00] =	vst v63  }
0x82: {  	s25 =	simm.s32 $0xB400  }
0x83: {  	[tilespmem:s25], [sflag:$0x2] =	stream.indirect_vreg.gather [hbm4b:s1+s4], $0x80, v3, vm0, $0xb8;
	[tilespmem:$0x1AC00] =	vst v63  }
0x84: {  	v3 =	vld [tilespmem:$0xA0];
	_ =	sdelay $0x4  }
0x85: {  	v52 =	vshll.u32 v3, $0x1  }
0x86: {  	v3 =	vand.u32 $0x7, v3;
	v4 =	vand.u32 $0xFFFFFFF0, v52  }
0x87: {  	v3 =	vor.u32 v3, v4  }
0x88: {  	v4 =	vperm.xlane v3, v0;
	_ =	sdelay $0x1  }
0x89: {  	v3 =	vperm.xlane v3, v2;
	v4 =	vadd.s32 v1, v4;
	_ =	sdelay $0x1  }
0x8a: {  	v3 =	vadd.s32 v1, v3;
	_ =	sdelay $0x1  }
0x8b: {  	s26 =	simm.s32 $0xBC00  }
0x8c: {  	[tilespmem:s26], [sflag:$0x2] =	stream.indirect_vreg.gather [hbm4b:s1+s4], $0x80, v4, vm0, $0xb8;
	[tilespmem:$0x1AC00] =	vst v63  }
0x8d: {  	s28 =	simm.s32 $0xC400  }
0x8e: {  	[tilespmem:s28], [sflag:$0x2] =	stream.indirect_vreg.gather [hbm4b:s1+s4], $0x80, v3, vm0, $0xb8;
	[tilespmem:$0x1AC00] =	vst v63  }
0x8f: {  	v3 =	vld [tilespmem:$0xB0];
	_ =	sdelay $0x4  }
0x90: {  	v53 =	vshll.u32 v3, $0x1  }
0x91: {  	v3 =	vand.u32 $0x7, v3;
	v4 =	vand.u32 $0xFFFFFFF0, v53  }
0x92: {  	v3 =	vor.u32 v3, v4  }
0x93: {  	v4 =	vperm.xlane v3, v0;
	_ =	sdelay $0x1  }
0x94: {  	v3 =	vperm.xlane v3, v2;
	v4 =	vadd.s32 v1, v4;
	_ =	sdelay $0x1  }
0x95: {  	v3 =	vadd.s32 v1, v3;
	_ =	sdelay $0x1  }
0x96: {  	s29 =	simm.s32 $0xCC00  }
0x97: {  	[tilespmem:s29], [sflag:$0x2] =	stream.indirect_vreg.gather [hbm4b:s1+s4], $0x80, v4, vm0, $0xb8;
	[tilespmem:$0x1AC00] =	vst v63  }
0x98: {  	s2 =	simm.s32 $0xD400  }
0x99: {  	[tilespmem:s2], [sflag:$0x2] =	stream.indirect_vreg.gather [hbm4b:s1+s4], $0x80, v3, vm0, $0xb8;
	[tilespmem:$0x1AC00] =	vst v63  }
0x9a: {  	v3 =	vld [tilespmem:$0xC0];
	_ =	sdelay $0x4  }
0x9b: {  	v54 =	vshll.u32 v3, $0x1  }
0x9c: {  	v3 =	vand.u32 $0x7, v3;
	v4 =	vand.u32 $0xFFFFFFF0, v54  }
0x9d: {  	v3 =	vor.u32 v3, v4  }
0x9e: {  	v4 =	vperm.xlane v3, v0;
	_ =	sdelay $0x1  }
0x9f: {  	v3 =	vperm.xlane v3, v2;
	v4 =	vadd.s32 v1, v4;
	_ =	sdelay $0x1  }
0xa0: {  	v3 =	vadd.s32 v1, v3;
	_ =	sdelay $0x1  }
0xa1: {  	s3 =	simm.s32 $0xDC00  }
0xa2: {  	[tilespmem:s3], [sflag:$0x2] =	stream.indirect_vreg.gather [hbm4b:s1+s4], $0x80, v4, vm0, $0xb8;
	[tilespmem:$0x1AC00] =	vst v63  }
0xa3: {  	s10 =	simm.s32 $0xE400  }
0xa4: {  	[tilespmem:s10], [sflag:$0x2] =	stream.indirect_vreg.gather [hbm4b:s1+s4], $0x80, v3, vm0, $0xb8;
	[tilespmem:$0x1AC00] =	vst v63  }
0xa5: {  	v3 =	vld [tilespmem:$0xD0];
	_ =	sdelay $0x4  }
0xa6: {  	v55 =	vshll.u32 v3, $0x1  }
0xa7: {  	v3 =	vand.u32 $0x7, v3;
	v4 =	vand.u32 $0xFFFFFFF0, v55  }
0xa8: {  	v3 =	vor.u32 v3, v4  }
0xa9: {  	v4 =	vperm.xlane v3, v0;
	_ =	sdelay $0x1  }
0xaa: {  	v3 =	vperm.xlane v3, v2;
	v4 =	vadd.s32 v1, v4;
	_ =	sdelay $0x1  }
0xab: {  	v3 =	vadd.s32 v1, v3;
	_ =	sdelay $0x1  }
0xac: {  	s11 =	simm.s32 $0xEC00  }
0xad: {  	[tilespmem:s11], [sflag:$0x2] =	stream.indirect_vreg.gather [hbm4b:s1+s4], $0x80, v4, vm0, $0xb8;
	[tilespmem:$0x1AC00] =	vst v63  }
0xae: {  	s12 =	simm.s32 $0xF400  }
0xaf: {  	[tilespmem:s12], [sflag:$0x2] =	stream.indirect_vreg.gather [hbm4b:s1+s4], $0x80, v3, vm0, $0xb8;
	[tilespmem:$0x1AC00] =	vst v63  }
0xb0: {  	v3 =	vld [tilespmem:$0xE0];
	_ =	sdelay $0x4  }
0xb1: {  	v56 =	vshll.u32 v3, $0x1  }
0xb2: {  	v3 =	vand.u32 $0x7, v3;
	v4 =	vand.u32 $0xFFFFFFF0, v56  }
0xb3: {  	v3 =	vor.u32 v3, v4  }
0xb4: {  	v4 =	vperm.xlane v3, v0;
	_ =	sdelay $0x1  }
0xb5: {  	v3 =	vperm.xlane v3, v2;
	v4 =	vadd.s32 v1, v4;
	_ =	sdelay $0x1  }
0xb6: {  	v3 =	vadd.s32 v1, v3;
	_ =	sdelay $0x1  }
0xb7: {  	s13 =	simm.s32 $0xFC00  }
0xb8: {  	[tilespmem:s13], [sflag:$0x2] =	stream.indirect_vreg.gather [hbm4b:s1+s4], $0x80, v4, vm0, $0xb8;
	[tilespmem:$0x1AC00] =	vst v63  }
0xb9: {  	s14 =	simm.s32 $0x10400  }
0xba: {  	[tilespmem:s14], [sflag:$0x2] =	stream.indirect_vreg.gather [hbm4b:s1+s4], $0x80, v3, vm0, $0xb8;
	[tilespmem:$0x1AC00] =	vst v63  }
0xbb: {  	v3 =	vld [tilespmem:$0x100];
	_ =	sdelay $0x4  }
0xbc: {  	v57 =	vshll.u32 v3, $0x1  }
0xbd: {  	v3 =	vand.u32 $0x7, v3;
	v4 =	vand.u32 $0xFFFFFFF0, v57  }
0xbe: {  	v3 =	vor.u32 v3, v4  }
0xbf: {  	v4 =	vperm.xlane v3, v0;
	_ =	sdelay $0x1  }
0xc0: {  	v3 =	vperm.xlane v3, v2;
	v4 =	vadd.s32 v1, v4;
	_ =	sdelay $0x1  }
0xc1: {  	v3 =	vadd.s32 v1, v3;
	_ =	sdelay $0x1  }
0xc2: {  	s15 =	simm.s32 $0x10C00  }
0xc3: {  	[tilespmem:s15], [sflag:$0x3] =	stream.indirect_vreg.gather [hbm4b:s1+s4], $0x80, v4, vm0, $0xb8;
	[tilespmem:$0x1AC00] =	vst v63  }
0xc4: {  	s16 =	simm.s32 $0x11400  }
0xc5: {  	[tilespmem:s16], [sflag:$0x3] =	stream.indirect_vreg.gather [hbm4b:s1+s4], $0x80, v3, vm0, $0xb8;
	[tilespmem:$0x1AC00] =	vst v63  }
0xc6: {  	v3 =	vld [tilespmem:$0x110];
	_ =	sdelay $0x4  }
0xc7: {  	v58 =	vshll.u32 v3, $0x1  }
0xc8: {  	v3 =	vand.u32 $0x7, v3;
	v4 =	vand.u32 $0xFFFFFFF0, v58  }
0xc9: {  	v3 =	vor.u32 v3, v4  }
0xca: {  	v4 =	vperm.xlane v3, v0;
	_ =	sdelay $0x1  }
0xcb: {  	v3 =	vperm.xlane v3, v2;
	v4 =	vadd.s32 v1, v4;
	_ =	sdelay $0x1  }
0xcc: {  	v3 =	vadd.s32 v1, v3;
	_ =	sdelay $0x1  }
0xcd: {  	s17 =	simm.s32 $0x11C00  }
0xce: {  	[tilespmem:s17], [sflag:$0x3] =	stream.indirect_vreg.gather [hbm4b:s1+s4], $0x80, v4, vm0, $0xb8;
	[tilespmem:$0x1AC00] =	vst v63  }
0xcf: {  	s18 =	simm.s32 $0x12400  }
0xd0: {  	[tilespmem:s18], [sflag:$0x3] =	stream.indirect_vreg.gather [hbm4b:s1+s4], $0x80, v3, vm0, $0xb8;
	[tilespmem:$0x1AC00] =	vst v63  }
0xd1: {  	v3 =	vld [tilespmem:$0x120];
	_ =	sdelay $0x4  }
0xd2: {  	v59 =	vshll.u32 v3, $0x1  }
0xd3: {  	v3 =	vand.u32 $0x7, v3;
	v4 =	vand.u32 $0xFFFFFFF0, v59  }
0xd4: {  	v3 =	vor.u32 v3, v4  }
0xd5: {  	v4 =	vperm.xlane v3, v0;
	_ =	sdelay $0x1  }
0xd6: {  	v3 =	vperm.xlane v3, v2;
	v4 =	vadd.s32 v1, v4;
	_ =	sdelay $0x1  }
0xd7: {  	v3 =	vadd.s32 v1, v3;
	_ =	sdelay $0x1  }
0xd8: {  	s19 =	simm.s32 $0x12C00  }
0xd9: {  	[tilespmem:s19], [sflag:$0x3] =	stream.indirect_vreg.gather [hbm4b:s1+s4], $0x80, v4, vm0, $0xb8;
	[tilespmem:$0x1AC00] =	vst v63  }
0xda: {  	s20 =	simm.s32 $0x13400  }
0xdb: {  	[tilespmem:s20], [sflag:$0x3] =	stream.indirect_vreg.gather [hbm4b:s1+s4], $0x80, v3, vm0, $0xb8;
	[tilespmem:$0x1AC00] =	vst v63  }
0xdc: {  	v3 =	vld [tilespmem:$0x130];
	_ =	sdelay $0x4  }
0xdd: {  	v60 =	vshll.u32 v3, $0x1  }
0xde: {  	v3 =	vand.u32 $0x7, v3;
	v4 =	vand.u32 $0xFFFFFFF0, v60  }
0xdf: {  	v3 =	vor.u32 v3, v4  }
0xe0: {  	v4 =	vperm.xlane v3, v0;
	_ =	sdelay $0x1  }
0xe1: {  	v3 =	vperm.xlane v3, v2;
	v4 =	vadd.s32 v1, v4;
	_ =	sdelay $0x1  }
0xe2: {  	v3 =	vadd.s32 v1, v3;
	_ =	sdelay $0x1  }
0xe3: {  	s21 =	simm.s32 $0x13C00  }
0xe4: {  	[tilespmem:s21], [sflag:$0x3] =	stream.indirect_vreg.gather [hbm4b:s1+s4], $0x80, v4, vm0, $0xb8;
	[tilespmem:$0x1AC00] =	vst v63  }
0xe5: {  	s22 =	simm.s32 $0x14400  }
0xe6: {  	[tilespmem:s22], [sflag:$0x3] =	stream.indirect_vreg.gather [hbm4b:s1+s4], $0x80, v3, vm0, $0xb8;
	[tilespmem:$0x1AC00] =	vst v63  }
0xe7: {  	v3 =	vld [tilespmem:$0x140];
	_ =	sdelay $0x4  }
0xe8: {  	v61 =	vshll.u32 v3, $0x1  }
0xe9: {  	v3 =	vand.u32 $0x7, v3;
	v4 =	vand.u32 $0xFFFFFFF0, v61  }
0xea: {  	v3 =	vor.u32 v3, v4  }
0xeb: {  	v4 =	vperm.xlane v3, v0;
	_ =	sdelay $0x1  }
0xec: {  	v3 =	vperm.xlane v3, v2;
	v4 =	vadd.s32 v1, v4;
	_ =	sdelay $0x1  }
0xed: {  	v3 =	vadd.s32 v1, v3;
	_ =	sdelay $0x1  }
0xee: {  	s23 =	simm.s32 $0x14C00  }
0xef: {  	[tilespmem:s23], [sflag:$0x3] =	stream.indirect_vreg.gather [hbm4b:s1+s4], $0x80, v4, vm0, $0xb8;
	[tilespmem:$0x1AC00] =	vst v63  }
0xf0: {  	s24 =	simm.s32 $0x15400  }
0xf1: {  	[tilespmem:s24], [sflag:$0x3] =	stream.indirect_vreg.gather [hbm4b:s1+s4], $0x80, v3, vm0, $0xb8;
	[tilespmem:$0x1AC00] =	vst v63  }
0xf2: {  	v3 =	vld [tilespmem:$0x150];
	_ =	sdelay $0x4  }
0xf3: {  	v62 =	vshll.u32 v3, $0x1  }
0xf4: {  	v3 =	vand.u32 $0x7, v3;
	v4 =	vand.u32 $0xFFFFFFF0, v62  }
0xf5: {  	v3 =	vor.u32 v3, v4  }
0xf6: {  	v4 =	vperm.xlane v3, v0;
	_ =	sdelay $0x1  }
0xf7: {  	v3 =	vperm.xlane v3, v2;
	v4 =	vadd.s32 v1, v4;
	_ =	sdelay $0x1  }
0xf8: {  	v3 =	vadd.s32 v1, v3;
	_ =	sdelay $0x1  }
0xf9: {  	s25 =	simm.s32 $0x15C00  }
0xfa: {  	[tilespmem:s25], [sflag:$0x3] =	stream.indirect_vreg.gather [hbm4b:s1+s4], $0x80, v4, vm0, $0xb8;
	[tilespmem:$0x1AC00] =	vst v63  }
0xfb: {  	s26 =	simm.s32 $0x16400  }
0xfc: {  	[tilespmem:s26], [sflag:$0x3] =	stream.indirect_vreg.gather [hbm4b:s1+s4], $0x80, v3, vm0, $0xb8;
	[tilespmem:$0x1AC00] =	vst v63  }
0xfd: {  	v3 =	vld [tilespmem:$0x160];
	_ =	sdelay $0x4  }
0xfe: {  	v63 =	vshll.u32 v3, $0x1  }
0xff: {  	v3 =	vand.u32 $0x7, v3;
	v4 =	vand.u32 $0xFFFFFFF0, v63  }
0x100: {  	v3 =	vor.u32 v3, v4  }
0x101: {  	v4 =	vperm.xlane v3, v0;
	_ =	sdelay $0x1  }
0x102: {  	v3 =	vperm.xlane v3, v2;
	v4 =	vadd.s32 v1, v4;
	_ =	sdelay $0x1  }
0x103: {  	v3 =	vadd.s32 v1, v3  }
.Ltmp2:
0x104: {  	_ = 	snop;
	(pc) =	sbr.rel .LBB2_2-.Ltmp2, $4  }
0x105: {  	s28 =	simm.s32 $0x16C00  }
0x106: {  	[tilespmem:s28], [sflag:$0x3] =	stream.indirect_vreg.gather [hbm4b:s1+s4], $0x80, v4, vm0, $0xb8;
	[tilespmem:$0x1AC00] =	vst v63  }
0x107: {  	s29 =	simm.s32 $0x17400;
	s15 =	simm.s32 $0x0  }
0x108: {  	[tilespmem:s29], [sflag:$0x3] =	stream.indirect_vreg.gather [hbm4b:s1+s4], $0x80, v3, vm0, $0xb8;
	[tilespmem:$0x1AC00] =	vst v63  }
.LBB2_39:
0x109: {  	p1 =	sne.s32 s16, $0xA03  }
0x10a: {  	s0 =	simm.s32 @!p1 $0x6  }
0x10b: {  	_ =	swait.ge @!p1 [sflag:s0], $0x200  }
0x10c: {  	[sflag:s0] =	ssyncset.done @!p1 $0x0  }
0x10d: {  	[sflag:s0] =	ssyncadd.s32 @!p1 $0xFFFFFE00  }
.LBB2_36:
0x10e: {  	s15 =	sadd.s32 $0x1, s15  }
0x10f: {  	p1 =	sne.s32 s15, $0x1B  }
.Ltmp3:
0x110: {  	_ = 	snop;
	(pc) =	sbr.rel @!p1 .LBB2_37-.Ltmp3, $1  }
0x111: {  	_ =	sdelay $0x3  }
.LBB2_2:
0x112: {  	p1 =	seq.s32 s15, $0x0  }
.Ltmp4:
0x113: {  	_ = 	snop;
	(pc) =	sbr.rel @p1 .LBB2_5-.Ltmp4, $3  }
0x114: {  	_ = 	snop  }
0x115: {  	s16 =	smul.u32 $0x3, s15;
	_ =	sdelay $0x1  }
0x116: {  	s17 =	sadd.s32 s5, s16  }
0x117: {  	p2 =	sgt.u32 s17, $0xA02  }
.Ltmp5:
0x118: {  	_ = 	snop;
	(pc) =	sbr.rel @p2 .LBB2_10-.Ltmp5, $1  }
0x119: {  	_ =	sdelay $0x3  }
0x11a: {  	s0 =	simm.s32 $0x4  }
0x11b: {  	_ =	swait.ge [sflag:s0], $0x1000  }
0x11c: {  	[sflag:s0] =	ssyncset.done $0x0  }
0x11d: {  	[sflag:s0] =	ssyncadd.s32 $0xFFFFF000  }
.LBB2_5:
0x11e: {  	p2 =	sgt.u32 s17, $0xA00  }
.Ltmp6:
0x11f: {  	_ = 	snop;
	(pc) =	sbr.rel @p2 .LBB2_11-.Ltmp6, $1  }
0x120: {  	_ =	sdelay $0x3  }
0x121: {  	_ =	swait.ge [sflag:s31], $0x7000  }
0x122: {  	s18 =	simm.s32 $0x0;
	s19 =	simm.s32 $0x0;
	[sflag:s31] =	ssyncset.done $0x0  }
0x123: {  	s20 =	simm.s32 $0x0;
	s21 =	simm.s32 $0x0;
	[sflag:s31] =	ssyncadd.s32 $0xFFFF9000  }
.LBB2_7:
0x124: {  	s0 =	sand.u32 $0x7800, s18;
	s2 =	sand.u32 $0x380, s21  }
0x125: {  	s22 =	sor.u32 s2, s0  }
0x126: {  	v3 =	vld [tilespmem:s22+$0x2C00]  }
0x127: {  	s28 =	sadd.s32 $0x100, s18;
	s29 =	sadd.s32 $0x80, s21;
	v10 =	vld [tilespmem:s22+$0x2C10]  }
0x128: {  	s0 =	sand.u32 $0xF800, s28;
	s2 =	sand.u32 $0x380, s29;
	v17 =	vld [tilespmem:s22+$0x2C20]  }
0x129: {  	s23 =	sor.u32 s2, s0;
	v23 =	vld [tilespmem:s22+$0x2C30]  }
0x12a: {  	v4 =	vld [tilespmem:s23+$0x2C00]  }
0x12b: {  	s3 =	sadd.s32 $0x200, s18;
	s10 =	sadd.s32 $0x100, s21;
	v11 =	vld [tilespmem:s23+$0x2C10]  }
0x12c: {  	s3 =	sand.u32 $0xF800, s3;
	s2 =	sand.u32 $0x380, s10;
	v18 =	vld [tilespmem:s23+$0x2C20]  }
0x12d: {  	s24 =	sor.u32 s2, s3;
	v24 =	vld [tilespmem:s23+$0x2C30]  }
0x12e: {  	v5 =	vld [tilespmem:s24+$0x2C00]  }
0x12f: {  	s11 =	sadd.s32 $0x300, s18;
	s14 =	sadd.s32 $0x400, s18;
	s10 =	sadd.s32 $0x180, s21;
	v12 =	vld [tilespmem:s24+$0x2C10]  }
0x130: {  	s26 =	sadd.s32 $0x200, s21;
	s12 =	sand.u32 $0xF800, s11;
	s13 =	sand.u32 $0x380, s10;
	v19 =	vld [tilespmem:s24+$0x2C20]  }
0x131: {  	s0 =	sand.u32 $0xF800, s14;
	s2 =	sand.u32 $0x380, s26;
	s25 =	sor.u32 s13, s12;
	v33 =	vld [tilespmem:s24+$0x2C30]  }
0x132: {  	s29 =	sor.u32 s2, s0;
	v6 =	vld [tilespmem:s25+$0x2C00]  }
0x133: {  	v7 =	vld [tilespmem:s29+$0x2C00]  }
0x134: {  	v13 =	vld [tilespmem:s25+$0x2C10]  }
0x135: {  	v14 =	vld [tilespmem:s29+$0x2C10]  }
0x136: {  	v20 =	vld [tilespmem:s25+$0x2C20]  }
0x137: {  	s28 =	sadd.s32 $0x500, s18;
	s10 =	sadd.s32 $0x280, s21;
	v21 =	vld [tilespmem:s29+$0x2C20]  }
0x138: {  	s3 =	sand.u32 $0xF800, s28;
	s2 =	sand.u32 $0x380, s10;
	v36 =	vld [tilespmem:s25+$0x2C30]  }
0x139: {  	s0 =	sor.u32 s2, s3;
	v39 =	vld [tilespmem:s29+$0x2C30]  }
0x13a: {  	v8 =	vld [tilespmem:s0+$0x2C00]  }
0x13b: {  	s11 =	sadd.s32 $0x600, s18;
	s12 =	sadd.s32 $0x300, s21;
	v15 =	vld [tilespmem:s0+$0x2C10]  }
0x13c: {  	s13 =	sand.u32 $0xF800, s11;
	s14 =	sand.u32 $0x380, s12;
	v22 =	vld [tilespmem:s0+$0x2C20]  }
0x13d: {  	s11 =	sor.u32 s14, s13;
	v41 =	vld [tilespmem:s0+$0x2C30];
	v3 =	vadd.f32 v4, v3;
	v35 =	vadd.f32 v11, v10  }
0x13e: {  	v9 =	vld [tilespmem:s11+$0x2C00];
	v46 =	vadd.f32 v18, v17;
	v49 =	vadd.f32 v24, v23  }
0x13f: {  	v16 =	vld [tilespmem:s11+$0x2C10];
	v32 =	vadd.f32 v6, v5;
	v37 =	vadd.f32 v13, v12  }
0x140: {  	v43 =	vld [tilespmem:s11+$0x2C20];
	v47 =	vadd.f32 v20, v19;
	v5 =	vadd.f32 v36, v33  }
0x141: {  	v44 =	vld [tilespmem:s11+$0x2C30];
	v34 =	vadd.f32 v8, v7;
	v38 =	vadd.f32 v15, v14  }
0x142: {  	v48 =	vadd.f32 v22, v21;
	v6 =	vadd.f32 v41, v39  }
0x143: {  	v3 =	vadd.f32 v32, v3;
	v7 =	vadd.f32 v37, v35  }
0x144: {  	v5 =	vadd.f32 v5, v49;
	v40 =	vadd.f32 v9, v34  }
0x145: {  	v42 =	vadd.f32 v16, v38;
	v50 =	vadd.f32 v43, v48  }
0x146: {  	v6 =	vadd.f32 v44, v6;
	v3 =	vadd.f32 v40, v3  }
0x147: {  	v45 =	vadd.f32 v42, v7;
	v7 =	vadd.f32 v47, v46  }
0x148: {  	s26 =	sand.u32 $0x800, s19;
	s28 =	sand.u32 $0x380, s20;
	v5 =	vadd.f32 v6, v5;
	v3 =	vmul.f32 $1.428571490e-01, v3  }
0x149: {  	s2 =	sor.u32 s28, s26;
	v7 =	vadd.f32 v50, v7;
	v4 =	vmul.f32 $1.428571490e-01, v45  }
0x14a: {  	s28 =	sadd.s32 $0x17C00, s2;
	v51 =	vmul.f32 $1.428571490e-01, v5;
	[tilespmem:s2+$0x17C00] =	vst v3  }
0x14b: {  	v3 =	vmul.f32 $1.428571490e-01, v7;
	[tilespmem:s28+$0x10] =	vst v4  }
0x14c: {  	[tilespmem:s28+$0x30] =	vst v51  }
0x14d: {  	[tilespmem:s28+$0x20] =	vst v3  }
0x14e: {  	v3 =	vld [tilespmem:s22+$0x2C40]  }
0x14f: {  	v4 =	vld [tilespmem:s23+$0x2C40]  }
0x150: {  	v52 =	vld [tilespmem:s24+$0x2C40]  }
0x151: {  	v53 =	vld [tilespmem:s25+$0x2C40]  }
0x152: {  	v54 =	vld [tilespmem:s29+$0x2C40]  }
0x153: {  	v55 =	vld [tilespmem:s0+$0x2C40]  }
0x154: {  	v57 =	vld [tilespmem:s22+$0x2C50]  }
0x155: {  	v58 =	vld [tilespmem:s23+$0x2C50]  }
0x156: {  	v59 =	vld [tilespmem:s24+$0x2C50]  }
0x157: {  	v60 =	vld [tilespmem:s25+$0x2C50]  }
0x158: {  	v61 =	vld [tilespmem:s29+$0x2C50]  }
0x159: {  	v62 =	vld [tilespmem:s0+$0x2C50]  }
0x15a: {  	v28 =	vld [tilespmem:s22+$0x2C60]  }
0x15b: {  	v29 =	vld [tilespmem:s23+$0x2C60]  }
0x15c: {  	v30 =	vld [tilespmem:s24+$0x2C60]  }
0x15d: {  	v31 =	vld [tilespmem:s25+$0x2C60]  }
0x15e: {  	v32 =	vld [tilespmem:s29+$0x2C60]  }
0x15f: {  	v33 =	vld [tilespmem:s0+$0x2C60]  }
0x160: {  	v34 =	vld [tilespmem:s22+$0x2C70]  }
0x161: {  	v35 =	vld [tilespmem:s23+$0x2C70]  }
0x162: {  	v37 =	vld [tilespmem:s24+$0x2C70]  }
0x163: {  	v40 =	vld [tilespmem:s25+$0x2C70]  }
0x164: {  	v43 =	vld [tilespmem:s29+$0x2C70]  }
0x165: {  	v45 =	vld [tilespmem:s0+$0x2C70];
	v3 =	vadd.f32 v4, v3;
	v36 =	vadd.f32 v53, v52  }
0x166: {  	v56 =	vld [tilespmem:s11+$0x2C40];
	v38 =	vadd.f32 v55, v54;
	v39 =	vadd.f32 v58, v57  }
0x167: {  	v63 =	vld [tilespmem:s11+$0x2C50];
	v41 =	vadd.f32 v60, v59;
	v42 =	vadd.f32 v62, v61  }
0x168: {  	v47 =	vld [tilespmem:s11+$0x2C60];
	v50 =	vadd.f32 v29, v28;
	v51 =	vadd.f32 v31, v30  }
0x169: {  	v48 =	vld [tilespmem:s11+$0x2C70];
	v52 =	vadd.f32 v33, v32;
	v53 =	vadd.f32 v35, v34  }
0x16a: {  	v5 =	vadd.f32 v40, v37;
	v6 =	vadd.f32 v45, v43  }
0x16b: {  	v3 =	vadd.f32 v36, v3;
	v44 =	vadd.f32 v56, v38  }
0x16c: {  	v7 =	vadd.f32 v41, v39;
	v46 =	vadd.f32 v63, v42  }
0x16d: {  	v54 =	vadd.f32 v47, v52;
	v5 =	vadd.f32 v5, v53  }
0x16e: {  	v6 =	vadd.f32 v48, v6;
	v3 =	vadd.f32 v44, v3  }
0x16f: {  	v49 =	vadd.f32 v46, v7;
	v7 =	vadd.f32 v51, v50  }
0x170: {  	v5 =	vadd.f32 v6, v5;
	v3 =	vmul.f32 $1.428571490e-01, v3  }
0x171: {  	v7 =	vadd.f32 v54, v7;
	v4 =	vmul.f32 $1.428571490e-01, v49  }
0x172: {  	v55 =	vmul.f32 $1.428571490e-01, v5;
	[tilespmem:s28+$0x40] =	vst v3  }
0x173: {  	v3 =	vmul.f32 $1.428571490e-01, v7;
	[tilespmem:s28+$0x50] =	vst v4  }
0x174: {  	[tilespmem:s28+$0x70] =	vst v55  }
0x175: {  	[tilespmem:s28+$0x60] =	vst v3  }
0x176: {  	v3 =	vld [tilespmem:s22+$0x3000]  }
0x177: {  	v4 =	vld [tilespmem:s23+$0x3000]  }
0x178: {  	v56 =	vld [tilespmem:s24+$0x3000]  }
0x179: {  	v57 =	vld [tilespmem:s25+$0x3000]  }
0x17a: {  	v58 =	vld [tilespmem:s29+$0x3000]  }
0x17b: {  	v59 =	vld [tilespmem:s0+$0x3000]  }
0x17c: {  	v61 =	vld [tilespmem:s22+$0x3010]  }
0x17d: {  	v62 =	vld [tilespmem:s23+$0x3010]  }
0x17e: {  	v63 =	vld [tilespmem:s24+$0x3010]  }
0x17f: {  	v28 =	vld [tilespmem:s25+$0x3010]  }
0x180: {  	v29 =	vld [tilespmem:s29+$0x3010]  }
0x181: {  	v30 =	vld [tilespmem:s0+$0x3010]  }
0x182: {  	v32 =	vld [tilespmem:s22+$0x3020]  }
0x183: {  	v33 =	vld [tilespmem:s23+$0x3020]  }
0x184: {  	v34 =	vld [tilespmem:s24+$0x3020]  }
0x185: {  	v35 =	vld [tilespmem:s25+$0x3020]  }
0x186: {  	v36 =	vld [tilespmem:s29+$0x3020]  }
0x187: {  	v37 =	vld [tilespmem:s0+$0x3020]  }
0x188: {  	v38 =	vld [tilespmem:s22+$0x3030]  }
0x189: {  	v39 =	vld [tilespmem:s23+$0x3030]  }
0x18a: {  	v41 =	vld [tilespmem:s24+$0x3030]  }
0x18b: {  	v44 =	vld [tilespmem:s25+$0x3030]  }
0x18c: {  	v47 =	vld [tilespmem:s29+$0x3030]  }
0x18d: {  	v49 =	vld [tilespmem:s0+$0x3030];
	v3 =	vadd.f32 v4, v3;
	v40 =	vadd.f32 v57, v56  }
0x18e: {  	v60 =	vld [tilespmem:s11+$0x3000];
	v42 =	vadd.f32 v59, v58;
	v43 =	vadd.f32 v62, v61  }
0x18f: {  	v31 =	vld [tilespmem:s11+$0x3010];
	v45 =	vadd.f32 v28, v63;
	v46 =	vadd.f32 v30, v29  }
0x190: {  	v51 =	vld [tilespmem:s11+$0x3020];
	v54 =	vadd.f32 v33, v32;
	v55 =	vadd.f32 v35, v34  }
0x191: {  	v52 =	vld [tilespmem:s11+$0x3030];
	v56 =	vadd.f32 v37, v36;
	v57 =	vadd.f32 v39, v38  }
0x192: {  	v5 =	vadd.f32 v44, v41;
	v6 =	vadd.f32 v49, v47  }
0x193: {  	v3 =	vadd.f32 v40, v3;
	v48 =	vadd.f32 v60, v42  }
0x194: {  	v7 =	vadd.f32 v45, v43;
	v50 =	vadd.f32 v31, v46  }
0x195: {  	v58 =	vadd.f32 v51, v56;
	v5 =	vadd.f32 v5, v57  }
0x196: {  	v6 =	vadd.f32 v52, v6;
	v3 =	vadd.f32 v48, v3  }
0x197: {  	v53 =	vadd.f32 v50, v7;
	v7 =	vadd.f32 v55, v54  }
0x198: {  	v5 =	vadd.f32 v6, v5;
	v3 =	vmul.f32 $1.428571490e-01, v3  }
0x199: {  	v7 =	vadd.f32 v58, v7;
	v4 =	vmul.f32 $1.428571490e-01, v53  }
0x19a: {  	v59 =	vmul.f32 $1.428571490e-01, v5;
	[tilespmem:s28+$0x400] =	vst v3  }
0x19b: {  	v3 =	vmul.f32 $1.428571490e-01, v7;
	[tilespmem:s28+$0x410] =	vst v4  }
0x19c: {  	[tilespmem:s28+$0x430] =	vst v59  }
0x19d: {  	[tilespmem:s28+$0x420] =	vst v3  }
0x19e: {  	v3 =	vld [tilespmem:s22+$0x3040]  }
0x19f: {  	v4 =	vld [tilespmem:s23+$0x3040]  }
0x1a0: {  	v60 =	vld [tilespmem:s24+$0x3040]  }
0x1a1: {  	v61 =	vld [tilespmem:s25+$0x3040]  }
0x1a2: {  	v62 =	vld [tilespmem:s29+$0x3040]  }
0x1a3: {  	v63 =	vld [tilespmem:s0+$0x3040]  }
0x1a4: {  	v29 =	vld [tilespmem:s22+$0x3050]  }
0x1a5: {  	v30 =	vld [tilespmem:s23+$0x3050]  }
0x1a6: {  	v31 =	vld [tilespmem:s24+$0x3050]  }
0x1a7: {  	v32 =	vld [tilespmem:s25+$0x3050]  }
0x1a8: {  	v33 =	vld [tilespmem:s29+$0x3050]  }
0x1a9: {  	v34 =	vld [tilespmem:s0+$0x3050]  }
0x1aa: {  	v36 =	vld [tilespmem:s22+$0x3060]  }
0x1ab: {  	v37 =	vld [tilespmem:s23+$0x3060]  }
0x1ac: {  	v38 =	vld [tilespmem:s24+$0x3060]  }
0x1ad: {  	v39 =	vld [tilespmem:s25+$0x3060]  }
0x1ae: {  	v40 =	vld [tilespmem:s29+$0x3060]  }
0x1af: {  	v41 =	vld [tilespmem:s0+$0x3060]  }
0x1b0: {  	v42 =	vld [tilespmem:s22+$0x3070]  }
0x1b1: {  	v43 =	vld [tilespmem:s23+$0x3070]  }
0x1b2: {  	v45 =	vld [tilespmem:s24+$0x3070]  }
0x1b3: {  	v48 =	vld [tilespmem:s25+$0x3070]  }
0x1b4: {  	v51 =	vld [tilespmem:s29+$0x3070]  }
0x1b5: {  	v53 =	vld [tilespmem:s0+$0x3070];
	v3 =	vadd.f32 v4, v3;
	v44 =	vadd.f32 v61, v60  }
0x1b6: {  	v28 =	vld [tilespmem:s11+$0x3040];
	v46 =	vadd.f32 v63, v62;
	v47 =	vadd.f32 v30, v29  }
0x1b7: {  	v35 =	vld [tilespmem:s11+$0x3050];
	v49 =	vadd.f32 v32, v31;
	v50 =	vadd.f32 v34, v33  }
0x1b8: {  	v55 =	vld [tilespmem:s11+$0x3060];
	v58 =	vadd.f32 v37, v36;
	v59 =	vadd.f32 v39, v38  }
0x1b9: {  	v56 =	vld [tilespmem:s11+$0x3070];
	v60 =	vadd.f32 v41, v40;
	v61 =	vadd.f32 v43, v42  }
0x1ba: {  	v5 =	vadd.f32 v48, v45;
	v6 =	vadd.f32 v53, v51  }
0x1bb: {  	v3 =	vadd.f32 v44, v3;
	v52 =	vadd.f32 v28, v46  }
0x1bc: {  	v7 =	vadd.f32 v49, v47;
	v54 =	vadd.f32 v35, v50  }
0x1bd: {  	v62 =	vadd.f32 v55, v60;
	v5 =	vadd.f32 v5, v61  }
0x1be: {  	v6 =	vadd.f32 v56, v6;
	v3 =	vadd.f32 v52, v3  }
0x1bf: {  	v57 =	vadd.f32 v54, v7;
	v7 =	vadd.f32 v59, v58  }
0x1c0: {  	p2 =	sne.s32 s21, $0x3480;
	v5 =	vadd.f32 v6, v5;
	v3 =	vmul.f32 $1.428571490e-01, v3  }
.Ltmp7:
0x1c1: {  	v7 =	vadd.f32 v62, v7;
	v4 =	vmul.f32 $1.428571490e-01, v57;
	(pc) =	sbr.rel @p2 .LBB2_7-.Ltmp7, $4  }
0x1c2: {  	v63 =	vmul.f32 $1.428571490e-01, v5;
	[tilespmem:s28+$0x440] =	vst v3  }
0x1c3: {  	v3 =	vmul.f32 $1.428571490e-01, v7;
	[tilespmem:s28+$0x450] =	vst v4  }
0x1c4: {  	s18 =	sadd.s32 $0x700, s18;
	[tilespmem:s28+$0x470] =	vst v63  }
0x1c5: {  	s20 =	sadd.s32 $0x80, s20;
	s19 =	sadd.s32 $0x100, s19;
	s21 =	sadd.s32 $0x380, s21;
	[tilespmem:s28+$0x460] =	vst v3  }
0x1c6: {  	p2 =	sne.s32 s17, $0xA00  }
.Ltmp8:
0x1c7: {  	_ = 	snop;
	(pc) =	sbr.rel @p2 .LBB2_12-.Ltmp8, $1  }
0x1c8: {  	_ =	sdelay $0x3  }
.Ltmp9:
0x1c9: {  	(pc) =	sbr.rel .LBB2_15-.Ltmp9, $4  }
0x1ca: {  	s0 =	simm.s32 $0x17C00  }
0x1cb: {  	[hbm4b:s7+s4] =	stream.linear.scatter [tilespmem:s0], [sflag:$0x4], $0x100, $0x38;
	[tilespmem:$0x1AC00] =	vst v63  }
0x1cc: {  	s29 =	sadd.s32 $0x80, s7;
	s2 =	simm.s32 $0x18000;
	p2 =	sne.s32 s15, $0x1A  }
0x1cd: {  	[hbm4b:s29+s4] =	stream.linear.scatter [tilespmem:s2], [sflag:$0x4], $0x100, $0x38;
	[tilespmem:$0x1AC00] =	vst v63  }
.LBB2_10:
0x1ce: {  	p2 =	sne.s32 s17, $0xA03  }
0x1cf: {  	s0 =	simm.s32 @!p2 $0x4  }
0x1d0: {  	_ =	swait.ge @!p2 [sflag:s0], $0x200  }
0x1d1: {  	[sflag:s0] =	ssyncset.done @!p2 $0x0  }
0x1d2: {  	[sflag:s0] =	ssyncadd.s32 @!p2 $0xFFFFFE00  }
.LBB2_11:
0x1d3: {  	p2 =	sne.s32 s15, $0x1A  }
.LBB2_15:
.Ltmp10:
0x1d4: {  	(pc) =	sbr.rel @p1 .LBB2_18-.Ltmp10, $2  }
0x1d5: {  	_ =	sdelay $0x2  }
0x1d6: {  	s17 =	sadd.s32 s16, s8  }
0x1d7: {  	p3 =	sgt.u32 s17, $0xA02  }
.Ltmp11:
0x1d8: {  	_ = 	snop;
	(pc) =	sbr.rel @p3 .LBB2_26-.Ltmp11, $1  }
0x1d9: {  	_ =	sdelay $0x3  }
0x1da: {  	s0 =	simm.s32 $0x5  }
0x1db: {  	_ =	swait.ge [sflag:s0], $0x1000  }
0x1dc: {  	[sflag:s0] =	ssyncset.done $0x0  }
0x1dd: {  	[sflag:s0] =	ssyncadd.s32 $0xFFFFF000  }
.LBB2_18:
0x1de: {  	p3 =	sgt.u32 s17, $0xA00  }
.Ltmp12:
0x1df: {  	_ = 	snop;
	(pc) =	sbr.rel @p3 .LBB2_25-.Ltmp12, $1  }
0x1e0: {  	_ =	sdelay $0x3  }
0x1e1: {  	_ =	swait.ge [sflag:s6], $0x7000  }
0x1e2: {  	s18 =	simm.s32 $0x0;
	s19 =	simm.s32 $0x0;
	[sflag:s6] =	ssyncset.done $0x0  }
0x1e3: {  	s20 =	simm.s32 $0x0;
	s21 =	simm.s32 $0x0;
	[sflag:s6] =	ssyncadd.s32 $0xFFFF9000  }
.LBB2_20:
0x1e4: {  	s0 =	sand.u32 $0x7800, s18;
	s2 =	sand.u32 $0x380, s21  }
0x1e5: {  	s22 =	sor.u32 s2, s0  }
0x1e6: {  	v3 =	vld [tilespmem:s22+$0x9C00]  }
0x1e7: {  	s28 =	sadd.s32 $0x100, s18;
	s29 =	sadd.s32 $0x80, s21;
	v10 =	vld [tilespmem:s22+$0x9C10]  }
0x1e8: {  	s0 =	sand.u32 $0xF800, s28;
	s2 =	sand.u32 $0x380, s29;
	v17 =	vld [tilespmem:s22+$0x9C20]  }
0x1e9: {  	s23 =	sor.u32 s2, s0;
	v23 =	vld [tilespmem:s22+$0x9C30]  }
0x1ea: {  	v4 =	vld [tilespmem:s23+$0x9C00]  }
0x1eb: {  	s3 =	sadd.s32 $0x200, s18;
	s10 =	sadd.s32 $0x100, s21;
	v11 =	vld [tilespmem:s23+$0x9C10]  }
0x1ec: {  	s3 =	sand.u32 $0xF800, s3;
	s2 =	sand.u32 $0x380, s10;
	v18 =	vld [tilespmem:s23+$0x9C20]  }
0x1ed: {  	s24 =	sor.u32 s2, s3;
	v24 =	vld [tilespmem:s23+$0x9C30]  }
0x1ee: {  	v5 =	vld [tilespmem:s24+$0x9C00]  }
0x1ef: {  	s11 =	sadd.s32 $0x300, s18;
	s14 =	sadd.s32 $0x400, s18;
	s10 =	sadd.s32 $0x180, s21;
	v12 =	vld [tilespmem:s24+$0x9C10]  }
0x1f0: {  	s26 =	sadd.s32 $0x200, s21;
	s12 =	sand.u32 $0xF800, s11;
	s13 =	sand.u32 $0x380, s10;
	v19 =	vld [tilespmem:s24+$0x9C20]  }
0x1f1: {  	s0 =	sand.u32 $0xF800, s14;
	s2 =	sand.u32 $0x380, s26;
	s25 =	sor.u32 s13, s12;
	v33 =	vld [tilespmem:s24+$0x9C30]  }
0x1f2: {  	s29 =	sor.u32 s2, s0;
	v6 =	vld [tilespmem:s25+$0x9C00]  }
0x1f3: {  	v7 =	vld [tilespmem:s29+$0x9C00]  }
0x1f4: {  	v13 =	vld [tilespmem:s25+$0x9C10]  }
0x1f5: {  	v14 =	vld [tilespmem:s29+$0x9C10]  }
0x1f6: {  	v20 =	vld [tilespmem:s25+$0x9C20]  }
0x1f7: {  	s28 =	sadd.s32 $0x500, s18;
	s10 =	sadd.s32 $0x280, s21;
	v21 =	vld [tilespmem:s29+$0x9C20]  }
0x1f8: {  	s3 =	sand.u32 $0xF800, s28;
	s2 =	sand.u32 $0x380, s10;
	v36 =	vld [tilespmem:s25+$0x9C30]  }
0x1f9: {  	s0 =	sor.u32 s2, s3;
	v39 =	vld [tilespmem:s29+$0x9C30]  }
0x1fa: {  	v8 =	vld [tilespmem:s0+$0x9C00]  }
0x1fb: {  	s11 =	sadd.s32 $0x600, s18;
	s12 =	sadd.s32 $0x300, s21;
	v15 =	vld [tilespmem:s0+$0x9C10]  }
0x1fc: {  	s13 =	sand.u32 $0xF800, s11;
	s14 =	sand.u32 $0x380, s12;
	v22 =	vld [tilespmem:s0+$0x9C20]  }
0x1fd: {  	s11 =	sor.u32 s14, s13;
	v41 =	vld [tilespmem:s0+$0x9C30];
	v3 =	vadd.f32 v4, v3;
	v35 =	vadd.f32 v11, v10  }
0x1fe: {  	v9 =	vld [tilespmem:s11+$0x9C00];
	v46 =	vadd.f32 v18, v17;
	v49 =	vadd.f32 v24, v23  }
0x1ff: {  	v16 =	vld [tilespmem:s11+$0x9C10];
	v32 =	vadd.f32 v6, v5;
	v37 =	vadd.f32 v13, v12  }
0x200: {  	v43 =	vld [tilespmem:s11+$0x9C20];
	v47 =	vadd.f32 v20, v19;
	v5 =	vadd.f32 v36, v33  }
0x201: {  	v44 =	vld [tilespmem:s11+$0x9C30];
	v34 =	vadd.f32 v8, v7;
	v38 =	vadd.f32 v15, v14  }
0x202: {  	v48 =	vadd.f32 v22, v21;
	v6 =	vadd.f32 v41, v39  }
0x203: {  	v3 =	vadd.f32 v32, v3;
	v7 =	vadd.f32 v37, v35  }
0x204: {  	v5 =	vadd.f32 v5, v49;
	v40 =	vadd.f32 v9, v34  }
0x205: {  	v42 =	vadd.f32 v16, v38;
	v50 =	vadd.f32 v43, v48  }
0x206: {  	v6 =	vadd.f32 v44, v6;
	v3 =	vadd.f32 v40, v3  }
0x207: {  	s28 =	sand.u32 $0x800, s19;
	s26 =	sand.u32 $0x380, s20;
	v45 =	vadd.f32 v42, v7;
	v7 =	vadd.f32 v47, v46  }
0x208: {  	s2 =	sor.u32 s26, s28;
	v5 =	vadd.f32 v6, v5;
	v3 =	vmul.f32 $1.428571490e-01, v3  }
0x209: {  	s2 =	sadd.s32 $0x17C00, s2;
	v7 =	vadd.f32 v50, v7;
	v4 =	vmul.f32 $1.428571490e-01, v45  }
0x20a: {  	v51 =	vmul.f32 $1.428571490e-01, v5;
	[tilespmem:s2+$0x1000] =	vst v3  }
0x20b: {  	v3 =	vmul.f32 $1.428571490e-01, v7;
	[tilespmem:s2+$0x1010] =	vst v4  }
0x20c: {  	[tilespmem:s2+$0x1030] =	vst v51  }
0x20d: {  	[tilespmem:s2+$0x1020] =	vst v3  }
0x20e: {  	v3 =	vld [tilespmem:s22+$0x9C40]  }
0x20f: {  	v4 =	vld [tilespmem:s23+$0x9C40]  }
0x210: {  	v52 =	vld [tilespmem:s24+$0x9C40]  }
0x211: {  	v53 =	vld [tilespmem:s25+$0x9C40]  }
0x212: {  	v54 =	vld [tilespmem:s29+$0x9C40]  }
0x213: {  	v55 =	vld [tilespmem:s0+$0x9C40]  }
0x214: {  	v57 =	vld [tilespmem:s22+$0x9C50]  }
0x215: {  	v58 =	vld [tilespmem:s23+$0x9C50]  }
0x216: {  	v59 =	vld [tilespmem:s24+$0x9C50]  }
0x217: {  	v60 =	vld [tilespmem:s25+$0x9C50]  }
0x218: {  	v61 =	vld [tilespmem:s29+$0x9C50]  }
0x219: {  	v62 =	vld [tilespmem:s0+$0x9C50]  }
0x21a: {  	v28 =	vld [tilespmem:s22+$0x9C60]  }
0x21b: {  	v29 =	vld [tilespmem:s23+$0x9C60]  }
0x21c: {  	v30 =	vld [tilespmem:s24+$0x9C60]  }
0x21d: {  	v31 =	vld [tilespmem:s25+$0x9C60]  }
0x21e: {  	v32 =	vld [tilespmem:s29+$0x9C60]  }
0x21f: {  	v33 =	vld [tilespmem:s0+$0x9C60]  }
0x220: {  	v34 =	vld [tilespmem:s22+$0x9C70]  }
0x221: {  	v35 =	vld [tilespmem:s23+$0x9C70]  }
0x222: {  	v37 =	vld [tilespmem:s24+$0x9C70]  }
0x223: {  	v40 =	vld [tilespmem:s25+$0x9C70]  }
0x224: {  	v43 =	vld [tilespmem:s29+$0x9C70]  }
0x225: {  	v45 =	vld [tilespmem:s0+$0x9C70];
	v3 =	vadd.f32 v4, v3;
	v36 =	vadd.f32 v53, v52  }
0x226: {  	v56 =	vld [tilespmem:s11+$0x9C40];
	v38 =	vadd.f32 v55, v54;
	v39 =	vadd.f32 v58, v57  }
0x227: {  	v63 =	vld [tilespmem:s11+$0x9C50];
	v41 =	vadd.f32 v60, v59;
	v42 =	vadd.f32 v62, v61  }
0x228: {  	v47 =	vld [tilespmem:s11+$0x9C60];
	v50 =	vadd.f32 v29, v28;
	v51 =	vadd.f32 v31, v30  }
0x229: {  	v48 =	vld [tilespmem:s11+$0x9C70];
	v52 =	vadd.f32 v33, v32;
	v53 =	vadd.f32 v35, v34  }
0x22a: {  	v5 =	vadd.f32 v40, v37;
	v6 =	vadd.f32 v45, v43  }
0x22b: {  	v3 =	vadd.f32 v36, v3;
	v44 =	vadd.f32 v56, v38  }
0x22c: {  	v7 =	vadd.f32 v41, v39;
	v46 =	vadd.f32 v63, v42  }
0x22d: {  	v54 =	vadd.f32 v47, v52;
	v5 =	vadd.f32 v5, v53  }
0x22e: {  	v6 =	vadd.f32 v48, v6;
	v3 =	vadd.f32 v44, v3  }
0x22f: {  	v49 =	vadd.f32 v46, v7;
	v7 =	vadd.f32 v51, v50  }
0x230: {  	v5 =	vadd.f32 v6, v5;
	v3 =	vmul.f32 $1.428571490e-01, v3  }
0x231: {  	v7 =	vadd.f32 v54, v7;
	v4 =	vmul.f32 $1.428571490e-01, v49  }
0x232: {  	v55 =	vmul.f32 $1.428571490e-01, v5;
	[tilespmem:s2+$0x1040] =	vst v3  }
0x233: {  	v3 =	vmul.f32 $1.428571490e-01, v7;
	[tilespmem:s2+$0x1050] =	vst v4  }
0x234: {  	[tilespmem:s2+$0x1070] =	vst v55  }
0x235: {  	[tilespmem:s2+$0x1060] =	vst v3  }
0x236: {  	v3 =	vld [tilespmem:s22+$0xA000]  }
0x237: {  	v4 =	vld [tilespmem:s23+$0xA000]  }
0x238: {  	v56 =	vld [tilespmem:s24+$0xA000]  }
0x239: {  	v57 =	vld [tilespmem:s25+$0xA000]  }
0x23a: {  	v58 =	vld [tilespmem:s29+$0xA000]  }
0x23b: {  	v59 =	vld [tilespmem:s0+$0xA000]  }
0x23c: {  	v61 =	vld [tilespmem:s22+$0xA010]  }
0x23d: {  	v62 =	vld [tilespmem:s23+$0xA010]  }
0x23e: {  	v63 =	vld [tilespmem:s24+$0xA010]  }
0x23f: {  	v28 =	vld [tilespmem:s25+$0xA010]  }
0x240: {  	v29 =	vld [tilespmem:s29+$0xA010]  }
0x241: {  	v30 =	vld [tilespmem:s0+$0xA010]  }
0x242: {  	v32 =	vld [tilespmem:s22+$0xA020]  }
0x243: {  	v33 =	vld [tilespmem:s23+$0xA020]  }
0x244: {  	v34 =	vld [tilespmem:s24+$0xA020]  }
0x245: {  	v35 =	vld [tilespmem:s25+$0xA020]  }
0x246: {  	v36 =	vld [tilespmem:s29+$0xA020]  }
0x247: {  	v37 =	vld [tilespmem:s0+$0xA020]  }
0x248: {  	v38 =	vld [tilespmem:s22+$0xA030]  }
0x249: {  	v39 =	vld [tilespmem:s23+$0xA030]  }
0x24a: {  	v41 =	vld [tilespmem:s24+$0xA030]  }
0x24b: {  	v44 =	vld [tilespmem:s25+$0xA030]  }
0x24c: {  	v47 =	vld [tilespmem:s29+$0xA030]  }
0x24d: {  	v49 =	vld [tilespmem:s0+$0xA030];
	v3 =	vadd.f32 v4, v3;
	v40 =	vadd.f32 v57, v56  }
0x24e: {  	v60 =	vld [tilespmem:s11+$0xA000];
	v42 =	vadd.f32 v59, v58;
	v43 =	vadd.f32 v62, v61  }
0x24f: {  	v31 =	vld [tilespmem:s11+$0xA010];
	v45 =	vadd.f32 v28, v63;
	v46 =	vadd.f32 v30, v29  }
0x250: {  	v51 =	vld [tilespmem:s11+$0xA020];
	v54 =	vadd.f32 v33, v32;
	v55 =	vadd.f32 v35, v34  }
0x251: {  	v52 =	vld [tilespmem:s11+$0xA030];
	v56 =	vadd.f32 v37, v36;
	v57 =	vadd.f32 v39, v38  }
0x252: {  	v5 =	vadd.f32 v44, v41;
	v6 =	vadd.f32 v49, v47  }
0x253: {  	v3 =	vadd.f32 v40, v3;
	v48 =	vadd.f32 v60, v42  }
0x254: {  	v7 =	vadd.f32 v45, v43;
	v50 =	vadd.f32 v31, v46  }
0x255: {  	v58 =	vadd.f32 v51, v56;
	v5 =	vadd.f32 v5, v57  }
0x256: {  	v6 =	vadd.f32 v52, v6;
	v3 =	vadd.f32 v48, v3  }
0x257: {  	v53 =	vadd.f32 v50, v7;
	v7 =	vadd.f32 v55, v54  }
0x258: {  	s28 =	sor.u32 s28, s20;
	v5 =	vadd.f32 v6, v5;
	v3 =	vmul.f32 $1.428571490e-01, v3  }
0x259: {  	s2 =	sor.u32 $0x1400, s28;
	v7 =	vadd.f32 v58, v7;
	v4 =	vmul.f32 $1.428571490e-01, v53  }
0x25a: {  	v59 =	vmul.f32 $1.428571490e-01, v5;
	[tilespmem:s2+$0x17C00] =	vst v3  }
0x25b: {  	v3 =	vmul.f32 $1.428571490e-01, v7;
	[tilespmem:s2+$0x17C10] =	vst v4  }
0x25c: {  	[tilespmem:s2+$0x17C30] =	vst v59  }
0x25d: {  	[tilespmem:s2+$0x17C20] =	vst v3  }
0x25e: {  	v3 =	vld [tilespmem:s22+$0xA040]  }
0x25f: {  	v4 =	vld [tilespmem:s23+$0xA040]  }
0x260: {  	v60 =	vld [tilespmem:s24+$0xA040]  }
0x261: {  	v61 =	vld [tilespmem:s25+$0xA040]  }
0x262: {  	v62 =	vld [tilespmem:s29+$0xA040]  }
0x263: {  	v63 =	vld [tilespmem:s0+$0xA040]  }
0x264: {  	v29 =	vld [tilespmem:s22+$0xA050]  }
0x265: {  	v30 =	vld [tilespmem:s23+$0xA050]  }
0x266: {  	v31 =	vld [tilespmem:s24+$0xA050]  }
0x267: {  	v32 =	vld [tilespmem:s25+$0xA050]  }
0x268: {  	v33 =	vld [tilespmem:s29+$0xA050]  }
0x269: {  	v34 =	vld [tilespmem:s0+$0xA050]  }
0x26a: {  	v36 =	vld [tilespmem:s22+$0xA060]  }
0x26b: {  	v37 =	vld [tilespmem:s23+$0xA060]  }
0x26c: {  	v38 =	vld [tilespmem:s24+$0xA060]  }
0x26d: {  	v39 =	vld [tilespmem:s25+$0xA060]  }
0x26e: {  	v40 =	vld [tilespmem:s29+$0xA060]  }
0x26f: {  	v41 =	vld [tilespmem:s0+$0xA060]  }
0x270: {  	v42 =	vld [tilespmem:s22+$0xA070]  }
0x271: {  	v43 =	vld [tilespmem:s23+$0xA070]  }
0x272: {  	v45 =	vld [tilespmem:s24+$0xA070]  }
0x273: {  	v48 =	vld [tilespmem:s25+$0xA070]  }
0x274: {  	v51 =	vld [tilespmem:s29+$0xA070]  }
0x275: {  	v53 =	vld [tilespmem:s0+$0xA070];
	v3 =	vadd.f32 v4, v3;
	v44 =	vadd.f32 v61, v60  }
0x276: {  	v28 =	vld [tilespmem:s11+$0xA040];
	v46 =	vadd.f32 v63, v62;
	v47 =	vadd.f32 v30, v29  }
0x277: {  	v35 =	vld [tilespmem:s11+$0xA050];
	v49 =	vadd.f32 v32, v31;
	v50 =	vadd.f32 v34, v33  }
0x278: {  	v55 =	vld [tilespmem:s11+$0xA060];
	v58 =	vadd.f32 v37, v36;
	v59 =	vadd.f32 v39, v38  }
0x279: {  	v56 =	vld [tilespmem:s11+$0xA070];
	v60 =	vadd.f32 v41, v40;
	v61 =	vadd.f32 v43, v42  }
0x27a: {  	v5 =	vadd.f32 v48, v45;
	v6 =	vadd.f32 v53, v51  }
0x27b: {  	v3 =	vadd.f32 v44, v3;
	v52 =	vadd.f32 v28, v46  }
0x27c: {  	v7 =	vadd.f32 v49, v47;
	v54 =	vadd.f32 v35, v50  }
0x27d: {  	v62 =	vadd.f32 v55, v60;
	v5 =	vadd.f32 v5, v61  }
0x27e: {  	v6 =	vadd.f32 v56, v6;
	v3 =	vadd.f32 v52, v3  }
0x27f: {  	v57 =	vadd.f32 v54, v7;
	v7 =	vadd.f32 v59, v58  }
0x280: {  	p3 =	sne.s32 s21, $0x3480;
	v5 =	vadd.f32 v6, v5;
	v3 =	vmul.f32 $1.428571490e-01, v3  }
.Ltmp13:
0x281: {  	v7 =	vadd.f32 v62, v7;
	v4 =	vmul.f32 $1.428571490e-01, v57;
	(pc) =	sbr.rel @p3 .LBB2_20-.Ltmp13, $4  }
0x282: {  	v63 =	vmul.f32 $1.428571490e-01, v5;
	[tilespmem:s2+$0x17C40] =	vst v3  }
0x283: {  	v3 =	vmul.f32 $1.428571490e-01, v7;
	[tilespmem:s2+$0x17C50] =	vst v4  }
0x284: {  	s18 =	sadd.s32 $0x700, s18;
	[tilespmem:s2+$0x17C70] =	vst v63  }
0x285: {  	s19 =	sadd.s32 $0x100, s19;
	s21 =	sadd.s32 $0x380, s21;
	s20 =	sadd.s32 $0x80, s20;
	[tilespmem:s2+$0x17C60] =	vst v3  }
0x286: {  	p3 =	sne.s32 s17, $0xA00  }
.Ltmp14:
0x287: {  	_ = 	snop;
	(pc) =	sbr.rel @p3 .LBB2_23-.Ltmp14, $1  }
0x288: {  	_ =	sdelay $0x3  }
.Ltmp15:
0x289: {  	(pc) =	sbr.rel .LBB2_25-.Ltmp15, $4  }
0x28a: {  	s0 =	simm.s32 $0x18C00  }
0x28b: {  	[hbm4b:s7+s4] =	stream.linear.scatter [tilespmem:s0], [sflag:$0x5], $0x100, $0x38;
	[tilespmem:$0x1AC00] =	vst v63  }
0x28c: {  	s29 =	sadd.s32 $0x80, s7;
	s2 =	simm.s32 $0x19000  }
0x28d: {  	[hbm4b:s29+s4] =	stream.linear.scatter [tilespmem:s2], [sflag:$0x5], $0x100, $0x38;
	[tilespmem:$0x1AC00] =	vst v63  }
.LBB2_26:
.Ltmp16:
0x28e: {  	p1 =	sne.s32 s17, $0xA03;
	(pc) =	sbr.rel .LBB2_27-.Ltmp16, $4  }
0x28f: {  	s0 =	simm.s32 @!p1 $0x5  }
0x290: {  	_ =	swait.ge @!p1 [sflag:s0], $0x200  }
0x291: {  	[sflag:s0] =	ssyncset.done @!p1 $0x0  }
0x292: {  	s16 =	sadd.s32 s16, s9;
	[sflag:s0] =	ssyncadd.s32 @!p1 $0xFFFFFE00  }
.LBB2_12:
0x293: {  	p3 =	seq.s32 s15, $0x1A  }
0x294: {  	p2 =	sgt.u32 @!p3 s17, $0x9FD  }
0x295: {  	p2 =	por p3, p2  }
.Ltmp17:
0x296: {  	_ = 	snop;
	(pc) =	sbr.rel @p2 .LBB2_13-.Ltmp17, $4  }
0x297: {  	_ = 	snop  }
0x298: {  	s0 =	sshll.u32 s17, $0x9;
	s2 =	rddreg [dreg:$0x2]  }
0x299: {  	s29 =	simm.s32 $0x17C00;
	s0 =	sadd.s32 s2, s0  }
0x29a: {  	[hbm4b:s0+s4] =	stream.linear.scatter [tilespmem:s29], [sflag:$0x4], $0x1000, $0x38;
	[tilespmem:$0x1AC00] =	vst v63  }
0x29b: {  	s0 =	smul.u32 $0x600, s15;
	_ =	sdelay $0x1  }
0x29c: {  	s0 =	sshra.s32 s0, $0x2  }
0x29d: {  	v3 =	vld [tilespmem:s0+$0x180];
	_ =	sdelay $0x4  }
0x29e: {  	v4 =	vshll.u32 v3, $0x1  }
0x29f: {  	v3 =	vand.u32 $0x7, v3;
	v4 =	vand.u32 $0xFFFFFFF0, v4  }
0x2a0: {  	v3 =	vor.u32 v3, v4  }
0x2a1: {  	v4 =	vperm.xlane v3, v0;
	_ =	sdelay $0x1  }
0x2a2: {  	v3 =	vperm.xlane v3, v2;
	v4 =	vadd.s32 v1, v4;
	_ =	sdelay $0x1  }
0x2a3: {  	v3 =	vadd.s32 v1, v3;
	_ =	sdelay $0x1  }
0x2a4: {  	s2 =	simm.s32 $0x2C00  }
0x2a5: {  	[tilespmem:s2], [sflag:$0x1] =	stream.indirect_vreg.gather [hbm4b:s1+s4], $0x80, v4, vm0, $0xb8;
	[tilespmem:$0x1AC00] =	vst v63  }
0x2a6: {  	s14 =	simm.s32 $0x3400  }
0x2a7: {  	[tilespmem:s14], [sflag:$0x1] =	stream.indirect_vreg.gather [hbm4b:s1+s4], $0x80, v3, vm0, $0xb8;
	[tilespmem:$0x1AC00] =	vst v63  }
0x2a8: {  	v3 =	vld [tilespmem:s0+$0x190];
	_ =	sdelay $0x4  }
0x2a9: {  	v58 =	vshll.u32 v3, $0x1  }
0x2aa: {  	v3 =	vand.u32 $0x7, v3;
	v4 =	vand.u32 $0xFFFFFFF0, v58  }
0x2ab: {  	v3 =	vor.u32 v3, v4  }
0x2ac: {  	v4 =	vperm.xlane v3, v0;
	_ =	sdelay $0x1  }
0x2ad: {  	v3 =	vperm.xlane v3, v2;
	v4 =	vadd.s32 v1, v4;
	_ =	sdelay $0x1  }
0x2ae: {  	v3 =	vadd.s32 v1, v3;
	_ =	sdelay $0x1  }
0x2af: {  	s17 =	simm.s32 $0x3C00  }
0x2b0: {  	[tilespmem:s17], [sflag:$0x1] =	stream.indirect_vreg.gather [hbm4b:s1+s4], $0x80, v4, vm0, $0xb8;
	[tilespmem:$0x1AC00] =	vst v63  }
0x2b1: {  	s18 =	simm.s32 $0x4400  }
0x2b2: {  	[tilespmem:s18], [sflag:$0x1] =	stream.indirect_vreg.gather [hbm4b:s1+s4], $0x80, v3, vm0, $0xb8;
	[tilespmem:$0x1AC00] =	vst v63  }
0x2b3: {  	v3 =	vld [tilespmem:s0+$0x1A0];
	_ =	sdelay $0x4  }
0x2b4: {  	v59 =	vshll.u32 v3, $0x1  }
0x2b5: {  	v3 =	vand.u32 $0x7, v3;
	v4 =	vand.u32 $0xFFFFFFF0, v59  }
0x2b6: {  	v3 =	vor.u32 v3, v4  }
0x2b7: {  	v4 =	vperm.xlane v3, v0;
	_ =	sdelay $0x1  }
0x2b8: {  	v3 =	vperm.xlane v3, v2;
	v4 =	vadd.s32 v1, v4;
	_ =	sdelay $0x1  }
0x2b9: {  	v3 =	vadd.s32 v1, v3;
	_ =	sdelay $0x1  }
0x2ba: {  	s19 =	simm.s32 $0x4C00  }
0x2bb: {  	[tilespmem:s19], [sflag:$0x1] =	stream.indirect_vreg.gather [hbm4b:s1+s4], $0x80, v4, vm0, $0xb8;
	[tilespmem:$0x1AC00] =	vst v63  }
0x2bc: {  	s20 =	simm.s32 $0x5400  }
0x2bd: {  	[tilespmem:s20], [sflag:$0x1] =	stream.indirect_vreg.gather [hbm4b:s1+s4], $0x80, v3, vm0, $0xb8;
	[tilespmem:$0x1AC00] =	vst v63  }
0x2be: {  	v3 =	vld [tilespmem:s0+$0x1B0];
	_ =	sdelay $0x4  }
0x2bf: {  	v60 =	vshll.u32 v3, $0x1  }
0x2c0: {  	v3 =	vand.u32 $0x7, v3;
	v4 =	vand.u32 $0xFFFFFFF0, v60  }
0x2c1: {  	v3 =	vor.u32 v3, v4  }
0x2c2: {  	v4 =	vperm.xlane v3, v0;
	_ =	sdelay $0x1  }
0x2c3: {  	v3 =	vperm.xlane v3, v2;
	v4 =	vadd.s32 v1, v4;
	_ =	sdelay $0x1  }
0x2c4: {  	v3 =	vadd.s32 v1, v3;
	_ =	sdelay $0x1  }
0x2c5: {  	s21 =	simm.s32 $0x5C00  }
0x2c6: {  	[tilespmem:s21], [sflag:$0x1] =	stream.indirect_vreg.gather [hbm4b:s1+s4], $0x80, v4, vm0, $0xb8;
	[tilespmem:$0x1AC00] =	vst v63  }
0x2c7: {  	s22 =	simm.s32 $0x6400  }
0x2c8: {  	[tilespmem:s22], [sflag:$0x1] =	stream.indirect_vreg.gather [hbm4b:s1+s4], $0x80, v3, vm0, $0xb8;
	[tilespmem:$0x1AC00] =	vst v63  }
0x2c9: {  	v3 =	vld [tilespmem:s0+$0x1C0];
	_ =	sdelay $0x4  }
0x2ca: {  	v61 =	vshll.u32 v3, $0x1  }
0x2cb: {  	v3 =	vand.u32 $0x7, v3;
	v4 =	vand.u32 $0xFFFFFFF0, v61  }
0x2cc: {  	v3 =	vor.u32 v3, v4  }
0x2cd: {  	v4 =	vperm.xlane v3, v0;
	_ =	sdelay $0x1  }
0x2ce: {  	v3 =	vperm.xlane v3, v2;
	v4 =	vadd.s32 v1, v4;
	_ =	sdelay $0x1  }
0x2cf: {  	v3 =	vadd.s32 v1, v3;
	_ =	sdelay $0x1  }
0x2d0: {  	s23 =	simm.s32 $0x6C00  }
0x2d1: {  	[tilespmem:s23], [sflag:$0x1] =	stream.indirect_vreg.gather [hbm4b:s1+s4], $0x80, v4, vm0, $0xb8;
	[tilespmem:$0x1AC00] =	vst v63  }
0x2d2: {  	s24 =	simm.s32 $0x7400  }
0x2d3: {  	[tilespmem:s24], [sflag:$0x1] =	stream.indirect_vreg.gather [hbm4b:s1+s4], $0x80, v3, vm0, $0xb8;
	[tilespmem:$0x1AC00] =	vst v63  }
0x2d4: {  	v3 =	vld [tilespmem:s0+$0x1D0];
	_ =	sdelay $0x4  }
0x2d5: {  	v62 =	vshll.u32 v3, $0x1  }
0x2d6: {  	v3 =	vand.u32 $0x7, v3;
	v4 =	vand.u32 $0xFFFFFFF0, v62  }
0x2d7: {  	v3 =	vor.u32 v3, v4  }
0x2d8: {  	v4 =	vperm.xlane v3, v0;
	_ =	sdelay $0x1  }
0x2d9: {  	v3 =	vperm.xlane v3, v2;
	v4 =	vadd.s32 v1, v4;
	_ =	sdelay $0x1  }
0x2da: {  	v3 =	vadd.s32 v1, v3;
	_ =	sdelay $0x1  }
0x2db: {  	s25 =	simm.s32 $0x7C00  }
0x2dc: {  	[tilespmem:s25], [sflag:$0x1] =	stream.indirect_vreg.gather [hbm4b:s1+s4], $0x80, v4, vm0, $0xb8;
	[tilespmem:$0x1AC00] =	vst v63  }
0x2dd: {  	s26 =	simm.s32 $0x8400  }
0x2de: {  	[tilespmem:s26], [sflag:$0x1] =	stream.indirect_vreg.gather [hbm4b:s1+s4], $0x80, v3, vm0, $0xb8;
	[tilespmem:$0x1AC00] =	vst v63  }
0x2df: {  	v3 =	vld [tilespmem:s0+$0x1E0];
	_ =	sdelay $0x4  }
0x2e0: {  	v63 =	vshll.u32 v3, $0x1  }
0x2e1: {  	v3 =	vand.u32 $0x7, v3;
	v4 =	vand.u32 $0xFFFFFFF0, v63  }
0x2e2: {  	v3 =	vor.u32 v3, v4  }
0x2e3: {  	v4 =	vperm.xlane v3, v0;
	_ =	sdelay $0x1  }
0x2e4: {  	v3 =	vperm.xlane v3, v2;
	v4 =	vadd.s32 v1, v4;
	_ =	sdelay $0x1  }
0x2e5: {  	v3 =	vadd.s32 v1, v3  }
.Ltmp18:
0x2e6: {  	_ = 	snop;
	(pc) =	sbr.rel .LBB2_15-.Ltmp18, $4  }
0x2e7: {  	s28 =	simm.s32 $0x8C00  }
0x2e8: {  	[tilespmem:s28], [sflag:$0x1] =	stream.indirect_vreg.gather [hbm4b:s1+s4], $0x80, v4, vm0, $0xb8;
	[tilespmem:$0x1AC00] =	vst v63  }
0x2e9: {  	s29 =	simm.s32 $0x9400;
	p2 =	por $0x1, $0x1  }
0x2ea: {  	[tilespmem:s29], [sflag:$0x1] =	stream.indirect_vreg.gather [hbm4b:s1+s4], $0x80, v3, vm0, $0xb8;
	[tilespmem:$0x1AC00] =	vst v63  }
.LBB2_23:
0x2eb: {  	p3 =	sgt.u32 s17, $0x9FD;
	p4 =	por !p2, !p2  }
0x2ec: {  	p3 =	por p3, p4  }
.Ltmp19:
0x2ed: {  	_ = 	snop;
	(pc) =	sbr.rel @p3 .LBB2_25-.Ltmp19, $4  }
0x2ee: {  	_ = 	snop  }
0x2ef: {  	s0 =	sshll.u32 s17, $0x9;
	s2 =	rddreg [dreg:$0x2]  }
0x2f0: {  	s29 =	simm.s32 $0x18C00;
	s0 =	sadd.s32 s2, s0  }
0x2f1: {  	[hbm4b:s0+s4] =	stream.linear.scatter [tilespmem:s29], [sflag:$0x5], $0x1000, $0x38;
	[tilespmem:$0x1AC00] =	vst v63  }
0x2f2: {  	s0 =	smul.u32 $0x600, s15;
	_ =	sdelay $0x1  }
0x2f3: {  	s0 =	sshra.s32 s0, $0x2  }
0x2f4: {  	v3 =	vld [tilespmem:s0+$0x200];
	_ =	sdelay $0x4  }
0x2f5: {  	v4 =	vshll.u32 v3, $0x1  }
0x2f6: {  	v3 =	vand.u32 $0x7, v3;
	v4 =	vand.u32 $0xFFFFFFF0, v4  }
0x2f7: {  	v3 =	vor.u32 v3, v4  }
0x2f8: {  	v4 =	vperm.xlane v3, v0;
	_ =	sdelay $0x1  }
0x2f9: {  	v3 =	vperm.xlane v3, v2;
	v4 =	vadd.s32 v1, v4;
	_ =	sdelay $0x1  }
0x2fa: {  	v3 =	vadd.s32 v1, v3;
	_ =	sdelay $0x1  }
0x2fb: {  	s2 =	simm.s32 $0x9C00  }
0x2fc: {  	[tilespmem:s2], [sflag:$0x2] =	stream.indirect_vreg.gather [hbm4b:s1+s4], $0x80, v4, vm0, $0xb8;
	[tilespmem:$0x1AC00] =	vst v63  }
0x2fd: {  	s14 =	simm.s32 $0xA400  }
0x2fe: {  	[tilespmem:s14], [sflag:$0x2] =	stream.indirect_vreg.gather [hbm4b:s1+s4], $0x80, v3, vm0, $0xb8;
	[tilespmem:$0x1AC00] =	vst v63  }
0x2ff: {  	v3 =	vld [tilespmem:s0+$0x210];
	_ =	sdelay $0x4  }
0x300: {  	v58 =	vshll.u32 v3, $0x1  }
0x301: {  	v3 =	vand.u32 $0x7, v3;
	v4 =	vand.u32 $0xFFFFFFF0, v58  }
0x302: {  	v3 =	vor.u32 v3, v4  }
0x303: {  	v4 =	vperm.xlane v3, v0;
	_ =	sdelay $0x1  }
0x304: {  	v3 =	vperm.xlane v3, v2;
	v4 =	vadd.s32 v1, v4;
	_ =	sdelay $0x1  }
0x305: {  	v3 =	vadd.s32 v1, v3;
	_ =	sdelay $0x1  }
0x306: {  	s17 =	simm.s32 $0xAC00  }
0x307: {  	[tilespmem:s17], [sflag:$0x2] =	stream.indirect_vreg.gather [hbm4b:s1+s4], $0x80, v4, vm0, $0xb8;
	[tilespmem:$0x1AC00] =	vst v63  }
0x308: {  	s18 =	simm.s32 $0xB400  }
0x309: {  	[tilespmem:s18], [sflag:$0x2] =	stream.indirect_vreg.gather [hbm4b:s1+s4], $0x80, v3, vm0, $0xb8;
	[tilespmem:$0x1AC00] =	vst v63  }
0x30a: {  	v3 =	vld [tilespmem:s0+$0x220];
	_ =	sdelay $0x4  }
0x30b: {  	v59 =	vshll.u32 v3, $0x1  }
0x30c: {  	v3 =	vand.u32 $0x7, v3;
	v4 =	vand.u32 $0xFFFFFFF0, v59  }
0x30d: {  	v3 =	vor.u32 v3, v4  }
0x30e: {  	v4 =	vperm.xlane v3, v0;
	_ =	sdelay $0x1  }
0x30f: {  	v3 =	vperm.xlane v3, v2;
	v4 =	vadd.s32 v1, v4;
	_ =	sdelay $0x1  }
0x310: {  	v3 =	vadd.s32 v1, v3;
	_ =	sdelay $0x1  }
0x311: {  	s19 =	simm.s32 $0xBC00  }
0x312: {  	[tilespmem:s19], [sflag:$0x2] =	stream.indirect_vreg.gather [hbm4b:s1+s4], $0x80, v4, vm0, $0xb8;
	[tilespmem:$0x1AC00] =	vst v63  }
0x313: {  	s20 =	simm.s32 $0xC400  }
0x314: {  	[tilespmem:s20], [sflag:$0x2] =	stream.indirect_vreg.gather [hbm4b:s1+s4], $0x80, v3, vm0, $0xb8;
	[tilespmem:$0x1AC00] =	vst v63  }
0x315: {  	v3 =	vld [tilespmem:s0+$0x230];
	_ =	sdelay $0x4  }
0x316: {  	v60 =	vshll.u32 v3, $0x1  }
0x317: {  	v3 =	vand.u32 $0x7, v3;
	v4 =	vand.u32 $0xFFFFFFF0, v60  }
0x318: {  	v3 =	vor.u32 v3, v4  }
0x319: {  	v4 =	vperm.xlane v3, v0;
	_ =	sdelay $0x1  }
0x31a: {  	v3 =	vperm.xlane v3, v2;
	v4 =	vadd.s32 v1, v4;
	_ =	sdelay $0x1  }
0x31b: {  	v3 =	vadd.s32 v1, v3;
	_ =	sdelay $0x1  }
0x31c: {  	s21 =	simm.s32 $0xCC00  }
0x31d: {  	[tilespmem:s21], [sflag:$0x2] =	stream.indirect_vreg.gather [hbm4b:s1+s4], $0x80, v4, vm0, $0xb8;
	[tilespmem:$0x1AC00] =	vst v63  }
0x31e: {  	s22 =	simm.s32 $0xD400  }
0x31f: {  	[tilespmem:s22], [sflag:$0x2] =	stream.indirect_vreg.gather [hbm4b:s1+s4], $0x80, v3, vm0, $0xb8;
	[tilespmem:$0x1AC00] =	vst v63  }
0x320: {  	v3 =	vld [tilespmem:s0+$0x240];
	_ =	sdelay $0x4  }
0x321: {  	v61 =	vshll.u32 v3, $0x1  }
0x322: {  	v3 =	vand.u32 $0x7, v3;
	v4 =	vand.u32 $0xFFFFFFF0, v61  }
0x323: {  	v3 =	vor.u32 v3, v4  }
0x324: {  	v4 =	vperm.xlane v3, v0;
	_ =	sdelay $0x1  }
0x325: {  	v3 =	vperm.xlane v3, v2;
	v4 =	vadd.s32 v1, v4;
	_ =	sdelay $0x1  }
0x326: {  	v3 =	vadd.s32 v1, v3;
	_ =	sdelay $0x1  }
0x327: {  	s23 =	simm.s32 $0xDC00  }
0x328: {  	[tilespmem:s23], [sflag:$0x2] =	stream.indirect_vreg.gather [hbm4b:s1+s4], $0x80, v4, vm0, $0xb8;
	[tilespmem:$0x1AC00] =	vst v63  }
0x329: {  	s24 =	simm.s32 $0xE400  }
0x32a: {  	[tilespmem:s24], [sflag:$0x2] =	stream.indirect_vreg.gather [hbm4b:s1+s4], $0x80, v3, vm0, $0xb8;
	[tilespmem:$0x1AC00] =	vst v63  }
0x32b: {  	v3 =	vld [tilespmem:s0+$0x250];
	_ =	sdelay $0x4  }
0x32c: {  	v62 =	vshll.u32 v3, $0x1  }
0x32d: {  	v3 =	vand.u32 $0x7, v3;
	v4 =	vand.u32 $0xFFFFFFF0, v62  }
0x32e: {  	v3 =	vor.u32 v3, v4  }
0x32f: {  	v4 =	vperm.xlane v3, v0;
	_ =	sdelay $0x1  }
0x330: {  	v3 =	vperm.xlane v3, v2;
	v4 =	vadd.s32 v1, v4;
	_ =	sdelay $0x1  }
0x331: {  	v3 =	vadd.s32 v1, v3;
	_ =	sdelay $0x1  }
0x332: {  	s25 =	simm.s32 $0xEC00  }
0x333: {  	[tilespmem:s25], [sflag:$0x2] =	stream.indirect_vreg.gather [hbm4b:s1+s4], $0x80, v4, vm0, $0xb8;
	[tilespmem:$0x1AC00] =	vst v63  }
0x334: {  	s26 =	simm.s32 $0xF400  }
0x335: {  	[tilespmem:s26], [sflag:$0x2] =	stream.indirect_vreg.gather [hbm4b:s1+s4], $0x80, v3, vm0, $0xb8;
	[tilespmem:$0x1AC00] =	vst v63  }
0x336: {  	v3 =	vld [tilespmem:s0+$0x260];
	_ =	sdelay $0x4  }
0x337: {  	v63 =	vshll.u32 v3, $0x1  }
0x338: {  	v3 =	vand.u32 $0x7, v3;
	v4 =	vand.u32 $0xFFFFFFF0, v63  }
0x339: {  	v3 =	vor.u32 v3, v4  }
0x33a: {  	v4 =	vperm.xlane v3, v0;
	_ =	sdelay $0x1  }
0x33b: {  	v3 =	vperm.xlane v3, v2;
	v4 =	vadd.s32 v1, v4;
	_ =	sdelay $0x1  }
0x33c: {  	v3 =	vadd.s32 v1, v3;
	_ =	sdelay $0x1  }
0x33d: {  	s28 =	simm.s32 $0xFC00  }
0x33e: {  	[tilespmem:s28], [sflag:$0x2] =	stream.indirect_vreg.gather [hbm4b:s1+s4], $0x80, v4, vm0, $0xb8;
	[tilespmem:$0x1AC00] =	vst v63  }
0x33f: {  	s29 =	simm.s32 $0x10400  }
0x340: {  	[tilespmem:s29], [sflag:$0x2] =	stream.indirect_vreg.gather [hbm4b:s1+s4], $0x80, v3, vm0, $0xb8;
	[tilespmem:$0x1AC00] =	vst v63  }
.LBB2_25:
.Ltmp20:
0x341: {  	(pc) =	sbr.rel @p1 .LBB2_29-.Ltmp20, $2  }
0x342: {  	_ =	sdelay $0x2  }
0x343: {  	s16 =	sadd.s32 s16, s9  }
.LBB2_27:
0x344: {  	p1 =	sgt.u32 s16, $0xA02  }
.Ltmp21:
0x345: {  	_ = 	snop;
	(pc) =	sbr.rel @p1 .LBB2_39-.Ltmp21, $1  }
0x346: {  	_ =	sdelay $0x3  }
0x347: {  	_ =	swait.ge [sflag:s30], $0x1000  }
0x348: {  	[sflag:s30] =	ssyncset.done $0x0  }
0x349: {  	[sflag:s30] =	ssyncadd.s32 $0xFFFFF000  }
.LBB2_29:
0x34a: {  	p1 =	sgt.u32 s16, $0xA00  }
.Ltmp22:
0x34b: {  	_ = 	snop;
	(pc) =	sbr.rel @p1 .LBB2_36-.Ltmp22, $1  }
0x34c: {  	_ =	sdelay $0x3  }
0x34d: {  	s0 =	simm.s32 $0x3  }
0x34e: {  	_ =	swait.ge [sflag:s0], $0x7000  }
0x34f: {  	s17 =	simm.s32 $0x0;
	s18 =	simm.s32 $0x0;
	[sflag:s0] =	ssyncset.done $0x0  }
0x350: {  	s19 =	simm.s32 $0x0;
	s20 =	simm.s32 $0x0;
	[sflag:s0] =	ssyncadd.s32 $0xFFFF9000  }
.LBB2_31:
0x351: {  	s0 =	sand.u32 $0x7800, s17;
	s2 =	sand.u32 $0x380, s20  }
0x352: {  	s23 =	sadd.s32 $0x100, s17;
	s3 =	sadd.s32 $0x80, s20;
	s10 =	sadd.s32 $0x200, s17  }
0x353: {  	s25 =	sadd.s32 $0x100, s20;
	s26 =	sadd.s32 $0x300, s17;
	s12 =	sadd.s32 $0x180, s20  }
0x354: {  	s0 =	sor.u32 s2, s0;
	s2 =	sand.u32 $0xF800, s23;
	s3 =	sand.u32 $0x380, s3  }
0x355: {  	s28 =	sand.u32 $0xF800, s26;
	s29 =	sand.u32 $0x380, s12;
	s11 =	sor.u32 s3, s2;
	v3 =	vld [tilespmem:s0+$0x10C00]  }
0x356: {  	s24 =	sand.u32 $0xF800, s10;
	s3 =	sand.u32 $0x380, s25;
	s22 =	sor.u32 s29, s28;
	v4 =	vld [tilespmem:s11+$0x10C00]  }
0x357: {  	s26 =	sadd.s32 $0x300, s20;
	s21 =	sor.u32 s3, s24;
	v6 =	vld [tilespmem:s22+$0x10C00]  }
0x358: {  	s29 =	sand.u32 $0x380, s26;
	s26 =	sadd.s32 $0x10C00, s11;
	v5 =	vld [tilespmem:s21+$0x10C00]  }
0x359: {  	s10 =	sadd.s32 $0x400, s17;
	s12 =	sadd.s32 $0x200, s20;
	v11 =	vld [tilespmem:s26+$0x10]  }
0x35a: {  	s2 =	sand.u32 $0xF800, s10;
	s25 =	sadd.s32 $0x600, s17;
	s3 =	sand.u32 $0x380, s12;
	v18 =	vld [tilespmem:s26+$0x20]  }
0x35b: {  	s28 =	sand.u32 $0xF800, s25;
	s23 =	sor.u32 s3, s2;
	v24 =	vld [tilespmem:s26+$0x30]  }
0x35c: {  	s25 =	sor.u32 s29, s28;
	v7 =	vld [tilespmem:s23+$0x10C00]  }
0x35d: {  	s12 =	sadd.s32 $0x10C00, s21;
	v9 =	vld [tilespmem:s25+$0x10C00]  }
0x35e: {  	s13 =	sadd.s32 $0x500, s17;
	s24 =	sadd.s32 $0x280, s20;
	v12 =	vld [tilespmem:s12+$0x10]  }
0x35f: {  	s14 =	sand.u32 $0xF800, s13;
	s3 =	sand.u32 $0x380, s24;
	v19 =	vld [tilespmem:s12+$0x20]  }
0x360: {  	s24 =	sor.u32 s3, s14;
	v33 =	vld [tilespmem:s12+$0x30]  }
0x361: {  	s3 =	sadd.s32 $0x10C00, s0;
	v8 =	vld [tilespmem:s24+$0x10C00]  }
0x362: {  	s14 =	sadd.s32 $0x10C00, s22;
	v10 =	vld [tilespmem:s3+$0x10]  }
0x363: {  	s10 =	sadd.s32 $0x10C00, s23;
	v13 =	vld [tilespmem:s14+$0x10]  }
0x364: {  	v14 =	vld [tilespmem:s10+$0x10]  }
0x365: {  	v17 =	vld [tilespmem:s3+$0x20]  }
0x366: {  	v20 =	vld [tilespmem:s14+$0x20]  }
0x367: {  	v21 =	vld [tilespmem:s10+$0x20]  }
0x368: {  	v23 =	vld [tilespmem:s3+$0x30]  }
0x369: {  	v36 =	vld [tilespmem:s14+$0x30]  }
0x36a: {  	s2 =	sadd.s32 $0x10C00, s24;
	v39 =	vld [tilespmem:s10+$0x30]  }
0x36b: {  	v15 =	vld [tilespmem:s2+$0x10]  }
0x36c: {  	v22 =	vld [tilespmem:s2+$0x20];
	v3 =	vadd.f32 v4, v3;
	v32 =	vadd.f32 v6, v5  }
0x36d: {  	s29 =	sadd.s32 $0x10C00, s25;
	v41 =	vld [tilespmem:s2+$0x30];
	v34 =	vadd.f32 v8, v7;
	v35 =	vadd.f32 v11, v10  }
0x36e: {  	v16 =	vld [tilespmem:s29+$0x10];
	v37 =	vadd.f32 v13, v12;
	v3 =	vadd.f32 v32, v3  }
0x36f: {  	v43 =	vld [tilespmem:s29+$0x20];
	v46 =	vadd.f32 v18, v17;
	v47 =	vadd.f32 v20, v19  }
0x370: {  	v44 =	vld [tilespmem:s29+$0x30];
	v49 =	vadd.f32 v24, v23;
	v5 =	vadd.f32 v36, v33  }
0x371: {  	v38 =	vadd.f32 v15, v14;
	v48 =	vadd.f32 v22, v21  }
0x372: {  	v6 =	vadd.f32 v41, v39;
	v40 =	vadd.f32 v9, v34  }
0x373: {  	v7 =	vadd.f32 v37, v35;
	v5 =	vadd.f32 v5, v49  }
0x374: {  	v42 =	vadd.f32 v16, v38;
	v50 =	vadd.f32 v43, v48  }
0x375: {  	v6 =	vadd.f32 v44, v6;
	v3 =	vadd.f32 v40, v3  }
0x376: {  	s13 =	sand.u32 $0x380, s19;
	s28 =	sand.u32 $0x800, s18;
	v45 =	vadd.f32 v42, v7;
	v7 =	vadd.f32 v47, v46  }
0x377: {  	s13 =	sor.u32 s13, s28;
	v5 =	vadd.f32 v6, v5;
	v3 =	vmul.f32 $1.428571490e-01, v3  }
0x378: {  	s13 =	sadd.s32 $0x17C00, s13;
	v7 =	vadd.f32 v50, v7;
	v4 =	vmul.f32 $1.428571490e-01, v45  }
0x379: {  	v51 =	vmul.f32 $1.428571490e-01, v5;
	[tilespmem:s13+$0x2000] =	vst v3  }
0x37a: {  	v3 =	vmul.f32 $1.428571490e-01, v7;
	[tilespmem:s13+$0x2010] =	vst v4  }
0x37b: {  	[tilespmem:s13+$0x2030] =	vst v51  }
0x37c: {  	[tilespmem:s13+$0x2020] =	vst v3  }
0x37d: {  	v3 =	vld [tilespmem:s3+$0x40]  }
0x37e: {  	v4 =	vld [tilespmem:s26+$0x40]  }
0x37f: {  	v52 =	vld [tilespmem:s12+$0x40]  }
0x380: {  	v53 =	vld [tilespmem:s14+$0x40]  }
0x381: {  	v54 =	vld [tilespmem:s10+$0x40]  }
0x382: {  	v55 =	vld [tilespmem:s2+$0x40]  }
0x383: {  	v57 =	vld [tilespmem:s3+$0x50]  }
0x384: {  	v58 =	vld [tilespmem:s26+$0x50]  }
0x385: {  	v59 =	vld [tilespmem:s12+$0x50]  }
0x386: {  	v60 =	vld [tilespmem:s14+$0x50]  }
0x387: {  	v61 =	vld [tilespmem:s10+$0x50]  }
0x388: {  	v62 =	vld [tilespmem:s2+$0x50]  }
0x389: {  	v28 =	vld [tilespmem:s3+$0x60]  }
0x38a: {  	v29 =	vld [tilespmem:s26+$0x60]  }
0x38b: {  	v30 =	vld [tilespmem:s12+$0x60]  }
0x38c: {  	v31 =	vld [tilespmem:s14+$0x60]  }
0x38d: {  	v32 =	vld [tilespmem:s10+$0x60]  }
0x38e: {  	v33 =	vld [tilespmem:s2+$0x60]  }
0x38f: {  	v34 =	vld [tilespmem:s3+$0x70]  }
0x390: {  	v35 =	vld [tilespmem:s26+$0x70]  }
0x391: {  	v37 =	vld [tilespmem:s12+$0x70]  }
0x392: {  	v40 =	vld [tilespmem:s14+$0x70]  }
0x393: {  	v43 =	vld [tilespmem:s10+$0x70]  }
0x394: {  	v45 =	vld [tilespmem:s2+$0x70];
	v3 =	vadd.f32 v4, v3;
	v36 =	vadd.f32 v53, v52  }
0x395: {  	v56 =	vld [tilespmem:s29+$0x40];
	v38 =	vadd.f32 v55, v54;
	v39 =	vadd.f32 v58, v57  }
0x396: {  	v63 =	vld [tilespmem:s29+$0x50];
	v41 =	vadd.f32 v60, v59;
	v42 =	vadd.f32 v62, v61  }
0x397: {  	v47 =	vld [tilespmem:s29+$0x60];
	v50 =	vadd.f32 v29, v28;
	v51 =	vadd.f32 v31, v30  }
0x398: {  	v48 =	vld [tilespmem:s29+$0x70];
	v52 =	vadd.f32 v33, v32;
	v53 =	vadd.f32 v35, v34  }
0x399: {  	v5 =	vadd.f32 v40, v37;
	v6 =	vadd.f32 v45, v43  }
0x39a: {  	v3 =	vadd.f32 v36, v3;
	v44 =	vadd.f32 v56, v38  }
0x39b: {  	v7 =	vadd.f32 v41, v39;
	v46 =	vadd.f32 v63, v42  }
0x39c: {  	v54 =	vadd.f32 v47, v52;
	v5 =	vadd.f32 v5, v53  }
0x39d: {  	v6 =	vadd.f32 v48, v6;
	v3 =	vadd.f32 v44, v3  }
0x39e: {  	v49 =	vadd.f32 v46, v7;
	v7 =	vadd.f32 v51, v50  }
0x39f: {  	v5 =	vadd.f32 v6, v5;
	v3 =	vmul.f32 $1.428571490e-01, v3  }
0x3a0: {  	v7 =	vadd.f32 v54, v7;
	v4 =	vmul.f32 $1.428571490e-01, v49  }
0x3a1: {  	v55 =	vmul.f32 $1.428571490e-01, v5;
	[tilespmem:s13+$0x2040] =	vst v3  }
0x3a2: {  	v3 =	vmul.f32 $1.428571490e-01, v7;
	[tilespmem:s13+$0x2050] =	vst v4  }
0x3a3: {  	[tilespmem:s13+$0x2070] =	vst v55  }
0x3a4: {  	[tilespmem:s13+$0x2060] =	vst v3  }
0x3a5: {  	v3 =	vld [tilespmem:s0+$0x11000]  }
0x3a6: {  	v4 =	vld [tilespmem:s11+$0x11000]  }
0x3a7: {  	v56 =	vld [tilespmem:s21+$0x11000]  }
0x3a8: {  	v57 =	vld [tilespmem:s22+$0x11000]  }
0x3a9: {  	v58 =	vld [tilespmem:s23+$0x11000]  }
0x3aa: {  	s10 =	sadd.s32 $0x11000, s0;
	v59 =	vld [tilespmem:s24+$0x11000]  }
0x3ab: {  	v61 =	vld [tilespmem:s10+$0x10]  }
0x3ac: {  	v32 =	vld [tilespmem:s10+$0x20]  }
0x3ad: {  	s11 =	sadd.s32 $0x11000, s11;
	v38 =	vld [tilespmem:s10+$0x30]  }
0x3ae: {  	s21 =	sadd.s32 $0x11000, s21;
	v62 =	vld [tilespmem:s11+$0x10]  }
0x3af: {  	s22 =	sadd.s32 $0x11000, s22;
	v63 =	vld [tilespmem:s21+$0x10]  }
0x3b0: {  	s23 =	sadd.s32 $0x11000, s23;
	v28 =	vld [tilespmem:s22+$0x10]  }
0x3b1: {  	s24 =	sadd.s32 $0x11000, s24;
	v29 =	vld [tilespmem:s23+$0x10]  }
0x3b2: {  	v30 =	vld [tilespmem:s24+$0x10]  }
0x3b3: {  	v33 =	vld [tilespmem:s11+$0x20]  }
0x3b4: {  	v34 =	vld [tilespmem:s21+$0x20]  }
0x3b5: {  	v35 =	vld [tilespmem:s22+$0x20]  }
0x3b6: {  	v36 =	vld [tilespmem:s23+$0x20]  }
0x3b7: {  	v37 =	vld [tilespmem:s24+$0x20]  }
0x3b8: {  	v39 =	vld [tilespmem:s11+$0x30]  }
0x3b9: {  	v41 =	vld [tilespmem:s21+$0x30]  }
0x3ba: {  	v44 =	vld [tilespmem:s22+$0x30]  }
0x3bb: {  	v47 =	vld [tilespmem:s23+$0x30]  }
0x3bc: {  	v49 =	vld [tilespmem:s24+$0x30];
	v3 =	vadd.f32 v4, v3;
	v40 =	vadd.f32 v57, v56  }
0x3bd: {  	s26 =	sadd.s32 $0x11000, s25;
	v60 =	vld [tilespmem:s25+$0x11000];
	v42 =	vadd.f32 v59, v58;
	v43 =	vadd.f32 v62, v61  }
0x3be: {  	v31 =	vld [tilespmem:s26+$0x10];
	v45 =	vadd.f32 v28, v63;
	v46 =	vadd.f32 v30, v29  }
0x3bf: {  	v51 =	vld [tilespmem:s26+$0x20];
	v54 =	vadd.f32 v33, v32;
	v55 =	vadd.f32 v35, v34  }
0x3c0: {  	v52 =	vld [tilespmem:s26+$0x30];
	v56 =	vadd.f32 v37, v36;
	v57 =	vadd.f32 v39, v38  }
0x3c1: {  	v5 =	vadd.f32 v44, v41;
	v6 =	vadd.f32 v49, v47  }
0x3c2: {  	v3 =	vadd.f32 v40, v3;
	v48 =	vadd.f32 v60, v42  }
0x3c3: {  	v7 =	vadd.f32 v45, v43;
	v50 =	vadd.f32 v31, v46  }
0x3c4: {  	v58 =	vadd.f32 v51, v56;
	v5 =	vadd.f32 v5, v57  }
0x3c5: {  	v6 =	vadd.f32 v52, v6;
	v3 =	vadd.f32 v48, v3  }
0x3c6: {  	v53 =	vadd.f32 v50, v7;
	v7 =	vadd.f32 v55, v54  }
0x3c7: {  	s28 =	sor.u32 s28, s19;
	v5 =	vadd.f32 v6, v5;
	v3 =	vmul.f32 $1.428571490e-01, v3  }
0x3c8: {  	s29 =	sor.u32 $0x2400, s28;
	v7 =	vadd.f32 v58, v7;
	v4 =	vmul.f32 $1.428571490e-01, v53  }
0x3c9: {  	v59 =	vmul.f32 $1.428571490e-01, v5;
	[tilespmem:s29+$0x17C00] =	vst v3  }
0x3ca: {  	v3 =	vmul.f32 $1.428571490e-01, v7;
	[tilespmem:s29+$0x17C10] =	vst v4  }
0x3cb: {  	[tilespmem:s29+$0x17C30] =	vst v59  }
0x3cc: {  	[tilespmem:s29+$0x17C20] =	vst v3  }
0x3cd: {  	v3 =	vld [tilespmem:s10+$0x40]  }
0x3ce: {  	v4 =	vld [tilespmem:s11+$0x40]  }
0x3cf: {  	v60 =	vld [tilespmem:s21+$0x40]  }
0x3d0: {  	v61 =	vld [tilespmem:s22+$0x40]  }
0x3d1: {  	v62 =	vld [tilespmem:s23+$0x40]  }
0x3d2: {  	v63 =	vld [tilespmem:s24+$0x40]  }
0x3d3: {  	v29 =	vld [tilespmem:s10+$0x50]  }
0x3d4: {  	v30 =	vld [tilespmem:s11+$0x50]  }
0x3d5: {  	v31 =	vld [tilespmem:s21+$0x50]  }
0x3d6: {  	v32 =	vld [tilespmem:s22+$0x50]  }
0x3d7: {  	v33 =	vld [tilespmem:s23+$0x50]  }
0x3d8: {  	v34 =	vld [tilespmem:s24+$0x50]  }
0x3d9: {  	v36 =	vld [tilespmem:s10+$0x60]  }
0x3da: {  	v37 =	vld [tilespmem:s11+$0x60]  }
0x3db: {  	v38 =	vld [tilespmem:s21+$0x60]  }
0x3dc: {  	v39 =	vld [tilespmem:s22+$0x60]  }
0x3dd: {  	v40 =	vld [tilespmem:s23+$0x60]  }
0x3de: {  	v41 =	vld [tilespmem:s24+$0x60]  }
0x3df: {  	v42 =	vld [tilespmem:s10+$0x70]  }
0x3e0: {  	v43 =	vld [tilespmem:s11+$0x70]  }
0x3e1: {  	v45 =	vld [tilespmem:s21+$0x70]  }
0x3e2: {  	v48 =	vld [tilespmem:s22+$0x70]  }
0x3e3: {  	v51 =	vld [tilespmem:s23+$0x70]  }
0x3e4: {  	v53 =	vld [tilespmem:s24+$0x70];
	v3 =	vadd.f32 v4, v3;
	v44 =	vadd.f32 v61, v60  }
0x3e5: {  	v28 =	vld [tilespmem:s26+$0x40];
	v46 =	vadd.f32 v63, v62;
	v47 =	vadd.f32 v30, v29  }
0x3e6: {  	v35 =	vld [tilespmem:s26+$0x50];
	v49 =	vadd.f32 v32, v31;
	v50 =	vadd.f32 v34, v33  }
0x3e7: {  	v55 =	vld [tilespmem:s26+$0x60];
	v58 =	vadd.f32 v37, v36;
	v59 =	vadd.f32 v39, v38  }
0x3e8: {  	v56 =	vld [tilespmem:s26+$0x70];
	v60 =	vadd.f32 v41, v40;
	v61 =	vadd.f32 v43, v42  }
0x3e9: {  	v5 =	vadd.f32 v48, v45;
	v6 =	vadd.f32 v53, v51  }
0x3ea: {  	v3 =	vadd.f32 v44, v3;
	v52 =	vadd.f32 v28, v46  }
0x3eb: {  	v7 =	vadd.f32 v49, v47;
	v54 =	vadd.f32 v35, v50  }
0x3ec: {  	v62 =	vadd.f32 v55, v60;
	v5 =	vadd.f32 v5, v61  }
0x3ed: {  	v6 =	vadd.f32 v56, v6;
	v3 =	vadd.f32 v52, v3  }
0x3ee: {  	v57 =	vadd.f32 v54, v7;
	v7 =	vadd.f32 v59, v58  }
0x3ef: {  	p1 =	sne.s32 s20, $0x3480;
	v5 =	vadd.f32 v6, v5;
	v3 =	vmul.f32 $1.428571490e-01, v3  }
.Ltmp23:
0x3f0: {  	v7 =	vadd.f32 v62, v7;
	v4 =	vmul.f32 $1.428571490e-01, v57;
	(pc) =	sbr.rel @p1 .LBB2_31-.Ltmp23, $4  }
0x3f1: {  	v63 =	vmul.f32 $1.428571490e-01, v5;
	[tilespmem:s29+$0x17C40] =	vst v3  }
0x3f2: {  	v3 =	vmul.f32 $1.428571490e-01, v7;
	[tilespmem:s29+$0x17C50] =	vst v4  }
0x3f3: {  	s17 =	sadd.s32 $0x700, s17;
	[tilespmem:s29+$0x17C70] =	vst v63  }
0x3f4: {  	s20 =	sadd.s32 $0x380, s20;
	s18 =	sadd.s32 $0x100, s18;
	s19 =	sadd.s32 $0x80, s19;
	[tilespmem:s29+$0x17C60] =	vst v3  }
0x3f5: {  	p1 =	sne.s32 s16, $0xA00  }
.Ltmp24:
0x3f6: {  	_ = 	snop;
	(pc) =	sbr.rel @p1 .LBB2_34-.Ltmp24, $1  }
0x3f7: {  	_ =	sdelay $0x3  }
.Ltmp25:
0x3f8: {  	(pc) =	sbr.rel .LBB2_36-.Ltmp25, $4  }
0x3f9: {  	s0 =	simm.s32 $0x19C00  }
0x3fa: {  	[hbm4b:s7+s4] =	stream.linear.scatter [tilespmem:s0], [sflag:$0x6], $0x100, $0x38;
	[tilespmem:$0x1AC00] =	vst v63  }
0x3fb: {  	s29 =	sadd.s32 $0x80, s7;
	s2 =	simm.s32 $0x1A000  }
0x3fc: {  	[hbm4b:s29+s4] =	stream.linear.scatter [tilespmem:s2], [sflag:$0x6], $0x100, $0x38;
	[tilespmem:$0x1AC00] =	vst v63  }
.LBB2_34:
0x3fd: {  	p1 =	sgt.u32 s16, $0x9FD;
	p2 =	por !p2, !p2  }
0x3fe: {  	p1 =	por p2, p1  }
.Ltmp26:
0x3ff: {  	_ = 	snop;
	(pc) =	sbr.rel @p1 .LBB2_36-.Ltmp26, $4  }
0x400: {  	_ = 	snop  }
0x401: {  	s0 =	sshll.u32 s16, $0x9;
	s2 =	rddreg [dreg:$0x2]  }
0x402: {  	s29 =	simm.s32 $0x19C00;
	s0 =	sadd.s32 s2, s0  }
0x403: {  	[hbm4b:s0+s4] =	stream.linear.scatter [tilespmem:s29], [sflag:$0x6], $0x1000, $0x38;
	[tilespmem:$0x1AC00] =	vst v63  }
0x404: {  	s0 =	smul.u32 $0x600, s15;
	_ =	sdelay $0x1  }
0x405: {  	s0 =	sshra.s32 s0, $0x2  }
0x406: {  	v3 =	vld [tilespmem:s0+$0x280];
	_ =	sdelay $0x4  }
0x407: {  	v4 =	vshll.u32 v3, $0x1  }
0x408: {  	v3 =	vand.u32 $0x7, v3;
	v4 =	vand.u32 $0xFFFFFFF0, v4  }
0x409: {  	v3 =	vor.u32 v3, v4  }
0x40a: {  	v4 =	vperm.xlane v3, v0;
	_ =	sdelay $0x1  }
0x40b: {  	v3 =	vperm.xlane v3, v2;
	v4 =	vadd.s32 v1, v4;
	_ =	sdelay $0x1  }
0x40c: {  	v3 =	vadd.s32 v1, v3;
	_ =	sdelay $0x1  }
0x40d: {  	s2 =	simm.s32 $0x10C00  }
0x40e: {  	[tilespmem:s2], [sflag:$0x3] =	stream.indirect_vreg.gather [hbm4b:s1+s4], $0x80, v4, vm0, $0xb8;
	[tilespmem:$0x1AC00] =	vst v63  }
0x40f: {  	s16 =	simm.s32 $0x11400  }
0x410: {  	[tilespmem:s16], [sflag:$0x3] =	stream.indirect_vreg.gather [hbm4b:s1+s4], $0x80, v3, vm0, $0xb8;
	[tilespmem:$0x1AC00] =	vst v63  }
0x411: {  	v3 =	vld [tilespmem:s0+$0x290];
	_ =	sdelay $0x4  }
0x412: {  	v58 =	vshll.u32 v3, $0x1  }
0x413: {  	v3 =	vand.u32 $0x7, v3;
	v4 =	vand.u32 $0xFFFFFFF0, v58  }
0x414: {  	v3 =	vor.u32 v3, v4  }
0x415: {  	v4 =	vperm.xlane v3, v0;
	_ =	sdelay $0x1  }
0x416: {  	v3 =	vperm.xlane v3, v2;
	v4 =	vadd.s32 v1, v4;
	_ =	sdelay $0x1  }
0x417: {  	v3 =	vadd.s32 v1, v3;
	_ =	sdelay $0x1  }
0x418: {  	s17 =	simm.s32 $0x11C00  }
0x419: {  	[tilespmem:s17], [sflag:$0x3] =	stream.indirect_vreg.gather [hbm4b:s1+s4], $0x80, v4, vm0, $0xb8;
	[tilespmem:$0x1AC00] =	vst v63  }
0x41a: {  	s18 =	simm.s32 $0x12400  }
0x41b: {  	[tilespmem:s18], [sflag:$0x3] =	stream.indirect_vreg.gather [hbm4b:s1+s4], $0x80, v3, vm0, $0xb8;
	[tilespmem:$0x1AC00] =	vst v63  }
0x41c: {  	v3 =	vld [tilespmem:s0+$0x2A0];
	_ =	sdelay $0x4  }
0x41d: {  	v59 =	vshll.u32 v3, $0x1  }
0x41e: {  	v3 =	vand.u32 $0x7, v3;
	v4 =	vand.u32 $0xFFFFFFF0, v59  }
0x41f: {  	v3 =	vor.u32 v3, v4  }
0x420: {  	v4 =	vperm.xlane v3, v0;
	_ =	sdelay $0x1  }
0x421: {  	v3 =	vperm.xlane v3, v2;
	v4 =	vadd.s32 v1, v4;
	_ =	sdelay $0x1  }
0x422: {  	v3 =	vadd.s32 v1, v3;
	_ =	sdelay $0x1  }
0x423: {  	s19 =	simm.s32 $0x12C00  }
0x424: {  	[tilespmem:s19], [sflag:$0x3] =	stream.indirect_vreg.gather [hbm4b:s1+s4], $0x80, v4, vm0, $0xb8;
	[tilespmem:$0x1AC00] =	vst v63  }
0x425: {  	s20 =	simm.s32 $0x13400  }
0x426: {  	[tilespmem:s20], [sflag:$0x3] =	stream.indirect_vreg.gather [hbm4b:s1+s4], $0x80, v3, vm0, $0xb8;
	[tilespmem:$0x1AC00] =	vst v63  }
0x427: {  	v3 =	vld [tilespmem:s0+$0x2B0];
	_ =	sdelay $0x4  }
0x428: {  	v60 =	vshll.u32 v3, $0x1  }
0x429: {  	v3 =	vand.u32 $0x7, v3;
	v4 =	vand.u32 $0xFFFFFFF0, v60  }
0x42a: {  	v3 =	vor.u32 v3, v4  }
0x42b: {  	v4 =	vperm.xlane v3, v0;
	_ =	sdelay $0x1  }
0x42c: {  	v3 =	vperm.xlane v3, v2;
	v4 =	vadd.s32 v1, v4;
	_ =	sdelay $0x1  }
0x42d: {  	v3 =	vadd.s32 v1, v3;
	_ =	sdelay $0x1  }
0x42e: {  	s21 =	simm.s32 $0x13C00  }
0x42f: {  	[tilespmem:s21], [sflag:$0x3] =	stream.indirect_vreg.gather [hbm4b:s1+s4], $0x80, v4, vm0, $0xb8;
	[tilespmem:$0x1AC00] =	vst v63  }
0x430: {  	s22 =	simm.s32 $0x14400  }
0x431: {  	[tilespmem:s22], [sflag:$0x3] =	stream.indirect_vreg.gather [hbm4b:s1+s4], $0x80, v3, vm0, $0xb8;
	[tilespmem:$0x1AC00] =	vst v63  }
0x432: {  	v3 =	vld [tilespmem:s0+$0x2C0];
	_ =	sdelay $0x4  }
0x433: {  	v61 =	vshll.u32 v3, $0x1  }
0x434: {  	v3 =	vand.u32 $0x7, v3;
	v4 =	vand.u32 $0xFFFFFFF0, v61  }
0x435: {  	v3 =	vor.u32 v3, v4  }
0x436: {  	v4 =	vperm.xlane v3, v0;
	_ =	sdelay $0x1  }
0x437: {  	v3 =	vperm.xlane v3, v2;
	v4 =	vadd.s32 v1, v4;
	_ =	sdelay $0x1  }
0x438: {  	v3 =	vadd.s32 v1, v3;
	_ =	sdelay $0x1  }
0x439: {  	s23 =	simm.s32 $0x14C00  }
0x43a: {  	[tilespmem:s23], [sflag:$0x3] =	stream.indirect_vreg.gather [hbm4b:s1+s4], $0x80, v4, vm0, $0xb8;
	[tilespmem:$0x1AC00] =	vst v63  }
0x43b: {  	s24 =	simm.s32 $0x15400  }
0x43c: {  	[tilespmem:s24], [sflag:$0x3] =	stream.indirect_vreg.gather [hbm4b:s1+s4], $0x80, v3, vm0, $0xb8;
	[tilespmem:$0x1AC00] =	vst v63  }
0x43d: {  	v3 =	vld [tilespmem:s0+$0x2D0];
	_ =	sdelay $0x4  }
0x43e: {  	v62 =	vshll.u32 v3, $0x1  }
0x43f: {  	v3 =	vand.u32 $0x7, v3;
	v4 =	vand.u32 $0xFFFFFFF0, v62  }
0x440: {  	v3 =	vor.u32 v3, v4  }
0x441: {  	v4 =	vperm.xlane v3, v0;
	_ =	sdelay $0x1  }
0x442: {  	v3 =	vperm.xlane v3, v2;
	v4 =	vadd.s32 v1, v4;
	_ =	sdelay $0x1  }
0x443: {  	v3 =	vadd.s32 v1, v3;
	_ =	sdelay $0x1  }
0x444: {  	s25 =	simm.s32 $0x15C00  }
0x445: {  	[tilespmem:s25], [sflag:$0x3] =	stream.indirect_vreg.gather [hbm4b:s1+s4], $0x80, v4, vm0, $0xb8;
	[tilespmem:$0x1AC00] =	vst v63  }
0x446: {  	s26 =	simm.s32 $0x16400  }
0x447: {  	[tilespmem:s26], [sflag:$0x3] =	stream.indirect_vreg.gather [hbm4b:s1+s4], $0x80, v3, vm0, $0xb8;
	[tilespmem:$0x1AC00] =	vst v63  }
0x448: {  	v3 =	vld [tilespmem:s0+$0x2E0];
	_ =	sdelay $0x4  }
0x449: {  	v63 =	vshll.u32 v3, $0x1  }
0x44a: {  	v3 =	vand.u32 $0x7, v3;
	v4 =	vand.u32 $0xFFFFFFF0, v63  }
0x44b: {  	v3 =	vor.u32 v3, v4  }
0x44c: {  	v4 =	vperm.xlane v3, v0;
	_ =	sdelay $0x1  }
0x44d: {  	v3 =	vperm.xlane v3, v2;
	v4 =	vadd.s32 v1, v4;
	_ =	sdelay $0x1  }
0x44e: {  	v3 =	vadd.s32 v1, v3  }
.Ltmp27:
0x44f: {  	_ = 	snop;
	(pc) =	sbr.rel .LBB2_36-.Ltmp27, $4  }
0x450: {  	s28 =	simm.s32 $0x16C00  }
0x451: {  	[tilespmem:s28], [sflag:$0x3] =	stream.indirect_vreg.gather [hbm4b:s1+s4], $0x80, v4, vm0, $0xb8;
	[tilespmem:$0x1AC00] =	vst v63  }
0x452: {  	s29 =	simm.s32 $0x17400  }
0x453: {  	[tilespmem:s29], [sflag:$0x3] =	stream.indirect_vreg.gather [hbm4b:s1+s4], $0x80, v3, vm0, $0xb8;
	[tilespmem:$0x1AC00] =	vst v63  }
.LBB2_13:
.Ltmp28:
0x454: {  	(pc) =	sbr.rel .LBB2_15-.Ltmp28, $3  }
0x455: {  	_ =	sdelay $0x1  }
0x456: {  	p2 =	sne.s32 s15, $0x1A  }
0x457: {  	p2 =	por @!p3 p2, p2  }
.LBB2_38:
0x458: {  	_ =	sfence.sel $0x180000  }
0x459: {  	[bflag:$0x0] =	sbarrier.arrive $0xFFFF  }
0x45a: {  	_ =	strace $0x90000047  }
0x45b: {  	s0 =	stileid.u32;
	[bflag:$0x2] =	sbarrier.arrive $0xFFFF  }
0x45c: {  	p0 =	sne.s32 s0, $0x0;
	s0 =	rddreg [dreg:$0x3]  }
0x45d: {  	s0 =	sadd.s32 @!p0 $0x100000, s0  }
0x45e: {  	[sflag:s0] =	ssyncadd.tile.s32 @!p0 $0x1;
	_ =	shalt  }
.Lfunc_end2:
_tile_overlayer_lowered:
.L_overlay_start_2:
0x45f: {  	(tag) =	ssettag $0x2  }
0x460: {  	s0 =	rddreg [dreg:$0x0];
	s2 =	stileid.u32  }
0x461: {  	s1 =	rddreg [dreg:$0x1];
	p0 =	sne.s32 s2, $0x0  }
0x462: {  	s3 =	rddreg [dreg:$0x2];
	[bflag:$0x3] =	sbarrier.arrive $0xFFFF;
	s2 =	simm.s32 @!p0 $0x1C07  }
0x463: {  	[timem:s3], [sflag:s2] =	dma.local @!p0 [hbm:s0], s1  }
0x464: {  	s0 =	simm.s32 @!p0 $0x7  }
0x465: {  	_ =	swait.ge @!p0 [sflag:s0], s1  }
0x466: {  	s1 =	ssub.s32 @!p0 $0x0, s1;
	[sflag:s0] =	ssyncset.done @!p0 $0x0  }
0x467: {  	[sflag:s0] =	ssyncadd.s32 @!p0 s1  }
0x468: {  	[bflag:$0x3] =	sbarrier.arrive $0xFFFF  }
0x469: {  	_ =	shalt  }

</sc_bundles>
